<compile_context>
chip_gen: v7x
topology: tpu7x:2x2x1
jax: 0.10.2.dev20260603
libtpu: 0.0.44.dev20260713+nightly
codegen_flags: <defaults>
</compile_context>

<pallas_src>
import functools

import jax
import jax.numpy as jnp
from jax import lax
from jax.experimental import pallas as pl
from jax.experimental.pallas import tpu as pltpu
from jax.experimental.pallas import tpu_sc as plsc

VOCAB = 100000
D = 256
B = 4096
L = 50
N = B * L
NUM_CLASSES = 1000

NC = 2
NS = 16
NW = NC * NS
BAGS_PER_W = B // NW
TOK_PER_W = BAGS_PER_W * L
GB = 4
GT = GB * L
NGRP = BAGS_PER_W // GB
DV = D // 16


def _sc_body(idx_hbm, emb_hbm, out_hbm, idx_v, rows_v, outb_v, sem0, sem1):
    c = lax.axis_index("c")
    s = lax.axis_index("s")
    wid = s * NC + c
    tok0 = wid * TOK_PER_W
    bag0 = wid * BAGS_PER_W

    pltpu.sync_copy(idx_hbm.at[pl.ds(tok0, TOK_PER_W)], idx_v)

    sems = (sem0, sem1)

    def _gather(g, b):
        pltpu.async_copy(
            emb_hbm.at[idx_v.at[pl.ds(g * GT, GT)]], rows_v.at[b], sems[b])

    _gather(0, 0)
    _gather(1, 1)

    def _loop(i, carry):
        for b in range(2):
            g = 2 * i + b
            pltpu.make_async_copy(
                emb_hbm.at[pl.ds(0, GT)], rows_v.at[b], sems[b]).wait()
            for bag in range(GB):
                def _red(r, acc, _b=b, _bag=bag):
                    return tuple(
                        acc[v] + rows_v[_b, _bag * L + r, pl.ds(v * 16, 16)]
                        for v in range(DV))
                acc = lax.fori_loop(
                    0, L, _red,
                    tuple(jnp.zeros((16,), jnp.float32) for _ in range(DV)))
                for v in range(DV):
                    outb_v[bag, pl.ds(v * 16, 16)] = acc[v]
            pltpu.sync_copy(outb_v, out_hbm.at[pl.ds(bag0 + g * GB, GB)])

            @pl.when(g + 2 < NGRP)
            def _():
                _gather(g + 2, b)
        return carry

    lax.fori_loop(0, NGRP // 2, _loop, 0)


@jax.jit
def _embbag_sums(indices, emb):
    mesh = plsc.VectorSubcoreMesh(core_axis_name="c", subcore_axis_name="s")
    return pl.kernel(
        _sc_body,
        out_type=jax.ShapeDtypeStruct((B, D), jnp.float32),
        mesh=mesh,
        scratch_types=[
            pltpu.VMEM((TOK_PER_W,), jnp.int32),
            pltpu.VMEM((2, GT, D), jnp.float32),
            pltpu.VMEM((GB, D), jnp.float32),
            pltpu.SemaphoreType.DMA,
            pltpu.SemaphoreType.DMA,
        ],
    )(indices, emb)


def _mlp_body(x_ref, w1_ref, b1_ref, w2_ref, b2_ref, w3_ref, b3_ref, o_ref):
    x = x_ref[...]
    h = jnp.dot(x, w1_ref[...], preferred_element_type=jnp.float32)
    h = jnp.maximum(h + b1_ref[...], 0.0)
    h = jnp.dot(h, w2_ref[...], preferred_element_type=jnp.float32)
    h = jnp.maximum(h + b2_ref[...], 0.0)
    o_ref[...] = jnp.dot(h, w3_ref[...],
                         preferred_element_type=jnp.float32) + b3_ref[...]


@jax.jit
def _mlp(x, W1, b1, W2, b2, W3, b3):
    bm = 512
    grid = (B // bm,)
    return pl.pallas_call(
        _mlp_body,
        grid=grid,
        in_specs=[
            pl.BlockSpec((bm, D), lambda i: (i, 0)),
            pl.BlockSpec((D, 512), lambda i: (0, 0)),
            pl.BlockSpec((1, 512), lambda i: (0, 0)),
            pl.BlockSpec((512, 1024), lambda i: (0, 0)),
            pl.BlockSpec((1, 1024), lambda i: (0, 0)),
            pl.BlockSpec((1024, NUM_CLASSES), lambda i: (0, 0)),
            pl.BlockSpec((1, NUM_CLASSES), lambda i: (0, 0)),
        ],
        out_specs=pl.BlockSpec((bm, NUM_CLASSES), lambda i: (i, 0)),
        out_shape=jax.ShapeDtypeStruct((B, NUM_CLASSES), jnp.float32),
    )(x, W1, b1.reshape(1, -1), W2, b2.reshape(1, -1), W3, b3.reshape(1, -1))


def kernel(indices, offsets, emb, W1, b1, W2, b2, W3, b3):
    del offsets
    sums = _embbag_sums(indices.astype(jnp.int32), emb)
    return _mlp(sums, W1 * (1.0 / L), b1, W2, b2, W3, b3)

# --- scband reference (transcript-rebuilt; emitter-appended) ---
"""Pipeline reference for scband-text-classification-model-73031623901524 (READ-ONLY COPY).

The authoritative reference and input builder live on the scoring server;
editing this copy changes nothing except your own understanding.
"""

import jax, jax.numpy as jnp
import numpy as np

VOCAB = 100000
D = 256
B = 4096
L = 50
N = B * L
NUM_CLASSES = 1000


def setup_inputs(seed: int = 0) -> dict:
    key = jax.random.key(seed)
    k1, k2, k3, k4, k5, k6, k7, k8 = jax.random.split(key, 8)
    indices = jax.random.randint(k1, (N,), 0, VOCAB)
    # offsets: start index of each bag (fixed-length bags of L tokens),
    # matching the torch cumsum-of-lengths construction
    offsets = jnp.arange(B) * L
    emb = jax.random.normal(k2, (VOCAB, D), dtype=jnp.float32) * 0.02
    W1 = jax.random.normal(k3, (D, 512), dtype=jnp.float32) * (1.0 / np.sqrt(D))
    b1 = jnp.zeros((512,), dtype=jnp.float32)
    W2 = jax.random.normal(k4, (512, 1024), dtype=jnp.float32) * (1.0 / np.sqrt(512))
    b2 = jnp.zeros((1024,), dtype=jnp.float32)
    W3 = jax.random.normal(k5, (1024, NUM_CLASSES), dtype=jnp.float32) * (1.0 / np.sqrt(1024))
    b3 = jnp.zeros((NUM_CLASSES,), dtype=jnp.float32)
    return {"indices": indices, "offsets": offsets, "emb": emb,
            "W1": W1, "b1": b1, "W2": W2, "b2": b2, "W3": W3, "b3": b3}


def reference(indices, offsets, emb, W1, b1, W2, b2, W3, b3):
    n_tok = indices.shape[0]
    n_bags = offsets.shape[0]
    # EmbeddingBag(mode='mean'): segment ids from offsets
    seg = jnp.searchsorted(offsets, jnp.arange(n_tok), side='right') - 1
    gathered = jnp.take(emb, indices, axis=0)
    sums = jax.ops.segment_sum(gathered, seg, num_segments=n_bags)
    counts = jax.ops.segment_sum(jnp.ones((n_tok,), dtype=jnp.float32), seg, num_segments=n_bags)
    pooled = sums / jnp.maximum(counts, 1.0)[:, None]
    # classifier (dropout is identity in eval mode)
    h = jnp.maximum(pooled @ W1 + b1, 0.0)
    h = jnp.maximum(h @ W2 + b2, 0.0)
    logits = h @ W3 + b3
    return logits

if __name__ == "__main__":
    import jax
    _d = setup_inputs()
    print(jax.jit(kernel)(*tuple(_d.values())))

</pallas_src>

<mosaic_0001>
#map = affine_map<(d0, d1) -> (0)>
#map1 = affine_map<(d0, d1) -> (0, 0)>
module attributes {stable_mosaic.version = 14 : i64} {
  func.func @_sc_body(%arg0: i32, %arg1: i32, %arg2: memref<204800xi32, #tpu.memory_space<hbm>>, %arg3: memref<100000x256xf32, #tpu.memory_space<hbm>>, %arg4: memref<4096x256xf32, #tpu.memory_space<hbm>>, %arg5: memref<6400xi32, #tpu.memory_space<vmem>>, %arg6: memref<2x200x256xf32, #tpu.memory_space<vmem>>, %arg7: memref<4x256xf32, #tpu.memory_space<vmem>>, %arg8: memref<!tpu.dma_semaphore, #tpu.memory_space<semaphore_mem>>, %arg9: memref<!tpu.dma_semaphore, #tpu.memory_space<semaphore_mem>>) attributes {dimension_semantics = [#tpu.dimension_semantics<core_parallel>, #tpu.dimension_semantics<subcore_parallel>], iteration_bounds = array<i64: 2, 16>, scalar_prefetch = 0 : i64, scratch_operands = 5 : i64, tpu.core_type = #tpu.core_type<sc_vector_subcore>, window_params = [{transform_indices = #map}, {transform_indices = #map1}, {transform_indices = #map1}]} {
    %mul3A = arith.constant 2 : i32
    %mul3A_0 = arith.muli %arg1, %mul3A : i32
    %add3A = arith.addi %mul3A_0, %arg0 : i32
    %mul3A_1 = arith.constant 6400 : i32
    %mul3A_2 = arith.muli %add3A, %mul3A_1 : i32
    %mul3A_3 = arith.constant 128 : i32
    %mul3A_4 = arith.muli %add3A, %mul3A_3 : i32
    "tpu.region"() ({
      %run_scoped3A = tpu.sem_alloc : memref<!tpu.dma_semaphore, #tpu.memory_space<semaphore_mem>>
      %dma_start3A_29 = tpu.memref_slice %arg2[%mul3A_2] : memref<204800xi32, #tpu.memory_space<hbm>> -> memref<6400xi32, #tpu.memory_space<hbm>>
      %dma_start3A_30 = tpu.memref_slice %arg2[%mul3A_2] : memref<204800xi32, #tpu.memory_space<hbm>> -> memref<6400xi32, #tpu.memory_space<hbm>>
      tpu.enqueue_dma source(%dma_start3A_30 : memref<6400xi32, #tpu.memory_space<hbm>>) target(%arg5 : memref<6400xi32, #tpu.memory_space<vmem>>) target_semaphore(%run_scoped3A : memref<!tpu.dma_semaphore, #tpu.memory_space<semaphore_mem>>)
      %dma_wait3A = tpu.memref_slice %arg2[%mul3A_2] : memref<204800xi32, #tpu.memory_space<hbm>> -> memref<6400xi32, #tpu.memory_space<hbm>>
      %dma_wait3A_31 = tpu.memref_slice %arg2[%mul3A_2] : memref<204800xi32, #tpu.memory_space<hbm>> -> memref<6400xi32, #tpu.memory_space<hbm>>
      tpu.wait_dma2 semaphore(%run_scoped3A : memref<!tpu.dma_semaphore, #tpu.memory_space<semaphore_mem>>) src(%dma_wait3A_31 : memref<6400xi32, #tpu.memory_space<hbm>>) dst(%arg5 : memref<6400xi32, #tpu.memory_space<vmem>>)
      tpu.yield
    }) : () -> ()
    %dma_start3A = arith.constant 0 : i32
    %dma_start3A_5 = arith.constant 0 : i32
    %dma_start3A_6 = arith.constant 0 : i32
    %dma_start3A_7 = tpu.memref_slice %arg6[%dma_start3A, %dma_start3A_5, %dma_start3A_6] : memref<2x200x256xf32, #tpu.memory_space<vmem>> -> memref<1x200x256xf32, #tpu.memory_space<vmem>>
    %dma_start3A_8 = tpu.memref_squeeze %dma_start3A_7 : memref<1x200x256xf32, #tpu.memory_space<vmem>> -> memref<200x256xf32, #tpu.memory_space<vmem>>
    %dma_start3A_9 = arith.constant 0 : i32
    %dma_start3A_10 = tpu.memref_slice %arg5[%dma_start3A_9] : memref<6400xi32, #tpu.memory_space<vmem>> -> memref<200xi32, #tpu.memory_space<vmem>>
    %dma_start3A_11 = arith.constant 0 : i32
    %dma_start3A_12 = arith.constant 0 : i32
    %dma_start3A_13 = tpu.memref_slice %arg3[%dma_start3A_11, %dma_start3A_12] : memref<100000x256xf32, #tpu.memory_space<hbm>> -> memref<100000x256xf32, #tpu.memory_space<hbm>>
    tpu.enqueue_indirect_dma source(%dma_start3A_13 : memref<100000x256xf32, #tpu.memory_space<hbm>>) target(%dma_start3A_8 : memref<200x256xf32, #tpu.memory_space<vmem>>) offsets(%dma_start3A_10 : memref<200xi32, #tpu.memory_space<vmem>>) semaphore(%arg8 : memref<!tpu.dma_semaphore, #tpu.memory_space<semaphore_mem>>)
    %dma_start3A_14 = arith.constant 1 : i32
    %dma_start3A_15 = arith.constant 0 : i32
    %dma_start3A_16 = arith.constant 0 : i32
    %dma_start3A_17 = tpu.memref_slice %arg6[%dma_start3A_14, %dma_start3A_15, %dma_start3A_16] : memref<2x200x256xf32, #tpu.memory_space<vmem>> -> memref<1x200x256xf32, #tpu.memory_space<vmem>>
    %dma_start3A_18 = tpu.memref_squeeze %dma_start3A_17 : memref<1x200x256xf32, #tpu.memory_space<vmem>> -> memref<200x256xf32, #tpu.memory_space<vmem>>
    %dma_start3A_19 = arith.constant 200 : i32
    %dma_start3A_20 = tpu.memref_slice %arg5[%dma_start3A_19] : memref<6400xi32, #tpu.memory_space<vmem>> -> memref<200xi32, #tpu.memory_space<vmem>>
    %dma_start3A_21 = arith.constant 0 : i32
    %dma_start3A_22 = arith.constant 0 : i32
    %dma_start3A_23 = tpu.memref_slice %arg3[%dma_start3A_21, %dma_start3A_22] : memref<100000x256xf32, #tpu.memory_space<hbm>> -> memref<100000x256xf32, #tpu.memory_space<hbm>>
    tpu.enqueue_indirect_dma source(%dma_start3A_23 : memref<100000x256xf32, #tpu.memory_space<hbm>>) target(%dma_start3A_18 : memref<200x256xf32, #tpu.memory_space<vmem>>) offsets(%dma_start3A_20 : memref<200xi32, #tpu.memory_space<vmem>>) semaphore(%arg9 : memref<!tpu.dma_semaphore, #tpu.memory_space<semaphore_mem>>)
    %scan3A = arith.constant 0 : i32
    %scan3A_24 = arith.constant 0 : i32
    %scan3A_25 = arith.constant 16 : i32
    %scan3A_26 = arith.addi %scan3A_24, %scan3A_25 : i32
    %scan3A_27 = arith.constant 1 : i32
    scf.for %scan3A_29 = %scan3A_24 to %scan3A_26 step %scan3A_27  : i32 {
      %mul3A_30 = arith.constant 2 : i32
      %mul3A_31 = arith.muli %mul3A_30, %scan3A_29 : i32
      %add3A_32 = arith.constant 0 : i32
      %add3A_33 = arith.addi %mul3A_31, %add3A_32 : i32
      %dma_wait3A = arith.constant 0 : i32
      %dma_wait3A_34 = arith.constant 0 : i32
      %dma_wait3A_35 = arith.constant 0 : i32
      %dma_wait3A_36 = tpu.memref_slice %arg6[%dma_wait3A, %dma_wait3A_34, %dma_wait3A_35] : memref<2x200x256xf32, #tpu.memory_space<vmem>> -> memref<1x200x256xf32, #tpu.memory_space<vmem>>
      %dma_wait3A_37 = tpu.memref_squeeze %dma_wait3A_36 : memref<1x200x256xf32, #tpu.memory_space<vmem>> -> memref<200x256xf32, #tpu.memory_space<vmem>>
      %dma_wait3A_38 = arith.constant 0 : i32
      %dma_wait3A_39 = arith.constant 0 : i32
      %dma_wait3A_40 = tpu.memref_slice %arg3[%dma_wait3A_38, %dma_wait3A_39] : memref<100000x256xf32, #tpu.memory_space<hbm>> -> memref<200x256xf32, #tpu.memory_space<hbm>>
      %dma_wait3A_41 = arith.constant 0 : i32
      %dma_wait3A_42 = arith.constant 0 : i32
      %dma_wait3A_43 = tpu.memref_slice %arg6[%dma_wait3A, %dma_wait3A_41, %dma_wait3A_42] : memref<2x200x256xf32, #tpu.memory_space<vmem>> -> memref<1x200x256xf32, #tpu.memory_space<vmem>>
      %dma_wait3A_44 = tpu.memref_squeeze %dma_wait3A_43 : memref<1x200x256xf32, #tpu.memory_space<vmem>> -> memref<200x256xf32, #tpu.memory_space<vmem>>
      %dma_wait3A_45 = arith.constant 0 : i32
      %dma_wait3A_46 = arith.constant 0 : i32
      %dma_wait3A_47 = tpu.memref_slice %arg3[%dma_wait3A_45, %dma_wait3A_46] : memref<100000x256xf32, #tpu.memory_space<hbm>> -> memref<200x256xf32, #tpu.memory_space<hbm>>
      tpu.wait_dma2 semaphore(%arg8 : memref<!tpu.dma_semaphore, #tpu.memory_space<semaphore_mem>>) src(%dma_wait3A_47 : memref<200x256xf32, #tpu.memory_space<hbm>>) dst(%dma_wait3A_44 : memref<200x256xf32, #tpu.memory_space<vmem>>)
      %broadcast_in_dim3A = arith.constant 0.000000e+00 : f32
      %broadcast_in_dim3A_48 = vector.broadcast %broadcast_in_dim3A : f32 to vector<16xf32>
      %broadcast_in_dim3A_49 = arith.constant 0.000000e+00 : f32
      %broadcast_in_dim3A_50 = vector.broadcast %broadcast_in_dim3A_49 : f32 to vector<16xf32>
      %broadcast_in_dim3A_51 = arith.constant 0.000000e+00 : f32
      %broadcast_in_dim3A_52 = vector.broadcast %broadcast_in_dim3A_51 : f32 to vector<16xf32>
      %broadcast_in_dim3A_53 = arith.constant 0.000000e+00 : f32
      %broadcast_in_dim3A_54 = vector.broadcast %broadcast_in_dim3A_53 : f32 to vector<16xf32>
      %broadcast_in_dim3A_55 = arith.constant 0.000000e+00 : f32
      %broadcast_in_dim3A_56 = vector.broadcast %broadcast_in_dim3A_55 : f32 to vector<16xf32>
      %broadcast_in_dim3A_57 = arith.constant 0.000000e+00 : f32
      %broadcast_in_dim3A_58 = vector.broadcast %broadcast_in_dim3A_57 : f32 to vector<16xf32>
      %broadcast_in_dim3A_59 = arith.constant 0.000000e+00 : f32
      %broadcast_in_dim3A_60 = vector.broadcast %broadcast_in_dim3A_59 : f32 to vector<16xf32>
      %broadcast_in_dim3A_61 = arith.constant 0.000000e+00 : f32
      %broadcast_in_dim3A_62 = vector.broadcast %broadcast_in_dim3A_61 : f32 to vector<16xf32>
      %broadcast_in_dim3A_63 = arith.constant 0.000000e+00 : f32
      %broadcast_in_dim3A_64 = vector.broadcast %broadcast_in_dim3A_63 : f32 to vector<16xf32>
      %broadcast_in_dim3A_65 = arith.constant 0.000000e+00 : f32
      %broadcast_in_dim3A_66 = vector.broadcast %broadcast_in_dim3A_65 : f32 to vector<16xf32>
      %broadcast_in_dim3A_67 = arith.constant 0.000000e+00 : f32
      %broadcast_in_dim3A_68 = vector.broadcast %broadcast_in_dim3A_67 : f32 to vector<16xf32>
      %broadcast_in_dim3A_69 = arith.constant 0.000000e+00 : f32
      %broadcast_in_dim3A_70 = vector.broadcast %broadcast_in_dim3A_69 : f32 to vector<16xf32>
      %broadcast_in_dim3A_71 = arith.constant 0.000000e+00 : f32
      %broadcast_in_dim3A_72 = vector.broadcast %broadcast_in_dim3A_71 : f32 to vector<16xf32>
      %broadcast_in_dim3A_73 = arith.constant 0.000000e+00 : f32
      %broadcast_in_dim3A_74 = vector.broadcast %broadcast_in_dim3A_73 : f32 to vector<16xf32>
      %broadcast_in_dim3A_75 = arith.constant 0.000000e+00 : f32
      %broadcast_in_dim3A_76 = vector.broadcast %broadcast_in_dim3A_75 : f32 to vector<16xf32>
      %broadcast_in_dim3A_77 = arith.constant 0.000000e+00 : f32
      %broadcast_in_dim3A_78 = vector.broadcast %broadcast_in_dim3A_77 : f32 to vector<16xf32>
      %scan3A_79 = arith.constant 0 : i32
      %scan3A_80 = arith.constant 50 : i32
      %scan3A_81 = arith.addi %scan3A_79, %scan3A_80 : i32
      %scan3A_82 = arith.constant 1 : i32
      %scan3A_83:16 = scf.for %scan3A_1154 = %scan3A_79 to %scan3A_81 step %scan3A_82 iter_args(%scan3A_1155 = %broadcast_in_dim3A_48, %scan3A_1156 = %broadcast_in_dim3A_50, %scan3A_1157 = %broadcast_in_dim3A_52, %scan3A_1158 = %broadcast_in_dim3A_54, %scan3A_1159 = %broadcast_in_dim3A_56, %scan3A_1160 = %broadcast_in_dim3A_58, %scan3A_1161 = %broadcast_in_dim3A_60, %scan3A_1162 = %broadcast_in_dim3A_62, %scan3A_1163 = %broadcast_in_dim3A_64, %scan3A_1164 = %broadcast_in_dim3A_66, %scan3A_1165 = %broadcast_in_dim3A_68, %scan3A_1166 = %broadcast_in_dim3A_70, %scan3A_1167 = %broadcast_in_dim3A_72, %scan3A_1168 = %broadcast_in_dim3A_74, %scan3A_1169 = %broadcast_in_dim3A_76, %scan3A_1170 = %broadcast_in_dim3A_78) -> (vector<16xf32>, vector<16xf32>, vector<16xf32>, vector<16xf32>, vector<16xf32>, vector<16xf32>, vector<16xf32>, vector<16xf32>, vector<16xf32>, vector<16xf32>, vector<16xf32>, vector<16xf32>, vector<16xf32>, vector<16xf32>, vector<16xf32>, vector<16xf32>)  : i32 {
        %add3A_1171 = arith.constant 0 : i32
        %add3A_1172 = arith.addi %add3A_1171, %scan3A_1154 : i32
        %get3A = arith.constant 0 : i32
        %get3A_1173 = arith.index_cast %get3A : i32 to index
        %get3A_1174 = arith.index_cast %add3A_1172 : i32 to index
        %get3A_1175 = arith.constant 0 : index
        %get3A_1176 = tpu.vector_load %arg6[%get3A_1173, %get3A_1174, %get3A_1175] {strides = array<i32>} : memref<2x200x256xf32, #tpu.memory_space<vmem>>, vector<1x1x16xf32>,
        %get3A_1177 = vector.shape_cast %get3A_1176 : vector<1x1x16xf32> to vector<16xf32>
        %add3A_1178 = arith.addf %scan3A_1155, %get3A_1177 : vector<16xf32>
        %add3A_1179 = arith.constant 0 : i32
        %add3A_1180 = arith.addi %add3A_1179, %scan3A_1154 : i32
        %get3A_1181 = arith.constant 0 : i32
        %get3A_1182 = arith.index_cast %get3A_1181 : i32 to index
        %get3A_1183 = arith.index_cast %add3A_1180 : i32 to index
        %get3A_1184 = arith.constant 16 : index
        %get3A_1185 = tpu.vector_load %arg6[%get3A_1182, %get3A_1183, %get3A_1184] {strides = array<i32>} : memref<2x200x256xf32, #tpu.memory_space<vmem>>, vector<1x1x16xf32>,
        %get3A_1186 = vector.shape_cast %get3A_1185 : vector<1x1x16xf32> to vector<16xf32>
        %add3A_1187 = arith.addf %scan3A_1156, %get3A_1186 : vector<16xf32>
        %add3A_1188 = arith.constant 0 : i32
        %add3A_1189 = arith.addi %add3A_1188, %scan3A_1154 : i32
        %get3A_1190 = arith.constant 0 : i32
        %get3A_1191 = arith.index_cast %get3A_1190 : i32 to index
        %get3A_1192 = arith.index_cast %add3A_1189 : i32 to index
        %get3A_1193 = arith.constant 32 : index
        %get3A_1194 = tpu.vector_load %arg6[%get3A_1191, %get3A_1192, %get3A_1193] {strides = array<i32>} : memref<2x200x256xf32, #tpu.memory_space<vmem>>, vector<1x1x16xf32>,
        %get3A_1195 = vector.shape_cast %get3A_1194 : vector<1x1x16xf32> to vector<16xf32>
        %add3A_1196 = arith.addf %scan3A_1157, %get3A_1195 : vector<16xf32>
        %add3A_1197 = arith.constant 0 : i32
        %add3A_1198 = arith.addi %add3A_1197, %scan3A_1154 : i32
        %get3A_1199 = arith.constant 0 : i32
        %get3A_1200 = arith.index_cast %get3A_1199 : i32 to index
        %get3A_1201 = arith.index_cast %add3A_1198 : i32 to index
        %get3A_1202 = arith.constant 48 : index
        %get3A_1203 = tpu.vector_load %arg6[%get3A_1200, %get3A_1201, %get3A_1202] {strides = array<i32>} : memref<2x200x256xf32, #tpu.memory_space<vmem>>, vector<1x1x16xf32>,
        %get3A_1204 = vector.shape_cast %get3A_1203 : vector<1x1x16xf32> to vector<16xf32>
        %add3A_1205 = arith.addf %scan3A_1158, %get3A_1204 : vector<16xf32>
        %add3A_1206 = arith.constant 0 : i32
        %add3A_1207 = arith.addi %add3A_1206, %scan3A_1154 : i32
        %get3A_1208 = arith.constant 0 : i32
        %get3A_1209 = arith.index_cast %get3A_1208 : i32 to index
        %get3A_1210 = arith.index_cast %add3A_1207 : i32 to index
        %get3A_1211 = arith.constant 64 : index
        %get3A_1212 = tpu.vector_load %arg6[%get3A_1209, %get3A_1210, %get3A_1211] {strides = array<i32>} : memref<2x200x256xf32, #tpu.memory_space<vmem>>, vector<1x1x16xf32>,
        %get3A_1213 = vector.shape_cast %get3A_1212 : vector<1x1x16xf32> to vector<16xf32>
        %add3A_1214 = arith.addf %scan3A_1159, %get3A_1213 : vector<16xf32>
        %add3A_1215 = arith.constant 0 : i32
        %add3A_1216 = arith.addi %add3A_1215, %scan3A_1154 : i32
        %get3A_1217 = arith.constant 0 : i32
        %get3A_1218 = arith.index_cast %get3A_1217 : i32 to index
        %get3A_1219 = arith.index_cast %add3A_1216 : i32 to index
        %get3A_1220 = arith.constant 80 : index
        %get3A_1221 = tpu.vector_load %arg6[%get3A_1218, %get3A_1219, %get3A_1220] {strides = array<i32>} : memref<2x200x256xf32, #tpu.memory_space<vmem>>, vector<1x1x16xf32>,
        %get3A_1222 = vector.shape_cast %get3A_1221 : vector<1x1x16xf32> to vector<16xf32>
        %add3A_1223 = arith.addf %scan3A_1160, %get3A_1222 : vector<16xf32>
        %add3A_1224 = arith.constant 0 : i32
        %add3A_1225 = arith.addi %add3A_1224, %scan3A_1154 : i32
        %get3A_1226 = arith.constant 0 : i32
        %get3A_1227 = arith.index_cast %get3A_1226 : i32 to index
        %get3A_1228 = arith.index_cast %add3A_1225 : i32 to index
        %get3A_1229 = arith.constant 96 : index
        %get3A_1230 = tpu.vector_load %arg6[%get3A_1227, %get3A_1228, %get3A_1229] {strides = array<i32>} : memref<2x200x256xf32, #tpu.memory_space<vmem>>, vector<1x1x16xf32>,
        %get3A_1231 = vector.shape_cast %get3A_1230 : vector<1x1x16xf32> to vector<16xf32>
        %add3A_1232 = arith.addf %scan3A_1161, %get3A_1231 : vector<16xf32>
        %add3A_1233 = arith.constant 0 : i32
        %add3A_1234 = arith.addi %add3A_1233, %scan3A_1154 : i32
        %get3A_1235 = arith.constant 0 : i32
        %get3A_1236 = arith.index_cast %get3A_1235 : i32 to index
        %get3A_1237 = arith.index_cast %add3A_1234 : i32 to index
        %get3A_1238 = arith.constant 112 : index
        %get3A_1239 = tpu.vector_load %arg6[%get3A_1236, %get3A_1237, %get3A_1238] {strides = array<i32>} : memref<2x200x256xf32, #tpu.memory_space<vmem>>, vector<1x1x16xf32>,
        %get3A_1240 = vector.shape_cast %get3A_1239 : vector<1x1x16xf32> to vector<16xf32>
        %add3A_1241 = arith.addf %scan3A_1162, %get3A_1240 : vector<16xf32>
        %add3A_1242 = arith.constant 0 : i32
        %add3A_1243 = arith.addi %add3A_1242, %scan3A_1154 : i32
        %get3A_1244 = arith.constant 0 : i32
        %get3A_1245 = arith.index_cast %get3A_1244 : i32 to index
        %get3A_1246 = arith.index_cast %add3A_1243 : i32 to index
        %get3A_1247 = arith.constant 128 : index
        %get3A_1248 = tpu.vector_load %arg6[%get3A_1245, %get3A_1246, %get3A_1247] {strides = array<i32>} : memref<2x200x256xf32, #tpu.memory_space<vmem>>, vector<1x1x16xf32>,
        %get3A_1249 = vector.shape_cast %get3A_1248 : vector<1x1x16xf32> to vector<16xf32>
        %add3A_1250 = arith.addf %scan3A_1163, %get3A_1249 : vector<16xf32>
        %add3A_1251 = arith.constant 0 : i32
        %add3A_1252 = arith.addi %add3A_1251, %scan3A_1154 : i32
        %get3A_1253 = arith.constant 0 : i32
        %get3A_1254 = arith.index_cast %get3A_1253 : i32 to index
        %get3A_1255 = arith.index_cast %add3A_1252 : i32 to index
        %get3A_1256 = arith.constant 144 : index
        %get3A_1257 = tpu.vector_load %arg6[%get3A_1254, %get3A_1255, %get3A_1256] {strides = array<i32>} : memref<2x200x256xf32, #tpu.memory_space<vmem>>, vector<1x1x16xf32>,
        %get3A_1258 = vector.shape_cast %get3A_1257 : vector<1x1x16xf32> to vector<16xf32>
        %add3A_1259 = arith.addf %scan3A_1164, %get3A_1258 : vector<16xf32>
        %add3A_1260 = arith.constant 0 : i32
        %add3A_1261 = arith.addi %add3A_1260, %scan3A_1154 : i32
        %get3A_1262 = arith.constant 0 : i32
        %get3A_1263 = arith.index_cast %get3A_1262 : i32 to index
        %get3A_1264 = arith.index_cast %add3A_1261 : i32 to index
        %get3A_1265 = arith.constant 160 : index
        %get3A_1266 = tpu.vector_load %arg6[%get3A_1263, %get3A_1264, %get3A_1265] {strides = array<i32>} : memref<2x200x256xf32, #tpu.memory_space<vmem>>, vector<1x1x16xf32>,
        %get3A_1267 = vector.shape_cast %get3A_1266 : vector<1x1x16xf32> to vector<16xf32>
        %add3A_1268 = arith.addf %scan3A_1165, %get3A_1267 : vector<16xf32>
        %add3A_1269 = arith.constant 0 : i32
        %add3A_1270 = arith.addi %add3A_1269, %scan3A_1154 : i32
        %get3A_1271 = arith.constant 0 : i32
        %get3A_1272 = arith.index_cast %get3A_1271 : i32 to index
        %get3A_1273 = arith.index_cast %add3A_1270 : i32 to index
        %get3A_1274 = arith.constant 176 : index
        %get3A_1275 = tpu.vector_load %arg6[%get3A_1272, %get3A_1273, %get3A_1274] {strides = array<i32>} : memref<2x200x256xf32, #tpu.memory_space<vmem>>, vector<1x1x16xf32>,
        %get3A_1276 = vector.shape_cast %get3A_1275 : vector<1x1x16xf32> to vector<16xf32>
        %add3A_1277 = arith.addf %scan3A_1166, %get3A_1276 : vector<16xf32>
        %add3A_1278 = arith.constant 0 : i32
        %add3A_1279 = arith.addi %add3A_1278, %scan3A_1154 : i32
        %get3A_1280 = arith.constant 0 : i32
        %get3A_1281 = arith.index_cast %get3A_1280 : i32 to index
        %get3A_1282 = arith.index_cast %add3A_1279 : i32 to index
        %get3A_1283 = arith.constant 192 : index
        %get3A_1284 = tpu.vector_load %arg6[%get3A_1281, %get3A_1282, %get3A_1283] {strides = array<i32>} : memref<2x200x256xf32, #tpu.memory_space<vmem>>, vector<1x1x16xf32>,
        %get3A_1285 = vector.shape_cast %get3A_1284 : vector<1x1x16xf32> to vector<16xf32>
        %add3A_1286 = arith.addf %scan3A_1167, %get3A_1285 : vector<16xf32>
        %add3A_1287 = arith.constant 0 : i32
        %add3A_1288 = arith.addi %add3A_1287, %scan3A_1154 : i32
        %get3A_1289 = arith.constant 0 : i32
        %get3A_1290 = arith.index_cast %get3A_1289 : i32 to index
        %get3A_1291 = arith.index_cast %add3A_1288 : i32 to index
        %get3A_1292 = arith.constant 208 : index
        %get3A_1293 = tpu.vector_load %arg6[%get3A_1290, %get3A_1291, %get3A_1292] {strides = array<i32>} : memref<2x200x256xf32, #tpu.memory_space<vmem>>, vector<1x1x16xf32>,
        %get3A_1294 = vector.shape_cast %get3A_1293 : vector<1x1x16xf32> to vector<16xf32>
        %add3A_1295 = arith.addf %scan3A_1168, %get3A_1294 : vector<16xf32>
        %add3A_1296 = arith.constant 0 : i32
        %add3A_1297 = arith.addi %add3A_1296, %scan3A_1154 : i32
        %get3A_1298 = arith.constant 0 : i32
        %get3A_1299 = arith.index_cast %get3A_1298 : i32 to index
        %get3A_1300 = arith.index_cast %add3A_1297 : i32 to index
        %get3A_1301 = arith.constant 224 : index
        %get3A_1302 = tpu.vector_load %arg6[%get3A_1299, %get3A_1300, %get3A_1301] {strides = array<i32>} : memref<2x200x256xf32, #tpu.memory_space<vmem>>, vector<1x1x16xf32>,
        %get3A_1303 = vector.shape_cast %get3A_1302 : vector<1x1x16xf32> to vector<16xf32>
        %add3A_1304 = arith.addf %scan3A_1169, %get3A_1303 : vector<16xf32>
        %add3A_1305 = arith.constant 0 : i32
        %add3A_1306 = arith.addi %add3A_1305, %scan3A_1154 : i32
        %get3A_1307 = arith.constant 0 : i32
        %get3A_1308 = arith.index_cast %get3A_1307 : i32 to index
        %get3A_1309 = arith.index_cast %add3A_1306 : i32 to index
        %get3A_1310 = arith.constant 240 : index
        %get3A_1311 = tpu.vector_load %arg6[%get3A_1308, %get3A_1309, %get3A_1310] {strides = array<i32>} : memref<2x200x256xf32, #tpu.memory_space<vmem>>, vector<1x1x16xf32>,
        %get3A_1312 = vector.shape_cast %get3A_1311 : vector<1x1x16xf32> to vector<16xf32>
        %add3A_1313 = arith.addf %scan3A_1170, %get3A_1312 : vector<16xf32>
        scf.yield %add3A_1178, %add3A_1187, %add3A_1196, %add3A_1205, %add3A_1214, %add3A_1223, %add3A_1232, %add3A_1241, %add3A_1250, %add3A_1259, %add3A_1268, %add3A_1277, %add3A_1286, %add3A_1295, %add3A_1304, %add3A_1313 : vector<16xf32>, vector<16xf32>, vector<16xf32>, vector<16xf32>, vector<16xf32>, vector<16xf32>, vector<16xf32>, vector<16xf32>, vector<16xf32>, vector<16xf32>, vector<16xf32>, vector<16xf32>, vector<16xf32>, vector<16xf32>, vector<16xf32>, vector<16xf32>
      }
      %scan3A_84 = arith.constant 50 : i32
      %swap3A = arith.constant 0 : i32
      %swap3A_85 = arith.index_cast %swap3A : i32 to index
      %swap3A_86 = arith.constant 0 : index
      %swap3A_87 = tpu.vector_load %arg7[%swap3A_85, %swap3A_86] {strides = array<i32>} : memref<4x256xf32, #tpu.memory_space<vmem>>, vector<1x16xf32>,
      %swap3A_88 = vector.shape_cast %swap3A_87 : vector<1x16xf32> to vector<16xf32>
      %swap3A_89 = vector.shape_cast %scan3A_83#0 : vector<16xf32> to vector<1x16xf32>
      tpu.vector_store %arg7[%swap3A_85, %swap3A_86], %swap3A_89 {strides = array<i32>} : memref<4x256xf32, #tpu.memory_space<vmem>>, vector<1x16xf32>,
      %swap3A_90 = arith.constant 0 : i32
      %swap3A_91 = arith.index_cast %swap3A_90 : i32 to index
      %swap3A_92 = arith.constant 16 : index
      %swap3A_93 = tpu.vector_load %arg7[%swap3A_91, %swap3A_92] {strides = array<i32>} : memref<4x256xf32, #tpu.memory_space<vmem>>, vector<1x16xf32>,
      %swap3A_94 = vector.shape_cast %swap3A_93 : vector<1x16xf32> to vector<16xf32>
      %swap3A_95 = vector.shape_cast %scan3A_83#1 : vector<16xf32> to vector<1x16xf32>
      tpu.vector_store %arg7[%swap3A_91, %swap3A_92], %swap3A_95 {strides = array<i32>} : memref<4x256xf32, #tpu.memory_space<vmem>>, vector<1x16xf32>,
      %swap3A_96 = arith.constant 0 : i32
      %swap3A_97 = arith.index_cast %swap3A_96 : i32 to index
      %swap3A_98 = arith.constant 32 : index
      %swap3A_99 = tpu.vector_load %arg7[%swap3A_97, %swap3A_98] {strides = array<i32>} : memref<4x256xf32, #tpu.memory_space<vmem>>, vector<1x16xf32>,
      %swap3A_100 = vector.shape_cast %swap3A_99 : vector<1x16xf32> to vector<16xf32>
      %swap3A_101 = vector.shape_cast %scan3A_83#2 : vector<16xf32> to vector<1x16xf32>
      tpu.vector_store %arg7[%swap3A_97, %swap3A_98], %swap3A_101 {strides = array<i32>} : memref<4x256xf32, #tpu.memory_space<vmem>>, vector<1x16xf32>,
      %swap3A_102 = arith.constant 0 : i32
      %swap3A_103 = arith.index_cast %swap3A_102 : i32 to index
      %swap3A_104 = arith.constant 48 : index
      %swap3A_105 = tpu.vector_load %arg7[%swap3A_103, %swap3A_104] {strides = array<i32>} : memref<4x256xf32, #tpu.memory_space<vmem>>, vector<1x16xf32>,
      %swap3A_106 = vector.shape_cast %swap3A_105 : vector<1x16xf32> to vector<16xf32>
      %swap3A_107 = vector.shape_cast %scan3A_83#3 : vector<16xf32> to vector<1x16xf32>
      tpu.vector_store %arg7[%swap3A_103, %swap3A_104], %swap3A_107 {strides = array<i32>} : memref<4x256xf32, #tpu.memory_space<vmem>>, vector<1x16xf32>,
      %swap3A_108 = arith.constant 0 : i32
      %swap3A_109 = arith.index_cast %swap3A_108 : i32 to index
      %swap3A_110 = arith.constant 64 : index
      %swap3A_111 = tpu.vector_load %arg7[%swap3A_109, %swap3A_110] {strides = array<i32>} : memref<4x256xf32, #tpu.memory_space<vmem>>, vector<1x16xf32>,
      %swap3A_112 = vector.shape_cast %swap3A_111 : vector<1x16xf32> to vector<16xf32>
      %swap3A_113 = vector.shape_cast %scan3A_83#4 : vector<16xf32> to vector<1x16xf32>
      tpu.vector_store %arg7[%swap3A_109, %swap3A_110], %swap3A_113 {strides = array<i32>} : memref<4x256xf32, #tpu.memory_space<vmem>>, vector<1x16xf32>,
      %swap3A_114 = arith.constant 0 : i32
      %swap3A_115 = arith.index_cast %swap3A_114 : i32 to index
      %swap3A_116 = arith.constant 80 : index
      %swap3A_117 = tpu.vector_load %arg7[%swap3A_115, %swap3A_116] {strides = array<i32>} : memref<4x256xf32, #tpu.memory_space<vmem>>, vector<1x16xf32>,
      %swap3A_118 = vector.shape_cast %swap3A_117 : vector<1x16xf32> to vector<16xf32>
      %swap3A_119 = vector.shape_cast %scan3A_83#5 : vector<16xf32> to vector<1x16xf32>
      tpu.vector_store %arg7[%swap3A_115, %swap3A_116], %swap3A_119 {strides = array<i32>} : memref<4x256xf32, #tpu.memory_space<vmem>>, vector<1x16xf32>,
      %swap3A_120 = arith.constant 0 : i32
      %swap3A_121 = arith.index_cast %swap3A_120 : i32 to index
      %swap3A_122 = arith.constant 96 : index
      %swap3A_123 = tpu.vector_load %arg7[%swap3A_121, %swap3A_122] {strides = array<i32>} : memref<4x256xf32, #tpu.memory_space<vmem>>, vector<1x16xf32>,
      %swap3A_124 = vector.shape_cast %swap3A_123 : vector<1x16xf32> to vector<16xf32>
      %swap3A_125 = vector.shape_cast %scan3A_83#6 : vector<16xf32> to vector<1x16xf32>
      tpu.vector_store %arg7[%swap3A_121, %swap3A_122], %swap3A_125 {strides = array<i32>} : memref<4x256xf32, #tpu.memory_space<vmem>>, vector<1x16xf32>,
      %swap3A_126 = arith.constant 0 : i32
      %swap3A_127 = arith.index_cast %swap3A_126 : i32 to index
      %swap3A_128 = arith.constant 112 : index
      %swap3A_129 = tpu.vector_load %arg7[%swap3A_127, %swap3A_128] {strides = array<i32>} : memref<4x256xf32, #tpu.memory_space<vmem>>, vector<1x16xf32>,
      %swap3A_130 = vector.shape_cast %swap3A_129 : vector<1x16xf32> to vector<16xf32>
      %swap3A_131 = vector.shape_cast %scan3A_83#7 : vector<16xf32> to vector<1x16xf32>
      tpu.vector_store %arg7[%swap3A_127, %swap3A_128], %swap3A_131 {strides = array<i32>} : memref<4x256xf32, #tpu.memory_space<vmem>>, vector<1x16xf32>,
      %swap3A_132 = arith.constant 0 : i32
      %swap3A_133 = arith.index_cast %swap3A_132 : i32 to index
      %swap3A_134 = arith.constant 128 : index
      %swap3A_135 = tpu.vector_load %arg7[%swap3A_133, %swap3A_134] {strides = array<i32>} : memref<4x256xf32, #tpu.memory_space<vmem>>, vector<1x16xf32>,
      %swap3A_136 = vector.shape_cast %swap3A_135 : vector<1x16xf32> to vector<16xf32>
      %swap3A_137 = vector.shape_cast %scan3A_83#8 : vector<16xf32> to vector<1x16xf32>
      tpu.vector_store %arg7[%swap3A_133, %swap3A_134], %swap3A_137 {strides = array<i32>} : memref<4x256xf32, #tpu.memory_space<vmem>>, vector<1x16xf32>,
      %swap3A_138 = arith.constant 0 : i32
      %swap3A_139 = arith.index_cast %swap3A_138 : i32 to index
      %swap3A_140 = arith.constant 144 : index
      %swap3A_141 = tpu.vector_load %arg7[%swap3A_139, %swap3A_140] {strides = array<i32>} : memref<4x256xf32, #tpu.memory_space<vmem>>, vector<1x16xf32>,
      %swap3A_142 = vector.shape_cast %swap3A_141 : vector<1x16xf32> to vector<16xf32>
      %swap3A_143 = vector.shape_cast %scan3A_83#9 : vector<16xf32> to vector<1x16xf32>
      tpu.vector_store %arg7[%swap3A_139, %swap3A_140], %swap3A_143 {strides = array<i32>} : memref<4x256xf32, #tpu.memory_space<vmem>>, vector<1x16xf32>,
      %swap3A_144 = arith.constant 0 : i32
      %swap3A_145 = arith.index_cast %swap3A_144 : i32 to index
      %swap3A_146 = arith.constant 160 : index
      %swap3A_147 = tpu.vector_load %arg7[%swap3A_145, %swap3A_146] {strides = array<i32>} : memref<4x256xf32, #tpu.memory_space<vmem>>, vector<1x16xf32>,
      %swap3A_148 = vector.shape_cast %swap3A_147 : vector<1x16xf32> to vector<16xf32>
      %swap3A_149 = vector.shape_cast %scan3A_83#10 : vector<16xf32> to vector<1x16xf32>
      tpu.vector_store %arg7[%swap3A_145, %swap3A_146], %swap3A_149 {strides = array<i32>} : memref<4x256xf32, #tpu.memory_space<vmem>>, vector<1x16xf32>,
      %swap3A_150 = arith.constant 0 : i32
      %swap3A_151 = arith.index_cast %swap3A_150 : i32 to index
      %swap3A_152 = arith.constant 176 : index
      %swap3A_153 = tpu.vector_load %arg7[%swap3A_151, %swap3A_152] {strides = array<i32>} : memref<4x256xf32, #tpu.memory_space<vmem>>, vector<1x16xf32>,
      %swap3A_154 = vector.shape_cast %swap3A_153 : vector<1x16xf32> to vector<16xf32>
      %swap3A_155 = vector.shape_cast %scan3A_83#11 : vector<16xf32> to vector<1x16xf32>
      tpu.vector_store %arg7[%swap3A_151, %swap3A_152], %swap3A_155 {strides = array<i32>} : memref<4x256xf32, #tpu.memory_space<vmem>>, vector<1x16xf32>,
      %swap3A_156 = arith.constant 0 : i32
      %swap3A_157 = arith.index_cast %swap3A_156 : i32 to index
      %swap3A_158 = arith.constant 192 : index
      %swap3A_159 = tpu.vector_load %arg7[%swap3A_157, %swap3A_158] {strides = array<i32>} : memref<4x256xf32, #tpu.memory_space<vmem>>, vector<1x16xf32>,
      %swap3A_160 = vector.shape_cast %swap3A_159 : vector<1x16xf32> to vector<16xf32>
      %swap3A_161 = vector.shape_cast %scan3A_83#12 : vector<16xf32> to vector<1x16xf32>
      tpu.vector_store %arg7[%swap3A_157, %swap3A_158], %swap3A_161 {strides = array<i32>} : memref<4x256xf32, #tpu.memory_space<vmem>>, vector<1x16xf32>,
      %swap3A_162 = arith.constant 0 : i32
      %swap3A_163 = arith.index_cast %swap3A_162 : i32 to index
      %swap3A_164 = arith.constant 208 : index
      %swap3A_165 = tpu.vector_load %arg7[%swap3A_163, %swap3A_164] {strides = array<i32>} : memref<4x256xf32, #tpu.memory_space<vmem>>, vector<1x16xf32>,
      %swap3A_166 = vector.shape_cast %swap3A_165 : vector<1x16xf32> to vector<16xf32>
      %swap3A_167 = vector.shape_cast %scan3A_83#13 : vector<16xf32> to vector<1x16xf32>
      tpu.vector_store %arg7[%swap3A_163, %swap3A_164], %swap3A_167 {strides = array<i32>} : memref<4x256xf32, #tpu.memory_space<vmem>>, vector<1x16xf32>,
      %swap3A_168 = arith.constant 0 : i32
      %swap3A_169 = arith.index_cast %swap3A_168 : i32 to index
      %swap3A_170 = arith.constant 224 : index
      %swap3A_171 = tpu.vector_load %arg7[%swap3A_169, %swap3A_170] {strides = array<i32>} : memref<4x256xf32, #tpu.memory_space<vmem>>, vector<1x16xf32>,
      %swap3A_172 = vector.shape_cast %swap3A_171 : vector<1x16xf32> to vector<16xf32>
      %swap3A_173 = vector.shape_cast %scan3A_83#14 : vector<16xf32> to vector<1x16xf32>
      tpu.vector_store %arg7[%swap3A_169, %swap3A_170], %swap3A_173 {strides = array<i32>} : memref<4x256xf32, #tpu.memory_space<vmem>>, vector<1x16xf32>,
      %swap3A_174 = arith.constant 0 : i32
      %swap3A_175 = arith.index_cast %swap3A_174 : i32 to index
      %swap3A_176 = arith.constant 240 : index
      %swap3A_177 = tpu.vector_load %arg7[%swap3A_175, %swap3A_176] {strides = array<i32>} : memref<4x256xf32, #tpu.memory_space<vmem>>, vector<1x16xf32>,
      %swap3A_178 = vector.shape_cast %swap3A_177 : vector<1x16xf32> to vector<16xf32>
      %swap3A_179 = vector.shape_cast %scan3A_83#15 : vector<16xf32> to vector<1x16xf32>
      tpu.vector_store %arg7[%swap3A_175, %swap3A_176], %swap3A_179 {strides = array<i32>} : memref<4x256xf32, #tpu.memory_space<vmem>>, vector<1x16xf32>,
      %broadcast_in_dim3A_180 = arith.constant 0.000000e+00 : f32
      %broadcast_in_dim3A_181 = vector.broadcast %broadcast_in_dim3A_180 : f32 to vector<16xf32>
      %broadcast_in_dim3A_182 = arith.constant 0.000000e+00 : f32
      %broadcast_in_dim3A_183 = vector.broadcast %broadcast_in_dim3A_182 : f32 to vector<16xf32>
      %broadcast_in_dim3A_184 = arith.constant 0.000000e+00 : f32
      %broadcast_in_dim3A_185 = vector.broadcast %broadcast_in_dim3A_184 : f32 to vector<16xf32>
      %broadcast_in_dim3A_186 = arith.constant 0.000000e+00 : f32
      %broadcast_in_dim3A_187 = vector.broadcast %broadcast_in_dim3A_186 : f32 to vector<16xf32>
      %broadcast_in_dim3A_188 = arith.constant 0.000000e+00 : f32
      %broadcast_in_dim3A_189 = vector.broadcast %broadcast_in_dim3A_188 : f32 to vector<16xf32>
      %broadcast_in_dim3A_190 = arith.constant 0.000000e+00 : f32
      %broadcast_in_dim3A_191 = vector.broadcast %broadcast_in_dim3A_190 : f32 to vector<16xf32>
      %broadcast_in_dim3A_192 = arith.constant 0.000000e+00 : f32
      %broadcast_in_dim3A_193 = vector.broadcast %broadcast_in_dim3A_192 : f32 to vector<16xf32>
      %broadcast_in_dim3A_194 = arith.constant 0.000000e+00 : f32
      %broadcast_in_dim3A_195 = vector.broadcast %broadcast_in_dim3A_194 : f32 to vector<16xf32>
      %broadcast_in_dim3A_196 = arith.constant 0.000000e+00 : f32
      %broadcast_in_dim3A_197 = vector.broadcast %broadcast_in_dim3A_196 : f32 to vector<16xf32>
      %broadcast_in_dim3A_198 = arith.constant 0.000000e+00 : f32
      %broadcast_in_dim3A_199 = vector.broadcast %broadcast_in_dim3A_198 : f32 to vector<16xf32>
      %broadcast_in_dim3A_200 = arith.constant 0.000000e+00 : f32
      %broadcast_in_dim3A_201 = vector.broadcast %broadcast_in_dim3A_200 : f32 to vector<16xf32>
      %broadcast_in_dim3A_202 = arith.constant 0.000000e+00 : f32
      %broadcast_in_dim3A_203 = vector.broadcast %broadcast_in_dim3A_202 : f32 to vector<16xf32>
      %broadcast_in_dim3A_204 = arith.constant 0.000000e+00 : f32
      %broadcast_in_dim3A_205 = vector.broadcast %broadcast_in_dim3A_204 : f32 to vector<16xf32>
      %broadcast_in_dim3A_206 = arith.constant 0.000000e+00 : f32
      %broadcast_in_dim3A_207 = vector.broadcast %broadcast_in_dim3A_206 : f32 to vector<16xf32>
      %broadcast_in_dim3A_208 = arith.constant 0.000000e+00 : f32
      %broadcast_in_dim3A_209 = vector.broadcast %broadcast_in_dim3A_208 : f32 to vector<16xf32>
      %broadcast_in_dim3A_210 = arith.constant 0.000000e+00 : f32
      %broadcast_in_dim3A_211 = vector.broadcast %broadcast_in_dim3A_210 : f32 to vector<16xf32>
      %scan3A_212 = arith.constant 0 : i32
      %scan3A_213 = arith.constant 50 : i32
      %scan3A_214 = arith.addi %scan3A_212, %scan3A_213 : i32
      %scan3A_215 = arith.constant 1 : i32
      %scan3A_216:16 = scf.for %scan3A_1154 = %scan3A_212 to %scan3A_214 step %scan3A_215 iter_args(%scan3A_1155 = %broadcast_in_dim3A_181, %scan3A_1156 = %broadcast_in_dim3A_183, %scan3A_1157 = %broadcast_in_dim3A_185, %scan3A_1158 = %broadcast_in_dim3A_187, %scan3A_1159 = %broadcast_in_dim3A_189, %scan3A_1160 = %broadcast_in_dim3A_191, %scan3A_1161 = %broadcast_in_dim3A_193, %scan3A_1162 = %broadcast_in_dim3A_195, %scan3A_1163 = %broadcast_in_dim3A_197, %scan3A_1164 = %broadcast_in_dim3A_199, %scan3A_1165 = %broadcast_in_dim3A_201, %scan3A_1166 = %broadcast_in_dim3A_203, %scan3A_1167 = %broadcast_in_dim3A_205, %scan3A_1168 = %broadcast_in_dim3A_207, %scan3A_1169 = %broadcast_in_dim3A_209, %scan3A_1170 = %broadcast_in_dim3A_211) -> (vector<16xf32>, vector<16xf32>, vector<16xf32>, vector<16xf32>, vector<16xf32>, vector<16xf32>, vector<16xf32>, vector<16xf32>, vector<16xf32>, vector<16xf32>, vector<16xf32>, vector<16xf32>, vector<16xf32>, vector<16xf32>, vector<16xf32>, vector<16xf32>)  : i32 {
        %add3A_1171 = arith.constant 50 : i32
        %add3A_1172 = arith.addi %add3A_1171, %scan3A_1154 : i32
        %get3A = arith.constant 0 : i32
        %get3A_1173 = arith.index_cast %get3A : i32 to index
        %get3A_1174 = arith.index_cast %add3A_1172 : i32 to index
        %get3A_1175 = arith.constant 0 : index
        %get3A_1176 = tpu.vector_load %arg6[%get3A_1173, %get3A_1174, %get3A_1175] {strides = array<i32>} : memref<2x200x256xf32, #tpu.memory_space<vmem>>, vector<1x1x16xf32>,
        %get3A_1177 = vector.shape_cast %get3A_1176 : vector<1x1x16xf32> to vector<16xf32>
        %add3A_1178 = arith.addf %scan3A_1155, %get3A_1177 : vector<16xf32>
        %add3A_1179 = arith.constant 50 : i32
        %add3A_1180 = arith.addi %add3A_1179, %scan3A_1154 : i32
        %get3A_1181 = arith.constant 0 : i32
        %get3A_1182 = arith.index_cast %get3A_1181 : i32 to index
        %get3A_1183 = arith.index_cast %add3A_1180 : i32 to index
        %get3A_1184 = arith.constant 16 : index
        %get3A_1185 = tpu.vector_load %arg6[%get3A_1182, %get3A_1183, %get3A_1184] {strides = array<i32>} : memref<2x200x256xf32, #tpu.memory_space<vmem>>, vector<1x1x16xf32>,
        %get3A_1186 = vector.shape_cast %get3A_1185 : vector<1x1x16xf32> to vector<16xf32>
        %add3A_1187 = arith.addf %scan3A_1156, %get3A_1186 : vector<16xf32>
        %add3A_1188 = arith.constant 50 : i32
        %add3A_1189 = arith.addi %add3A_1188, %scan3A_1154 : i32
        %get3A_1190 = arith.constant 0 : i32
        %get3A_1191 = arith.index_cast %get3A_1190 : i32 to index
        %get3A_1192 = arith.index_cast %add3A_1189 : i32 to index
        %get3A_1193 = arith.constant 32 : index
        %get3A_1194 = tpu.vector_load %arg6[%get3A_1191, %get3A_1192, %get3A_1193] {strides = array<i32>} : memref<2x200x256xf32, #tpu.memory_space<vmem>>, vector<1x1x16xf32>,
        %get3A_1195 = vector.shape_cast %get3A_1194 : vector<1x1x16xf32> to vector<16xf32>
        %add3A_1196 = arith.addf %scan3A_1157, %get3A_1195 : vector<16xf32>
        %add3A_1197 = arith.constant 50 : i32
        %add3A_1198 = arith.addi %add3A_1197, %scan3A_1154 : i32
        %get3A_1199 = arith.constant 0 : i32
        %get3A_1200 = arith.index_cast %get3A_1199 : i32 to index
        %get3A_1201 = arith.index_cast %add3A_1198 : i32 to index
        %get3A_1202 = arith.constant 48 : index
        %get3A_1203 = tpu.vector_load %arg6[%get3A_1200, %get3A_1201, %get3A_1202] {strides = array<i32>} : memref<2x200x256xf32, #tpu.memory_space<vmem>>, vector<1x1x16xf32>,
        %get3A_1204 = vector.shape_cast %get3A_1203 : vector<1x1x16xf32> to vector<16xf32>
        %add3A_1205 = arith.addf %scan3A_1158, %get3A_1204 : vector<16xf32>
        %add3A_1206 = arith.constant 50 : i32
        %add3A_1207 = arith.addi %add3A_1206, %scan3A_1154 : i32
        %get3A_1208 = arith.constant 0 : i32
        %get3A_1209 = arith.index_cast %get3A_1208 : i32 to index
        %get3A_1210 = arith.index_cast %add3A_1207 : i32 to index
        %get3A_1211 = arith.constant 64 : index
        %get3A_1212 = tpu.vector_load %arg6[%get3A_1209, %get3A_1210, %get3A_1211] {strides = array<i32>} : memref<2x200x256xf32, #tpu.memory_space<vmem>>, vector<1x1x16xf32>,
        %get3A_1213 = vector.shape_cast %get3A_1212 : vector<1x1x16xf32> to vector<16xf32>
        %add3A_1214 = arith.addf %scan3A_1159, %get3A_1213 : vector<16xf32>
        %add3A_1215 = arith.constant 50 : i32
        %add3A_1216 = arith.addi %add3A_1215, %scan3A_1154 : i32
        %get3A_1217 = arith.constant 0 : i32
        %get3A_1218 = arith.index_cast %get3A_1217 : i32 to index
        %get3A_1219 = arith.index_cast %add3A_1216 : i32 to index
        %get3A_1220 = arith.constant 80 : index
        %get3A_1221 = tpu.vector_load %arg6[%get3A_1218, %get3A_1219, %get3A_1220] {strides = array<i32>} : memref<2x200x256xf32, #tpu.memory_space<vmem>>, vector<1x1x16xf32>,
        %get3A_1222 = vector.shape_cast %get3A_1221 : vector<1x1x16xf32> to vector<16xf32>
        %add3A_1223 = arith.addf %scan3A_1160, %get3A_1222 : vector<16xf32>
        %add3A_1224 = arith.constant 50 : i32
        %add3A_1225 = arith.addi %add3A_1224, %scan3A_1154 : i32
        %get3A_1226 = arith.constant 0 : i32
        %get3A_1227 = arith.index_cast %get3A_1226 : i32 to index
        %get3A_1228 = arith.index_cast %add3A_1225 : i32 to index
        %get3A_1229 = arith.constant 96 : index
        %get3A_1230 = tpu.vector_load %arg6[%get3A_1227, %get3A_1228, %get3A_1229] {strides = array<i32>} : memref<2x200x256xf32, #tpu.memory_space<vmem>>, vector<1x1x16xf32>,
        %get3A_1231 = vector.shape_cast %get3A_1230 : vector<1x1x16xf32> to vector<16xf32>
        %add3A_1232 = arith.addf %scan3A_1161, %get3A_1231 : vector<16xf32>
        %add3A_1233 = arith.constant 50 : i32
        %add3A_1234 = arith.addi %add3A_1233, %scan3A_1154 : i32
        %get3A_1235 = arith.constant 0 : i32
        %get3A_1236 = arith.index_cast %get3A_1235 : i32 to index
        %get3A_1237 = arith.index_cast %add3A_1234 : i32 to index
        %get3A_1238 = arith.constant 112 : index
        %get3A_1239 = tpu.vector_load %arg6[%get3A_1236, %get3A_1237, %get3A_1238] {strides = array<i32>} : memref<2x200x256xf32, #tpu.memory_space<vmem>>, vector<1x1x16xf32>,
        %get3A_1240 = vector.shape_cast %get3A_1239 : vector<1x1x16xf32> to vector<16xf32>
        %add3A_1241 = arith.addf %scan3A_1162, %get3A_1240 : vector<16xf32>
        %add3A_1242 = arith.constant 50 : i32
        %add3A_1243 = arith.addi %add3A_1242, %scan3A_1154 : i32
        %get3A_1244 = arith.constant 0 : i32
        %get3A_1245 = arith.index_cast %get3A_1244 : i32 to index
        %get3A_1246 = arith.index_cast %add3A_1243 : i32 to index
        %get3A_1247 = arith.constant 128 : index
        %get3A_1248 = tpu.vector_load %arg6[%get3A_1245, %get3A_1246, %get3A_1247] {strides = array<i32>} : memref<2x200x256xf32, #tpu.memory_space<vmem>>, vector<1x1x16xf32>,
        %get3A_1249 = vector.shape_cast %get3A_1248 : vector<1x1x16xf32> to vector<16xf32>
        %add3A_1250 = arith.addf %scan3A_1163, %get3A_1249 : vector<16xf32>
        %add3A_1251 = arith.constant 50 : i32
        %add3A_1252 = arith.addi %add3A_1251, %scan3A_1154 : i32
        %get3A_1253 = arith.constant 0 : i32
        %get3A_1254 = arith.index_cast %get3A_1253 : i32 to index
        %get3A_1255 = arith.index_cast %add3A_1252 : i32 to index
        %get3A_1256 = arith.constant 144 : index
        %get3A_1257 = tpu.vector_load %arg6[%get3A_1254, %get3A_1255, %get3A_1256] {strides = array<i32>} : memref<2x200x256xf32, #tpu.memory_space<vmem>>, vector<1x1x16xf32>,
        %get3A_1258 = vector.shape_cast %get3A_1257 : vector<1x1x16xf32> to vector<16xf32>
        %add3A_1259 = arith.addf %scan3A_1164, %get3A_1258 : vector<16xf32>
        %add3A_1260 = arith.constant 50 : i32
        %add3A_1261 = arith.addi %add3A_1260, %scan3A_1154 : i32
        %get3A_1262 = arith.constant 0 : i32
        %get3A_1263 = arith.index_cast %get3A_1262 : i32 to index
        %get3A_1264 = arith.index_cast %add3A_1261 : i32 to index
        %get3A_1265 = arith.constant 160 : index
        %get3A_1266 = tpu.vector_load %arg6[%get3A_1263, %get3A_1264, %get3A_1265] {strides = array<i32>} : memref<2x200x256xf32, #tpu.memory_space<vmem>>, vector<1x1x16xf32>,
        %get3A_1267 = vector.shape_cast %get3A_1266 : vector<1x1x16xf32> to vector<16xf32>
        %add3A_1268 = arith.addf %scan3A_1165, %get3A_1267 : vector<16xf32>
        %add3A_1269 = arith.constant 50 : i32
        %add3A_1270 = arith.addi %add3A_1269, %scan3A_1154 : i32
        %get3A_1271 = arith.constant 0 : i32
        %get3A_1272 = arith.index_cast %get3A_1271 : i32 to index
        %get3A_1273 = arith.index_cast %add3A_1270 : i32 to index
        %get3A_1274 = arith.constant 176 : index
        %get3A_1275 = tpu.vector_load %arg6[%get3A_1272, %get3A_1273, %get3A_1274] {strides = array<i32>} : memref<2x200x256xf32, #tpu.memory_space<vmem>>, vector<1x1x16xf32>,
        %get3A_1276 = vector.shape_cast %get3A_1275 : vector<1x1x16xf32> to vector<16xf32>
        %add3A_1277 = arith.addf %scan3A_1166, %get3A_1276 : vector<16xf32>
        %add3A_1278 = arith.constant 50 : i32
        %add3A_1279 = arith.addi %add3A_1278, %scan3A_1154 : i32
        %get3A_1280 = arith.constant 0 : i32
        %get3A_1281 = arith.index_cast %get3A_1280 : i32 to index
        %get3A_1282 = arith.index_cast %add3A_1279 : i32 to index
        %get3A_1283 = arith.constant 192 : index
        %get3A_1284 = tpu.vector_load %arg6[%get3A_1281, %get3A_1282, %get3A_1283] {strides = array<i32>} : memref<2x200x256xf32, #tpu.memory_space<vmem>>, vector<1x1x16xf32>,
        %get3A_1285 = vector.shape_cast %get3A_1284 : vector<1x1x16xf32> to vector<16xf32>
        %add3A_1286 = arith.addf %scan3A_1167, %get3A_1285 : vector<16xf32>
        %add3A_1287 = arith.constant 50 : i32
        %add3A_1288 = arith.addi %add3A_1287, %scan3A_1154 : i32
        %get3A_1289 = arith.constant 0 : i32
        %get3A_1290 = arith.index_cast %get3A_1289 : i32 to index
        %get3A_1291 = arith.index_cast %add3A_1288 : i32 to index
        %get3A_1292 = arith.constant 208 : index
        %get3A_1293 = tpu.vector_load %arg6[%get3A_1290, %get3A_1291, %get3A_1292] {strides = array<i32>} : memref<2x200x256xf32, #tpu.memory_space<vmem>>, vector<1x1x16xf32>,
        %get3A_1294 = vector.shape_cast %get3A_1293 : vector<1x1x16xf32> to vector<16xf32>
        %add3A_1295 = arith.addf %scan3A_1168, %get3A_1294 : vector<16xf32>
        %add3A_1296 = arith.constant 50 : i32
        %add3A_1297 = arith.addi %add3A_1296, %scan3A_1154 : i32
        %get3A_1298 = arith.constant 0 : i32
        %get3A_1299 = arith.index_cast %get3A_1298 : i32 to index
        %get3A_1300 = arith.index_cast %add3A_1297 : i32 to index
        %get3A_1301 = arith.constant 224 : index
        %get3A_1302 = tpu.vector_load %arg6[%get3A_1299, %get3A_1300, %get3A_1301] {strides = array<i32>} : memref<2x200x256xf32, #tpu.memory_space<vmem>>, vector<1x1x16xf32>,
        %get3A_1303 = vector.shape_cast %get3A_1302 : vector<1x1x16xf32> to vector<16xf32>
        %add3A_1304 = arith.addf %scan3A_1169, %get3A_1303 : vector<16xf32>
        %add3A_1305 = arith.constant 50 : i32
        %add3A_1306 = arith.addi %add3A_1305, %scan3A_1154 : i32
        %get3A_1307 = arith.constant 0 : i32
        %get3A_1308 = arith.index_cast %get3A_1307 : i32 to index
        %get3A_1309 = arith.index_cast %add3A_1306 : i32 to index
        %get3A_1310 = arith.constant 240 : index
        %get3A_1311 = tpu.vector_load %arg6[%get3A_1308, %get3A_1309, %get3A_1310] {strides = array<i32>} : memref<2x200x256xf32, #tpu.memory_space<vmem>>, vector<1x1x16xf32>,
        %get3A_1312 = vector.shape_cast %get3A_1311 : vector<1x1x16xf32> to vector<16xf32>
        %add3A_1313 = arith.addf %scan3A_1170, %get3A_1312 : vector<16xf32>
        scf.yield %add3A_1178, %add3A_1187, %add3A_1196, %add3A_1205, %add3A_1214, %add3A_1223, %add3A_1232, %add3A_1241, %add3A_1250, %add3A_1259, %add3A_1268, %add3A_1277, %add3A_1286, %add3A_1295, %add3A_1304, %add3A_1313 : vector<16xf32>, vector<16xf32>, vector<16xf32>, vector<16xf32>, vector<16xf32>, vector<16xf32>, vector<16xf32>, vector<16xf32>, vector<16xf32>, vector<16xf32>, vector<16xf32>, vector<16xf32>, vector<16xf32>, vector<16xf32>, vector<16xf32>, vector<16xf32>
      }
      %scan3A_217 = arith.constant 50 : i32
      %swap3A_218 = arith.constant 1 : i32
      %swap3A_219 = arith.index_cast %swap3A_218 : i32 to index
      %swap3A_220 = arith.constant 0 : index
      %swap3A_221 = tpu.vector_load %arg7[%swap3A_219, %swap3A_220] {strides = array<i32>} : memref<4x256xf32, #tpu.memory_space<vmem>>, vector<1x16xf32>,
      %swap3A_222 = vector.shape_cast %swap3A_221 : vector<1x16xf32> to vector<16xf32>
      %swap3A_223 = vector.shape_cast %scan3A_216#0 : vector<16xf32> to vector<1x16xf32>
      tpu.vector_store %arg7[%swap3A_219, %swap3A_220], %swap3A_223 {strides = array<i32>} : memref<4x256xf32, #tpu.memory_space<vmem>>, vector<1x16xf32>,
      %swap3A_224 = arith.constant 1 : i32
      %swap3A_225 = arith.index_cast %swap3A_224 : i32 to index
      %swap3A_226 = arith.constant 16 : index
      %swap3A_227 = tpu.vector_load %arg7[%swap3A_225, %swap3A_226] {strides = array<i32>} : memref<4x256xf32, #tpu.memory_space<vmem>>, vector<1x16xf32>,
      %swap3A_228 = vector.shape_cast %swap3A_227 : vector<1x16xf32> to vector<16xf32>
      %swap3A_229 = vector.shape_cast %scan3A_216#1 : vector<16xf32> to vector<1x16xf32>
      tpu.vector_store %arg7[%swap3A_225, %swap3A_226], %swap3A_229 {strides = array<i32>} : memref<4x256xf32, #tpu.memory_space<vmem>>, vector<1x16xf32>,
      %swap3A_230 = arith.constant 1 : i32
      %swap3A_231 = arith.index_cast %swap3A_230 : i32 to index
      %swap3A_232 = arith.constant 32 : index
      %swap3A_233 = tpu.vector_load %arg7[%swap3A_231, %swap3A_232] {strides = array<i32>} : memref<4x256xf32, #tpu.memory_space<vmem>>, vector<1x16xf32>,
      %swap3A_234 = vector.shape_cast %swap3A_233 : vector<1x16xf32> to vector<16xf32>
      %swap3A_235 = vector.shape_cast %scan3A_216#2 : vector<16xf32> to vector<1x16xf32>
      tpu.vector_store %arg7[%swap3A_231, %swap3A_232], %swap3A_235 {strides = array<i32>} : memref<4x256xf32, #tpu.memory_space<vmem>>, vector<1x16xf32>,
      %swap3A_236 = arith.constant 1 : i32
      %swap3A_237 = arith.index_cast %swap3A_236 : i32 to index
      %swap3A_238 = arith.constant 48 : index
      %swap3A_239 = tpu.vector_load %arg7[%swap3A_237, %swap3A_238] {strides = array<i32>} : memref<4x256xf32, #tpu.memory_space<vmem>>, vector<1x16xf32>,
      %swap3A_240 = vector.shape_cast %swap3A_239 : vector<1x16xf32> to vector<16xf32>
      %swap3A_241 = vector.shape_cast %scan3A_216#3 : vector<16xf32> to vector<1x16xf32>
      tpu.vector_store %arg7[%swap3A_237, %swap3A_238], %swap3A_241 {strides = array<i32>} : memref<4x256xf32, #tpu.memory_space<vmem>>, vector<1x16xf32>,
      %swap3A_242 = arith.constant 1 : i32
      %swap3A_243 = arith.index_cast %swap3A_242 : i32 to index
      %swap3A_244 = arith.constant 64 : index
      %swap3A_245 = tpu.vector_load %arg7[%swap3A_243, %swap3A_244] {strides = array<i32>} : memref<4x256xf32, #tpu.memory_space<vmem>>, vector<1x16xf32>,
      %swap3A_246 = vector.shape_cast %swap3A_245 : vector<1x16xf32> to vector<16xf32>
      %swap3A_247 = vector.shape_cast %scan3A_216#4 : vector<16xf32> to vector<1x16xf32>
      tpu.vector_store %arg7[%swap3A_243, %swap3A_244], %swap3A_247 {strides = array<i32>} : memref<4x256xf32, #tpu.memory_space<vmem>>, vector<1x16xf32>,
      %swap3A_248 = arith.constant 1 : i32
      %swap3A_249 = arith.index_cast %swap3A_248 : i32 to index
      %swap3A_250 = arith.constant 80 : index
      %swap3A_251 = tpu.vector_load %arg7[%swap3A_249, %swap3A_250] {strides = array<i32>} : memref<4x256xf32, #tpu.memory_space<vmem>>, vector<1x16xf32>,
      %swap3A_252 = vector.shape_cast %swap3A_251 : vector<1x16xf32> to vector<16xf32>
      %swap3A_253 = vector.shape_cast %scan3A_216#5 : vector<16xf32> to vector<1x16xf32>
      tpu.vector_store %arg7[%swap3A_249, %swap3A_250], %swap3A_253 {strides = array<i32>} : memref<4x256xf32, #tpu.memory_space<vmem>>, vector<1x16xf32>,
      %swap3A_254 = arith.constant 1 : i32
      %swap3A_255 = arith.index_cast %swap3A_254 : i32 to index
      %swap3A_256 = arith.constant 96 : index
      %swap3A_257 = tpu.vector_load %arg7[%swap3A_255, %swap3A_256] {strides = array<i32>} : memref<4x256xf32, #tpu.memory_space<vmem>>, vector<1x16xf32>,
      %swap3A_258 = vector.shape_cast %swap3A_257 : vector<1x16xf32> to vector<16xf32>
      %swap3A_259 = vector.shape_cast %scan3A_216#6 : vector<16xf32> to vector<1x16xf32>
      tpu.vector_store %arg7[%swap3A_255, %swap3A_256], %swap3A_259 {strides = array<i32>} : memref<4x256xf32, #tpu.memory_space<vmem>>, vector<1x16xf32>,
      %swap3A_260 = arith.constant 1 : i32
      %swap3A_261 = arith.index_cast %swap3A_260 : i32 to index
      %swap3A_262 = arith.constant 112 : index
      %swap3A_263 = tpu.vector_load %arg7[%swap3A_261, %swap3A_262] {strides = array<i32>} : memref<4x256xf32, #tpu.memory_space<vmem>>, vector<1x16xf32>,
      %swap3A_264 = vector.shape_cast %swap3A_263 : vector<1x16xf32> to vector<16xf32>
      %swap3A_265 = vector.shape_cast %scan3A_216#7 : vector<16xf32> to vector<1x16xf32>
      tpu.vector_store %arg7[%swap3A_261, %swap3A_262], %swap3A_265 {strides = array<i32>} : memref<4x256xf32, #tpu.memory_space<vmem>>, vector<1x16xf32>,
      %swap3A_266 = arith.constant 1 : i32
      %swap3A_267 = arith.index_cast %swap3A_266 : i32 to index
      %swap3A_268 = arith.constant 128 : index
      %swap3A_269 = tpu.vector_load %arg7[%swap3A_267, %swap3A_268] {strides = array<i32>} : memref<4x256xf32, #tpu.memory_space<vmem>>, vector<1x16xf32>,
      %swap3A_270 = vector.shape_cast %swap3A_269 : vector<1x16xf32> to vector<16xf32>
      %swap3A_271 = vector.shape_cast %scan3A_216#8 : vector<16xf32> to vector<1x16xf32>
      tpu.vector_store %arg7[%swap3A_267, %swap3A_268], %swap3A_271 {strides = array<i32>} : memref<4x256xf32, #tpu.memory_space<vmem>>, vector<1x16xf32>,
      %swap3A_272 = arith.constant 1 : i32
      %swap3A_273 = arith.index_cast %swap3A_272 : i32 to index
      %swap3A_274 = arith.constant 144 : index
      %swap3A_275 = tpu.vector_load %arg7[%swap3A_273, %swap3A_274] {strides = array<i32>} : memref<4x256xf32, #tpu.memory_space<vmem>>, vector<1x16xf32>,
      %swap3A_276 = vector.shape_cast %swap3A_275 : vector<1x16xf32> to vector<16xf32>
      %swap3A_277 = vector.shape_cast %scan3A_216#9 : vector<16xf32> to vector<1x16xf32>
      tpu.vector_store %arg7[%swap3A_273, %swap3A_274], %swap3A_277 {strides = array<i32>} : memref<4x256xf32, #tpu.memory_space<vmem>>, vector<1x16xf32>,
      %swap3A_278 = arith.constant 1 : i32
      %swap3A_279 = arith.index_cast %swap3A_278 : i32 to index
      %swap3A_280 = arith.constant 160 : index
      %swap3A_281 = tpu.vector_load %arg7[%swap3A_279, %swap3A_280] {strides = array<i32>} : memref<4x256xf32, #tpu.memory_space<vmem>>, vector<1x16xf32>,
      %swap3A_282 = vector.shape_cast %swap3A_281 : vector<1x16xf32> to vector<16xf32>
      %swap3A_283 = vector.shape_cast %scan3A_216#10 : vector<16xf32> to vector<1x16xf32>
      tpu.vector_store %arg7[%swap3A_279, %swap3A_280], %swap3A_283 {strides = array<i32>} : memref<4x256xf32, #tpu.memory_space<vmem>>, vector<1x16xf32>,
      %swap3A_284 = arith.constant 1 : i32
      %swap3A_285 = arith.index_cast %swap3A_284 : i32 to index
      %swap3A_286 = arith.constant 176 : index
      %swap3A_287 = tpu.vector_load %arg7[%swap3A_285, %swap3A_286] {strides = array<i32>} : memref<4x256xf32, #tpu.memory_space<vmem>>, vector<1x16xf32>,
      %swap3A_288 = vector.shape_cast %swap3A_287 : vector<1x16xf32> to vector<16xf32>
      %swap3A_289 = vector.shape_cast %scan3A_216#11 : vector<16xf32> to vector<1x16xf32>
      tpu.vector_store %arg7[%swap3A_285, %swap3A_286], %swap3A_289 {strides = array<i32>} : memref<4x256xf32, #tpu.memory_space<vmem>>, vector<1x16xf32>,
      %swap3A_290 = arith.constant 1 : i32
      %swap3A_291 = arith.index_cast %swap3A_290 : i32 to index
      %swap3A_292 = arith.constant 192 : index
      %swap3A_293 = tpu.vector_load %arg7[%swap3A_291, %swap3A_292] {strides = array<i32>} : memref<4x256xf32, #tpu.memory_space<vmem>>, vector<1x16xf32>,
      %swap3A_294 = vector.shape_cast %swap3A_293 : vector<1x16xf32> to vector<16xf32>
      %swap3A_295 = vector.shape_cast %scan3A_216#12 : vector<16xf32> to vector<1x16xf32>
      tpu.vector_store %arg7[%swap3A_291, %swap3A_292], %swap3A_295 {strides = array<i32>} : memref<4x256xf32, #tpu.memory_space<vmem>>, vector<1x16xf32>,
      %swap3A_296 = arith.constant 1 : i32
      %swap3A_297 = arith.index_cast %swap3A_296 : i32 to index
      %swap3A_298 = arith.constant 208 : index
      %swap3A_299 = tpu.vector_load %arg7[%swap3A_297, %swap3A_298] {strides = array<i32>} : memref<4x256xf32, #tpu.memory_space<vmem>>, vector<1x16xf32>,
      %swap3A_300 = vector.shape_cast %swap3A_299 : vector<1x16xf32> to vector<16xf32>
      %swap3A_301 = vector.shape_cast %scan3A_216#13 : vector<16xf32> to vector<1x16xf32>
      tpu.vector_store %arg7[%swap3A_297, %swap3A_298], %swap3A_301 {strides = array<i32>} : memref<4x256xf32, #tpu.memory_space<vmem>>, vector<1x16xf32>,
      %swap3A_302 = arith.constant 1 : i32
      %swap3A_303 = arith.index_cast %swap3A_302 : i32 to index
      %swap3A_304 = arith.constant 224 : index
      %swap3A_305 = tpu.vector_load %arg7[%swap3A_303, %swap3A_304] {strides = array<i32>} : memref<4x256xf32, #tpu.memory_space<vmem>>, vector<1x16xf32>,
      %swap3A_306 = vector.shape_cast %swap3A_305 : vector<1x16xf32> to vector<16xf32>
      %swap3A_307 = vector.shape_cast %scan3A_216#14 : vector<16xf32> to vector<1x16xf32>
      tpu.vector_store %arg7[%swap3A_303, %swap3A_304], %swap3A_307 {strides = array<i32>} : memref<4x256xf32, #tpu.memory_space<vmem>>, vector<1x16xf32>,
      %swap3A_308 = arith.constant 1 : i32
      %swap3A_309 = arith.index_cast %swap3A_308 : i32 to index
      %swap3A_310 = arith.constant 240 : index
      %swap3A_311 = tpu.vector_load %arg7[%swap3A_309, %swap3A_310] {strides = array<i32>} : memref<4x256xf32, #tpu.memory_space<vmem>>, vector<1x16xf32>,
      %swap3A_312 = vector.shape_cast %swap3A_311 : vector<1x16xf32> to vector<16xf32>
      %swap3A_313 = vector.shape_cast %scan3A_216#15 : vector<16xf32> to vector<1x16xf32>
      tpu.vector_store %arg7[%swap3A_309, %swap3A_310], %swap3A_313 {strides = array<i32>} : memref<4x256xf32, #tpu.memory_space<vmem>>, vector<1x16xf32>,
      %broadcast_in_dim3A_314 = arith.constant 0.000000e+00 : f32
      %broadcast_in_dim3A_315 = vector.broadcast %broadcast_in_dim3A_314 : f32 to vector<16xf32>
      %broadcast_in_dim3A_316 = arith.constant 0.000000e+00 : f32
      %broadcast_in_dim3A_317 = vector.broadcast %broadcast_in_dim3A_316 : f32 to vector<16xf32>
      %broadcast_in_dim3A_318 = arith.constant 0.000000e+00 : f32
      %broadcast_in_dim3A_319 = vector.broadcast %broadcast_in_dim3A_318 : f32 to vector<16xf32>
      %broadcast_in_dim3A_320 = arith.constant 0.000000e+00 : f32
      %broadcast_in_dim3A_321 = vector.broadcast %broadcast_in_dim3A_320 : f32 to vector<16xf32>
      %broadcast_in_dim3A_322 = arith.constant 0.000000e+00 : f32
      %broadcast_in_dim3A_323 = vector.broadcast %broadcast_in_dim3A_322 : f32 to vector<16xf32>
      %broadcast_in_dim3A_324 = arith.constant 0.000000e+00 : f32
      %broadcast_in_dim3A_325 = vector.broadcast %broadcast_in_dim3A_324 : f32 to vector<16xf32>
      %broadcast_in_dim3A_326 = arith.constant 0.000000e+00 : f32
      %broadcast_in_dim3A_327 = vector.broadcast %broadcast_in_dim3A_326 : f32 to vector<16xf32>
      %broadcast_in_dim3A_328 = arith.constant 0.000000e+00 : f32
      %broadcast_in_dim3A_329 = vector.broadcast %broadcast_in_dim3A_328 : f32 to vector<16xf32>
      %broadcast_in_dim3A_330 = arith.constant 0.000000e+00 : f32
      %broadcast_in_dim3A_331 = vector.broadcast %broadcast_in_dim3A_330 : f32 to vector<16xf32>
      %broadcast_in_dim3A_332 = arith.constant 0.000000e+00 : f32
      %broadcast_in_dim3A_333 = vector.broadcast %broadcast_in_dim3A_332 : f32 to vector<16xf32>
      %broadcast_in_dim3A_334 = arith.constant 0.000000e+00 : f32
      %broadcast_in_dim3A_335 = vector.broadcast %broadcast_in_dim3A_334 : f32 to vector<16xf32>
      %broadcast_in_dim3A_336 = arith.constant 0.000000e+00 : f32
      %broadcast_in_dim3A_337 = vector.broadcast %broadcast_in_dim3A_336 : f32 to vector<16xf32>
      %broadcast_in_dim3A_338 = arith.constant 0.000000e+00 : f32
      %broadcast_in_dim3A_339 = vector.broadcast %broadcast_in_dim3A_338 : f32 to vector<16xf32>
      %broadcast_in_dim3A_340 = arith.constant 0.000000e+00 : f32
      %broadcast_in_dim3A_341 = vector.broadcast %broadcast_in_dim3A_340 : f32 to vector<16xf32>
      %broadcast_in_dim3A_342 = arith.constant 0.000000e+00 : f32
      %broadcast_in_dim3A_343 = vector.broadcast %broadcast_in_dim3A_342 : f32 to vector<16xf32>
      %broadcast_in_dim3A_344 = arith.constant 0.000000e+00 : f32
      %broadcast_in_dim3A_345 = vector.broadcast %broadcast_in_dim3A_344 : f32 to vector<16xf32>
      %scan3A_346 = arith.constant 0 : i32
      %scan3A_347 = arith.constant 50 : i32
      %scan3A_348 = arith.addi %scan3A_346, %scan3A_347 : i32
      %scan3A_349 = arith.constant 1 : i32
      %scan3A_350:16 = scf.for %scan3A_1154 = %scan3A_346 to %scan3A_348 step %scan3A_349 iter_args(%scan3A_1155 = %broadcast_in_dim3A_315, %scan3A_1156 = %broadcast_in_dim3A_317, %scan3A_1157 = %broadcast_in_dim3A_319, %scan3A_1158 = %broadcast_in_dim3A_321, %scan3A_1159 = %broadcast_in_dim3A_323, %scan3A_1160 = %broadcast_in_dim3A_325, %scan3A_1161 = %broadcast_in_dim3A_327, %scan3A_1162 = %broadcast_in_dim3A_329, %scan3A_1163 = %broadcast_in_dim3A_331, %scan3A_1164 = %broadcast_in_dim3A_333, %scan3A_1165 = %broadcast_in_dim3A_335, %scan3A_1166 = %broadcast_in_dim3A_337, %scan3A_1167 = %broadcast_in_dim3A_339, %scan3A_1168 = %broadcast_in_dim3A_341, %scan3A_1169 = %broadcast_in_dim3A_343, %scan3A_1170 = %broadcast_in_dim3A_345) -> (vector<16xf32>, vector<16xf32>, vector<16xf32>, vector<16xf32>, vector<16xf32>, vector<16xf32>, vector<16xf32>, vector<16xf32>, vector<16xf32>, vector<16xf32>, vector<16xf32>, vector<16xf32>, vector<16xf32>, vector<16xf32>, vector<16xf32>, vector<16xf32>)  : i32 {
        %add3A_1171 = arith.constant 100 : i32
        %add3A_1172 = arith.addi %add3A_1171, %scan3A_1154 : i32
        %get3A = arith.constant 0 : i32
        %get3A_1173 = arith.index_cast %get3A : i32 to index
        %get3A_1174 = arith.index_cast %add3A_1172 : i32 to index
        %get3A_1175 = arith.constant 0 : index
        %get3A_1176 = tpu.vector_load %arg6[%get3A_1173, %get3A_1174, %get3A_1175] {strides = array<i32>} : memref<2x200x256xf32, #tpu.memory_space<vmem>>, vector<1x1x16xf32>,
        %get3A_1177 = vector.shape_cast %get3A_1176 : vector<1x1x16xf32> to vector<16xf32>
        %add3A_1178 = arith.addf %scan3A_1155, %get3A_1177 : vector<16xf32>
        %add3A_1179 = arith.constant 100 : i32
        %add3A_1180 = arith.addi %add3A_1179, %scan3A_1154 : i32
        %get3A_1181 = arith.constant 0 : i32
        %get3A_1182 = arith.index_cast %get3A_1181 : i32 to index
        %get3A_1183 = arith.index_cast %add3A_1180 : i32 to index
        %get3A_1184 = arith.constant 16 : index
        %get3A_1185 = tpu.vector_load %arg6[%get3A_1182, %get3A_1183, %get3A_1184] {strides = array<i32>} : memref<2x200x256xf32, #tpu.memory_space<vmem>>, vector<1x1x16xf32>,
        %get3A_1186 = vector.shape_cast %get3A_1185 : vector<1x1x16xf32> to vector<16xf32>
        %add3A_1187 = arith.addf %scan3A_1156, %get3A_1186 : vector<16xf32>
        %add3A_1188 = arith.constant 100 : i32
        %add3A_1189 = arith.addi %add3A_1188, %scan3A_1154 : i32
        %get3A_1190 = arith.constant 0 : i32
        %get3A_1191 = arith.index_cast %get3A_1190 : i32 to index
        %get3A_1192 = arith.index_cast %add3A_1189 : i32 to index
        %get3A_1193 = arith.constant 32 : index
        %get3A_1194 = tpu.vector_load %arg6[%get3A_1191, %get3A_1192, %get3A_1193] {strides = array<i32>} : memref<2x200x256xf32, #tpu.memory_space<vmem>>, vector<1x1x16xf32>,
        %get3A_1195 = vector.shape_cast %get3A_1194 : vector<1x1x16xf32> to vector<16xf32>
        %add3A_1196 = arith.addf %scan3A_1157, %get3A_1195 : vector<16xf32>
        %add3A_1197 = arith.constant 100 : i32
        %add3A_1198 = arith.addi %add3A_1197, %scan3A_1154 : i32
        %get3A_1199 = arith.constant 0 : i32
        %get3A_1200 = arith.index_cast %get3A_1199 : i32 to index
        %get3A_1201 = arith.index_cast %add3A_1198 : i32 to index
        %get3A_1202 = arith.constant 48 : index
        %get3A_1203 = tpu.vector_load %arg6[%get3A_1200, %get3A_1201, %get3A_1202] {strides = array<i32>} : memref<2x200x256xf32, #tpu.memory_space<vmem>>, vector<1x1x16xf32>,
        %get3A_1204 = vector.shape_cast %get3A_1203 : vector<1x1x16xf32> to vector<16xf32>
        %add3A_1205 = arith.addf %scan3A_1158, %get3A_1204 : vector<16xf32>
        %add3A_1206 = arith.constant 100 : i32
        %add3A_1207 = arith.addi %add3A_1206, %scan3A_1154 : i32
        %get3A_1208 = arith.constant 0 : i32
        %get3A_1209 = arith.index_cast %get3A_1208 : i32 to index
        %get3A_1210 = arith.index_cast %add3A_1207 : i32 to index
        %get3A_1211 = arith.constant 64 : index
        %get3A_1212 = tpu.vector_load %arg6[%get3A_1209, %get3A_1210, %get3A_1211] {strides = array<i32>} : memref<2x200x256xf32, #tpu.memory_space<vmem>>, vector<1x1x16xf32>,
        %get3A_1213 = vector.shape_cast %get3A_1212 : vector<1x1x16xf32> to vector<16xf32>
        %add3A_1214 = arith.addf %scan3A_1159, %get3A_1213 : vector<16xf32>
        %add3A_1215 = arith.constant 100 : i32
        %add3A_1216 = arith.addi %add3A_1215, %scan3A_1154 : i32
        %get3A_1217 = arith.constant 0 : i32
        %get3A_1218 = arith.index_cast %get3A_1217 : i32 to index
        %get3A_1219 = arith.index_cast %add3A_1216 : i32 to index
        %get3A_1220 = arith.constant 80 : index
        %get3A_1221 = tpu.vector_load %arg6[%get3A_1218, %get3A_1219, %get3A_1220] {strides = array<i32>} : memref<2x200x256xf32, #tpu.memory_space<vmem>>, vector<1x1x16xf32>,
        %get3A_1222 = vector.shape_cast %get3A_1221 : vector<1x1x16xf32> to vector<16xf32>
        %add3A_1223 = arith.addf %scan3A_1160, %get3A_1222 : vector<16xf32>
        %add3A_1224 = arith.constant 100 : i32
        %add3A_1225 = arith.addi %add3A_1224, %scan3A_1154 : i32
        %get3A_1226 = arith.constant 0 : i32
        %get3A_1227 = arith.index_cast %get3A_1226 : i32 to index
        %get3A_1228 = arith.index_cast %add3A_1225 : i32 to index
        %get3A_1229 = arith.constant 96 : index
        %get3A_1230 = tpu.vector_load %arg6[%get3A_1227, %get3A_1228, %get3A_1229] {strides = array<i32>} : memref<2x200x256xf32, #tpu.memory_space<vmem>>, vector<1x1x16xf32>,
        %get3A_1231 = vector.shape_cast %get3A_1230 : vector<1x1x16xf32> to vector<16xf32>
        %add3A_1232 = arith.addf %scan3A_1161, %get3A_1231 : vector<16xf32>
        %add3A_1233 = arith.constant 100 : i32
        %add3A_1234 = arith.addi %add3A_1233, %scan3A_1154 : i32
        %get3A_1235 = arith.constant 0 : i32
        %get3A_1236 = arith.index_cast %get3A_1235 : i32 to index
        %get3A_1237 = arith.index_cast %add3A_1234 : i32 to index
        %get3A_1238 = arith.constant 112 : index
        %get3A_1239 = tpu.vector_load %arg6[%get3A_1236, %get3A_1237, %get3A_1238] {strides = array<i32>} : memref<2x200x256xf32, #tpu.memory_space<vmem>>, vector<1x1x16xf32>,
        %get3A_1240 = vector.shape_cast %get3A_1239 : vector<1x1x16xf32> to vector<16xf32>
        %add3A_1241 = arith.addf %scan3A_1162, %get3A_1240 : vector<16xf32>
        %add3A_1242 = arith.constant 100 : i32
        %add3A_1243 = arith.addi %add3A_1242, %scan3A_1154 : i32
        %get3A_1244 = arith.constant 0 : i32
        %get3A_1245 = arith.index_cast %get3A_1244 : i32 to index
        %get3A_1246 = arith.index_cast %add3A_1243 : i32 to index
        %get3A_1247 = arith.constant 128 : index
        %get3A_1248 = tpu.vector_load %arg6[%get3A_1245, %get3A_1246, %get3A_1247] {strides = array<i32>} : memref<2x200x256xf32, #tpu.memory_space<vmem>>, vector<1x1x16xf32>,
        %get3A_1249 = vector.shape_cast %get3A_1248 : vector<1x1x16xf32> to vector<16xf32>
        %add3A_1250 = arith.addf %scan3A_1163, %get3A_1249 : vector<16xf32>
        %add3A_1251 = arith.constant 100 : i32
        %add3A_1252 = arith.addi %add3A_1251, %scan3A_1154 : i32
        %get3A_1253 = arith.constant 0 : i32
        %get3A_1254 = arith.index_cast %get3A_1253 : i32 to index
        %get3A_1255 = arith.index_cast %add3A_1252 : i32 to index
        %get3A_1256 = arith.constant 144 : index
        %get3A_1257 = tpu.vector_load %arg6[%get3A_1254, %get3A_1255, %get3A_1256] {strides = array<i32>} : memref<2x200x256xf32, #tpu.memory_space<vmem>>, vector<1x1x16xf32>,
        %get3A_1258 = vector.shape_cast %get3A_1257 : vector<1x1x16xf32> to vector<16xf32>
        %add3A_1259 = arith.addf %scan3A_1164, %get3A_1258 : vector<16xf32>
        %add3A_1260 = arith.constant 100 : i32
        %add3A_1261 = arith.addi %add3A_1260, %scan3A_1154 : i32
        %get3A_1262 = arith.constant 0 : i32
        %get3A_1263 = arith.index_cast %get3A_1262 : i32 to index
        %get3A_1264 = arith.index_cast %add3A_1261 : i32 to index
        %get3A_1265 = arith.constant 160 : index
        %get3A_1266 = tpu.vector_load %arg6[%get3A_1263, %get3A_1264, %get3A_1265] {strides = array<i32>} : memref<2x200x256xf32, #tpu.memory_space<vmem>>, vector<1x1x16xf32>,
        %get3A_1267 = vector.shape_cast %get3A_1266 : vector<1x1x16xf32> to vector<16xf32>
        %add3A_1268 = arith.addf %scan3A_1165, %get3A_1267 : vector<16xf32>
        %add3A_1269 = arith.constant 100 : i32
        %add3A_1270 = arith.addi %add3A_1269, %scan3A_1154 : i32
        %get3A_1271 = arith.constant 0 : i32
        %get3A_1272 = arith.index_cast %get3A_1271 : i32 to index
        %get3A_1273 = arith.index_cast %add3A_1270 : i32 to index
        %get3A_1274 = arith.constant 176 : index
        %get3A_1275 = tpu.vector_load %arg6[%get3A_1272, %get3A_1273, %get3A_1274] {strides = array<i32>} : memref<2x200x256xf32, #tpu.memory_space<vmem>>, vector<1x1x16xf32>,
        %get3A_1276 = vector.shape_cast %get3A_1275 : vector<1x1x16xf32> to vector<16xf32>
        %add3A_1277 = arith.addf %scan3A_1166, %get3A_1276 : vector<16xf32>
        %add3A_1278 = arith.constant 100 : i32
        %add3A_1279 = arith.addi %add3A_1278, %scan3A_1154 : i32
        %get3A_1280 = arith.constant 0 : i32
        %get3A_1281 = arith.index_cast %get3A_1280 : i32 to index
        %get3A_1282 = arith.index_cast %add3A_1279 : i32 to index
        %get3A_1283 = arith.constant 192 : index
        %get3A_1284 = tpu.vector_load %arg6[%get3A_1281, %get3A_1282, %get3A_1283] {strides = array<i32>} : memref<2x200x256xf32, #tpu.memory_space<vmem>>, vector<1x1x16xf32>,
        %get3A_1285 = vector.shape_cast %get3A_1284 : vector<1x1x16xf32> to vector<16xf32>
        %add3A_1286 = arith.addf %scan3A_1167, %get3A_1285 : vector<16xf32>
        %add3A_1287 = arith.constant 100 : i32
        %add3A_1288 = arith.addi %add3A_1287, %scan3A_1154 : i32
        %get3A_1289 = arith.constant 0 : i32
        %get3A_1290 = arith.index_cast %get3A_1289 : i32 to index
        %get3A_1291 = arith.index_cast %add3A_1288 : i32 to index
        %get3A_1292 = arith.constant 208 : index
        %get3A_1293 = tpu.vector_load %arg6[%get3A_1290, %get3A_1291, %get3A_1292] {strides = array<i32>} : memref<2x200x256xf32, #tpu.memory_space<vmem>>, vector<1x1x16xf32>,
        %get3A_1294 = vector.shape_cast %get3A_1293 : vector<1x1x16xf32> to vector<16xf32>
        %add3A_1295 = arith.addf %scan3A_1168, %get3A_1294 : vector<16xf32>
        %add3A_1296 = arith.constant 100 : i32
        %add3A_1297 = arith.addi %add3A_1296, %scan3A_1154 : i32
        %get3A_1298 = arith.constant 0 : i32
        %get3A_1299 = arith.index_cast %get3A_1298 : i32 to index
        %get3A_1300 = arith.index_cast %add3A_1297 : i32 to index
        %get3A_1301 = arith.constant 224 : index
        %get3A_1302 = tpu.vector_load %arg6[%get3A_1299, %get3A_1300, %get3A_1301] {strides = array<i32>} : memref<2x200x256xf32, #tpu.memory_space<vmem>>, vector<1x1x16xf32>,
        %get3A_1303 = vector.shape_cast %get3A_1302 : vector<1x1x16xf32> to vector<16xf32>
        %add3A_1304 = arith.addf %scan3A_1169, %get3A_1303 : vector<16xf32>
        %add3A_1305 = arith.constant 100 : i32
        %add3A_1306 = arith.addi %add3A_1305, %scan3A_1154 : i32
        %get3A_1307 = arith.constant 0 : i32
        %get3A_1308 = arith.index_cast %get3A_1307 : i32 to index
        %get3A_1309 = arith.index_cast %add3A_1306 : i32 to index
        %get3A_1310 = arith.constant 240 : index
        %get3A_1311 = tpu.vector_load %arg6[%get3A_1308, %get3A_1309, %get3A_1310] {strides = array<i32>} : memref<2x200x256xf32, #tpu.memory_space<vmem>>, vector<1x1x16xf32>,
        %get3A_1312 = vector.shape_cast %get3A_1311 : vector<1x1x16xf32> to vector<16xf32>
        %add3A_1313 = arith.addf %scan3A_1170, %get3A_1312 : vector<16xf32>
        scf.yield %add3A_1178, %add3A_1187, %add3A_1196, %add3A_1205, %add3A_1214, %add3A_1223, %add3A_1232, %add3A_1241, %add3A_1250, %add3A_1259, %add3A_1268, %add3A_1277, %add3A_1286, %add3A_1295, %add3A_1304, %add3A_1313 : vector<16xf32>, vector<16xf32>, vector<16xf32>, vector<16xf32>, vector<16xf32>, vector<16xf32>, vector<16xf32>, vector<16xf32>, vector<16xf32>, vector<16xf32>, vector<16xf32>, vector<16xf32>, vector<16xf32>, vector<16xf32>, vector<16xf32>, vector<16xf32>
      }
      %scan3A_351 = arith.constant 50 : i32
      %swap3A_352 = arith.constant 2 : i32
      %swap3A_353 = arith.index_cast %swap3A_352 : i32 to index
      %swap3A_354 = arith.constant 0 : index
      %swap3A_355 = tpu.vector_load %arg7[%swap3A_353, %swap3A_354] {strides = array<i32>} : memref<4x256xf32, #tpu.memory_space<vmem>>, vector<1x16xf32>,
      %swap3A_356 = vector.shape_cast %swap3A_355 : vector<1x16xf32> to vector<16xf32>
      %swap3A_357 = vector.shape_cast %scan3A_350#0 : vector<16xf32> to vector<1x16xf32>
      tpu.vector_store %arg7[%swap3A_353, %swap3A_354], %swap3A_357 {strides = array<i32>} : memref<4x256xf32, #tpu.memory_space<vmem>>, vector<1x16xf32>,
      %swap3A_358 = arith.constant 2 : i32
      %swap3A_359 = arith.index_cast %swap3A_358 : i32 to index
      %swap3A_360 = arith.constant 16 : index
      %swap3A_361 = tpu.vector_load %arg7[%swap3A_359, %swap3A_360] {strides = array<i32>} : memref<4x256xf32, #tpu.memory_space<vmem>>, vector<1x16xf32>,
      %swap3A_362 = vector.shape_cast %swap3A_361 : vector<1x16xf32> to vector<16xf32>
      %swap3A_363 = vector.shape_cast %scan3A_350#1 : vector<16xf32> to vector<1x16xf32>
      tpu.vector_store %arg7[%swap3A_359, %swap3A_360], %swap3A_363 {strides = array<i32>} : memref<4x256xf32, #tpu.memory_space<vmem>>, vector<1x16xf32>,
      %swap3A_364 = arith.constant 2 : i32
      %swap3A_365 = arith.index_cast %swap3A_364 : i32 to index
      %swap3A_366 = arith.constant 32 : index
      %swap3A_367 = tpu.vector_load %arg7[%swap3A_365, %swap3A_366] {strides = array<i32>} : memref<4x256xf32, #tpu.memory_space<vmem>>, vector<1x16xf32>,
      %swap3A_368 = vector.shape_cast %swap3A_367 : vector<1x16xf32> to vector<16xf32>
      %swap3A_369 = vector.shape_cast %scan3A_350#2 : vector<16xf32> to vector<1x16xf32>
      tpu.vector_store %arg7[%swap3A_365, %swap3A_366], %swap3A_369 {strides = array<i32>} : memref<4x256xf32, #tpu.memory_space<vmem>>, vector<1x16xf32>,
      %swap3A_370 = arith.constant 2 : i32
      %swap3A_371 = arith.index_cast %swap3A_370 : i32 to index
      %swap3A_372 = arith.constant 48 : index
      %swap3A_373 = tpu.vector_load %arg7[%swap3A_371, %swap3A_372] {strides = array<i32>} : memref<4x256xf32, #tpu.memory_space<vmem>>, vector<1x16xf32>,
      %swap3A_374 = vector.shape_cast %swap3A_373 : vector<1x16xf32> to vector<16xf32>
      %swap3A_375 = vector.shape_cast %scan3A_350#3 : vector<16xf32> to vector<1x16xf32>
      tpu.vector_store %arg7[%swap3A_371, %swap3A_372], %swap3A_375 {strides = array<i32>} : memref<4x256xf32, #tpu.memory_space<vmem>>, vector<1x16xf32>,
      %swap3A_376 = arith.constant 2 : i32
      %swap3A_377 = arith.index_cast %swap3A_376 : i32 to index
      %swap3A_378 = arith.constant 64 : index
      %swap3A_379 = tpu.vector_load %arg7[%swap3A_377, %swap3A_378] {strides = array<i32>} : memref<4x256xf32, #tpu.memory_space<vmem>>, vector<1x16xf32>,
      %swap3A_380 = vector.shape_cast %swap3A_379 : vector<1x16xf32> to vector<16xf32>
      %swap3A_381 = vector.shape_cast %scan3A_350#4 : vector<16xf32> to vector<1x16xf32>
      tpu.vector_store %arg7[%swap3A_377, %swap3A_378], %swap3A_381 {strides = array<i32>} : memref<4x256xf32, #tpu.memory_space<vmem>>, vector<1x16xf32>,
      %swap3A_382 = arith.constant 2 : i32
      %swap3A_383 = arith.index_cast %swap3A_382 : i32 to index
      %swap3A_384 = arith.constant 80 : index
      %swap3A_385 = tpu.vector_load %arg7[%swap3A_383, %swap3A_384] {strides = array<i32>} : memref<4x256xf32, #tpu.memory_space<vmem>>, vector<1x16xf32>,
      %swap3A_386 = vector.shape_cast %swap3A_385 : vector<1x16xf32> to vector<16xf32>
      %swap3A_387 = vector.shape_cast %scan3A_350#5 : vector<16xf32> to vector<1x16xf32>
      tpu.vector_store %arg7[%swap3A_383, %swap3A_384], %swap3A_387 {strides = array<i32>} : memref<4x256xf32, #tpu.memory_space<vmem>>, vector<1x16xf32>,
      %swap3A_388 = arith.constant 2 : i32
      %swap3A_389 = arith.index_cast %swap3A_388 : i32 to index
      %swap3A_390 = arith.constant 96 : index
      %swap3A_391 = tpu.vector_load %arg7[%swap3A_389, %swap3A_390] {strides = array<i32>} : memref<4x256xf32, #tpu.memory_space<vmem>>, vector<1x16xf32>,
      %swap3A_392 = vector.shape_cast %swap3A_391 : vector<1x16xf32> to vector<16xf32>
      %swap3A_393 = vector.shape_cast %scan3A_350#6 : vector<16xf32> to vector<1x16xf32>
      tpu.vector_store %arg7[%swap3A_389, %swap3A_390], %swap3A_393 {strides = array<i32>} : memref<4x256xf32, #tpu.memory_space<vmem>>, vector<1x16xf32>,
      %swap3A_394 = arith.constant 2 : i32
      %swap3A_395 = arith.index_cast %swap3A_394 : i32 to index
      %swap3A_396 = arith.constant 112 : index
      %swap3A_397 = tpu.vector_load %arg7[%swap3A_395, %swap3A_396] {strides = array<i32>} : memref<4x256xf32, #tpu.memory_space<vmem>>, vector<1x16xf32>,
      %swap3A_398 = vector.shape_cast %swap3A_397 : vector<1x16xf32> to vector<16xf32>
      %swap3A_399 = vector.shape_cast %scan3A_350#7 : vector<16xf32> to vector<1x16xf32>
      tpu.vector_store %arg7[%swap3A_395, %swap3A_396], %swap3A_399 {strides = array<i32>} : memref<4x256xf32, #tpu.memory_space<vmem>>, vector<1x16xf32>,
      %swap3A_400 = arith.constant 2 : i32
      %swap3A_401 = arith.index_cast %swap3A_400 : i32 to index
      %swap3A_402 = arith.constant 128 : index
      %swap3A_403 = tpu.vector_load %arg7[%swap3A_401, %swap3A_402] {strides = array<i32>} : memref<4x256xf32, #tpu.memory_space<vmem>>, vector<1x16xf32>,
      %swap3A_404 = vector.shape_cast %swap3A_403 : vector<1x16xf32> to vector<16xf32>
      %swap3A_405 = vector.shape_cast %scan3A_350#8 : vector<16xf32> to vector<1x16xf32>
      tpu.vector_store %arg7[%swap3A_401, %swap3A_402], %swap3A_405 {strides = array<i32>} : memref<4x256xf32, #tpu.memory_space<vmem>>, vector<1x16xf32>,
      %swap3A_406 = arith.constant 2 : i32
      %swap3A_407 = arith.index_cast %swap3A_406 : i32 to index
      %swap3A_408 = arith.constant 144 : index
      %swap3A_409 = tpu.vector_load %arg7[%swap3A_407, %swap3A_408] {strides = array<i32>} : memref<4x256xf32, #tpu.memory_space<vmem>>, vector<1x16xf32>,
      %swap3A_410 = vector.shape_cast %swap3A_409 : vector<1x16xf32> to vector<16xf32>
      %swap3A_411 = vector.shape_cast %scan3A_350#9 : vector<16xf32> to vector<1x16xf32>
      tpu.vector_store %arg7[%swap3A_407, %swap3A_408], %swap3A_411 {strides = array<i32>} : memref<4x256xf32, #tpu.memory_space<vmem>>, vector<1x16xf32>,
      %swap3A_412 = arith.constant 2 : i32
      %swap3A_413 = arith.index_cast %swap3A_412 : i32 to index
      %swap3A_414 = arith.constant 160 : index
      %swap3A_415 = tpu.vector_load %arg7[%swap3A_413, %swap3A_414] {strides = array<i32>} : memref<4x256xf32, #tpu.memory_space<vmem>>, vector<1x16xf32>,
      %swap3A_416 = vector.shape_cast %swap3A_415 : vector<1x16xf32> to vector<16xf32>
      %swap3A_417 = vector.shape_cast %scan3A_350#10 : vector<16xf32> to vector<1x16xf32>
      tpu.vector_store %arg7[%swap3A_413, %swap3A_414], %swap3A_417 {strides = array<i32>} : memref<4x256xf32, #tpu.memory_space<vmem>>, vector<1x16xf32>,
      %swap3A_418 = arith.constant 2 : i32
      %swap3A_419 = arith.index_cast %swap3A_418 : i32 to index
      %swap3A_420 = arith.constant 176 : index
      %swap3A_421 = tpu.vector_load %arg7[%swap3A_419, %swap3A_420] {strides = array<i32>} : memref<4x256xf32, #tpu.memory_space<vmem>>, vector<1x16xf32>,
      %swap3A_422 = vector.shape_cast %swap3A_421 : vector<1x16xf32> to vector<16xf32>
      %swap3A_423 = vector.shape_cast %scan3A_350#11 : vector<16xf32> to vector<1x16xf32>
      tpu.vector_store %arg7[%swap3A_419, %swap3A_420], %swap3A_423 {strides = array<i32>} : memref<4x256xf32, #tpu.memory_space<vmem>>, vector<1x16xf32>,
      %swap3A_424 = arith.constant 2 : i32
      %swap3A_425 = arith.index_cast %swap3A_424 : i32 to index
      %swap3A_426 = arith.constant 192 : index
      %swap3A_427 = tpu.vector_load %arg7[%swap3A_425, %swap3A_426] {strides = array<i32>} : memref<4x256xf32, #tpu.memory_space<vmem>>, vector<1x16xf32>,
      %swap3A_428 = vector.shape_cast %swap3A_427 : vector<1x16xf32> to vector<16xf32>
      %swap3A_429 = vector.shape_cast %scan3A_350#12 : vector<16xf32> to vector<1x16xf32>
      tpu.vector_store %arg7[%swap3A_425, %swap3A_426], %swap3A_429 {strides = array<i32>} : memref<4x256xf32, #tpu.memory_space<vmem>>, vector<1x16xf32>,
      %swap3A_430 = arith.constant 2 : i32
      %swap3A_431 = arith.index_cast %swap3A_430 : i32 to index
      %swap3A_432 = arith.constant 208 : index
      %swap3A_433 = tpu.vector_load %arg7[%swap3A_431, %swap3A_432] {strides = array<i32>} : memref<4x256xf32, #tpu.memory_space<vmem>>, vector<1x16xf32>,
      %swap3A_434 = vector.shape_cast %swap3A_433 : vector<1x16xf32> to vector<16xf32>
      %swap3A_435 = vector.shape_cast %scan3A_350#13 : vector<16xf32> to vector<1x16xf32>
      tpu.vector_store %arg7[%swap3A_431, %swap3A_432], %swap3A_435 {strides = array<i32>} : memref<4x256xf32, #tpu.memory_space<vmem>>, vector<1x16xf32>,
      %swap3A_436 = arith.constant 2 : i32
      %swap3A_437 = arith.index_cast %swap3A_436 : i32 to index
      %swap3A_438 = arith.constant 224 : index
      %swap3A_439 = tpu.vector_load %arg7[%swap3A_437, %swap3A_438] {strides = array<i32>} : memref<4x256xf32, #tpu.memory_space<vmem>>, vector<1x16xf32>,
      %swap3A_440 = vector.shape_cast %swap3A_439 : vector<1x16xf32> to vector<16xf32>
      %swap3A_441 = vector.shape_cast %scan3A_350#14 : vector<16xf32> to vector<1x16xf32>
      tpu.vector_store %arg7[%swap3A_437, %swap3A_438], %swap3A_441 {strides = array<i32>} : memref<4x256xf32, #tpu.memory_space<vmem>>, vector<1x16xf32>,
      %swap3A_442 = arith.constant 2 : i32
      %swap3A_443 = arith.index_cast %swap3A_442 : i32 to index
      %swap3A_444 = arith.constant 240 : index
      %swap3A_445 = tpu.vector_load %arg7[%swap3A_443, %swap3A_444] {strides = array<i32>} : memref<4x256xf32, #tpu.memory_space<vmem>>, vector<1x16xf32>,
      %swap3A_446 = vector.shape_cast %swap3A_445 : vector<1x16xf32> to vector<16xf32>
      %swap3A_447 = vector.shape_cast %scan3A_350#15 : vector<16xf32> to vector<1x16xf32>
      tpu.vector_store %arg7[%swap3A_443, %swap3A_444], %swap3A_447 {strides = array<i32>} : memref<4x256xf32, #tpu.memory_space<vmem>>, vector<1x16xf32>,
      %broadcast_in_dim3A_448 = arith.constant 0.000000e+00 : f32
      %broadcast_in_dim3A_449 = vector.broadcast %broadcast_in_dim3A_448 : f32 to vector<16xf32>
      %broadcast_in_dim3A_450 = arith.constant 0.000000e+00 : f32
      %broadcast_in_dim3A_451 = vector.broadcast %broadcast_in_dim3A_450 : f32 to vector<16xf32>
      %broadcast_in_dim3A_452 = arith.constant 0.000000e+00 : f32
      %broadcast_in_dim3A_453 = vector.broadcast %broadcast_in_dim3A_452 : f32 to vector<16xf32>
      %broadcast_in_dim3A_454 = arith.constant 0.000000e+00 : f32
      %broadcast_in_dim3A_455 = vector.broadcast %broadcast_in_dim3A_454 : f32 to vector<16xf32>
      %broadcast_in_dim3A_456 = arith.constant 0.000000e+00 : f32
      %broadcast_in_dim3A_457 = vector.broadcast %broadcast_in_dim3A_456 : f32 to vector<16xf32>
      %broadcast_in_dim3A_458 = arith.constant 0.000000e+00 : f32
      %broadcast_in_dim3A_459 = vector.broadcast %broadcast_in_dim3A_458 : f32 to vector<16xf32>
      %broadcast_in_dim3A_460 = arith.constant 0.000000e+00 : f32
      %broadcast_in_dim3A_461 = vector.broadcast %broadcast_in_dim3A_460 : f32 to vector<16xf32>
      %broadcast_in_dim3A_462 = arith.constant 0.000000e+00 : f32
      %broadcast_in_dim3A_463 = vector.broadcast %broadcast_in_dim3A_462 : f32 to vector<16xf32>
      %broadcast_in_dim3A_464 = arith.constant 0.000000e+00 : f32
      %broadcast_in_dim3A_465 = vector.broadcast %broadcast_in_dim3A_464 : f32 to vector<16xf32>
      %broadcast_in_dim3A_466 = arith.constant 0.000000e+00 : f32
      %broadcast_in_dim3A_467 = vector.broadcast %broadcast_in_dim3A_466 : f32 to vector<16xf32>
      %broadcast_in_dim3A_468 = arith.constant 0.000000e+00 : f32
      %broadcast_in_dim3A_469 = vector.broadcast %broadcast_in_dim3A_468 : f32 to vector<16xf32>
      %broadcast_in_dim3A_470 = arith.constant 0.000000e+00 : f32
      %broadcast_in_dim3A_471 = vector.broadcast %broadcast_in_dim3A_470 : f32 to vector<16xf32>
      %broadcast_in_dim3A_472 = arith.constant 0.000000e+00 : f32
      %broadcast_in_dim3A_473 = vector.broadcast %broadcast_in_dim3A_472 : f32 to vector<16xf32>
      %broadcast_in_dim3A_474 = arith.constant 0.000000e+00 : f32
      %broadcast_in_dim3A_475 = vector.broadcast %broadcast_in_dim3A_474 : f32 to vector<16xf32>
      %broadcast_in_dim3A_476 = arith.constant 0.000000e+00 : f32
      %broadcast_in_dim3A_477 = vector.broadcast %broadcast_in_dim3A_476 : f32 to vector<16xf32>
      %broadcast_in_dim3A_478 = arith.constant 0.000000e+00 : f32
      %broadcast_in_dim3A_479 = vector.broadcast %broadcast_in_dim3A_478 : f32 to vector<16xf32>
      %scan3A_480 = arith.constant 0 : i32
      %scan3A_481 = arith.constant 50 : i32
      %scan3A_482 = arith.addi %scan3A_480, %scan3A_481 : i32
      %scan3A_483 = arith.constant 1 : i32
      %scan3A_484:16 = scf.for %scan3A_1154 = %scan3A_480 to %scan3A_482 step %scan3A_483 iter_args(%scan3A_1155 = %broadcast_in_dim3A_449, %scan3A_1156 = %broadcast_in_dim3A_451, %scan3A_1157 = %broadcast_in_dim3A_453, %scan3A_1158 = %broadcast_in_dim3A_455, %scan3A_1159 = %broadcast_in_dim3A_457, %scan3A_1160 = %broadcast_in_dim3A_459, %scan3A_1161 = %broadcast_in_dim3A_461, %scan3A_1162 = %broadcast_in_dim3A_463, %scan3A_1163 = %broadcast_in_dim3A_465, %scan3A_1164 = %broadcast_in_dim3A_467, %scan3A_1165 = %broadcast_in_dim3A_469, %scan3A_1166 = %broadcast_in_dim3A_471, %scan3A_1167 = %broadcast_in_dim3A_473, %scan3A_1168 = %broadcast_in_dim3A_475, %scan3A_1169 = %broadcast_in_dim3A_477, %scan3A_1170 = %broadcast_in_dim3A_479) -> (vector<16xf32>, vector<16xf32>, vector<16xf32>, vector<16xf32>, vector<16xf32>, vector<16xf32>, vector<16xf32>, vector<16xf32>, vector<16xf32>, vector<16xf32>, vector<16xf32>, vector<16xf32>, vector<16xf32>, vector<16xf32>, vector<16xf32>, vector<16xf32>)  : i32 {
        %add3A_1171 = arith.constant 150 : i32
        %add3A_1172 = arith.addi %add3A_1171, %scan3A_1154 : i32
        %get3A = arith.constant 0 : i32
        %get3A_1173 = arith.index_cast %get3A : i32 to index
        %get3A_1174 = arith.index_cast %add3A_1172 : i32 to index
        %get3A_1175 = arith.constant 0 : index
        %get3A_1176 = tpu.vector_load %arg6[%get3A_1173, %get3A_1174, %get3A_1175] {strides = array<i32>} : memref<2x200x256xf32, #tpu.memory_space<vmem>>, vector<1x1x16xf32>,
        %get3A_1177 = vector.shape_cast %get3A_1176 : vector<1x1x16xf32> to vector<16xf32>
        %add3A_1178 = arith.addf %scan3A_1155, %get3A_1177 : vector<16xf32>
        %add3A_1179 = arith.constant 150 : i32
        %add3A_1180 = arith.addi %add3A_1179, %scan3A_1154 : i32
        %get3A_1181 = arith.constant 0 : i32
        %get3A_1182 = arith.index_cast %get3A_1181 : i32 to index
        %get3A_1183 = arith.index_cast %add3A_1180 : i32 to index
        %get3A_1184 = arith.constant 16 : index
        %get3A_1185 = tpu.vector_load %arg6[%get3A_1182, %get3A_1183, %get3A_1184] {strides = array<i32>} : memref<2x200x256xf32, #tpu.memory_space<vmem>>, vector<1x1x16xf32>,
        %get3A_1186 = vector.shape_cast %get3A_1185 : vector<1x1x16xf32> to vector<16xf32>
        %add3A_1187 = arith.addf %scan3A_1156, %get3A_1186 : vector<16xf32>
        %add3A_1188 = arith.constant 150 : i32
        %add3A_1189 = arith.addi %add3A_1188, %scan3A_1154 : i32
        %get3A_1190 = arith.constant 0 : i32
        %get3A_1191 = arith.index_cast %get3A_1190 : i32 to index
        %get3A_1192 = arith.index_cast %add3A_1189 : i32 to index
        %get3A_1193 = arith.constant 32 : index
        %get3A_1194 = tpu.vector_load %arg6[%get3A_1191, %get3A_1192, %get3A_1193] {strides = array<i32>} : memref<2x200x256xf32, #tpu.memory_space<vmem>>, vector<1x1x16xf32>,
        %get3A_1195 = vector.shape_cast %get3A_1194 : vector<1x1x16xf32> to vector<16xf32>
        %add3A_1196 = arith.addf %scan3A_1157, %get3A_1195 : vector<16xf32>
        %add3A_1197 = arith.constant 150 : i32
        %add3A_1198 = arith.addi %add3A_1197, %scan3A_1154 : i32
        %get3A_1199 = arith.constant 0 : i32
        %get3A_1200 = arith.index_cast %get3A_1199 : i32 to index
        %get3A_1201 = arith.index_cast %add3A_1198 : i32 to index
        %get3A_1202 = arith.constant 48 : index
        %get3A_1203 = tpu.vector_load %arg6[%get3A_1200, %get3A_1201, %get3A_1202] {strides = array<i32>} : memref<2x200x256xf32, #tpu.memory_space<vmem>>, vector<1x1x16xf32>,
        %get3A_1204 = vector.shape_cast %get3A_1203 : vector<1x1x16xf32> to vector<16xf32>
        %add3A_1205 = arith.addf %scan3A_1158, %get3A_1204 : vector<16xf32>
        %add3A_1206 = arith.constant 150 : i32
        %add3A_1207 = arith.addi %add3A_1206, %scan3A_1154 : i32
        %get3A_1208 = arith.constant 0 : i32
        %get3A_1209 = arith.index_cast %get3A_1208 : i32 to index
        %get3A_1210 = arith.index_cast %add3A_1207 : i32 to index
        %get3A_1211 = arith.constant 64 : index
        %get3A_1212 = tpu.vector_load %arg6[%get3A_1209, %get3A_1210, %get3A_1211] {strides = array<i32>} : memref<2x200x256xf32, #tpu.memory_space<vmem>>, vector<1x1x16xf32>,
        %get3A_1213 = vector.shape_cast %get3A_1212 : vector<1x1x16xf32> to vector<16xf32>
        %add3A_1214 = arith.addf %scan3A_1159, %get3A_1213 : vector<16xf32>
        %add3A_1215 = arith.constant 150 : i32
        %add3A_1216 = arith.addi %add3A_1215, %scan3A_1154 : i32
        %get3A_1217 = arith.constant 0 : i32
        %get3A_1218 = arith.index_cast %get3A_1217 : i32 to index
        %get3A_1219 = arith.index_cast %add3A_1216 : i32 to index
        %get3A_1220 = arith.constant 80 : index
        %get3A_1221 = tpu.vector_load %arg6[%get3A_1218, %get3A_1219, %get3A_1220] {strides = array<i32>} : memref<2x200x256xf32, #tpu.memory_space<vmem>>, vector<1x1x16xf32>,
        %get3A_1222 = vector.shape_cast %get3A_1221 : vector<1x1x16xf32> to vector<16xf32>
        %add3A_1223 = arith.addf %scan3A_1160, %get3A_1222 : vector<16xf32>
        %add3A_1224 = arith.constant 150 : i32
        %add3A_1225 = arith.addi %add3A_1224, %scan3A_1154 : i32
        %get3A_1226 = arith.constant 0 : i32
        %get3A_1227 = arith.index_cast %get3A_1226 : i32 to index
        %get3A_1228 = arith.index_cast %add3A_1225 : i32 to index
        %get3A_1229 = arith.constant 96 : index
        %get3A_1230 = tpu.vector_load %arg6[%get3A_1227, %get3A_1228, %get3A_1229] {strides = array<i32>} : memref<2x200x256xf32, #tpu.memory_space<vmem>>, vector<1x1x16xf32>,
        %get3A_1231 = vector.shape_cast %get3A_1230 : vector<1x1x16xf32> to vector<16xf32>
        %add3A_1232 = arith.addf %scan3A_1161, %get3A_1231 : vector<16xf32>
        %add3A_1233 = arith.constant 150 : i32
        %add3A_1234 = arith.addi %add3A_1233, %scan3A_1154 : i32
        %get3A_1235 = arith.constant 0 : i32
        %get3A_1236 = arith.index_cast %get3A_1235 : i32 to index
        %get3A_1237 = arith.index_cast %add3A_1234 : i32 to index
        %get3A_1238 = arith.constant 112 : index
        %get3A_1239 = tpu.vector_load %arg6[%get3A_1236, %get3A_1237, %get3A_1238] {strides = array<i32>} : memref<2x200x256xf32, #tpu.memory_space<vmem>>, vector<1x1x16xf32>,
        %get3A_1240 = vector.shape_cast %get3A_1239 : vector<1x1x16xf32> to vector<16xf32>
        %add3A_1241 = arith.addf %scan3A_1162, %get3A_1240 : vector<16xf32>
        %add3A_1242 = arith.constant 150 : i32
        %add3A_1243 = arith.addi %add3A_1242, %scan3A_1154 : i32
        %get3A_1244 = arith.constant 0 : i32
        %get3A_1245 = arith.index_cast %get3A_1244 : i32 to index
        %get3A_1246 = arith.index_cast %add3A_1243 : i32 to index
        %get3A_1247 = arith.constant 128 : index
        %get3A_1248 = tpu.vector_load %arg6[%get3A_1245, %get3A_1246, %get3A_1247] {strides = array<i32>} : memref<2x200x256xf32, #tpu.memory_space<vmem>>, vector<1x1x16xf32>,
        %get3A_1249 = vector.shape_cast %get3A_1248 : vector<1x1x16xf32> to vector<16xf32>
        %add3A_1250 = arith.addf %scan3A_1163, %get3A_1249 : vector<16xf32>
        %add3A_1251 = arith.constant 150 : i32
        %add3A_1252 = arith.addi %add3A_1251, %scan3A_1154 : i32
        %get3A_1253 = arith.constant 0 : i32
        %get3A_1254 = arith.index_cast %get3A_1253 : i32 to index
        %get3A_1255 = arith.index_cast %add3A_1252 : i32 to index
        %get3A_1256 = arith.constant 144 : index
        %get3A_1257 = tpu.vector_load %arg6[%get3A_1254, %get3A_1255, %get3A_1256] {strides = array<i32>} : memref<2x200x256xf32, #tpu.memory_space<vmem>>, vector<1x1x16xf32>,
        %get3A_1258 = vector.shape_cast %get3A_1257 : vector<1x1x16xf32> to vector<16xf32>
        %add3A_1259 = arith.addf %scan3A_1164, %get3A_1258 : vector<16xf32>
        %add3A_1260 = arith.constant 150 : i32
        %add3A_1261 = arith.addi %add3A_1260, %scan3A_1154 : i32
        %get3A_1262 = arith.constant 0 : i32
        %get3A_1263 = arith.index_cast %get3A_1262 : i32 to index
        %get3A_1264 = arith.index_cast %add3A_1261 : i32 to index
        %get3A_1265 = arith.constant 160 : index
        %get3A_1266 = tpu.vector_load %arg6[%get3A_1263, %get3A_1264, %get3A_1265] {strides = array<i32>} : memref<2x200x256xf32, #tpu.memory_space<vmem>>, vector<1x1x16xf32>,
        %get3A_1267 = vector.shape_cast %get3A_1266 : vector<1x1x16xf32> to vector<16xf32>
        %add3A_1268 = arith.addf %scan3A_1165, %get3A_1267 : vector<16xf32>
        %add3A_1269 = arith.constant 150 : i32
        %add3A_1270 = arith.addi %add3A_1269, %scan3A_1154 : i32
        %get3A_1271 = arith.constant 0 : i32
        %get3A_1272 = arith.index_cast %get3A_1271 : i32 to index
        %get3A_1273 = arith.index_cast %add3A_1270 : i32 to index
        %get3A_1274 = arith.constant 176 : index
        %get3A_1275 = tpu.vector_load %arg6[%get3A_1272, %get3A_1273, %get3A_1274] {strides = array<i32>} : memref<2x200x256xf32, #tpu.memory_space<vmem>>, vector<1x1x16xf32>,
        %get3A_1276 = vector.shape_cast %get3A_1275 : vector<1x1x16xf32> to vector<16xf32>
        %add3A_1277 = arith.addf %scan3A_1166, %get3A_1276 : vector<16xf32>
        %add3A_1278 = arith.constant 150 : i32
        %add3A_1279 = arith.addi %add3A_1278, %scan3A_1154 : i32
        %get3A_1280 = arith.constant 0 : i32
        %get3A_1281 = arith.index_cast %get3A_1280 : i32 to index
        %get3A_1282 = arith.index_cast %add3A_1279 : i32 to index
        %get3A_1283 = arith.constant 192 : index
        %get3A_1284 = tpu.vector_load %arg6[%get3A_1281, %get3A_1282, %get3A_1283] {strides = array<i32>} : memref<2x200x256xf32, #tpu.memory_space<vmem>>, vector<1x1x16xf32>,
        %get3A_1285 = vector.shape_cast %get3A_1284 : vector<1x1x16xf32> to vector<16xf32>
        %add3A_1286 = arith.addf %scan3A_1167, %get3A_1285 : vector<16xf32>
        %add3A_1287 = arith.constant 150 : i32
        %add3A_1288 = arith.addi %add3A_1287, %scan3A_1154 : i32
        %get3A_1289 = arith.constant 0 : i32
        %get3A_1290 = arith.index_cast %get3A_1289 : i32 to index
        %get3A_1291 = arith.index_cast %add3A_1288 : i32 to index
        %get3A_1292 = arith.constant 208 : index
        %get3A_1293 = tpu.vector_load %arg6[%get3A_1290, %get3A_1291, %get3A_1292] {strides = array<i32>} : memref<2x200x256xf32, #tpu.memory_space<vmem>>, vector<1x1x16xf32>,
        %get3A_1294 = vector.shape_cast %get3A_1293 : vector<1x1x16xf32> to vector<16xf32>
        %add3A_1295 = arith.addf %scan3A_1168, %get3A_1294 : vector<16xf32>
        %add3A_1296 = arith.constant 150 : i32
        %add3A_1297 = arith.addi %add3A_1296, %scan3A_1154 : i32
        %get3A_1298 = arith.constant 0 : i32
        %get3A_1299 = arith.index_cast %get3A_1298 : i32 to index
        %get3A_1300 = arith.index_cast %add3A_1297 : i32 to index
        %get3A_1301 = arith.constant 224 : index
        %get3A_1302 = tpu.vector_load %arg6[%get3A_1299, %get3A_1300, %get3A_1301] {strides = array<i32>} : memref<2x200x256xf32, #tpu.memory_space<vmem>>, vector<1x1x16xf32>,
        %get3A_1303 = vector.shape_cast %get3A_1302 : vector<1x1x16xf32> to vector<16xf32>
        %add3A_1304 = arith.addf %scan3A_1169, %get3A_1303 : vector<16xf32>
        %add3A_1305 = arith.constant 150 : i32
        %add3A_1306 = arith.addi %add3A_1305, %scan3A_1154 : i32
        %get3A_1307 = arith.constant 0 : i32
        %get3A_1308 = arith.index_cast %get3A_1307 : i32 to index
        %get3A_1309 = arith.index_cast %add3A_1306 : i32 to index
        %get3A_1310 = arith.constant 240 : index
        %get3A_1311 = tpu.vector_load %arg6[%get3A_1308, %get3A_1309, %get3A_1310] {strides = array<i32>} : memref<2x200x256xf32, #tpu.memory_space<vmem>>, vector<1x1x16xf32>,
        %get3A_1312 = vector.shape_cast %get3A_1311 : vector<1x1x16xf32> to vector<16xf32>
        %add3A_1313 = arith.addf %scan3A_1170, %get3A_1312 : vector<16xf32>
        scf.yield %add3A_1178, %add3A_1187, %add3A_1196, %add3A_1205, %add3A_1214, %add3A_1223, %add3A_1232, %add3A_1241, %add3A_1250, %add3A_1259, %add3A_1268, %add3A_1277, %add3A_1286, %add3A_1295, %add3A_1304, %add3A_1313 : vector<16xf32>, vector<16xf32>, vector<16xf32>, vector<16xf32>, vector<16xf32>, vector<16xf32>, vector<16xf32>, vector<16xf32>, vector<16xf32>, vector<16xf32>, vector<16xf32>, vector<16xf32>, vector<16xf32>, vector<16xf32>, vector<16xf32>, vector<16xf32>
      }
      %scan3A_485 = arith.constant 50 : i32
      %swap3A_486 = arith.constant 3 : i32
      %swap3A_487 = arith.index_cast %swap3A_486 : i32 to index
      %swap3A_488 = arith.constant 0 : index
      %swap3A_489 = tpu.vector_load %arg7[%swap3A_487, %swap3A_488] {strides = array<i32>} : memref<4x256xf32, #tpu.memory_space<vmem>>, vector<1x16xf32>,
      %swap3A_490 = vector.shape_cast %swap3A_489 : vector<1x16xf32> to vector<16xf32>
      %swap3A_491 = vector.shape_cast %scan3A_484#0 : vector<16xf32> to vector<1x16xf32>
      tpu.vector_store %arg7[%swap3A_487, %swap3A_488], %swap3A_491 {strides = array<i32>} : memref<4x256xf32, #tpu.memory_space<vmem>>, vector<1x16xf32>,
      %swap3A_492 = arith.constant 3 : i32
      %swap3A_493 = arith.index_cast %swap3A_492 : i32 to index
      %swap3A_494 = arith.constant 16 : index
      %swap3A_495 = tpu.vector_load %arg7[%swap3A_493, %swap3A_494] {strides = array<i32>} : memref<4x256xf32, #tpu.memory_space<vmem>>, vector<1x16xf32>,
      %swap3A_496 = vector.shape_cast %swap3A_495 : vector<1x16xf32> to vector<16xf32>
      %swap3A_497 = vector.shape_cast %scan3A_484#1 : vector<16xf32> to vector<1x16xf32>
      tpu.vector_store %arg7[%swap3A_493, %swap3A_494], %swap3A_497 {strides = array<i32>} : memref<4x256xf32, #tpu.memory_space<vmem>>, vector<1x16xf32>,
      %swap3A_498 = arith.constant 3 : i32
      %swap3A_499 = arith.index_cast %swap3A_498 : i32 to index
      %swap3A_500 = arith.constant 32 : index
      %swap3A_501 = tpu.vector_load %arg7[%swap3A_499, %swap3A_500] {strides = array<i32>} : memref<4x256xf32, #tpu.memory_space<vmem>>, vector<1x16xf32>,
      %swap3A_502 = vector.shape_cast %swap3A_501 : vector<1x16xf32> to vector<16xf32>
      %swap3A_503 = vector.shape_cast %scan3A_484#2 : vector<16xf32> to vector<1x16xf32>
      tpu.vector_store %arg7[%swap3A_499, %swap3A_500], %swap3A_503 {strides = array<i32>} : memref<4x256xf32, #tpu.memory_space<vmem>>, vector<1x16xf32>,
      %swap3A_504 = arith.constant 3 : i32
      %swap3A_505 = arith.index_cast %swap3A_504 : i32 to index
      %swap3A_506 = arith.constant 48 : index
      %swap3A_507 = tpu.vector_load %arg7[%swap3A_505, %swap3A_506] {strides = array<i32>} : memref<4x256xf32, #tpu.memory_space<vmem>>, vector<1x16xf32>,
      %swap3A_508 = vector.shape_cast %swap3A_507 : vector<1x16xf32> to vector<16xf32>
      %swap3A_509 = vector.shape_cast %scan3A_484#3 : vector<16xf32> to vector<1x16xf32>
      tpu.vector_store %arg7[%swap3A_505, %swap3A_506], %swap3A_509 {strides = array<i32>} : memref<4x256xf32, #tpu.memory_space<vmem>>, vector<1x16xf32>,
      %swap3A_510 = arith.constant 3 : i32
      %swap3A_511 = arith.index_cast %swap3A_510 : i32 to index
      %swap3A_512 = arith.constant 64 : index
      %swap3A_513 = tpu.vector_load %arg7[%swap3A_511, %swap3A_512] {strides = array<i32>} : memref<4x256xf32, #tpu.memory_space<vmem>>, vector<1x16xf32>,
      %swap3A_514 = vector.shape_cast %swap3A_513 : vector<1x16xf32> to vector<16xf32>
      %swap3A_515 = vector.shape_cast %scan3A_484#4 : vector<16xf32> to vector<1x16xf32>
      tpu.vector_store %arg7[%swap3A_511, %swap3A_512], %swap3A_515 {strides = array<i32>} : memref<4x256xf32, #tpu.memory_space<vmem>>, vector<1x16xf32>,
      %swap3A_516 = arith.constant 3 : i32
      %swap3A_517 = arith.index_cast %swap3A_516 : i32 to index
      %swap3A_518 = arith.constant 80 : index
      %swap3A_519 = tpu.vector_load %arg7[%swap3A_517, %swap3A_518] {strides = array<i32>} : memref<4x256xf32, #tpu.memory_space<vmem>>, vector<1x16xf32>,
      %swap3A_520 = vector.shape_cast %swap3A_519 : vector<1x16xf32> to vector<16xf32>
      %swap3A_521 = vector.shape_cast %scan3A_484#5 : vector<16xf32> to vector<1x16xf32>
      tpu.vector_store %arg7[%swap3A_517, %swap3A_518], %swap3A_521 {strides = array<i32>} : memref<4x256xf32, #tpu.memory_space<vmem>>, vector<1x16xf32>,
      %swap3A_522 = arith.constant 3 : i32
      %swap3A_523 = arith.index_cast %swap3A_522 : i32 to index
      %swap3A_524 = arith.constant 96 : index
      %swap3A_525 = tpu.vector_load %arg7[%swap3A_523, %swap3A_524] {strides = array<i32>} : memref<4x256xf32, #tpu.memory_space<vmem>>, vector<1x16xf32>,
      %swap3A_526 = vector.shape_cast %swap3A_525 : vector<1x16xf32> to vector<16xf32>
      %swap3A_527 = vector.shape_cast %scan3A_484#6 : vector<16xf32> to vector<1x16xf32>
      tpu.vector_store %arg7[%swap3A_523, %swap3A_524], %swap3A_527 {strides = array<i32>} : memref<4x256xf32, #tpu.memory_space<vmem>>, vector<1x16xf32>,
      %swap3A_528 = arith.constant 3 : i32
      %swap3A_529 = arith.index_cast %swap3A_528 : i32 to index
      %swap3A_530 = arith.constant 112 : index
      %swap3A_531 = tpu.vector_load %arg7[%swap3A_529, %swap3A_530] {strides = array<i32>} : memref<4x256xf32, #tpu.memory_space<vmem>>, vector<1x16xf32>,
      %swap3A_532 = vector.shape_cast %swap3A_531 : vector<1x16xf32> to vector<16xf32>
      %swap3A_533 = vector.shape_cast %scan3A_484#7 : vector<16xf32> to vector<1x16xf32>
      tpu.vector_store %arg7[%swap3A_529, %swap3A_530], %swap3A_533 {strides = array<i32>} : memref<4x256xf32, #tpu.memory_space<vmem>>, vector<1x16xf32>,
      %swap3A_534 = arith.constant 3 : i32
      %swap3A_535 = arith.index_cast %swap3A_534 : i32 to index
      %swap3A_536 = arith.constant 128 : index
      %swap3A_537 = tpu.vector_load %arg7[%swap3A_535, %swap3A_536] {strides = array<i32>} : memref<4x256xf32, #tpu.memory_space<vmem>>, vector<1x16xf32>,
      %swap3A_538 = vector.shape_cast %swap3A_537 : vector<1x16xf32> to vector<16xf32>
      %swap3A_539 = vector.shape_cast %scan3A_484#8 : vector<16xf32> to vector<1x16xf32>
      tpu.vector_store %arg7[%swap3A_535, %swap3A_536], %swap3A_539 {strides = array<i32>} : memref<4x256xf32, #tpu.memory_space<vmem>>, vector<1x16xf32>,
      %swap3A_540 = arith.constant 3 : i32
      %swap3A_541 = arith.index_cast %swap3A_540 : i32 to index
      %swap3A_542 = arith.constant 144 : index
      %swap3A_543 = tpu.vector_load %arg7[%swap3A_541, %swap3A_542] {strides = array<i32>} : memref<4x256xf32, #tpu.memory_space<vmem>>, vector<1x16xf32>,
      %swap3A_544 = vector.shape_cast %swap3A_543 : vector<1x16xf32> to vector<16xf32>
      %swap3A_545 = vector.shape_cast %scan3A_484#9 : vector<16xf32> to vector<1x16xf32>
      tpu.vector_store %arg7[%swap3A_541, %swap3A_542], %swap3A_545 {strides = array<i32>} : memref<4x256xf32, #tpu.memory_space<vmem>>, vector<1x16xf32>,
      %swap3A_546 = arith.constant 3 : i32
      %swap3A_547 = arith.index_cast %swap3A_546 : i32 to index
      %swap3A_548 = arith.constant 160 : index
      %swap3A_549 = tpu.vector_load %arg7[%swap3A_547, %swap3A_548] {strides = array<i32>} : memref<4x256xf32, #tpu.memory_space<vmem>>, vector<1x16xf32>,
      %swap3A_550 = vector.shape_cast %swap3A_549 : vector<1x16xf32> to vector<16xf32>
      %swap3A_551 = vector.shape_cast %scan3A_484#10 : vector<16xf32> to vector<1x16xf32>
      tpu.vector_store %arg7[%swap3A_547, %swap3A_548], %swap3A_551 {strides = array<i32>} : memref<4x256xf32, #tpu.memory_space<vmem>>, vector<1x16xf32>,
      %swap3A_552 = arith.constant 3 : i32
      %swap3A_553 = arith.index_cast %swap3A_552 : i32 to index
      %swap3A_554 = arith.constant 176 : index
      %swap3A_555 = tpu.vector_load %arg7[%swap3A_553, %swap3A_554] {strides = array<i32>} : memref<4x256xf32, #tpu.memory_space<vmem>>, vector<1x16xf32>,
      %swap3A_556 = vector.shape_cast %swap3A_555 : vector<1x16xf32> to vector<16xf32>
      %swap3A_557 = vector.shape_cast %scan3A_484#11 : vector<16xf32> to vector<1x16xf32>
      tpu.vector_store %arg7[%swap3A_553, %swap3A_554], %swap3A_557 {strides = array<i32>} : memref<4x256xf32, #tpu.memory_space<vmem>>, vector<1x16xf32>,
      %swap3A_558 = arith.constant 3 : i32
      %swap3A_559 = arith.index_cast %swap3A_558 : i32 to index
      %swap3A_560 = arith.constant 192 : index
      %swap3A_561 = tpu.vector_load %arg7[%swap3A_559, %swap3A_560] {strides = array<i32>} : memref<4x256xf32, #tpu.memory_space<vmem>>, vector<1x16xf32>,
      %swap3A_562 = vector.shape_cast %swap3A_561 : vector<1x16xf32> to vector<16xf32>
      %swap3A_563 = vector.shape_cast %scan3A_484#12 : vector<16xf32> to vector<1x16xf32>
      tpu.vector_store %arg7[%swap3A_559, %swap3A_560], %swap3A_563 {strides = array<i32>} : memref<4x256xf32, #tpu.memory_space<vmem>>, vector<1x16xf32>,
      %swap3A_564 = arith.constant 3 : i32
      %swap3A_565 = arith.index_cast %swap3A_564 : i32 to index
      %swap3A_566 = arith.constant 208 : index
      %swap3A_567 = tpu.vector_load %arg7[%swap3A_565, %swap3A_566] {strides = array<i32>} : memref<4x256xf32, #tpu.memory_space<vmem>>, vector<1x16xf32>,
      %swap3A_568 = vector.shape_cast %swap3A_567 : vector<1x16xf32> to vector<16xf32>
      %swap3A_569 = vector.shape_cast %scan3A_484#13 : vector<16xf32> to vector<1x16xf32>
      tpu.vector_store %arg7[%swap3A_565, %swap3A_566], %swap3A_569 {strides = array<i32>} : memref<4x256xf32, #tpu.memory_space<vmem>>, vector<1x16xf32>,
      %swap3A_570 = arith.constant 3 : i32
      %swap3A_571 = arith.index_cast %swap3A_570 : i32 to index
      %swap3A_572 = arith.constant 224 : index
      %swap3A_573 = tpu.vector_load %arg7[%swap3A_571, %swap3A_572] {strides = array<i32>} : memref<4x256xf32, #tpu.memory_space<vmem>>, vector<1x16xf32>,
      %swap3A_574 = vector.shape_cast %swap3A_573 : vector<1x16xf32> to vector<16xf32>
      %swap3A_575 = vector.shape_cast %scan3A_484#14 : vector<16xf32> to vector<1x16xf32>
      tpu.vector_store %arg7[%swap3A_571, %swap3A_572], %swap3A_575 {strides = array<i32>} : memref<4x256xf32, #tpu.memory_space<vmem>>, vector<1x16xf32>,
      %swap3A_576 = arith.constant 3 : i32
      %swap3A_577 = arith.index_cast %swap3A_576 : i32 to index
      %swap3A_578 = arith.constant 240 : index
      %swap3A_579 = tpu.vector_load %arg7[%swap3A_577, %swap3A_578] {strides = array<i32>} : memref<4x256xf32, #tpu.memory_space<vmem>>, vector<1x16xf32>,
      %swap3A_580 = vector.shape_cast %swap3A_579 : vector<1x16xf32> to vector<16xf32>
      %swap3A_581 = vector.shape_cast %scan3A_484#15 : vector<16xf32> to vector<1x16xf32>
      tpu.vector_store %arg7[%swap3A_577, %swap3A_578], %swap3A_581 {strides = array<i32>} : memref<4x256xf32, #tpu.memory_space<vmem>>, vector<1x16xf32>,
      %mul3A_582 = arith.constant 4 : i32
      %mul3A_583 = arith.muli %add3A_33, %mul3A_582 : i32
      %add3A_584 = arith.addi %mul3A_4, %mul3A_583 : i32
      "tpu.region"() ({
        %run_scoped3A = tpu.sem_alloc : memref<!tpu.dma_semaphore, #tpu.memory_space<semaphore_mem>>
        %dma_start3A_1154 = arith.constant 0 : i32
        %dma_start3A_1155 = tpu.memref_slice %arg4[%add3A_584, %dma_start3A_1154] : memref<4096x256xf32, #tpu.memory_space<hbm>> -> memref<4x256xf32, #tpu.memory_space<hbm>>
        %dma_start3A_1156 = arith.constant 0 : i32
        %dma_start3A_1157 = tpu.memref_slice %arg4[%add3A_584, %dma_start3A_1156] : memref<4096x256xf32, #tpu.memory_space<hbm>> -> memref<4x256xf32, #tpu.memory_space<hbm>>
        tpu.enqueue_dma source(%arg7 : memref<4x256xf32, #tpu.memory_space<vmem>>) target(%dma_start3A_1157 : memref<4x256xf32, #tpu.memory_space<hbm>>) target_semaphore(%run_scoped3A : memref<!tpu.dma_semaphore, #tpu.memory_space<semaphore_mem>>)
        %dma_wait3A_1158 = arith.constant 0 : i32
        %dma_wait3A_1159 = tpu.memref_slice %arg4[%add3A_584, %dma_wait3A_1158] : memref<4096x256xf32, #tpu.memory_space<hbm>> -> memref<4x256xf32, #tpu.memory_space<hbm>>
        %dma_wait3A_1160 = arith.constant 0 : i32
        %dma_wait3A_1161 = tpu.memref_slice %arg4[%add3A_584, %dma_wait3A_1160] : memref<4096x256xf32, #tpu.memory_space<hbm>> -> memref<4x256xf32, #tpu.memory_space<hbm>>
        tpu.wait_dma2 semaphore(%run_scoped3A : memref<!tpu.dma_semaphore, #tpu.memory_space<semaphore_mem>>) src(%arg7 : memref<4x256xf32, #tpu.memory_space<vmem>>) dst(%dma_wait3A_1161 : memref<4x256xf32, #tpu.memory_space<hbm>>)
        tpu.yield
      }) : () -> ()
      %add3A_585 = arith.constant 2 : i32
      %add3A_586 = arith.addi %add3A_33, %add3A_585 : i32
      %lt3A = arith.constant 32 : i32
      %lt3A_587 = arith.cmpi slt, %add3A_586, %lt3A : i32
      %convert_element_type3A = arith.extui %lt3A_587 : i1 to i32
      %cond3A = arith.constant 0 : i32
      %cond3A_588 = arith.cmpi ne, %convert_element_type3A, %cond3A : i32
      scf.if %cond3A_588 {
        %add3A_1154 = arith.constant 2 : i32
        %add3A_1155 = arith.addi %add3A_33, %add3A_1154 : i32
        %mul3A_1156 = arith.constant 200 : i32
        %mul3A_1157 = arith.muli %add3A_1155, %mul3A_1156 : i32
        %dma_start3A_1158 = arith.constant 0 : i32
        %dma_start3A_1159 = arith.constant 0 : i32
        %dma_start3A_1160 = arith.constant 0 : i32
        %dma_start3A_1161 = tpu.memref_slice %arg6[%dma_start3A_1158, %dma_start3A_1159, %dma_start3A_1160] : memref<2x200x256xf32, #tpu.memory_space<vmem>> -> memref<1x200x256xf32, #tpu.memory_space<vmem>>
        %dma_start3A_1162 = tpu.memref_squeeze %dma_start3A_1161 : memref<1x200x256xf32, #tpu.memory_space<vmem>> -> memref<200x256xf32, #tpu.memory_space<vmem>>
        %dma_start3A_1163 = tpu.memref_slice %arg5[%mul3A_1157] : memref<6400xi32, #tpu.memory_space<vmem>> -> memref<200xi32, #tpu.memory_space<vmem>>
        %dma_start3A_1164 = arith.constant 0 : i32
        %dma_start3A_1165 = arith.constant 0 : i32
        %dma_start3A_1166 = tpu.memref_slice %arg3[%dma_start3A_1164, %dma_start3A_1165] : memref<100000x256xf32, #tpu.memory_space<hbm>> -> memref<100000x256xf32, #tpu.memory_space<hbm>>
        tpu.enqueue_indirect_dma source(%dma_start3A_1166 : memref<100000x256xf32, #tpu.memory_space<hbm>>) target(%dma_start3A_1162 : memref<200x256xf32, #tpu.memory_space<vmem>>) offsets(%dma_start3A_1163 : memref<200xi32, #tpu.memory_space<vmem>>) semaphore(%arg8 : memref<!tpu.dma_semaphore, #tpu.memory_space<semaphore_mem>>)
      } else {
      }
      %mul3A_589 = arith.constant 2 : i32
      %mul3A_590 = arith.muli %mul3A_589, %scan3A_29 : i32
      %add3A_591 = arith.constant 1 : i32
      %add3A_592 = arith.addi %mul3A_590, %add3A_591 : i32
      %dma_wait3A_593 = arith.constant 1 : i32
      %dma_wait3A_594 = arith.constant 0 : i32
      %dma_wait3A_595 = arith.constant 0 : i32
      %dma_wait3A_596 = tpu.memref_slice %arg6[%dma_wait3A_593, %dma_wait3A_594, %dma_wait3A_595] : memref<2x200x256xf32, #tpu.memory_space<vmem>> -> memref<1x200x256xf32, #tpu.memory_space<vmem>>
      %dma_wait3A_597 = tpu.memref_squeeze %dma_wait3A_596 : memref<1x200x256xf32, #tpu.memory_space<vmem>> -> memref<200x256xf32, #tpu.memory_space<vmem>>
      %dma_wait3A_598 = arith.constant 0 : i32
      %dma_wait3A_599 = arith.constant 0 : i32
      %dma_wait3A_600 = tpu.memref_slice %arg3[%dma_wait3A_598, %dma_wait3A_599] : memref<100000x256xf32, #tpu.memory_space<hbm>> -> memref<200x256xf32, #tpu.memory_space<hbm>>
      %dma_wait3A_601 = arith.constant 0 : i32
      %dma_wait3A_602 = arith.constant 0 : i32
      %dma_wait3A_603 = tpu.memref_slice %arg6[%dma_wait3A_593, %dma_wait3A_601, %dma_wait3A_602] : memref<2x200x256xf32, #tpu.memory_space<vmem>> -> memref<1x200x256xf32, #tpu.memory_space<vmem>>
      %dma_wait3A_604 = tpu.memref_squeeze %dma_wait3A_603 : memref<1x200x256xf32, #tpu.memory_space<vmem>> -> memref<200x256xf32, #tpu.memory_space<vmem>>
      %dma_wait3A_605 = arith.constant 0 : i32
      %dma_wait3A_606 = arith.constant 0 : i32
      %dma_wait3A_607 = tpu.memref_slice %arg3[%dma_wait3A_605, %dma_wait3A_606] : memref<100000x256xf32, #tpu.memory_space<hbm>> -> memref<200x256xf32, #tpu.memory_space<hbm>>
      tpu.wait_dma2 semaphore(%arg9 : memref<!tpu.dma_semaphore, #tpu.memory_space<semaphore_mem>>) src(%dma_wait3A_607 : memref<200x256xf32, #tpu.memory_space<hbm>>) dst(%dma_wait3A_604 : memref<200x256xf32, #tpu.memory_space<vmem>>)
      %broadcast_in_dim3A_608 = arith.constant 0.000000e+00 : f32
      %broadcast_in_dim3A_609 = vector.broadcast %broadcast_in_dim3A_608 : f32 to vector<16xf32>
      %broadcast_in_dim3A_610 = arith.constant 0.000000e+00 : f32
      %broadcast_in_dim3A_611 = vector.broadcast %broadcast_in_dim3A_610 : f32 to vector<16xf32>
      %broadcast_in_dim3A_612 = arith.constant 0.000000e+00 : f32
      %broadcast_in_dim3A_613 = vector.broadcast %broadcast_in_dim3A_612 : f32 to vector<16xf32>
      %broadcast_in_dim3A_614 = arith.constant 0.000000e+00 : f32
      %broadcast_in_dim3A_615 = vector.broadcast %broadcast_in_dim3A_614 : f32 to vector<16xf32>
      %broadcast_in_dim3A_616 = arith.constant 0.000000e+00 : f32
      %broadcast_in_dim3A_617 = vector.broadcast %broadcast_in_dim3A_616 : f32 to vector<16xf32>
      %broadcast_in_dim3A_618 = arith.constant 0.000000e+00 : f32
      %broadcast_in_dim3A_619 = vector.broadcast %broadcast_in_dim3A_618 : f32 to vector<16xf32>
      %broadcast_in_dim3A_620 = arith.constant 0.000000e+00 : f32
      %broadcast_in_dim3A_621 = vector.broadcast %broadcast_in_dim3A_620 : f32 to vector<16xf32>
      %broadcast_in_dim3A_622 = arith.constant 0.000000e+00 : f32
      %broadcast_in_dim3A_623 = vector.broadcast %broadcast_in_dim3A_622 : f32 to vector<16xf32>
      %broadcast_in_dim3A_624 = arith.constant 0.000000e+00 : f32
      %broadcast_in_dim3A_625 = vector.broadcast %broadcast_in_dim3A_624 : f32 to vector<16xf32>
      %broadcast_in_dim3A_626 = arith.constant 0.000000e+00 : f32
      %broadcast_in_dim3A_627 = vector.broadcast %broadcast_in_dim3A_626 : f32 to vector<16xf32>
      %broadcast_in_dim3A_628 = arith.constant 0.000000e+00 : f32
      %broadcast_in_dim3A_629 = vector.broadcast %broadcast_in_dim3A_628 : f32 to vector<16xf32>
      %broadcast_in_dim3A_630 = arith.constant 0.000000e+00 : f32
      %broadcast_in_dim3A_631 = vector.broadcast %broadcast_in_dim3A_630 : f32 to vector<16xf32>
      %broadcast_in_dim3A_632 = arith.constant 0.000000e+00 : f32
      %broadcast_in_dim3A_633 = vector.broadcast %broadcast_in_dim3A_632 : f32 to vector<16xf32>
      %broadcast_in_dim3A_634 = arith.constant 0.000000e+00 : f32
      %broadcast_in_dim3A_635 = vector.broadcast %broadcast_in_dim3A_634 : f32 to vector<16xf32>
      %broadcast_in_dim3A_636 = arith.constant 0.000000e+00 : f32
      %broadcast_in_dim3A_637 = vector.broadcast %broadcast_in_dim3A_636 : f32 to vector<16xf32>
      %broadcast_in_dim3A_638 = arith.constant 0.000000e+00 : f32
      %broadcast_in_dim3A_639 = vector.broadcast %broadcast_in_dim3A_638 : f32 to vector<16xf32>
      %scan3A_640 = arith.constant 0 : i32
      %scan3A_641 = arith.constant 50 : i32
      %scan3A_642 = arith.addi %scan3A_640, %scan3A_641 : i32
      %scan3A_643 = arith.constant 1 : i32
      %scan3A_644:16 = scf.for %scan3A_1154 = %scan3A_640 to %scan3A_642 step %scan3A_643 iter_args(%scan3A_1155 = %broadcast_in_dim3A_609, %scan3A_1156 = %broadcast_in_dim3A_611, %scan3A_1157 = %broadcast_in_dim3A_613, %scan3A_1158 = %broadcast_in_dim3A_615, %scan3A_1159 = %broadcast_in_dim3A_617, %scan3A_1160 = %broadcast_in_dim3A_619, %scan3A_1161 = %broadcast_in_dim3A_621, %scan3A_1162 = %broadcast_in_dim3A_623, %scan3A_1163 = %broadcast_in_dim3A_625, %scan3A_1164 = %broadcast_in_dim3A_627, %scan3A_1165 = %broadcast_in_dim3A_629, %scan3A_1166 = %broadcast_in_dim3A_631, %scan3A_1167 = %broadcast_in_dim3A_633, %scan3A_1168 = %broadcast_in_dim3A_635, %scan3A_1169 = %broadcast_in_dim3A_637, %scan3A_1170 = %broadcast_in_dim3A_639) -> (vector<16xf32>, vector<16xf32>, vector<16xf32>, vector<16xf32>, vector<16xf32>, vector<16xf32>, vector<16xf32>, vector<16xf32>, vector<16xf32>, vector<16xf32>, vector<16xf32>, vector<16xf32>, vector<16xf32>, vector<16xf32>, vector<16xf32>, vector<16xf32>)  : i32 {
        %add3A_1171 = arith.constant 0 : i32
        %add3A_1172 = arith.addi %add3A_1171, %scan3A_1154 : i32
        %get3A = arith.constant 1 : i32
        %get3A_1173 = arith.index_cast %get3A : i32 to index
        %get3A_1174 = arith.index_cast %add3A_1172 : i32 to index
        %get3A_1175 = arith.constant 0 : index
        %get3A_1176 = tpu.vector_load %arg6[%get3A_1173, %get3A_1174, %get3A_1175] {strides = array<i32>} : memref<2x200x256xf32, #tpu.memory_space<vmem>>, vector<1x1x16xf32>,
        %get3A_1177 = vector.shape_cast %get3A_1176 : vector<1x1x16xf32> to vector<16xf32>
        %add3A_1178 = arith.addf %scan3A_1155, %get3A_1177 : vector<16xf32>
        %add3A_1179 = arith.constant 0 : i32
        %add3A_1180 = arith.addi %add3A_1179, %scan3A_1154 : i32
        %get3A_1181 = arith.constant 1 : i32
        %get3A_1182 = arith.index_cast %get3A_1181 : i32 to index
        %get3A_1183 = arith.index_cast %add3A_1180 : i32 to index
        %get3A_1184 = arith.constant 16 : index
        %get3A_1185 = tpu.vector_load %arg6[%get3A_1182, %get3A_1183, %get3A_1184] {strides = array<i32>} : memref<2x200x256xf32, #tpu.memory_space<vmem>>, vector<1x1x16xf32>,
        %get3A_1186 = vector.shape_cast %get3A_1185 : vector<1x1x16xf32> to vector<16xf32>
        %add3A_1187 = arith.addf %scan3A_1156, %get3A_1186 : vector<16xf32>
        %add3A_1188 = arith.constant 0 : i32
        %add3A_1189 = arith.addi %add3A_1188, %scan3A_1154 : i32
        %get3A_1190 = arith.constant 1 : i32
        %get3A_1191 = arith.index_cast %get3A_1190 : i32 to index
        %get3A_1192 = arith.index_cast %add3A_1189 : i32 to index
        %get3A_1193 = arith.constant 32 : index
        %get3A_1194 = tpu.vector_load %arg6[%get3A_1191, %get3A_1192, %get3A_1193] {strides = array<i32>} : memref<2x200x256xf32, #tpu.memory_space<vmem>>, vector<1x1x16xf32>,
        %get3A_1195 = vector.shape_cast %get3A_1194 : vector<1x1x16xf32> to vector<16xf32>
        %add3A_1196 = arith.addf %scan3A_1157, %get3A_1195 : vector<16xf32>
        %add3A_1197 = arith.constant 0 : i32
        %add3A_1198 = arith.addi %add3A_1197, %scan3A_1154 : i32
        %get3A_1199 = arith.constant 1 : i32
        %get3A_1200 = arith.index_cast %get3A_1199 : i32 to index
        %get3A_1201 = arith.index_cast %add3A_1198 : i32 to index
        %get3A_1202 = arith.constant 48 : index
        %get3A_1203 = tpu.vector_load %arg6[%get3A_1200, %get3A_1201, %get3A_1202] {strides = array<i32>} : memref<2x200x256xf32, #tpu.memory_space<vmem>>, vector<1x1x16xf32>,
        %get3A_1204 = vector.shape_cast %get3A_1203 : vector<1x1x16xf32> to vector<16xf32>
        %add3A_1205 = arith.addf %scan3A_1158, %get3A_1204 : vector<16xf32>
        %add3A_1206 = arith.constant 0 : i32
        %add3A_1207 = arith.addi %add3A_1206, %scan3A_1154 : i32
        %get3A_1208 = arith.constant 1 : i32
        %get3A_1209 = arith.index_cast %get3A_1208 : i32 to index
        %get3A_1210 = arith.index_cast %add3A_1207 : i32 to index
        %get3A_1211 = arith.constant 64 : index
        %get3A_1212 = tpu.vector_load %arg6[%get3A_1209, %get3A_1210, %get3A_1211] {strides = array<i32>} : memref<2x200x256xf32, #tpu.memory_space<vmem>>, vector<1x1x16xf32>,
        %get3A_1213 = vector.shape_cast %get3A_1212 : vector<1x1x16xf32> to vector<16xf32>
        %add3A_1214 = arith.addf %scan3A_1159, %get3A_1213 : vector<16xf32>
        %add3A_1215 = arith.constant 0 : i32
        %add3A_1216 = arith.addi %add3A_1215, %scan3A_1154 : i32
        %get3A_1217 = arith.constant 1 : i32
        %get3A_1218 = arith.index_cast %get3A_1217 : i32 to index
        %get3A_1219 = arith.index_cast %add3A_1216 : i32 to index
        %get3A_1220 = arith.constant 80 : index
        %get3A_1221 = tpu.vector_load %arg6[%get3A_1218, %get3A_1219, %get3A_1220] {strides = array<i32>} : memref<2x200x256xf32, #tpu.memory_space<vmem>>, vector<1x1x16xf32>,
        %get3A_1222 = vector.shape_cast %get3A_1221 : vector<1x1x16xf32> to vector<16xf32>
        %add3A_1223 = arith.addf %scan3A_1160, %get3A_1222 : vector<16xf32>
        %add3A_1224 = arith.constant 0 : i32
        %add3A_1225 = arith.addi %add3A_1224, %scan3A_1154 : i32
        %get3A_1226 = arith.constant 1 : i32
        %get3A_1227 = arith.index_cast %get3A_1226 : i32 to index
        %get3A_1228 = arith.index_cast %add3A_1225 : i32 to index
        %get3A_1229 = arith.constant 96 : index
        %get3A_1230 = tpu.vector_load %arg6[%get3A_1227, %get3A_1228, %get3A_1229] {strides = array<i32>} : memref<2x200x256xf32, #tpu.memory_space<vmem>>, vector<1x1x16xf32>,
        %get3A_1231 = vector.shape_cast %get3A_1230 : vector<1x1x16xf32> to vector<16xf32>
        %add3A_1232 = arith.addf %scan3A_1161, %get3A_1231 : vector<16xf32>
        %add3A_1233 = arith.constant 0 : i32
        %add3A_1234 = arith.addi %add3A_1233, %scan3A_1154 : i32
        %get3A_1235 = arith.constant 1 : i32
        %get3A_1236 = arith.index_cast %get3A_1235 : i32 to index
        %get3A_1237 = arith.index_cast %add3A_1234 : i32 to index
        %get3A_1238 = arith.constant 112 : index
        %get3A_1239 = tpu.vector_load %arg6[%get3A_1236, %get3A_1237, %get3A_1238] {strides = array<i32>} : memref<2x200x256xf32, #tpu.memory_space<vmem>>, vector<1x1x16xf32>,
        %get3A_1240 = vector.shape_cast %get3A_1239 : vector<1x1x16xf32> to vector<16xf32>
        %add3A_1241 = arith.addf %scan3A_1162, %get3A_1240 : vector<16xf32>
        %add3A_1242 = arith.constant 0 : i32
        %add3A_1243 = arith.addi %add3A_1242, %scan3A_1154 : i32
        %get3A_1244 = arith.constant 1 : i32
        %get3A_1245 = arith.index_cast %get3A_1244 : i32 to index
        %get3A_1246 = arith.index_cast %add3A_1243 : i32 to index
        %get3A_1247 = arith.constant 128 : index
        %get3A_1248 = tpu.vector_load %arg6[%get3A_1245, %get3A_1246, %get3A_1247] {strides = array<i32>} : memref<2x200x256xf32, #tpu.memory_space<vmem>>, vector<1x1x16xf32>,
        %get3A_1249 = vector.shape_cast %get3A_1248 : vector<1x1x16xf32> to vector<16xf32>
        %add3A_1250 = arith.addf %scan3A_1163, %get3A_1249 : vector<16xf32>
        %add3A_1251 = arith.constant 0 : i32
        %add3A_1252 = arith.addi %add3A_1251, %scan3A_1154 : i32
        %get3A_1253 = arith.constant 1 : i32
        %get3A_1254 = arith.index_cast %get3A_1253 : i32 to index
        %get3A_1255 = arith.index_cast %add3A_1252 : i32 to index
        %get3A_1256 = arith.constant 144 : index
        %get3A_1257 = tpu.vector_load %arg6[%get3A_1254, %get3A_1255, %get3A_1256] {strides = array<i32>} : memref<2x200x256xf32, #tpu.memory_space<vmem>>, vector<1x1x16xf32>,
        %get3A_1258 = vector.shape_cast %get3A_1257 : vector<1x1x16xf32> to vector<16xf32>
        %add3A_1259 = arith.addf %scan3A_1164, %get3A_1258 : vector<16xf32>
        %add3A_1260 = arith.constant 0 : i32
        %add3A_1261 = arith.addi %add3A_1260, %scan3A_1154 : i32
        %get3A_1262 = arith.constant 1 : i32
        %get3A_1263 = arith.index_cast %get3A_1262 : i32 to index
        %get3A_1264 = arith.index_cast %add3A_1261 : i32 to index
        %get3A_1265 = arith.constant 160 : index
        %get3A_1266 = tpu.vector_load %arg6[%get3A_1263, %get3A_1264, %get3A_1265] {strides = array<i32>} : memref<2x200x256xf32, #tpu.memory_space<vmem>>, vector<1x1x16xf32>,
        %get3A_1267 = vector.shape_cast %get3A_1266 : vector<1x1x16xf32> to vector<16xf32>
        %add3A_1268 = arith.addf %scan3A_1165, %get3A_1267 : vector<16xf32>
        %add3A_1269 = arith.constant 0 : i32
        %add3A_1270 = arith.addi %add3A_1269, %scan3A_1154 : i32
        %get3A_1271 = arith.constant 1 : i32
        %get3A_1272 = arith.index_cast %get3A_1271 : i32 to index
        %get3A_1273 = arith.index_cast %add3A_1270 : i32 to index
        %get3A_1274 = arith.constant 176 : index
        %get3A_1275 = tpu.vector_load %arg6[%get3A_1272, %get3A_1273, %get3A_1274] {strides = array<i32>} : memref<2x200x256xf32, #tpu.memory_space<vmem>>, vector<1x1x16xf32>,
        %get3A_1276 = vector.shape_cast %get3A_1275 : vector<1x1x16xf32> to vector<16xf32>
        %add3A_1277 = arith.addf %scan3A_1166, %get3A_1276 : vector<16xf32>
        %add3A_1278 = arith.constant 0 : i32
        %add3A_1279 = arith.addi %add3A_1278, %scan3A_1154 : i32
        %get3A_1280 = arith.constant 1 : i32
        %get3A_1281 = arith.index_cast %get3A_1280 : i32 to index
        %get3A_1282 = arith.index_cast %add3A_1279 : i32 to index
        %get3A_1283 = arith.constant 192 : index
        %get3A_1284 = tpu.vector_load %arg6[%get3A_1281, %get3A_1282, %get3A_1283] {strides = array<i32>} : memref<2x200x256xf32, #tpu.memory_space<vmem>>, vector<1x1x16xf32>,
        %get3A_1285 = vector.shape_cast %get3A_1284 : vector<1x1x16xf32> to vector<16xf32>
        %add3A_1286 = arith.addf %scan3A_1167, %get3A_1285 : vector<16xf32>
        %add3A_1287 = arith.constant 0 : i32
        %add3A_1288 = arith.addi %add3A_1287, %scan3A_1154 : i32
        %get3A_1289 = arith.constant 1 : i32
        %get3A_1290 = arith.index_cast %get3A_1289 : i32 to index
        %get3A_1291 = arith.index_cast %add3A_1288 : i32 to index
        %get3A_1292 = arith.constant 208 : index
        %get3A_1293 = tpu.vector_load %arg6[%get3A_1290, %get3A_1291, %get3A_1292] {strides = array<i32>} : memref<2x200x256xf32, #tpu.memory_space<vmem>>, vector<1x1x16xf32>,
        %get3A_1294 = vector.shape_cast %get3A_1293 : vector<1x1x16xf32> to vector<16xf32>
        %add3A_1295 = arith.addf %scan3A_1168, %get3A_1294 : vector<16xf32>
        %add3A_1296 = arith.constant 0 : i32
        %add3A_1297 = arith.addi %add3A_1296, %scan3A_1154 : i32
        %get3A_1298 = arith.constant 1 : i32
        %get3A_1299 = arith.index_cast %get3A_1298 : i32 to index
        %get3A_1300 = arith.index_cast %add3A_1297 : i32 to index
        %get3A_1301 = arith.constant 224 : index
        %get3A_1302 = tpu.vector_load %arg6[%get3A_1299, %get3A_1300, %get3A_1301] {strides = array<i32>} : memref<2x200x256xf32, #tpu.memory_space<vmem>>, vector<1x1x16xf32>,
        %get3A_1303 = vector.shape_cast %get3A_1302 : vector<1x1x16xf32> to vector<16xf32>
        %add3A_1304 = arith.addf %scan3A_1169, %get3A_1303 : vector<16xf32>
        %add3A_1305 = arith.constant 0 : i32
        %add3A_1306 = arith.addi %add3A_1305, %scan3A_1154 : i32
        %get3A_1307 = arith.constant 1 : i32
        %get3A_1308 = arith.index_cast %get3A_1307 : i32 to index
        %get3A_1309 = arith.index_cast %add3A_1306 : i32 to index
        %get3A_1310 = arith.constant 240 : index
        %get3A_1311 = tpu.vector_load %arg6[%get3A_1308, %get3A_1309, %get3A_1310] {strides = array<i32>} : memref<2x200x256xf32, #tpu.memory_space<vmem>>, vector<1x1x16xf32>,
        %get3A_1312 = vector.shape_cast %get3A_1311 : vector<1x1x16xf32> to vector<16xf32>
        %add3A_1313 = arith.addf %scan3A_1170, %get3A_1312 : vector<16xf32>
        scf.yield %add3A_1178, %add3A_1187, %add3A_1196, %add3A_1205, %add3A_1214, %add3A_1223, %add3A_1232, %add3A_1241, %add3A_1250, %add3A_1259, %add3A_1268, %add3A_1277, %add3A_1286, %add3A_1295, %add3A_1304, %add3A_1313 : vector<16xf32>, vector<16xf32>, vector<16xf32>, vector<16xf32>, vector<16xf32>, vector<16xf32>, vector<16xf32>, vector<16xf32>, vector<16xf32>, vector<16xf32>, vector<16xf32>, vector<16xf32>, vector<16xf32>, vector<16xf32>, vector<16xf32>, vector<16xf32>
      }
      %scan3A_645 = arith.constant 50 : i32
      %swap3A_646 = arith.constant 0 : i32
      %swap3A_647 = arith.index_cast %swap3A_646 : i32 to index
      %swap3A_648 = arith.constant 0 : index
      %swap3A_649 = tpu.vector_load %arg7[%swap3A_647, %swap3A_648] {strides = array<i32>} : memref<4x256xf32, #tpu.memory_space<vmem>>, vector<1x16xf32>,
      %swap3A_650 = vector.shape_cast %swap3A_649 : vector<1x16xf32> to vector<16xf32>
      %swap3A_651 = vector.shape_cast %scan3A_644#0 : vector<16xf32> to vector<1x16xf32>
      tpu.vector_store %arg7[%swap3A_647, %swap3A_648], %swap3A_651 {strides = array<i32>} : memref<4x256xf32, #tpu.memory_space<vmem>>, vector<1x16xf32>,
      %swap3A_652 = arith.constant 0 : i32
      %swap3A_653 = arith.index_cast %swap3A_652 : i32 to index
      %swap3A_654 = arith.constant 16 : index
      %swap3A_655 = tpu.vector_load %arg7[%swap3A_653, %swap3A_654] {strides = array<i32>} : memref<4x256xf32, #tpu.memory_space<vmem>>, vector<1x16xf32>,
      %swap3A_656 = vector.shape_cast %swap3A_655 : vector<1x16xf32> to vector<16xf32>
      %swap3A_657 = vector.shape_cast %scan3A_644#1 : vector<16xf32> to vector<1x16xf32>
      tpu.vector_store %arg7[%swap3A_653, %swap3A_654], %swap3A_657 {strides = array<i32>} : memref<4x256xf32, #tpu.memory_space<vmem>>, vector<1x16xf32>,
      %swap3A_658 = arith.constant 0 : i32
      %swap3A_659 = arith.index_cast %swap3A_658 : i32 to index
      %swap3A_660 = arith.constant 32 : index
      %swap3A_661 = tpu.vector_load %arg7[%swap3A_659, %swap3A_660] {strides = array<i32>} : memref<4x256xf32, #tpu.memory_space<vmem>>, vector<1x16xf32>,
      %swap3A_662 = vector.shape_cast %swap3A_661 : vector<1x16xf32> to vector<16xf32>
      %swap3A_663 = vector.shape_cast %scan3A_644#2 : vector<16xf32> to vector<1x16xf32>
      tpu.vector_store %arg7[%swap3A_659, %swap3A_660], %swap3A_663 {strides = array<i32>} : memref<4x256xf32, #tpu.memory_space<vmem>>, vector<1x16xf32>,
      %swap3A_664 = arith.constant 0 : i32
      %swap3A_665 = arith.index_cast %swap3A_664 : i32 to index
      %swap3A_666 = arith.constant 48 : index
      %swap3A_667 = tpu.vector_load %arg7[%swap3A_665, %swap3A_666] {strides = array<i32>} : memref<4x256xf32, #tpu.memory_space<vmem>>, vector<1x16xf32>,
      %swap3A_668 = vector.shape_cast %swap3A_667 : vector<1x16xf32> to vector<16xf32>
      %swap3A_669 = vector.shape_cast %scan3A_644#3 : vector<16xf32> to vector<1x16xf32>
      tpu.vector_store %arg7[%swap3A_665, %swap3A_666], %swap3A_669 {strides = array<i32>} : memref<4x256xf32, #tpu.memory_space<vmem>>, vector<1x16xf32>,
      %swap3A_670 = arith.constant 0 : i32
      %swap3A_671 = arith.index_cast %swap3A_670 : i32 to index
      %swap3A_672 = arith.constant 64 : index
      %swap3A_673 = tpu.vector_load %arg7[%swap3A_671, %swap3A_672] {strides = array<i32>} : memref<4x256xf32, #tpu.memory_space<vmem>>, vector<1x16xf32>,
      %swap3A_674 = vector.shape_cast %swap3A_673 : vector<1x16xf32> to vector<16xf32>
      %swap3A_675 = vector.shape_cast %scan3A_644#4 : vector<16xf32> to vector<1x16xf32>
      tpu.vector_store %arg7[%swap3A_671, %swap3A_672], %swap3A_675 {strides = array<i32>} : memref<4x256xf32, #tpu.memory_space<vmem>>, vector<1x16xf32>,
      %swap3A_676 = arith.constant 0 : i32
      %swap3A_677 = arith.index_cast %swap3A_676 : i32 to index
      %swap3A_678 = arith.constant 80 : index
      %swap3A_679 = tpu.vector_load %arg7[%swap3A_677, %swap3A_678] {strides = array<i32>} : memref<4x256xf32, #tpu.memory_space<vmem>>, vector<1x16xf32>,
      %swap3A_680 = vector.shape_cast %swap3A_679 : vector<1x16xf32> to vector<16xf32>
      %swap3A_681 = vector.shape_cast %scan3A_644#5 : vector<16xf32> to vector<1x16xf32>
      tpu.vector_store %arg7[%swap3A_677, %swap3A_678], %swap3A_681 {strides = array<i32>} : memref<4x256xf32, #tpu.memory_space<vmem>>, vector<1x16xf32>,
      %swap3A_682 = arith.constant 0 : i32
      %swap3A_683 = arith.index_cast %swap3A_682 : i32 to index
      %swap3A_684 = arith.constant 96 : index
      %swap3A_685 = tpu.vector_load %arg7[%swap3A_683, %swap3A_684] {strides = array<i32>} : memref<4x256xf32, #tpu.memory_space<vmem>>, vector<1x16xf32>,
      %swap3A_686 = vector.shape_cast %swap3A_685 : vector<1x16xf32> to vector<16xf32>
      %swap3A_687 = vector.shape_cast %scan3A_644#6 : vector<16xf32> to vector<1x16xf32>
      tpu.vector_store %arg7[%swap3A_683, %swap3A_684], %swap3A_687 {strides = array<i32>} : memref<4x256xf32, #tpu.memory_space<vmem>>, vector<1x16xf32>,
      %swap3A_688 = arith.constant 0 : i32
      %swap3A_689 = arith.index_cast %swap3A_688 : i32 to index
      %swap3A_690 = arith.constant 112 : index
      %swap3A_691 = tpu.vector_load %arg7[%swap3A_689, %swap3A_690] {strides = array<i32>} : memref<4x256xf32, #tpu.memory_space<vmem>>, vector<1x16xf32>,
      %swap3A_692 = vector.shape_cast %swap3A_691 : vector<1x16xf32> to vector<16xf32>
      %swap3A_693 = vector.shape_cast %scan3A_644#7 : vector<16xf32> to vector<1x16xf32>
      tpu.vector_store %arg7[%swap3A_689, %swap3A_690], %swap3A_693 {strides = array<i32>} : memref<4x256xf32, #tpu.memory_space<vmem>>, vector<1x16xf32>,
      %swap3A_694 = arith.constant 0 : i32
      %swap3A_695 = arith.index_cast %swap3A_694 : i32 to index
      %swap3A_696 = arith.constant 128 : index
      %swap3A_697 = tpu.vector_load %arg7[%swap3A_695, %swap3A_696] {strides = array<i32>} : memref<4x256xf32, #tpu.memory_space<vmem>>, vector<1x16xf32>,
      %swap3A_698 = vector.shape_cast %swap3A_697 : vector<1x16xf32> to vector<16xf32>
      %swap3A_699 = vector.shape_cast %scan3A_644#8 : vector<16xf32> to vector<1x16xf32>
      tpu.vector_store %arg7[%swap3A_695, %swap3A_696], %swap3A_699 {strides = array<i32>} : memref<4x256xf32, #tpu.memory_space<vmem>>, vector<1x16xf32>,
      %swap3A_700 = arith.constant 0 : i32
      %swap3A_701 = arith.index_cast %swap3A_700 : i32 to index
      %swap3A_702 = arith.constant 144 : index
      %swap3A_703 = tpu.vector_load %arg7[%swap3A_701, %swap3A_702] {strides = array<i32>} : memref<4x256xf32, #tpu.memory_space<vmem>>, vector<1x16xf32>,
      %swap3A_704 = vector.shape_cast %swap3A_703 : vector<1x16xf32> to vector<16xf32>
      %swap3A_705 = vector.shape_cast %scan3A_644#9 : vector<16xf32> to vector<1x16xf32>
      tpu.vector_store %arg7[%swap3A_701, %swap3A_702], %swap3A_705 {strides = array<i32>} : memref<4x256xf32, #tpu.memory_space<vmem>>, vector<1x16xf32>,
      %swap3A_706 = arith.constant 0 : i32
      %swap3A_707 = arith.index_cast %swap3A_706 : i32 to index
      %swap3A_708 = arith.constant 160 : index
      %swap3A_709 = tpu.vector_load %arg7[%swap3A_707, %swap3A_708] {strides = array<i32>} : memref<4x256xf32, #tpu.memory_space<vmem>>, vector<1x16xf32>,
      %swap3A_710 = vector.shape_cast %swap3A_709 : vector<1x16xf32> to vector<16xf32>
      %swap3A_711 = vector.shape_cast %scan3A_644#10 : vector<16xf32> to vector<1x16xf32>
      tpu.vector_store %arg7[%swap3A_707, %swap3A_708], %swap3A_711 {strides = array<i32>} : memref<4x256xf32, #tpu.memory_space<vmem>>, vector<1x16xf32>,
      %swap3A_712 = arith.constant 0 : i32
      %swap3A_713 = arith.index_cast %swap3A_712 : i32 to index
      %swap3A_714 = arith.constant 176 : index
      %swap3A_715 = tpu.vector_load %arg7[%swap3A_713, %swap3A_714] {strides = array<i32>} : memref<4x256xf32, #tpu.memory_space<vmem>>, vector<1x16xf32>,
      %swap3A_716 = vector.shape_cast %swap3A_715 : vector<1x16xf32> to vector<16xf32>
      %swap3A_717 = vector.shape_cast %scan3A_644#11 : vector<16xf32> to vector<1x16xf32>
      tpu.vector_store %arg7[%swap3A_713, %swap3A_714], %swap3A_717 {strides = array<i32>} : memref<4x256xf32, #tpu.memory_space<vmem>>, vector<1x16xf32>,
      %swap3A_718 = arith.constant 0 : i32
      %swap3A_719 = arith.index_cast %swap3A_718 : i32 to index
      %swap3A_720 = arith.constant 192 : index
      %swap3A_721 = tpu.vector_load %arg7[%swap3A_719, %swap3A_720] {strides = array<i32>} : memref<4x256xf32, #tpu.memory_space<vmem>>, vector<1x16xf32>,
      %swap3A_722 = vector.shape_cast %swap3A_721 : vector<1x16xf32> to vector<16xf32>
      %swap3A_723 = vector.shape_cast %scan3A_644#12 : vector<16xf32> to vector<1x16xf32>
      tpu.vector_store %arg7[%swap3A_719, %swap3A_720], %swap3A_723 {strides = array<i32>} : memref<4x256xf32, #tpu.memory_space<vmem>>, vector<1x16xf32>,
      %swap3A_724 = arith.constant 0 : i32
      %swap3A_725 = arith.index_cast %swap3A_724 : i32 to index
      %swap3A_726 = arith.constant 208 : index
      %swap3A_727 = tpu.vector_load %arg7[%swap3A_725, %swap3A_726] {strides = array<i32>} : memref<4x256xf32, #tpu.memory_space<vmem>>, vector<1x16xf32>,
      %swap3A_728 = vector.shape_cast %swap3A_727 : vector<1x16xf32> to vector<16xf32>
      %swap3A_729 = vector.shape_cast %scan3A_644#13 : vector<16xf32> to vector<1x16xf32>
      tpu.vector_store %arg7[%swap3A_725, %swap3A_726], %swap3A_729 {strides = array<i32>} : memref<4x256xf32, #tpu.memory_space<vmem>>, vector<1x16xf32>,
      %swap3A_730 = arith.constant 0 : i32
      %swap3A_731 = arith.index_cast %swap3A_730 : i32 to index
      %swap3A_732 = arith.constant 224 : index
      %swap3A_733 = tpu.vector_load %arg7[%swap3A_731, %swap3A_732] {strides = array<i32>} : memref<4x256xf32, #tpu.memory_space<vmem>>, vector<1x16xf32>,
      %swap3A_734 = vector.shape_cast %swap3A_733 : vector<1x16xf32> to vector<16xf32>
      %swap3A_735 = vector.shape_cast %scan3A_644#14 : vector<16xf32> to vector<1x16xf32>
      tpu.vector_store %arg7[%swap3A_731, %swap3A_732], %swap3A_735 {strides = array<i32>} : memref<4x256xf32, #tpu.memory_space<vmem>>, vector<1x16xf32>,
      %swap3A_736 = arith.constant 0 : i32
      %swap3A_737 = arith.index_cast %swap3A_736 : i32 to index
      %swap3A_738 = arith.constant 240 : index
      %swap3A_739 = tpu.vector_load %arg7[%swap3A_737, %swap3A_738] {strides = array<i32>} : memref<4x256xf32, #tpu.memory_space<vmem>>, vector<1x16xf32>,
      %swap3A_740 = vector.shape_cast %swap3A_739 : vector<1x16xf32> to vector<16xf32>
      %swap3A_741 = vector.shape_cast %scan3A_644#15 : vector<16xf32> to vector<1x16xf32>
      tpu.vector_store %arg7[%swap3A_737, %swap3A_738], %swap3A_741 {strides = array<i32>} : memref<4x256xf32, #tpu.memory_space<vmem>>, vector<1x16xf32>,
      %broadcast_in_dim3A_742 = arith.constant 0.000000e+00 : f32
      %broadcast_in_dim3A_743 = vector.broadcast %broadcast_in_dim3A_742 : f32 to vector<16xf32>
      %broadcast_in_dim3A_744 = arith.constant 0.000000e+00 : f32
      %broadcast_in_dim3A_745 = vector.broadcast %broadcast_in_dim3A_744 : f32 to vector<16xf32>
      %broadcast_in_dim3A_746 = arith.constant 0.000000e+00 : f32
      %broadcast_in_dim3A_747 = vector.broadcast %broadcast_in_dim3A_746 : f32 to vector<16xf32>
      %broadcast_in_dim3A_748 = arith.constant 0.000000e+00 : f32
      %broadcast_in_dim3A_749 = vector.broadcast %broadcast_in_dim3A_748 : f32 to vector<16xf32>
      %broadcast_in_dim3A_750 = arith.constant 0.000000e+00 : f32
      %broadcast_in_dim3A_751 = vector.broadcast %broadcast_in_dim3A_750 : f32 to vector<16xf32>
      %broadcast_in_dim3A_752 = arith.constant 0.000000e+00 : f32
      %broadcast_in_dim3A_753 = vector.broadcast %broadcast_in_dim3A_752 : f32 to vector<16xf32>
      %broadcast_in_dim3A_754 = arith.constant 0.000000e+00 : f32
      %broadcast_in_dim3A_755 = vector.broadcast %broadcast_in_dim3A_754 : f32 to vector<16xf32>
      %broadcast_in_dim3A_756 = arith.constant 0.000000e+00 : f32
      %broadcast_in_dim3A_757 = vector.broadcast %broadcast_in_dim3A_756 : f32 to vector<16xf32>
      %broadcast_in_dim3A_758 = arith.constant 0.000000e+00 : f32
      %broadcast_in_dim3A_759 = vector.broadcast %broadcast_in_dim3A_758 : f32 to vector<16xf32>
      %broadcast_in_dim3A_760 = arith.constant 0.000000e+00 : f32
      %broadcast_in_dim3A_761 = vector.broadcast %broadcast_in_dim3A_760 : f32 to vector<16xf32>
      %broadcast_in_dim3A_762 = arith.constant 0.000000e+00 : f32
      %broadcast_in_dim3A_763 = vector.broadcast %broadcast_in_dim3A_762 : f32 to vector<16xf32>
      %broadcast_in_dim3A_764 = arith.constant 0.000000e+00 : f32
      %broadcast_in_dim3A_765 = vector.broadcast %broadcast_in_dim3A_764 : f32 to vector<16xf32>
      %broadcast_in_dim3A_766 = arith.constant 0.000000e+00 : f32
      %broadcast_in_dim3A_767 = vector.broadcast %broadcast_in_dim3A_766 : f32 to vector<16xf32>
      %broadcast_in_dim3A_768 = arith.constant 0.000000e+00 : f32
      %broadcast_in_dim3A_769 = vector.broadcast %broadcast_in_dim3A_768 : f32 to vector<16xf32>
      %broadcast_in_dim3A_770 = arith.constant 0.000000e+00 : f32
      %broadcast_in_dim3A_771 = vector.broadcast %broadcast_in_dim3A_770 : f32 to vector<16xf32>
      %broadcast_in_dim3A_772 = arith.constant 0.000000e+00 : f32
      %broadcast_in_dim3A_773 = vector.broadcast %broadcast_in_dim3A_772 : f32 to vector<16xf32>
      %scan3A_774 = arith.constant 0 : i32
      %scan3A_775 = arith.constant 50 : i32
      %scan3A_776 = arith.addi %scan3A_774, %scan3A_775 : i32
      %scan3A_777 = arith.constant 1 : i32
      %scan3A_778:16 = scf.for %scan3A_1154 = %scan3A_774 to %scan3A_776 step %scan3A_777 iter_args(%scan3A_1155 = %broadcast_in_dim3A_743, %scan3A_1156 = %broadcast_in_dim3A_745, %scan3A_1157 = %broadcast_in_dim3A_747, %scan3A_1158 = %broadcast_in_dim3A_749, %scan3A_1159 = %broadcast_in_dim3A_751, %scan3A_1160 = %broadcast_in_dim3A_753, %scan3A_1161 = %broadcast_in_dim3A_755, %scan3A_1162 = %broadcast_in_dim3A_757, %scan3A_1163 = %broadcast_in_dim3A_759, %scan3A_1164 = %broadcast_in_dim3A_761, %scan3A_1165 = %broadcast_in_dim3A_763, %scan3A_1166 = %broadcast_in_dim3A_765, %scan3A_1167 = %broadcast_in_dim3A_767, %scan3A_1168 = %broadcast_in_dim3A_769, %scan3A_1169 = %broadcast_in_dim3A_771, %scan3A_1170 = %broadcast_in_dim3A_773) -> (vector<16xf32>, vector<16xf32>, vector<16xf32>, vector<16xf32>, vector<16xf32>, vector<16xf32>, vector<16xf32>, vector<16xf32>, vector<16xf32>, vector<16xf32>, vector<16xf32>, vector<16xf32>, vector<16xf32>, vector<16xf32>, vector<16xf32>, vector<16xf32>)  : i32 {
        %add3A_1171 = arith.constant 50 : i32
        %add3A_1172 = arith.addi %add3A_1171, %scan3A_1154 : i32
        %get3A = arith.constant 1 : i32
        %get3A_1173 = arith.index_cast %get3A : i32 to index
        %get3A_1174 = arith.index_cast %add3A_1172 : i32 to index
        %get3A_1175 = arith.constant 0 : index
        %get3A_1176 = tpu.vector_load %arg6[%get3A_1173, %get3A_1174, %get3A_1175] {strides = array<i32>} : memref<2x200x256xf32, #tpu.memory_space<vmem>>, vector<1x1x16xf32>,
        %get3A_1177 = vector.shape_cast %get3A_1176 : vector<1x1x16xf32> to vector<16xf32>
        %add3A_1178 = arith.addf %scan3A_1155, %get3A_1177 : vector<16xf32>
        %add3A_1179 = arith.constant 50 : i32
        %add3A_1180 = arith.addi %add3A_1179, %scan3A_1154 : i32
        %get3A_1181 = arith.constant 1 : i32
        %get3A_1182 = arith.index_cast %get3A_1181 : i32 to index
        %get3A_1183 = arith.index_cast %add3A_1180 : i32 to index
        %get3A_1184 = arith.constant 16 : index
        %get3A_1185 = tpu.vector_load %arg6[%get3A_1182, %get3A_1183, %get3A_1184] {strides = array<i32>} : memref<2x200x256xf32, #tpu.memory_space<vmem>>, vector<1x1x16xf32>,
        %get3A_1186 = vector.shape_cast %get3A_1185 : vector<1x1x16xf32> to vector<16xf32>
        %add3A_1187 = arith.addf %scan3A_1156, %get3A_1186 : vector<16xf32>
        %add3A_1188 = arith.constant 50 : i32
        %add3A_1189 = arith.addi %add3A_1188, %scan3A_1154 : i32
        %get3A_1190 = arith.constant 1 : i32
        %get3A_1191 = arith.index_cast %get3A_1190 : i32 to index
        %get3A_1192 = arith.index_cast %add3A_1189 : i32 to index
        %get3A_1193 = arith.constant 32 : index
        %get3A_1194 = tpu.vector_load %arg6[%get3A_1191, %get3A_1192, %get3A_1193] {strides = array<i32>} : memref<2x200x256xf32, #tpu.memory_space<vmem>>, vector<1x1x16xf32>,
        %get3A_1195 = vector.shape_cast %get3A_1194 : vector<1x1x16xf32> to vector<16xf32>
        %add3A_1196 = arith.addf %scan3A_1157, %get3A_1195 : vector<16xf32>
        %add3A_1197 = arith.constant 50 : i32
        %add3A_1198 = arith.addi %add3A_1197, %scan3A_1154 : i32
        %get3A_1199 = arith.constant 1 : i32
        %get3A_1200 = arith.index_cast %get3A_1199 : i32 to index
        %get3A_1201 = arith.index_cast %add3A_1198 : i32 to index
        %get3A_1202 = arith.constant 48 : index
        %get3A_1203 = tpu.vector_load %arg6[%get3A_1200, %get3A_1201, %get3A_1202] {strides = array<i32>} : memref<2x200x256xf32, #tpu.memory_space<vmem>>, vector<1x1x16xf32>,
        %get3A_1204 = vector.shape_cast %get3A_1203 : vector<1x1x16xf32> to vector<16xf32>
        %add3A_1205 = arith.addf %scan3A_1158, %get3A_1204 : vector<16xf32>
        %add3A_1206 = arith.constant 50 : i32
        %add3A_1207 = arith.addi %add3A_1206, %scan3A_1154 : i32
        %get3A_1208 = arith.constant 1 : i32
        %get3A_1209 = arith.index_cast %get3A_1208 : i32 to index
        %get3A_1210 = arith.index_cast %add3A_1207 : i32 to index
        %get3A_1211 = arith.constant 64 : index
        %get3A_1212 = tpu.vector_load %arg6[%get3A_1209, %get3A_1210, %get3A_1211] {strides = array<i32>} : memref<2x200x256xf32, #tpu.memory_space<vmem>>, vector<1x1x16xf32>,
        %get3A_1213 = vector.shape_cast %get3A_1212 : vector<1x1x16xf32> to vector<16xf32>
        %add3A_1214 = arith.addf %scan3A_1159, %get3A_1213 : vector<16xf32>
        %add3A_1215 = arith.constant 50 : i32
        %add3A_1216 = arith.addi %add3A_1215, %scan3A_1154 : i32
        %get3A_1217 = arith.constant 1 : i32
        %get3A_1218 = arith.index_cast %get3A_1217 : i32 to index
        %get3A_1219 = arith.index_cast %add3A_1216 : i32 to index
        %get3A_1220 = arith.constant 80 : index
        %get3A_1221 = tpu.vector_load %arg6[%get3A_1218, %get3A_1219, %get3A_1220] {strides = array<i32>} : memref<2x200x256xf32, #tpu.memory_space<vmem>>, vector<1x1x16xf32>,
        %get3A_1222 = vector.shape_cast %get3A_1221 : vector<1x1x16xf32> to vector<16xf32>
        %add3A_1223 = arith.addf %scan3A_1160, %get3A_1222 : vector<16xf32>
        %add3A_1224 = arith.constant 50 : i32
        %add3A_1225 = arith.addi %add3A_1224, %scan3A_1154 : i32
        %get3A_1226 = arith.constant 1 : i32
        %get3A_1227 = arith.index_cast %get3A_1226 : i32 to index
        %get3A_1228 = arith.index_cast %add3A_1225 : i32 to index
        %get3A_1229 = arith.constant 96 : index
        %get3A_1230 = tpu.vector_load %arg6[%get3A_1227, %get3A_1228, %get3A_1229] {strides = array<i32>} : memref<2x200x256xf32, #tpu.memory_space<vmem>>, vector<1x1x16xf32>,
        %get3A_1231 = vector.shape_cast %get3A_1230 : vector<1x1x16xf32> to vector<16xf32>
        %add3A_1232 = arith.addf %scan3A_1161, %get3A_1231 : vector<16xf32>
        %add3A_1233 = arith.constant 50 : i32
        %add3A_1234 = arith.addi %add3A_1233, %scan3A_1154 : i32
        %get3A_1235 = arith.constant 1 : i32
        %get3A_1236 = arith.index_cast %get3A_1235 : i32 to index
        %get3A_1237 = arith.index_cast %add3A_1234 : i32 to index
        %get3A_1238 = arith.constant 112 : index
        %get3A_1239 = tpu.vector_load %arg6[%get3A_1236, %get3A_1237, %get3A_1238] {strides = array<i32>} : memref<2x200x256xf32, #tpu.memory_space<vmem>>, vector<1x1x16xf32>,
        %get3A_1240 = vector.shape_cast %get3A_1239 : vector<1x1x16xf32> to vector<16xf32>
        %add3A_1241 = arith.addf %scan3A_1162, %get3A_1240 : vector<16xf32>
        %add3A_1242 = arith.constant 50 : i32
        %add3A_1243 = arith.addi %add3A_1242, %scan3A_1154 : i32
        %get3A_1244 = arith.constant 1 : i32
        %get3A_1245 = arith.index_cast %get3A_1244 : i32 to index
        %get3A_1246 = arith.index_cast %add3A_1243 : i32 to index
        %get3A_1247 = arith.constant 128 : index
        %get3A_1248 = tpu.vector_load %arg6[%get3A_1245, %get3A_1246, %get3A_1247] {strides = array<i32>} : memref<2x200x256xf32, #tpu.memory_space<vmem>>, vector<1x1x16xf32>,
        %get3A_1249 = vector.shape_cast %get3A_1248 : vector<1x1x16xf32> to vector<16xf32>
        %add3A_1250 = arith.addf %scan3A_1163, %get3A_1249 : vector<16xf32>
        %add3A_1251 = arith.constant 50 : i32
        %add3A_1252 = arith.addi %add3A_1251, %scan3A_1154 : i32
        %get3A_1253 = arith.constant 1 : i32
        %get3A_1254 = arith.index_cast %get3A_1253 : i32 to index
        %get3A_1255 = arith.index_cast %add3A_1252 : i32 to index
        %get3A_1256 = arith.constant 144 : index
        %get3A_1257 = tpu.vector_load %arg6[%get3A_1254, %get3A_1255, %get3A_1256] {strides = array<i32>} : memref<2x200x256xf32, #tpu.memory_space<vmem>>, vector<1x1x16xf32>,
        %get3A_1258 = vector.shape_cast %get3A_1257 : vector<1x1x16xf32> to vector<16xf32>
        %add3A_1259 = arith.addf %scan3A_1164, %get3A_1258 : vector<16xf32>
        %add3A_1260 = arith.constant 50 : i32
        %add3A_1261 = arith.addi %add3A_1260, %scan3A_1154 : i32
        %get3A_1262 = arith.constant 1 : i32
        %get3A_1263 = arith.index_cast %get3A_1262 : i32 to index
        %get3A_1264 = arith.index_cast %add3A_1261 : i32 to index
        %get3A_1265 = arith.constant 160 : index
        %get3A_1266 = tpu.vector_load %arg6[%get3A_1263, %get3A_1264, %get3A_1265] {strides = array<i32>} : memref<2x200x256xf32, #tpu.memory_space<vmem>>, vector<1x1x16xf32>,
        %get3A_1267 = vector.shape_cast %get3A_1266 : vector<1x1x16xf32> to vector<16xf32>
        %add3A_1268 = arith.addf %scan3A_1165, %get3A_1267 : vector<16xf32>
        %add3A_1269 = arith.constant 50 : i32
        %add3A_1270 = arith.addi %add3A_1269, %scan3A_1154 : i32
        %get3A_1271 = arith.constant 1 : i32
        %get3A_1272 = arith.index_cast %get3A_1271 : i32 to index
        %get3A_1273 = arith.index_cast %add3A_1270 : i32 to index
        %get3A_1274 = arith.constant 176 : index
        %get3A_1275 = tpu.vector_load %arg6[%get3A_1272, %get3A_1273, %get3A_1274] {strides = array<i32>} : memref<2x200x256xf32, #tpu.memory_space<vmem>>, vector<1x1x16xf32>,
        %get3A_1276 = vector.shape_cast %get3A_1275 : vector<1x1x16xf32> to vector<16xf32>
        %add3A_1277 = arith.addf %scan3A_1166, %get3A_1276 : vector<16xf32>
        %add3A_1278 = arith.constant 50 : i32
        %add3A_1279 = arith.addi %add3A_1278, %scan3A_1154 : i32
        %get3A_1280 = arith.constant 1 : i32
        %get3A_1281 = arith.index_cast %get3A_1280 : i32 to index
        %get3A_1282 = arith.index_cast %add3A_1279 : i32 to index
        %get3A_1283 = arith.constant 192 : index
        %get3A_1284 = tpu.vector_load %arg6[%get3A_1281, %get3A_1282, %get3A_1283] {strides = array<i32>} : memref<2x200x256xf32, #tpu.memory_space<vmem>>, vector<1x1x16xf32>,
        %get3A_1285 = vector.shape_cast %get3A_1284 : vector<1x1x16xf32> to vector<16xf32>
        %add3A_1286 = arith.addf %scan3A_1167, %get3A_1285 : vector<16xf32>
        %add3A_1287 = arith.constant 50 : i32
        %add3A_1288 = arith.addi %add3A_1287, %scan3A_1154 : i32
        %get3A_1289 = arith.constant 1 : i32
        %get3A_1290 = arith.index_cast %get3A_1289 : i32 to index
        %get3A_1291 = arith.index_cast %add3A_1288 : i32 to index
        %get3A_1292 = arith.constant 208 : index
        %get3A_1293 = tpu.vector_load %arg6[%get3A_1290, %get3A_1291, %get3A_1292] {strides = array<i32>} : memref<2x200x256xf32, #tpu.memory_space<vmem>>, vector<1x1x16xf32>,
        %get3A_1294 = vector.shape_cast %get3A_1293 : vector<1x1x16xf32> to vector<16xf32>
        %add3A_1295 = arith.addf %scan3A_1168, %get3A_1294 : vector<16xf32>
        %add3A_1296 = arith.constant 50 : i32
        %add3A_1297 = arith.addi %add3A_1296, %scan3A_1154 : i32
        %get3A_1298 = arith.constant 1 : i32
        %get3A_1299 = arith.index_cast %get3A_1298 : i32 to index
        %get3A_1300 = arith.index_cast %add3A_1297 : i32 to index
        %get3A_1301 = arith.constant 224 : index
        %get3A_1302 = tpu.vector_load %arg6[%get3A_1299, %get3A_1300, %get3A_1301] {strides = array<i32>} : memref<2x200x256xf32, #tpu.memory_space<vmem>>, vector<1x1x16xf32>,
        %get3A_1303 = vector.shape_cast %get3A_1302 : vector<1x1x16xf32> to vector<16xf32>
        %add3A_1304 = arith.addf %scan3A_1169, %get3A_1303 : vector<16xf32>
        %add3A_1305 = arith.constant 50 : i32
        %add3A_1306 = arith.addi %add3A_1305, %scan3A_1154 : i32
        %get3A_1307 = arith.constant 1 : i32
        %get3A_1308 = arith.index_cast %get3A_1307 : i32 to index
        %get3A_1309 = arith.index_cast %add3A_1306 : i32 to index
        %get3A_1310 = arith.constant 240 : index
        %get3A_1311 = tpu.vector_load %arg6[%get3A_1308, %get3A_1309, %get3A_1310] {strides = array<i32>} : memref<2x200x256xf32, #tpu.memory_space<vmem>>, vector<1x1x16xf32>,
        %get3A_1312 = vector.shape_cast %get3A_1311 : vector<1x1x16xf32> to vector<16xf32>
        %add3A_1313 = arith.addf %scan3A_1170, %get3A_1312 : vector<16xf32>
        scf.yield %add3A_1178, %add3A_1187, %add3A_1196, %add3A_1205, %add3A_1214, %add3A_1223, %add3A_1232, %add3A_1241, %add3A_1250, %add3A_1259, %add3A_1268, %add3A_1277, %add3A_1286, %add3A_1295, %add3A_1304, %add3A_1313 : vector<16xf32>, vector<16xf32>, vector<16xf32>, vector<16xf32>, vector<16xf32>, vector<16xf32>, vector<16xf32>, vector<16xf32>, vector<16xf32>, vector<16xf32>, vector<16xf32>, vector<16xf32>, vector<16xf32>, vector<16xf32>, vector<16xf32>, vector<16xf32>
      }
      %scan3A_779 = arith.constant 50 : i32
      %swap3A_780 = arith.constant 1 : i32
      %swap3A_781 = arith.index_cast %swap3A_780 : i32 to index
      %swap3A_782 = arith.constant 0 : index
      %swap3A_783 = tpu.vector_load %arg7[%swap3A_781, %swap3A_782] {strides = array<i32>} : memref<4x256xf32, #tpu.memory_space<vmem>>, vector<1x16xf32>,
      %swap3A_784 = vector.shape_cast %swap3A_783 : vector<1x16xf32> to vector<16xf32>
      %swap3A_785 = vector.shape_cast %scan3A_778#0 : vector<16xf32> to vector<1x16xf32>
      tpu.vector_store %arg7[%swap3A_781, %swap3A_782], %swap3A_785 {strides = array<i32>} : memref<4x256xf32, #tpu.memory_space<vmem>>, vector<1x16xf32>,
      %swap3A_786 = arith.constant 1 : i32
      %swap3A_787 = arith.index_cast %swap3A_786 : i32 to index
      %swap3A_788 = arith.constant 16 : index
      %swap3A_789 = tpu.vector_load %arg7[%swap3A_787, %swap3A_788] {strides = array<i32>} : memref<4x256xf32, #tpu.memory_space<vmem>>, vector<1x16xf32>,
      %swap3A_790 = vector.shape_cast %swap3A_789 : vector<1x16xf32> to vector<16xf32>
      %swap3A_791 = vector.shape_cast %scan3A_778#1 : vector<16xf32> to vector<1x16xf32>
      tpu.vector_store %arg7[%swap3A_787, %swap3A_788], %swap3A_791 {strides = array<i32>} : memref<4x256xf32, #tpu.memory_space<vmem>>, vector<1x16xf32>,
      %swap3A_792 = arith.constant 1 : i32
      %swap3A_793 = arith.index_cast %swap3A_792 : i32 to index
      %swap3A_794 = arith.constant 32 : index
      %swap3A_795 = tpu.vector_load %arg7[%swap3A_793, %swap3A_794] {strides = array<i32>} : memref<4x256xf32, #tpu.memory_space<vmem>>, vector<1x16xf32>,
      %swap3A_796 = vector.shape_cast %swap3A_795 : vector<1x16xf32> to vector<16xf32>
      %swap3A_797 = vector.shape_cast %scan3A_778#2 : vector<16xf32> to vector<1x16xf32>
      tpu.vector_store %arg7[%swap3A_793, %swap3A_794], %swap3A_797 {strides = array<i32>} : memref<4x256xf32, #tpu.memory_space<vmem>>, vector<1x16xf32>,
      %swap3A_798 = arith.constant 1 : i32
      %swap3A_799 = arith.index_cast %swap3A_798 : i32 to index
      %swap3A_800 = arith.constant 48 : index
      %swap3A_801 = tpu.vector_load %arg7[%swap3A_799, %swap3A_800] {strides = array<i32>} : memref<4x256xf32, #tpu.memory_space<vmem>>, vector<1x16xf32>,
      %swap3A_802 = vector.shape_cast %swap3A_801 : vector<1x16xf32> to vector<16xf32>
      %swap3A_803 = vector.shape_cast %scan3A_778#3 : vector<16xf32> to vector<1x16xf32>
      tpu.vector_store %arg7[%swap3A_799, %swap3A_800], %swap3A_803 {strides = array<i32>} : memref<4x256xf32, #tpu.memory_space<vmem>>, vector<1x16xf32>,
      %swap3A_804 = arith.constant 1 : i32
      %swap3A_805 = arith.index_cast %swap3A_804 : i32 to index
      %swap3A_806 = arith.constant 64 : index
      %swap3A_807 = tpu.vector_load %arg7[%swap3A_805, %swap3A_806] {strides = array<i32>} : memref<4x256xf32, #tpu.memory_space<vmem>>, vector<1x16xf32>,
      %swap3A_808 = vector.shape_cast %swap3A_807 : vector<1x16xf32> to vector<16xf32>
      %swap3A_809 = vector.shape_cast %scan3A_778#4 : vector<16xf32> to vector<1x16xf32>
      tpu.vector_store %arg7[%swap3A_805, %swap3A_806], %swap3A_809 {strides = array<i32>} : memref<4x256xf32, #tpu.memory_space<vmem>>, vector<1x16xf32>,
      %swap3A_810 = arith.constant 1 : i32
      %swap3A_811 = arith.index_cast %swap3A_810 : i32 to index
      %swap3A_812 = arith.constant 80 : index
      %swap3A_813 = tpu.vector_load %arg7[%swap3A_811, %swap3A_812] {strides = array<i32>} : memref<4x256xf32, #tpu.memory_space<vmem>>, vector<1x16xf32>,
      %swap3A_814 = vector.shape_cast %swap3A_813 : vector<1x16xf32> to vector<16xf32>
      %swap3A_815 = vector.shape_cast %scan3A_778#5 : vector<16xf32> to vector<1x16xf32>
      tpu.vector_store %arg7[%swap3A_811, %swap3A_812], %swap3A_815 {strides = array<i32>} : memref<4x256xf32, #tpu.memory_space<vmem>>, vector<1x16xf32>,
      %swap3A_816 = arith.constant 1 : i32
      %swap3A_817 = arith.index_cast %swap3A_816 : i32 to index
      %swap3A_818 = arith.constant 96 : index
      %swap3A_819 = tpu.vector_load %arg7[%swap3A_817, %swap3A_818] {strides = array<i32>} : memref<4x256xf32, #tpu.memory_space<vmem>>, vector<1x16xf32>,
      %swap3A_820 = vector.shape_cast %swap3A_819 : vector<1x16xf32> to vector<16xf32>
      %swap3A_821 = vector.shape_cast %scan3A_778#6 : vector<16xf32> to vector<1x16xf32>
      tpu.vector_store %arg7[%swap3A_817, %swap3A_818], %swap3A_821 {strides = array<i32>} : memref<4x256xf32, #tpu.memory_space<vmem>>, vector<1x16xf32>,
      %swap3A_822 = arith.constant 1 : i32
      %swap3A_823 = arith.index_cast %swap3A_822 : i32 to index
      %swap3A_824 = arith.constant 112 : index
      %swap3A_825 = tpu.vector_load %arg7[%swap3A_823, %swap3A_824] {strides = array<i32>} : memref<4x256xf32, #tpu.memory_space<vmem>>, vector<1x16xf32>,
      %swap3A_826 = vector.shape_cast %swap3A_825 : vector<1x16xf32> to vector<16xf32>
      %swap3A_827 = vector.shape_cast %scan3A_778#7 : vector<16xf32> to vector<1x16xf32>
      tpu.vector_store %arg7[%swap3A_823, %swap3A_824], %swap3A_827 {strides = array<i32>} : memref<4x256xf32, #tpu.memory_space<vmem>>, vector<1x16xf32>,
      %swap3A_828 = arith.constant 1 : i32
      %swap3A_829 = arith.index_cast %swap3A_828 : i32 to index
      %swap3A_830 = arith.constant 128 : index
      %swap3A_831 = tpu.vector_load %arg7[%swap3A_829, %swap3A_830] {strides = array<i32>} : memref<4x256xf32, #tpu.memory_space<vmem>>, vector<1x16xf32>,
      %swap3A_832 = vector.shape_cast %swap3A_831 : vector<1x16xf32> to vector<16xf32>
      %swap3A_833 = vector.shape_cast %scan3A_778#8 : vector<16xf32> to vector<1x16xf32>
      tpu.vector_store %arg7[%swap3A_829, %swap3A_830], %swap3A_833 {strides = array<i32>} : memref<4x256xf32, #tpu.memory_space<vmem>>, vector<1x16xf32>,
      %swap3A_834 = arith.constant 1 : i32
      %swap3A_835 = arith.index_cast %swap3A_834 : i32 to index
      %swap3A_836 = arith.constant 144 : index
      %swap3A_837 = tpu.vector_load %arg7[%swap3A_835, %swap3A_836] {strides = array<i32>} : memref<4x256xf32, #tpu.memory_space<vmem>>, vector<1x16xf32>,
      %swap3A_838 = vector.shape_cast %swap3A_837 : vector<1x16xf32> to vector<16xf32>
      %swap3A_839 = vector.shape_cast %scan3A_778#9 : vector<16xf32> to vector<1x16xf32>
      tpu.vector_store %arg7[%swap3A_835, %swap3A_836], %swap3A_839 {strides = array<i32>} : memref<4x256xf32, #tpu.memory_space<vmem>>, vector<1x16xf32>,
      %swap3A_840 = arith.constant 1 : i32
      %swap3A_841 = arith.index_cast %swap3A_840 : i32 to index
      %swap3A_842 = arith.constant 160 : index
      %swap3A_843 = tpu.vector_load %arg7[%swap3A_841, %swap3A_842] {strides = array<i32>} : memref<4x256xf32, #tpu.memory_space<vmem>>, vector<1x16xf32>,
      %swap3A_844 = vector.shape_cast %swap3A_843 : vector<1x16xf32> to vector<16xf32>
      %swap3A_845 = vector.shape_cast %scan3A_778#10 : vector<16xf32> to vector<1x16xf32>
      tpu.vector_store %arg7[%swap3A_841, %swap3A_842], %swap3A_845 {strides = array<i32>} : memref<4x256xf32, #tpu.memory_space<vmem>>, vector<1x16xf32>,
      %swap3A_846 = arith.constant 1 : i32
      %swap3A_847 = arith.index_cast %swap3A_846 : i32 to index
      %swap3A_848 = arith.constant 176 : index
      %swap3A_849 = tpu.vector_load %arg7[%swap3A_847, %swap3A_848] {strides = array<i32>} : memref<4x256xf32, #tpu.memory_space<vmem>>, vector<1x16xf32>,
      %swap3A_850 = vector.shape_cast %swap3A_849 : vector<1x16xf32> to vector<16xf32>
      %swap3A_851 = vector.shape_cast %scan3A_778#11 : vector<16xf32> to vector<1x16xf32>
      tpu.vector_store %arg7[%swap3A_847, %swap3A_848], %swap3A_851 {strides = array<i32>} : memref<4x256xf32, #tpu.memory_space<vmem>>, vector<1x16xf32>,
      %swap3A_852 = arith.constant 1 : i32
      %swap3A_853 = arith.index_cast %swap3A_852 : i32 to index
      %swap3A_854 = arith.constant 192 : index
      %swap3A_855 = tpu.vector_load %arg7[%swap3A_853, %swap3A_854] {strides = array<i32>} : memref<4x256xf32, #tpu.memory_space<vmem>>, vector<1x16xf32>,
      %swap3A_856 = vector.shape_cast %swap3A_855 : vector<1x16xf32> to vector<16xf32>
      %swap3A_857 = vector.shape_cast %scan3A_778#12 : vector<16xf32> to vector<1x16xf32>
      tpu.vector_store %arg7[%swap3A_853, %swap3A_854], %swap3A_857 {strides = array<i32>} : memref<4x256xf32, #tpu.memory_space<vmem>>, vector<1x16xf32>,
      %swap3A_858 = arith.constant 1 : i32
      %swap3A_859 = arith.index_cast %swap3A_858 : i32 to index
      %swap3A_860 = arith.constant 208 : index
      %swap3A_861 = tpu.vector_load %arg7[%swap3A_859, %swap3A_860] {strides = array<i32>} : memref<4x256xf32, #tpu.memory_space<vmem>>, vector<1x16xf32>,
      %swap3A_862 = vector.shape_cast %swap3A_861 : vector<1x16xf32> to vector<16xf32>
      %swap3A_863 = vector.shape_cast %scan3A_778#13 : vector<16xf32> to vector<1x16xf32>
      tpu.vector_store %arg7[%swap3A_859, %swap3A_860], %swap3A_863 {strides = array<i32>} : memref<4x256xf32, #tpu.memory_space<vmem>>, vector<1x16xf32>,
      %swap3A_864 = arith.constant 1 : i32
      %swap3A_865 = arith.index_cast %swap3A_864 : i32 to index
      %swap3A_866 = arith.constant 224 : index
      %swap3A_867 = tpu.vector_load %arg7[%swap3A_865, %swap3A_866] {strides = array<i32>} : memref<4x256xf32, #tpu.memory_space<vmem>>, vector<1x16xf32>,
      %swap3A_868 = vector.shape_cast %swap3A_867 : vector<1x16xf32> to vector<16xf32>
      %swap3A_869 = vector.shape_cast %scan3A_778#14 : vector<16xf32> to vector<1x16xf32>
      tpu.vector_store %arg7[%swap3A_865, %swap3A_866], %swap3A_869 {strides = array<i32>} : memref<4x256xf32, #tpu.memory_space<vmem>>, vector<1x16xf32>,
      %swap3A_870 = arith.constant 1 : i32
      %swap3A_871 = arith.index_cast %swap3A_870 : i32 to index
      %swap3A_872 = arith.constant 240 : index
      %swap3A_873 = tpu.vector_load %arg7[%swap3A_871, %swap3A_872] {strides = array<i32>} : memref<4x256xf32, #tpu.memory_space<vmem>>, vector<1x16xf32>,
      %swap3A_874 = vector.shape_cast %swap3A_873 : vector<1x16xf32> to vector<16xf32>
      %swap3A_875 = vector.shape_cast %scan3A_778#15 : vector<16xf32> to vector<1x16xf32>
      tpu.vector_store %arg7[%swap3A_871, %swap3A_872], %swap3A_875 {strides = array<i32>} : memref<4x256xf32, #tpu.memory_space<vmem>>, vector<1x16xf32>,
      %broadcast_in_dim3A_876 = arith.constant 0.000000e+00 : f32
      %broadcast_in_dim3A_877 = vector.broadcast %broadcast_in_dim3A_876 : f32 to vector<16xf32>
      %broadcast_in_dim3A_878 = arith.constant 0.000000e+00 : f32
      %broadcast_in_dim3A_879 = vector.broadcast %broadcast_in_dim3A_878 : f32 to vector<16xf32>
      %broadcast_in_dim3A_880 = arith.constant 0.000000e+00 : f32
      %broadcast_in_dim3A_881 = vector.broadcast %broadcast_in_dim3A_880 : f32 to vector<16xf32>
      %broadcast_in_dim3A_882 = arith.constant 0.000000e+00 : f32
      %broadcast_in_dim3A_883 = vector.broadcast %broadcast_in_dim3A_882 : f32 to vector<16xf32>
      %broadcast_in_dim3A_884 = arith.constant 0.000000e+00 : f32
      %broadcast_in_dim3A_885 = vector.broadcast %broadcast_in_dim3A_884 : f32 to vector<16xf32>
      %broadcast_in_dim3A_886 = arith.constant 0.000000e+00 : f32
      %broadcast_in_dim3A_887 = vector.broadcast %broadcast_in_dim3A_886 : f32 to vector<16xf32>
      %broadcast_in_dim3A_888 = arith.constant 0.000000e+00 : f32
      %broadcast_in_dim3A_889 = vector.broadcast %broadcast_in_dim3A_888 : f32 to vector<16xf32>
      %broadcast_in_dim3A_890 = arith.constant 0.000000e+00 : f32
      %broadcast_in_dim3A_891 = vector.broadcast %broadcast_in_dim3A_890 : f32 to vector<16xf32>
      %broadcast_in_dim3A_892 = arith.constant 0.000000e+00 : f32
      %broadcast_in_dim3A_893 = vector.broadcast %broadcast_in_dim3A_892 : f32 to vector<16xf32>
      %broadcast_in_dim3A_894 = arith.constant 0.000000e+00 : f32
      %broadcast_in_dim3A_895 = vector.broadcast %broadcast_in_dim3A_894 : f32 to vector<16xf32>
      %broadcast_in_dim3A_896 = arith.constant 0.000000e+00 : f32
      %broadcast_in_dim3A_897 = vector.broadcast %broadcast_in_dim3A_896 : f32 to vector<16xf32>
      %broadcast_in_dim3A_898 = arith.constant 0.000000e+00 : f32
      %broadcast_in_dim3A_899 = vector.broadcast %broadcast_in_dim3A_898 : f32 to vector<16xf32>
      %broadcast_in_dim3A_900 = arith.constant 0.000000e+00 : f32
      %broadcast_in_dim3A_901 = vector.broadcast %broadcast_in_dim3A_900 : f32 to vector<16xf32>
      %broadcast_in_dim3A_902 = arith.constant 0.000000e+00 : f32
      %broadcast_in_dim3A_903 = vector.broadcast %broadcast_in_dim3A_902 : f32 to vector<16xf32>
      %broadcast_in_dim3A_904 = arith.constant 0.000000e+00 : f32
      %broadcast_in_dim3A_905 = vector.broadcast %broadcast_in_dim3A_904 : f32 to vector<16xf32>
      %broadcast_in_dim3A_906 = arith.constant 0.000000e+00 : f32
      %broadcast_in_dim3A_907 = vector.broadcast %broadcast_in_dim3A_906 : f32 to vector<16xf32>
      %scan3A_908 = arith.constant 0 : i32
      %scan3A_909 = arith.constant 50 : i32
      %scan3A_910 = arith.addi %scan3A_908, %scan3A_909 : i32
      %scan3A_911 = arith.constant 1 : i32
      %scan3A_912:16 = scf.for %scan3A_1154 = %scan3A_908 to %scan3A_910 step %scan3A_911 iter_args(%scan3A_1155 = %broadcast_in_dim3A_877, %scan3A_1156 = %broadcast_in_dim3A_879, %scan3A_1157 = %broadcast_in_dim3A_881, %scan3A_1158 = %broadcast_in_dim3A_883, %scan3A_1159 = %broadcast_in_dim3A_885, %scan3A_1160 = %broadcast_in_dim3A_887, %scan3A_1161 = %broadcast_in_dim3A_889, %scan3A_1162 = %broadcast_in_dim3A_891, %scan3A_1163 = %broadcast_in_dim3A_893, %scan3A_1164 = %broadcast_in_dim3A_895, %scan3A_1165 = %broadcast_in_dim3A_897, %scan3A_1166 = %broadcast_in_dim3A_899, %scan3A_1167 = %broadcast_in_dim3A_901, %scan3A_1168 = %broadcast_in_dim3A_903, %scan3A_1169 = %broadcast_in_dim3A_905, %scan3A_1170 = %broadcast_in_dim3A_907) -> (vector<16xf32>, vector<16xf32>, vector<16xf32>, vector<16xf32>, vector<16xf32>, vector<16xf32>, vector<16xf32>, vector<16xf32>, vector<16xf32>, vector<16xf32>, vector<16xf32>, vector<16xf32>, vector<16xf32>, vector<16xf32>, vector<16xf32>, vector<16xf32>)  : i32 {
        %add3A_1171 = arith.constant 100 : i32
        %add3A_1172 = arith.addi %add3A_1171, %scan3A_1154 : i32
        %get3A = arith.constant 1 : i32
        %get3A_1173 = arith.index_cast %get3A : i32 to index
        %get3A_1174 = arith.index_cast %add3A_1172 : i32 to index
        %get3A_1175 = arith.constant 0 : index
        %get3A_1176 = tpu.vector_load %arg6[%get3A_1173, %get3A_1174, %get3A_1175] {strides = array<i32>} : memref<2x200x256xf32, #tpu.memory_space<vmem>>, vector<1x1x16xf32>,
        %get3A_1177 = vector.shape_cast %get3A_1176 : vector<1x1x16xf32> to vector<16xf32>
        %add3A_1178 = arith.addf %scan3A_1155, %get3A_1177 : vector<16xf32>
        %add3A_1179 = arith.constant 100 : i32
        %add3A_1180 = arith.addi %add3A_1179, %scan3A_1154 : i32
        %get3A_1181 = arith.constant 1 : i32
        %get3A_1182 = arith.index_cast %get3A_1181 : i32 to index
        %get3A_1183 = arith.index_cast %add3A_1180 : i32 to index
        %get3A_1184 = arith.constant 16 : index
        %get3A_1185 = tpu.vector_load %arg6[%get3A_1182, %get3A_1183, %get3A_1184] {strides = array<i32>} : memref<2x200x256xf32, #tpu.memory_space<vmem>>, vector<1x1x16xf32>,
        %get3A_1186 = vector.shape_cast %get3A_1185 : vector<1x1x16xf32> to vector<16xf32>
        %add3A_1187 = arith.addf %scan3A_1156, %get3A_1186 : vector<16xf32>
        %add3A_1188 = arith.constant 100 : i32
        %add3A_1189 = arith.addi %add3A_1188, %scan3A_1154 : i32
        %get3A_1190 = arith.constant 1 : i32
        %get3A_1191 = arith.index_cast %get3A_1190 : i32 to index
        %get3A_1192 = arith.index_cast %add3A_1189 : i32 to index
        %get3A_1193 = arith.constant 32 : index
        %get3A_1194 = tpu.vector_load %arg6[%get3A_1191, %get3A_1192, %get3A_1193] {strides = array<i32>} : memref<2x200x256xf32, #tpu.memory_space<vmem>>, vector<1x1x16xf32>,
        %get3A_1195 = vector.shape_cast %get3A_1194 : vector<1x1x16xf32> to vector<16xf32>
        %add3A_1196 = arith.addf %scan3A_1157, %get3A_1195 : vector<16xf32>
        %add3A_1197 = arith.constant 100 : i32
        %add3A_1198 = arith.addi %add3A_1197, %scan3A_1154 : i32
        %get3A_1199 = arith.constant 1 : i32
        %get3A_1200 = arith.index_cast %get3A_1199 : i32 to index
        %get3A_1201 = arith.index_cast %add3A_1198 : i32 to index
        %get3A_1202 = arith.constant 48 : index
        %get3A_1203 = tpu.vector_load %arg6[%get3A_1200, %get3A_1201, %get3A_1202] {strides = array<i32>} : memref<2x200x256xf32, #tpu.memory_space<vmem>>, vector<1x1x16xf32>,
        %get3A_1204 = vector.shape_cast %get3A_1203 : vector<1x1x16xf32> to vector<16xf32>
        %add3A_1205 = arith.addf %scan3A_1158, %get3A_1204 : vector<16xf32>
        %add3A_1206 = arith.constant 100 : i32
        %add3A_1207 = arith.addi %add3A_1206, %scan3A_1154 : i32
        %get3A_1208 = arith.constant 1 : i32
        %get3A_1209 = arith.index_cast %get3A_1208 : i32 to index
        %get3A_1210 = arith.index_cast %add3A_1207 : i32 to index
        %get3A_1211 = arith.constant 64 : index
        %get3A_1212 = tpu.vector_load %arg6[%get3A_1209, %get3A_1210, %get3A_1211] {strides = array<i32>} : memref<2x200x256xf32, #tpu.memory_space<vmem>>, vector<1x1x16xf32>,
        %get3A_1213 = vector.shape_cast %get3A_1212 : vector<1x1x16xf32> to vector<16xf32>
        %add3A_1214 = arith.addf %scan3A_1159, %get3A_1213 : vector<16xf32>
        %add3A_1215 = arith.constant 100 : i32
        %add3A_1216 = arith.addi %add3A_1215, %scan3A_1154 : i32
        %get3A_1217 = arith.constant 1 : i32
        %get3A_1218 = arith.index_cast %get3A_1217 : i32 to index
        %get3A_1219 = arith.index_cast %add3A_1216 : i32 to index
        %get3A_1220 = arith.constant 80 : index
        %get3A_1221 = tpu.vector_load %arg6[%get3A_1218, %get3A_1219, %get3A_1220] {strides = array<i32>} : memref<2x200x256xf32, #tpu.memory_space<vmem>>, vector<1x1x16xf32>,
        %get3A_1222 = vector.shape_cast %get3A_1221 : vector<1x1x16xf32> to vector<16xf32>
        %add3A_1223 = arith.addf %scan3A_1160, %get3A_1222 : vector<16xf32>
        %add3A_1224 = arith.constant 100 : i32
        %add3A_1225 = arith.addi %add3A_1224, %scan3A_1154 : i32
        %get3A_1226 = arith.constant 1 : i32
        %get3A_1227 = arith.index_cast %get3A_1226 : i32 to index
        %get3A_1228 = arith.index_cast %add3A_1225 : i32 to index
        %get3A_1229 = arith.constant 96 : index
        %get3A_1230 = tpu.vector_load %arg6[%get3A_1227, %get3A_1228, %get3A_1229] {strides = array<i32>} : memref<2x200x256xf32, #tpu.memory_space<vmem>>, vector<1x1x16xf32>,
        %get3A_1231 = vector.shape_cast %get3A_1230 : vector<1x1x16xf32> to vector<16xf32>
        %add3A_1232 = arith.addf %scan3A_1161, %get3A_1231 : vector<16xf32>
        %add3A_1233 = arith.constant 100 : i32
        %add3A_1234 = arith.addi %add3A_1233, %scan3A_1154 : i32
        %get3A_1235 = arith.constant 1 : i32
        %get3A_1236 = arith.index_cast %get3A_1235 : i32 to index
        %get3A_1237 = arith.index_cast %add3A_1234 : i32 to index
        %get3A_1238 = arith.constant 112 : index
        %get3A_1239 = tpu.vector_load %arg6[%get3A_1236, %get3A_1237, %get3A_1238] {strides = array<i32>} : memref<2x200x256xf32, #tpu.memory_space<vmem>>, vector<1x1x16xf32>,
        %get3A_1240 = vector.shape_cast %get3A_1239 : vector<1x1x16xf32> to vector<16xf32>
        %add3A_1241 = arith.addf %scan3A_1162, %get3A_1240 : vector<16xf32>
        %add3A_1242 = arith.constant 100 : i32
        %add3A_1243 = arith.addi %add3A_1242, %scan3A_1154 : i32
        %get3A_1244 = arith.constant 1 : i32
        %get3A_1245 = arith.index_cast %get3A_1244 : i32 to index
        %get3A_1246 = arith.index_cast %add3A_1243 : i32 to index
        %get3A_1247 = arith.constant 128 : index
        %get3A_1248 = tpu.vector_load %arg6[%get3A_1245, %get3A_1246, %get3A_1247] {strides = array<i32>} : memref<2x200x256xf32, #tpu.memory_space<vmem>>, vector<1x1x16xf32>,
        %get3A_1249 = vector.shape_cast %get3A_1248 : vector<1x1x16xf32> to vector<16xf32>
        %add3A_1250 = arith.addf %scan3A_1163, %get3A_1249 : vector<16xf32>
        %add3A_1251 = arith.constant 100 : i32
        %add3A_1252 = arith.addi %add3A_1251, %scan3A_1154 : i32
        %get3A_1253 = arith.constant 1 : i32
        %get3A_1254 = arith.index_cast %get3A_1253 : i32 to index
        %get3A_1255 = arith.index_cast %add3A_1252 : i32 to index
        %get3A_1256 = arith.constant 144 : index
        %get3A_1257 = tpu.vector_load %arg6[%get3A_1254, %get3A_1255, %get3A_1256] {strides = array<i32>} : memref<2x200x256xf32, #tpu.memory_space<vmem>>, vector<1x1x16xf32>,
        %get3A_1258 = vector.shape_cast %get3A_1257 : vector<1x1x16xf32> to vector<16xf32>
        %add3A_1259 = arith.addf %scan3A_1164, %get3A_1258 : vector<16xf32>
        %add3A_1260 = arith.constant 100 : i32
        %add3A_1261 = arith.addi %add3A_1260, %scan3A_1154 : i32
        %get3A_1262 = arith.constant 1 : i32
        %get3A_1263 = arith.index_cast %get3A_1262 : i32 to index
        %get3A_1264 = arith.index_cast %add3A_1261 : i32 to index
        %get3A_1265 = arith.constant 160 : index
        %get3A_1266 = tpu.vector_load %arg6[%get3A_1263, %get3A_1264, %get3A_1265] {strides = array<i32>} : memref<2x200x256xf32, #tpu.memory_space<vmem>>, vector<1x1x16xf32>,
        %get3A_1267 = vector.shape_cast %get3A_1266 : vector<1x1x16xf32> to vector<16xf32>
        %add3A_1268 = arith.addf %scan3A_1165, %get3A_1267 : vector<16xf32>
        %add3A_1269 = arith.constant 100 : i32
        %add3A_1270 = arith.addi %add3A_1269, %scan3A_1154 : i32
        %get3A_1271 = arith.constant 1 : i32
        %get3A_1272 = arith.index_cast %get3A_1271 : i32 to index
        %get3A_1273 = arith.index_cast %add3A_1270 : i32 to index
        %get3A_1274 = arith.constant 176 : index
        %get3A_1275 = tpu.vector_load %arg6[%get3A_1272, %get3A_1273, %get3A_1274] {strides = array<i32>} : memref<2x200x256xf32, #tpu.memory_space<vmem>>, vector<1x1x16xf32>,
        %get3A_1276 = vector.shape_cast %get3A_1275 : vector<1x1x16xf32> to vector<16xf32>
        %add3A_1277 = arith.addf %scan3A_1166, %get3A_1276 : vector<16xf32>
        %add3A_1278 = arith.constant 100 : i32
        %add3A_1279 = arith.addi %add3A_1278, %scan3A_1154 : i32
        %get3A_1280 = arith.constant 1 : i32
        %get3A_1281 = arith.index_cast %get3A_1280 : i32 to index
        %get3A_1282 = arith.index_cast %add3A_1279 : i32 to index
        %get3A_1283 = arith.constant 192 : index
        %get3A_1284 = tpu.vector_load %arg6[%get3A_1281, %get3A_1282, %get3A_1283] {strides = array<i32>} : memref<2x200x256xf32, #tpu.memory_space<vmem>>, vector<1x1x16xf32>,
        %get3A_1285 = vector.shape_cast %get3A_1284 : vector<1x1x16xf32> to vector<16xf32>
        %add3A_1286 = arith.addf %scan3A_1167, %get3A_1285 : vector<16xf32>
        %add3A_1287 = arith.constant 100 : i32
        %add3A_1288 = arith.addi %add3A_1287, %scan3A_1154 : i32
        %get3A_1289 = arith.constant 1 : i32
        %get3A_1290 = arith.index_cast %get3A_1289 : i32 to index
        %get3A_1291 = arith.index_cast %add3A_1288 : i32 to index
        %get3A_1292 = arith.constant 208 : index
        %get3A_1293 = tpu.vector_load %arg6[%get3A_1290, %get3A_1291, %get3A_1292] {strides = array<i32>} : memref<2x200x256xf32, #tpu.memory_space<vmem>>, vector<1x1x16xf32>,
        %get3A_1294 = vector.shape_cast %get3A_1293 : vector<1x1x16xf32> to vector<16xf32>
        %add3A_1295 = arith.addf %scan3A_1168, %get3A_1294 : vector<16xf32>
        %add3A_1296 = arith.constant 100 : i32
        %add3A_1297 = arith.addi %add3A_1296, %scan3A_1154 : i32
        %get3A_1298 = arith.constant 1 : i32
        %get3A_1299 = arith.index_cast %get3A_1298 : i32 to index
        %get3A_1300 = arith.index_cast %add3A_1297 : i32 to index
        %get3A_1301 = arith.constant 224 : index
        %get3A_1302 = tpu.vector_load %arg6[%get3A_1299, %get3A_1300, %get3A_1301] {strides = array<i32>} : memref<2x200x256xf32, #tpu.memory_space<vmem>>, vector<1x1x16xf32>,
        %get3A_1303 = vector.shape_cast %get3A_1302 : vector<1x1x16xf32> to vector<16xf32>
        %add3A_1304 = arith.addf %scan3A_1169, %get3A_1303 : vector<16xf32>
        %add3A_1305 = arith.constant 100 : i32
        %add3A_1306 = arith.addi %add3A_1305, %scan3A_1154 : i32
        %get3A_1307 = arith.constant 1 : i32
        %get3A_1308 = arith.index_cast %get3A_1307 : i32 to index
        %get3A_1309 = arith.index_cast %add3A_1306 : i32 to index
        %get3A_1310 = arith.constant 240 : index
        %get3A_1311 = tpu.vector_load %arg6[%get3A_1308, %get3A_1309, %get3A_1310] {strides = array<i32>} : memref<2x200x256xf32, #tpu.memory_space<vmem>>, vector<1x1x16xf32>,
        %get3A_1312 = vector.shape_cast %get3A_1311 : vector<1x1x16xf32> to vector<16xf32>
        %add3A_1313 = arith.addf %scan3A_1170, %get3A_1312 : vector<16xf32>
        scf.yield %add3A_1178, %add3A_1187, %add3A_1196, %add3A_1205, %add3A_1214, %add3A_1223, %add3A_1232, %add3A_1241, %add3A_1250, %add3A_1259, %add3A_1268, %add3A_1277, %add3A_1286, %add3A_1295, %add3A_1304, %add3A_1313 : vector<16xf32>, vector<16xf32>, vector<16xf32>, vector<16xf32>, vector<16xf32>, vector<16xf32>, vector<16xf32>, vector<16xf32>, vector<16xf32>, vector<16xf32>, vector<16xf32>, vector<16xf32>, vector<16xf32>, vector<16xf32>, vector<16xf32>, vector<16xf32>
      }
      %scan3A_913 = arith.constant 50 : i32
      %swap3A_914 = arith.constant 2 : i32
      %swap3A_915 = arith.index_cast %swap3A_914 : i32 to index
      %swap3A_916 = arith.constant 0 : index
      %swap3A_917 = tpu.vector_load %arg7[%swap3A_915, %swap3A_916] {strides = array<i32>} : memref<4x256xf32, #tpu.memory_space<vmem>>, vector<1x16xf32>,
      %swap3A_918 = vector.shape_cast %swap3A_917 : vector<1x16xf32> to vector<16xf32>
      %swap3A_919 = vector.shape_cast %scan3A_912#0 : vector<16xf32> to vector<1x16xf32>
      tpu.vector_store %arg7[%swap3A_915, %swap3A_916], %swap3A_919 {strides = array<i32>} : memref<4x256xf32, #tpu.memory_space<vmem>>, vector<1x16xf32>,
      %swap3A_920 = arith.constant 2 : i32
      %swap3A_921 = arith.index_cast %swap3A_920 : i32 to index
      %swap3A_922 = arith.constant 16 : index
      %swap3A_923 = tpu.vector_load %arg7[%swap3A_921, %swap3A_922] {strides = array<i32>} : memref<4x256xf32, #tpu.memory_space<vmem>>, vector<1x16xf32>,
      %swap3A_924 = vector.shape_cast %swap3A_923 : vector<1x16xf32> to vector<16xf32>
      %swap3A_925 = vector.shape_cast %scan3A_912#1 : vector<16xf32> to vector<1x16xf32>
      tpu.vector_store %arg7[%swap3A_921, %swap3A_922], %swap3A_925 {strides = array<i32>} : memref<4x256xf32, #tpu.memory_space<vmem>>, vector<1x16xf32>,
      %swap3A_926 = arith.constant 2 : i32
      %swap3A_927 = arith.index_cast %swap3A_926 : i32 to index
      %swap3A_928 = arith.constant 32 : index
      %swap3A_929 = tpu.vector_load %arg7[%swap3A_927, %swap3A_928] {strides = array<i32>} : memref<4x256xf32, #tpu.memory_space<vmem>>, vector<1x16xf32>,
      %swap3A_930 = vector.shape_cast %swap3A_929 : vector<1x16xf32> to vector<16xf32>
      %swap3A_931 = vector.shape_cast %scan3A_912#2 : vector<16xf32> to vector<1x16xf32>
      tpu.vector_store %arg7[%swap3A_927, %swap3A_928], %swap3A_931 {strides = array<i32>} : memref<4x256xf32, #tpu.memory_space<vmem>>, vector<1x16xf32>,
      %swap3A_932 = arith.constant 2 : i32
      %swap3A_933 = arith.index_cast %swap3A_932 : i32 to index
      %swap3A_934 = arith.constant 48 : index
      %swap3A_935 = tpu.vector_load %arg7[%swap3A_933, %swap3A_934] {strides = array<i32>} : memref<4x256xf32, #tpu.memory_space<vmem>>, vector<1x16xf32>,
      %swap3A_936 = vector.shape_cast %swap3A_935 : vector<1x16xf32> to vector<16xf32>
      %swap3A_937 = vector.shape_cast %scan3A_912#3 : vector<16xf32> to vector<1x16xf32>
      tpu.vector_store %arg7[%swap3A_933, %swap3A_934], %swap3A_937 {strides = array<i32>} : memref<4x256xf32, #tpu.memory_space<vmem>>, vector<1x16xf32>,
      %swap3A_938 = arith.constant 2 : i32
      %swap3A_939 = arith.index_cast %swap3A_938 : i32 to index
      %swap3A_940 = arith.constant 64 : index
      %swap3A_941 = tpu.vector_load %arg7[%swap3A_939, %swap3A_940] {strides = array<i32>} : memref<4x256xf32, #tpu.memory_space<vmem>>, vector<1x16xf32>,
      %swap3A_942 = vector.shape_cast %swap3A_941 : vector<1x16xf32> to vector<16xf32>
      %swap3A_943 = vector.shape_cast %scan3A_912#4 : vector<16xf32> to vector<1x16xf32>
      tpu.vector_store %arg7[%swap3A_939, %swap3A_940], %swap3A_943 {strides = array<i32>} : memref<4x256xf32, #tpu.memory_space<vmem>>, vector<1x16xf32>,
      %swap3A_944 = arith.constant 2 : i32
      %swap3A_945 = arith.index_cast %swap3A_944 : i32 to index
      %swap3A_946 = arith.constant 80 : index
      %swap3A_947 = tpu.vector_load %arg7[%swap3A_945, %swap3A_946] {strides = array<i32>} : memref<4x256xf32, #tpu.memory_space<vmem>>, vector<1x16xf32>,
      %swap3A_948 = vector.shape_cast %swap3A_947 : vector<1x16xf32> to vector<16xf32>
      %swap3A_949 = vector.shape_cast %scan3A_912#5 : vector<16xf32> to vector<1x16xf32>
      tpu.vector_store %arg7[%swap3A_945, %swap3A_946], %swap3A_949 {strides = array<i32>} : memref<4x256xf32, #tpu.memory_space<vmem>>, vector<1x16xf32>,
      %swap3A_950 = arith.constant 2 : i32
      %swap3A_951 = arith.index_cast %swap3A_950 : i32 to index
      %swap3A_952 = arith.constant 96 : index
      %swap3A_953 = tpu.vector_load %arg7[%swap3A_951, %swap3A_952] {strides = array<i32>} : memref<4x256xf32, #tpu.memory_space<vmem>>, vector<1x16xf32>,
      %swap3A_954 = vector.shape_cast %swap3A_953 : vector<1x16xf32> to vector<16xf32>
      %swap3A_955 = vector.shape_cast %scan3A_912#6 : vector<16xf32> to vector<1x16xf32>
      tpu.vector_store %arg7[%swap3A_951, %swap3A_952], %swap3A_955 {strides = array<i32>} : memref<4x256xf32, #tpu.memory_space<vmem>>, vector<1x16xf32>,
      %swap3A_956 = arith.constant 2 : i32
      %swap3A_957 = arith.index_cast %swap3A_956 : i32 to index
      %swap3A_958 = arith.constant 112 : index
      %swap3A_959 = tpu.vector_load %arg7[%swap3A_957, %swap3A_958] {strides = array<i32>} : memref<4x256xf32, #tpu.memory_space<vmem>>, vector<1x16xf32>,
      %swap3A_960 = vector.shape_cast %swap3A_959 : vector<1x16xf32> to vector<16xf32>
      %swap3A_961 = vector.shape_cast %scan3A_912#7 : vector<16xf32> to vector<1x16xf32>
      tpu.vector_store %arg7[%swap3A_957, %swap3A_958], %swap3A_961 {strides = array<i32>} : memref<4x256xf32, #tpu.memory_space<vmem>>, vector<1x16xf32>,
      %swap3A_962 = arith.constant 2 : i32
      %swap3A_963 = arith.index_cast %swap3A_962 : i32 to index
      %swap3A_964 = arith.constant 128 : index
      %swap3A_965 = tpu.vector_load %arg7[%swap3A_963, %swap3A_964] {strides = array<i32>} : memref<4x256xf32, #tpu.memory_space<vmem>>, vector<1x16xf32>,
      %swap3A_966 = vector.shape_cast %swap3A_965 : vector<1x16xf32> to vector<16xf32>
      %swap3A_967 = vector.shape_cast %scan3A_912#8 : vector<16xf32> to vector<1x16xf32>
      tpu.vector_store %arg7[%swap3A_963, %swap3A_964], %swap3A_967 {strides = array<i32>} : memref<4x256xf32, #tpu.memory_space<vmem>>, vector<1x16xf32>,
      %swap3A_968 = arith.constant 2 : i32
      %swap3A_969 = arith.index_cast %swap3A_968 : i32 to index
      %swap3A_970 = arith.constant 144 : index
      %swap3A_971 = tpu.vector_load %arg7[%swap3A_969, %swap3A_970] {strides = array<i32>} : memref<4x256xf32, #tpu.memory_space<vmem>>, vector<1x16xf32>,
      %swap3A_972 = vector.shape_cast %swap3A_971 : vector<1x16xf32> to vector<16xf32>
      %swap3A_973 = vector.shape_cast %scan3A_912#9 : vector<16xf32> to vector<1x16xf32>
      tpu.vector_store %arg7[%swap3A_969, %swap3A_970], %swap3A_973 {strides = array<i32>} : memref<4x256xf32, #tpu.memory_space<vmem>>, vector<1x16xf32>,
      %swap3A_974 = arith.constant 2 : i32
      %swap3A_975 = arith.index_cast %swap3A_974 : i32 to index
      %swap3A_976 = arith.constant 160 : index
      %swap3A_977 = tpu.vector_load %arg7[%swap3A_975, %swap3A_976] {strides = array<i32>} : memref<4x256xf32, #tpu.memory_space<vmem>>, vector<1x16xf32>,
      %swap3A_978 = vector.shape_cast %swap3A_977 : vector<1x16xf32> to vector<16xf32>
      %swap3A_979 = vector.shape_cast %scan3A_912#10 : vector<16xf32> to vector<1x16xf32>
      tpu.vector_store %arg7[%swap3A_975, %swap3A_976], %swap3A_979 {strides = array<i32>} : memref<4x256xf32, #tpu.memory_space<vmem>>, vector<1x16xf32>,
      %swap3A_980 = arith.constant 2 : i32
      %swap3A_981 = arith.index_cast %swap3A_980 : i32 to index
      %swap3A_982 = arith.constant 176 : index
      %swap3A_983 = tpu.vector_load %arg7[%swap3A_981, %swap3A_982] {strides = array<i32>} : memref<4x256xf32, #tpu.memory_space<vmem>>, vector<1x16xf32>,
      %swap3A_984 = vector.shape_cast %swap3A_983 : vector<1x16xf32> to vector<16xf32>
      %swap3A_985 = vector.shape_cast %scan3A_912#11 : vector<16xf32> to vector<1x16xf32>
      tpu.vector_store %arg7[%swap3A_981, %swap3A_982], %swap3A_985 {strides = array<i32>} : memref<4x256xf32, #tpu.memory_space<vmem>>, vector<1x16xf32>,
      %swap3A_986 = arith.constant 2 : i32
      %swap3A_987 = arith.index_cast %swap3A_986 : i32 to index
      %swap3A_988 = arith.constant 192 : index
      %swap3A_989 = tpu.vector_load %arg7[%swap3A_987, %swap3A_988] {strides = array<i32>} : memref<4x256xf32, #tpu.memory_space<vmem>>, vector<1x16xf32>,
      %swap3A_990 = vector.shape_cast %swap3A_989 : vector<1x16xf32> to vector<16xf32>
      %swap3A_991 = vector.shape_cast %scan3A_912#12 : vector<16xf32> to vector<1x16xf32>
      tpu.vector_store %arg7[%swap3A_987, %swap3A_988], %swap3A_991 {strides = array<i32>} : memref<4x256xf32, #tpu.memory_space<vmem>>, vector<1x16xf32>,
      %swap3A_992 = arith.constant 2 : i32
      %swap3A_993 = arith.index_cast %swap3A_992 : i32 to index
      %swap3A_994 = arith.constant 208 : index
      %swap3A_995 = tpu.vector_load %arg7[%swap3A_993, %swap3A_994] {strides = array<i32>} : memref<4x256xf32, #tpu.memory_space<vmem>>, vector<1x16xf32>,
      %swap3A_996 = vector.shape_cast %swap3A_995 : vector<1x16xf32> to vector<16xf32>
      %swap3A_997 = vector.shape_cast %scan3A_912#13 : vector<16xf32> to vector<1x16xf32>
      tpu.vector_store %arg7[%swap3A_993, %swap3A_994], %swap3A_997 {strides = array<i32>} : memref<4x256xf32, #tpu.memory_space<vmem>>, vector<1x16xf32>,
      %swap3A_998 = arith.constant 2 : i32
      %swap3A_999 = arith.index_cast %swap3A_998 : i32 to index
      %swap3A_1000 = arith.constant 224 : index
      %swap3A_1001 = tpu.vector_load %arg7[%swap3A_999, %swap3A_1000] {strides = array<i32>} : memref<4x256xf32, #tpu.memory_space<vmem>>, vector<1x16xf32>,
      %swap3A_1002 = vector.shape_cast %swap3A_1001 : vector<1x16xf32> to vector<16xf32>
      %swap3A_1003 = vector.shape_cast %scan3A_912#14 : vector<16xf32> to vector<1x16xf32>
      tpu.vector_store %arg7[%swap3A_999, %swap3A_1000], %swap3A_1003 {strides = array<i32>} : memref<4x256xf32, #tpu.memory_space<vmem>>, vector<1x16xf32>,
      %swap3A_1004 = arith.constant 2 : i32
      %swap3A_1005 = arith.index_cast %swap3A_1004 : i32 to index
      %swap3A_1006 = arith.constant 240 : index
      %swap3A_1007 = tpu.vector_load %arg7[%swap3A_1005, %swap3A_1006] {strides = array<i32>} : memref<4x256xf32, #tpu.memory_space<vmem>>, vector<1x16xf32>,
      %swap3A_1008 = vector.shape_cast %swap3A_1007 : vector<1x16xf32> to vector<16xf32>
      %swap3A_1009 = vector.shape_cast %scan3A_912#15 : vector<16xf32> to vector<1x16xf32>
      tpu.vector_store %arg7[%swap3A_1005, %swap3A_1006], %swap3A_1009 {strides = array<i32>} : memref<4x256xf32, #tpu.memory_space<vmem>>, vector<1x16xf32>,
      %broadcast_in_dim3A_1010 = arith.constant 0.000000e+00 : f32
      %broadcast_in_dim3A_1011 = vector.broadcast %broadcast_in_dim3A_1010 : f32 to vector<16xf32>
      %broadcast_in_dim3A_1012 = arith.constant 0.000000e+00 : f32
      %broadcast_in_dim3A_1013 = vector.broadcast %broadcast_in_dim3A_1012 : f32 to vector<16xf32>
      %broadcast_in_dim3A_1014 = arith.constant 0.000000e+00 : f32
      %broadcast_in_dim3A_1015 = vector.broadcast %broadcast_in_dim3A_1014 : f32 to vector<16xf32>
      %broadcast_in_dim3A_1016 = arith.constant 0.000000e+00 : f32
      %broadcast_in_dim3A_1017 = vector.broadcast %broadcast_in_dim3A_1016 : f32 to vector<16xf32>
      %broadcast_in_dim3A_1018 = arith.constant 0.000000e+00 : f32
      %broadcast_in_dim3A_1019 = vector.broadcast %broadcast_in_dim3A_1018 : f32 to vector<16xf32>
      %broadcast_in_dim3A_1020 = arith.constant 0.000000e+00 : f32
      %broadcast_in_dim3A_1021 = vector.broadcast %broadcast_in_dim3A_1020 : f32 to vector<16xf32>
      %broadcast_in_dim3A_1022 = arith.constant 0.000000e+00 : f32
      %broadcast_in_dim3A_1023 = vector.broadcast %broadcast_in_dim3A_1022 : f32 to vector<16xf32>
      %broadcast_in_dim3A_1024 = arith.constant 0.000000e+00 : f32
      %broadcast_in_dim3A_1025 = vector.broadcast %broadcast_in_dim3A_1024 : f32 to vector<16xf32>
      %broadcast_in_dim3A_1026 = arith.constant 0.000000e+00 : f32
      %broadcast_in_dim3A_1027 = vector.broadcast %broadcast_in_dim3A_1026 : f32 to vector<16xf32>
      %broadcast_in_dim3A_1028 = arith.constant 0.000000e+00 : f32
      %broadcast_in_dim3A_1029 = vector.broadcast %broadcast_in_dim3A_1028 : f32 to vector<16xf32>
      %broadcast_in_dim3A_1030 = arith.constant 0.000000e+00 : f32
      %broadcast_in_dim3A_1031 = vector.broadcast %broadcast_in_dim3A_1030 : f32 to vector<16xf32>
      %broadcast_in_dim3A_1032 = arith.constant 0.000000e+00 : f32
      %broadcast_in_dim3A_1033 = vector.broadcast %broadcast_in_dim3A_1032 : f32 to vector<16xf32>
      %broadcast_in_dim3A_1034 = arith.constant 0.000000e+00 : f32
      %broadcast_in_dim3A_1035 = vector.broadcast %broadcast_in_dim3A_1034 : f32 to vector<16xf32>
      %broadcast_in_dim3A_1036 = arith.constant 0.000000e+00 : f32
      %broadcast_in_dim3A_1037 = vector.broadcast %broadcast_in_dim3A_1036 : f32 to vector<16xf32>
      %broadcast_in_dim3A_1038 = arith.constant 0.000000e+00 : f32
      %broadcast_in_dim3A_1039 = vector.broadcast %broadcast_in_dim3A_1038 : f32 to vector<16xf32>
      %broadcast_in_dim3A_1040 = arith.constant 0.000000e+00 : f32
      %broadcast_in_dim3A_1041 = vector.broadcast %broadcast_in_dim3A_1040 : f32 to vector<16xf32>
      %scan3A_1042 = arith.constant 0 : i32
      %scan3A_1043 = arith.constant 50 : i32
      %scan3A_1044 = arith.addi %scan3A_1042, %scan3A_1043 : i32
      %scan3A_1045 = arith.constant 1 : i32
      %scan3A_1046:16 = scf.for %scan3A_1154 = %scan3A_1042 to %scan3A_1044 step %scan3A_1045 iter_args(%scan3A_1155 = %broadcast_in_dim3A_1011, %scan3A_1156 = %broadcast_in_dim3A_1013, %scan3A_1157 = %broadcast_in_dim3A_1015, %scan3A_1158 = %broadcast_in_dim3A_1017, %scan3A_1159 = %broadcast_in_dim3A_1019, %scan3A_1160 = %broadcast_in_dim3A_1021, %scan3A_1161 = %broadcast_in_dim3A_1023, %scan3A_1162 = %broadcast_in_dim3A_1025, %scan3A_1163 = %broadcast_in_dim3A_1027, %scan3A_1164 = %broadcast_in_dim3A_1029, %scan3A_1165 = %broadcast_in_dim3A_1031, %scan3A_1166 = %broadcast_in_dim3A_1033, %scan3A_1167 = %broadcast_in_dim3A_1035, %scan3A_1168 = %broadcast_in_dim3A_1037, %scan3A_1169 = %broadcast_in_dim3A_1039, %scan3A_1170 = %broadcast_in_dim3A_1041) -> (vector<16xf32>, vector<16xf32>, vector<16xf32>, vector<16xf32>, vector<16xf32>, vector<16xf32>, vector<16xf32>, vector<16xf32>, vector<16xf32>, vector<16xf32>, vector<16xf32>, vector<16xf32>, vector<16xf32>, vector<16xf32>, vector<16xf32>, vector<16xf32>)  : i32 {
        %add3A_1171 = arith.constant 150 : i32
        %add3A_1172 = arith.addi %add3A_1171, %scan3A_1154 : i32
        %get3A = arith.constant 1 : i32
        %get3A_1173 = arith.index_cast %get3A : i32 to index
        %get3A_1174 = arith.index_cast %add3A_1172 : i32 to index
        %get3A_1175 = arith.constant 0 : index
        %get3A_1176 = tpu.vector_load %arg6[%get3A_1173, %get3A_1174, %get3A_1175] {strides = array<i32>} : memref<2x200x256xf32, #tpu.memory_space<vmem>>, vector<1x1x16xf32>,
        %get3A_1177 = vector.shape_cast %get3A_1176 : vector<1x1x16xf32> to vector<16xf32>
        %add3A_1178 = arith.addf %scan3A_1155, %get3A_1177 : vector<16xf32>
        %add3A_1179 = arith.constant 150 : i32
        %add3A_1180 = arith.addi %add3A_1179, %scan3A_1154 : i32
        %get3A_1181 = arith.constant 1 : i32
        %get3A_1182 = arith.index_cast %get3A_1181 : i32 to index
        %get3A_1183 = arith.index_cast %add3A_1180 : i32 to index
        %get3A_1184 = arith.constant 16 : index
        %get3A_1185 = tpu.vector_load %arg6[%get3A_1182, %get3A_1183, %get3A_1184] {strides = array<i32>} : memref<2x200x256xf32, #tpu.memory_space<vmem>>, vector<1x1x16xf32>,
        %get3A_1186 = vector.shape_cast %get3A_1185 : vector<1x1x16xf32> to vector<16xf32>
        %add3A_1187 = arith.addf %scan3A_1156, %get3A_1186 : vector<16xf32>
        %add3A_1188 = arith.constant 150 : i32
        %add3A_1189 = arith.addi %add3A_1188, %scan3A_1154 : i32
        %get3A_1190 = arith.constant 1 : i32
        %get3A_1191 = arith.index_cast %get3A_1190 : i32 to index
        %get3A_1192 = arith.index_cast %add3A_1189 : i32 to index
        %get3A_1193 = arith.constant 32 : index
        %get3A_1194 = tpu.vector_load %arg6[%get3A_1191, %get3A_1192, %get3A_1193] {strides = array<i32>} : memref<2x200x256xf32, #tpu.memory_space<vmem>>, vector<1x1x16xf32>,
        %get3A_1195 = vector.shape_cast %get3A_1194 : vector<1x1x16xf32> to vector<16xf32>
        %add3A_1196 = arith.addf %scan3A_1157, %get3A_1195 : vector<16xf32>
        %add3A_1197 = arith.constant 150 : i32
        %add3A_1198 = arith.addi %add3A_1197, %scan3A_1154 : i32
        %get3A_1199 = arith.constant 1 : i32
        %get3A_1200 = arith.index_cast %get3A_1199 : i32 to index
        %get3A_1201 = arith.index_cast %add3A_1198 : i32 to index
        %get3A_1202 = arith.constant 48 : index
        %get3A_1203 = tpu.vector_load %arg6[%get3A_1200, %get3A_1201, %get3A_1202] {strides = array<i32>} : memref<2x200x256xf32, #tpu.memory_space<vmem>>, vector<1x1x16xf32>,
        %get3A_1204 = vector.shape_cast %get3A_1203 : vector<1x1x16xf32> to vector<16xf32>
        %add3A_1205 = arith.addf %scan3A_1158, %get3A_1204 : vector<16xf32>
        %add3A_1206 = arith.constant 150 : i32
        %add3A_1207 = arith.addi %add3A_1206, %scan3A_1154 : i32
        %get3A_1208 = arith.constant 1 : i32
        %get3A_1209 = arith.index_cast %get3A_1208 : i32 to index
        %get3A_1210 = arith.index_cast %add3A_1207 : i32 to index
        %get3A_1211 = arith.constant 64 : index
        %get3A_1212 = tpu.vector_load %arg6[%get3A_1209, %get3A_1210, %get3A_1211] {strides = array<i32>} : memref<2x200x256xf32, #tpu.memory_space<vmem>>, vector<1x1x16xf32>,
        %get3A_1213 = vector.shape_cast %get3A_1212 : vector<1x1x16xf32> to vector<16xf32>
        %add3A_1214 = arith.addf %scan3A_1159, %get3A_1213 : vector<16xf32>
        %add3A_1215 = arith.constant 150 : i32
        %add3A_1216 = arith.addi %add3A_1215, %scan3A_1154 : i32
        %get3A_1217 = arith.constant 1 : i32
        %get3A_1218 = arith.index_cast %get3A_1217 : i32 to index
        %get3A_1219 = arith.index_cast %add3A_1216 : i32 to index
        %get3A_1220 = arith.constant 80 : index
        %get3A_1221 = tpu.vector_load %arg6[%get3A_1218, %get3A_1219, %get3A_1220] {strides = array<i32>} : memref<2x200x256xf32, #tpu.memory_space<vmem>>, vector<1x1x16xf32>,
        %get3A_1222 = vector.shape_cast %get3A_1221 : vector<1x1x16xf32> to vector<16xf32>
        %add3A_1223 = arith.addf %scan3A_1160, %get3A_1222 : vector<16xf32>
        %add3A_1224 = arith.constant 150 : i32
        %add3A_1225 = arith.addi %add3A_1224, %scan3A_1154 : i32
        %get3A_1226 = arith.constant 1 : i32
        %get3A_1227 = arith.index_cast %get3A_1226 : i32 to index
        %get3A_1228 = arith.index_cast %add3A_1225 : i32 to index
        %get3A_1229 = arith.constant 96 : index
        %get3A_1230 = tpu.vector_load %arg6[%get3A_1227, %get3A_1228, %get3A_1229] {strides = array<i32>} : memref<2x200x256xf32, #tpu.memory_space<vmem>>, vector<1x1x16xf32>,
        %get3A_1231 = vector.shape_cast %get3A_1230 : vector<1x1x16xf32> to vector<16xf32>
        %add3A_1232 = arith.addf %scan3A_1161, %get3A_1231 : vector<16xf32>
        %add3A_1233 = arith.constant 150 : i32
        %add3A_1234 = arith.addi %add3A_1233, %scan3A_1154 : i32
        %get3A_1235 = arith.constant 1 : i32
        %get3A_1236 = arith.index_cast %get3A_1235 : i32 to index
        %get3A_1237 = arith.index_cast %add3A_1234 : i32 to index
        %get3A_1238 = arith.constant 112 : index
        %get3A_1239 = tpu.vector_load %arg6[%get3A_1236, %get3A_1237, %get3A_1238] {strides = array<i32>} : memref<2x200x256xf32, #tpu.memory_space<vmem>>, vector<1x1x16xf32>,
        %get3A_1240 = vector.shape_cast %get3A_1239 : vector<1x1x16xf32> to vector<16xf32>
        %add3A_1241 = arith.addf %scan3A_1162, %get3A_1240 : vector<16xf32>
        %add3A_1242 = arith.constant 150 : i32
        %add3A_1243 = arith.addi %add3A_1242, %scan3A_1154 : i32
        %get3A_1244 = arith.constant 1 : i32
        %get3A_1245 = arith.index_cast %get3A_1244 : i32 to index
        %get3A_1246 = arith.index_cast %add3A_1243 : i32 to index
        %get3A_1247 = arith.constant 128 : index
        %get3A_1248 = tpu.vector_load %arg6[%get3A_1245, %get3A_1246, %get3A_1247] {strides = array<i32>} : memref<2x200x256xf32, #tpu.memory_space<vmem>>, vector<1x1x16xf32>,
        %get3A_1249 = vector.shape_cast %get3A_1248 : vector<1x1x16xf32> to vector<16xf32>
        %add3A_1250 = arith.addf %scan3A_1163, %get3A_1249 : vector<16xf32>
        %add3A_1251 = arith.constant 150 : i32
        %add3A_1252 = arith.addi %add3A_1251, %scan3A_1154 : i32
        %get3A_1253 = arith.constant 1 : i32
        %get3A_1254 = arith.index_cast %get3A_1253 : i32 to index
        %get3A_1255 = arith.index_cast %add3A_1252 : i32 to index
        %get3A_1256 = arith.constant 144 : index
        %get3A_1257 = tpu.vector_load %arg6[%get3A_1254, %get3A_1255, %get3A_1256] {strides = array<i32>} : memref<2x200x256xf32, #tpu.memory_space<vmem>>, vector<1x1x16xf32>,
        %get3A_1258 = vector.shape_cast %get3A_1257 : vector<1x1x16xf32> to vector<16xf32>
        %add3A_1259 = arith.addf %scan3A_1164, %get3A_1258 : vector<16xf32>
        %add3A_1260 = arith.constant 150 : i32
        %add3A_1261 = arith.addi %add3A_1260, %scan3A_1154 : i32
        %get3A_1262 = arith.constant 1 : i32
        %get3A_1263 = arith.index_cast %get3A_1262 : i32 to index
        %get3A_1264 = arith.index_cast %add3A_1261 : i32 to index
        %get3A_1265 = arith.constant 160 : index
        %get3A_1266 = tpu.vector_load %arg6[%get3A_1263, %get3A_1264, %get3A_1265] {strides = array<i32>} : memref<2x200x256xf32, #tpu.memory_space<vmem>>, vector<1x1x16xf32>,
        %get3A_1267 = vector.shape_cast %get3A_1266 : vector<1x1x16xf32> to vector<16xf32>
        %add3A_1268 = arith.addf %scan3A_1165, %get3A_1267 : vector<16xf32>
        %add3A_1269 = arith.constant 150 : i32
        %add3A_1270 = arith.addi %add3A_1269, %scan3A_1154 : i32
        %get3A_1271 = arith.constant 1 : i32
        %get3A_1272 = arith.index_cast %get3A_1271 : i32 to index
        %get3A_1273 = arith.index_cast %add3A_1270 : i32 to index
        %get3A_1274 = arith.constant 176 : index
        %get3A_1275 = tpu.vector_load %arg6[%get3A_1272, %get3A_1273, %get3A_1274] {strides = array<i32>} : memref<2x200x256xf32, #tpu.memory_space<vmem>>, vector<1x1x16xf32>,
        %get3A_1276 = vector.shape_cast %get3A_1275 : vector<1x1x16xf32> to vector<16xf32>
        %add3A_1277 = arith.addf %scan3A_1166, %get3A_1276 : vector<16xf32>
        %add3A_1278 = arith.constant 150 : i32
        %add3A_1279 = arith.addi %add3A_1278, %scan3A_1154 : i32
        %get3A_1280 = arith.constant 1 : i32
        %get3A_1281 = arith.index_cast %get3A_1280 : i32 to index
        %get3A_1282 = arith.index_cast %add3A_1279 : i32 to index
        %get3A_1283 = arith.constant 192 : index
        %get3A_1284 = tpu.vector_load %arg6[%get3A_1281, %get3A_1282, %get3A_1283] {strides = array<i32>} : memref<2x200x256xf32, #tpu.memory_space<vmem>>, vector<1x1x16xf32>,
        %get3A_1285 = vector.shape_cast %get3A_1284 : vector<1x1x16xf32> to vector<16xf32>
        %add3A_1286 = arith.addf %scan3A_1167, %get3A_1285 : vector<16xf32>
        %add3A_1287 = arith.constant 150 : i32
        %add3A_1288 = arith.addi %add3A_1287, %scan3A_1154 : i32
        %get3A_1289 = arith.constant 1 : i32
        %get3A_1290 = arith.index_cast %get3A_1289 : i32 to index
        %get3A_1291 = arith.index_cast %add3A_1288 : i32 to index
        %get3A_1292 = arith.constant 208 : index
        %get3A_1293 = tpu.vector_load %arg6[%get3A_1290, %get3A_1291, %get3A_1292] {strides = array<i32>} : memref<2x200x256xf32, #tpu.memory_space<vmem>>, vector<1x1x16xf32>,
        %get3A_1294 = vector.shape_cast %get3A_1293 : vector<1x1x16xf32> to vector<16xf32>
        %add3A_1295 = arith.addf %scan3A_1168, %get3A_1294 : vector<16xf32>
        %add3A_1296 = arith.constant 150 : i32
        %add3A_1297 = arith.addi %add3A_1296, %scan3A_1154 : i32
        %get3A_1298 = arith.constant 1 : i32
        %get3A_1299 = arith.index_cast %get3A_1298 : i32 to index
        %get3A_1300 = arith.index_cast %add3A_1297 : i32 to index
        %get3A_1301 = arith.constant 224 : index
        %get3A_1302 = tpu.vector_load %arg6[%get3A_1299, %get3A_1300, %get3A_1301] {strides = array<i32>} : memref<2x200x256xf32, #tpu.memory_space<vmem>>, vector<1x1x16xf32>,
        %get3A_1303 = vector.shape_cast %get3A_1302 : vector<1x1x16xf32> to vector<16xf32>
        %add3A_1304 = arith.addf %scan3A_1169, %get3A_1303 : vector<16xf32>
        %add3A_1305 = arith.constant 150 : i32
        %add3A_1306 = arith.addi %add3A_1305, %scan3A_1154 : i32
        %get3A_1307 = arith.constant 1 : i32
        %get3A_1308 = arith.index_cast %get3A_1307 : i32 to index
        %get3A_1309 = arith.index_cast %add3A_1306 : i32 to index
        %get3A_1310 = arith.constant 240 : index
        %get3A_1311 = tpu.vector_load %arg6[%get3A_1308, %get3A_1309, %get3A_1310] {strides = array<i32>} : memref<2x200x256xf32, #tpu.memory_space<vmem>>, vector<1x1x16xf32>,
        %get3A_1312 = vector.shape_cast %get3A_1311 : vector<1x1x16xf32> to vector<16xf32>
        %add3A_1313 = arith.addf %scan3A_1170, %get3A_1312 : vector<16xf32>
        scf.yield %add3A_1178, %add3A_1187, %add3A_1196, %add3A_1205, %add3A_1214, %add3A_1223, %add3A_1232, %add3A_1241, %add3A_1250, %add3A_1259, %add3A_1268, %add3A_1277, %add3A_1286, %add3A_1295, %add3A_1304, %add3A_1313 : vector<16xf32>, vector<16xf32>, vector<16xf32>, vector<16xf32>, vector<16xf32>, vector<16xf32>, vector<16xf32>, vector<16xf32>, vector<16xf32>, vector<16xf32>, vector<16xf32>, vector<16xf32>, vector<16xf32>, vector<16xf32>, vector<16xf32>, vector<16xf32>
      }
      %scan3A_1047 = arith.constant 50 : i32
      %swap3A_1048 = arith.constant 3 : i32
      %swap3A_1049 = arith.index_cast %swap3A_1048 : i32 to index
      %swap3A_1050 = arith.constant 0 : index
      %swap3A_1051 = tpu.vector_load %arg7[%swap3A_1049, %swap3A_1050] {strides = array<i32>} : memref<4x256xf32, #tpu.memory_space<vmem>>, vector<1x16xf32>,
      %swap3A_1052 = vector.shape_cast %swap3A_1051 : vector<1x16xf32> to vector<16xf32>
      %swap3A_1053 = vector.shape_cast %scan3A_1046#0 : vector<16xf32> to vector<1x16xf32>
      tpu.vector_store %arg7[%swap3A_1049, %swap3A_1050], %swap3A_1053 {strides = array<i32>} : memref<4x256xf32, #tpu.memory_space<vmem>>, vector<1x16xf32>,
      %swap3A_1054 = arith.constant 3 : i32
      %swap3A_1055 = arith.index_cast %swap3A_1054 : i32 to index
      %swap3A_1056 = arith.constant 16 : index
      %swap3A_1057 = tpu.vector_load %arg7[%swap3A_1055, %swap3A_1056] {strides = array<i32>} : memref<4x256xf32, #tpu.memory_space<vmem>>, vector<1x16xf32>,
      %swap3A_1058 = vector.shape_cast %swap3A_1057 : vector<1x16xf32> to vector<16xf32>
      %swap3A_1059 = vector.shape_cast %scan3A_1046#1 : vector<16xf32> to vector<1x16xf32>
      tpu.vector_store %arg7[%swap3A_1055, %swap3A_1056], %swap3A_1059 {strides = array<i32>} : memref<4x256xf32, #tpu.memory_space<vmem>>, vector<1x16xf32>,
      %swap3A_1060 = arith.constant 3 : i32
      %swap3A_1061 = arith.index_cast %swap3A_1060 : i32 to index
      %swap3A_1062 = arith.constant 32 : index
      %swap3A_1063 = tpu.vector_load %arg7[%swap3A_1061, %swap3A_1062] {strides = array<i32>} : memref<4x256xf32, #tpu.memory_space<vmem>>, vector<1x16xf32>,
      %swap3A_1064 = vector.shape_cast %swap3A_1063 : vector<1x16xf32> to vector<16xf32>
      %swap3A_1065 = vector.shape_cast %scan3A_1046#2 : vector<16xf32> to vector<1x16xf32>
      tpu.vector_store %arg7[%swap3A_1061, %swap3A_1062], %swap3A_1065 {strides = array<i32>} : memref<4x256xf32, #tpu.memory_space<vmem>>, vector<1x16xf32>,
      %swap3A_1066 = arith.constant 3 : i32
      %swap3A_1067 = arith.index_cast %swap3A_1066 : i32 to index
      %swap3A_1068 = arith.constant 48 : index
      %swap3A_1069 = tpu.vector_load %arg7[%swap3A_1067, %swap3A_1068] {strides = array<i32>} : memref<4x256xf32, #tpu.memory_space<vmem>>, vector<1x16xf32>,
      %swap3A_1070 = vector.shape_cast %swap3A_1069 : vector<1x16xf32> to vector<16xf32>
      %swap3A_1071 = vector.shape_cast %scan3A_1046#3 : vector<16xf32> to vector<1x16xf32>
      tpu.vector_store %arg7[%swap3A_1067, %swap3A_1068], %swap3A_1071 {strides = array<i32>} : memref<4x256xf32, #tpu.memory_space<vmem>>, vector<1x16xf32>,
      %swap3A_1072 = arith.constant 3 : i32
      %swap3A_1073 = arith.index_cast %swap3A_1072 : i32 to index
      %swap3A_1074 = arith.constant 64 : index
      %swap3A_1075 = tpu.vector_load %arg7[%swap3A_1073, %swap3A_1074] {strides = array<i32>} : memref<4x256xf32, #tpu.memory_space<vmem>>, vector<1x16xf32>,
      %swap3A_1076 = vector.shape_cast %swap3A_1075 : vector<1x16xf32> to vector<16xf32>
      %swap3A_1077 = vector.shape_cast %scan3A_1046#4 : vector<16xf32> to vector<1x16xf32>
      tpu.vector_store %arg7[%swap3A_1073, %swap3A_1074], %swap3A_1077 {strides = array<i32>} : memref<4x256xf32, #tpu.memory_space<vmem>>, vector<1x16xf32>,
      %swap3A_1078 = arith.constant 3 : i32
      %swap3A_1079 = arith.index_cast %swap3A_1078 : i32 to index
      %swap3A_1080 = arith.constant 80 : index
      %swap3A_1081 = tpu.vector_load %arg7[%swap3A_1079, %swap3A_1080] {strides = array<i32>} : memref<4x256xf32, #tpu.memory_space<vmem>>, vector<1x16xf32>,
      %swap3A_1082 = vector.shape_cast %swap3A_1081 : vector<1x16xf32> to vector<16xf32>
      %swap3A_1083 = vector.shape_cast %scan3A_1046#5 : vector<16xf32> to vector<1x16xf32>
      tpu.vector_store %arg7[%swap3A_1079, %swap3A_1080], %swap3A_1083 {strides = array<i32>} : memref<4x256xf32, #tpu.memory_space<vmem>>, vector<1x16xf32>,
      %swap3A_1084 = arith.constant 3 : i32
      %swap3A_1085 = arith.index_cast %swap3A_1084 : i32 to index
      %swap3A_1086 = arith.constant 96 : index
      %swap3A_1087 = tpu.vector_load %arg7[%swap3A_1085, %swap3A_1086] {strides = array<i32>} : memref<4x256xf32, #tpu.memory_space<vmem>>, vector<1x16xf32>,
      %swap3A_1088 = vector.shape_cast %swap3A_1087 : vector<1x16xf32> to vector<16xf32>
      %swap3A_1089 = vector.shape_cast %scan3A_1046#6 : vector<16xf32> to vector<1x16xf32>
      tpu.vector_store %arg7[%swap3A_1085, %swap3A_1086], %swap3A_1089 {strides = array<i32>} : memref<4x256xf32, #tpu.memory_space<vmem>>, vector<1x16xf32>,
      %swap3A_1090 = arith.constant 3 : i32
      %swap3A_1091 = arith.index_cast %swap3A_1090 : i32 to index
      %swap3A_1092 = arith.constant 112 : index
      %swap3A_1093 = tpu.vector_load %arg7[%swap3A_1091, %swap3A_1092] {strides = array<i32>} : memref<4x256xf32, #tpu.memory_space<vmem>>, vector<1x16xf32>,
      %swap3A_1094 = vector.shape_cast %swap3A_1093 : vector<1x16xf32> to vector<16xf32>
      %swap3A_1095 = vector.shape_cast %scan3A_1046#7 : vector<16xf32> to vector<1x16xf32>
      tpu.vector_store %arg7[%swap3A_1091, %swap3A_1092], %swap3A_1095 {strides = array<i32>} : memref<4x256xf32, #tpu.memory_space<vmem>>, vector<1x16xf32>,
      %swap3A_1096 = arith.constant 3 : i32
      %swap3A_1097 = arith.index_cast %swap3A_1096 : i32 to index
      %swap3A_1098 = arith.constant 128 : index
      %swap3A_1099 = tpu.vector_load %arg7[%swap3A_1097, %swap3A_1098] {strides = array<i32>} : memref<4x256xf32, #tpu.memory_space<vmem>>, vector<1x16xf32>,
      %swap3A_1100 = vector.shape_cast %swap3A_1099 : vector<1x16xf32> to vector<16xf32>
      %swap3A_1101 = vector.shape_cast %scan3A_1046#8 : vector<16xf32> to vector<1x16xf32>
      tpu.vector_store %arg7[%swap3A_1097, %swap3A_1098], %swap3A_1101 {strides = array<i32>} : memref<4x256xf32, #tpu.memory_space<vmem>>, vector<1x16xf32>,
      %swap3A_1102 = arith.constant 3 : i32
      %swap3A_1103 = arith.index_cast %swap3A_1102 : i32 to index
      %swap3A_1104 = arith.constant 144 : index
      %swap3A_1105 = tpu.vector_load %arg7[%swap3A_1103, %swap3A_1104] {strides = array<i32>} : memref<4x256xf32, #tpu.memory_space<vmem>>, vector<1x16xf32>,
      %swap3A_1106 = vector.shape_cast %swap3A_1105 : vector<1x16xf32> to vector<16xf32>
      %swap3A_1107 = vector.shape_cast %scan3A_1046#9 : vector<16xf32> to vector<1x16xf32>
      tpu.vector_store %arg7[%swap3A_1103, %swap3A_1104], %swap3A_1107 {strides = array<i32>} : memref<4x256xf32, #tpu.memory_space<vmem>>, vector<1x16xf32>,
      %swap3A_1108 = arith.constant 3 : i32
      %swap3A_1109 = arith.index_cast %swap3A_1108 : i32 to index
      %swap3A_1110 = arith.constant 160 : index
      %swap3A_1111 = tpu.vector_load %arg7[%swap3A_1109, %swap3A_1110] {strides = array<i32>} : memref<4x256xf32, #tpu.memory_space<vmem>>, vector<1x16xf32>,
      %swap3A_1112 = vector.shape_cast %swap3A_1111 : vector<1x16xf32> to vector<16xf32>
      %swap3A_1113 = vector.shape_cast %scan3A_1046#10 : vector<16xf32> to vector<1x16xf32>
      tpu.vector_store %arg7[%swap3A_1109, %swap3A_1110], %swap3A_1113 {strides = array<i32>} : memref<4x256xf32, #tpu.memory_space<vmem>>, vector<1x16xf32>,
      %swap3A_1114 = arith.constant 3 : i32
      %swap3A_1115 = arith.index_cast %swap3A_1114 : i32 to index
      %swap3A_1116 = arith.constant 176 : index
      %swap3A_1117 = tpu.vector_load %arg7[%swap3A_1115, %swap3A_1116] {strides = array<i32>} : memref<4x256xf32, #tpu.memory_space<vmem>>, vector<1x16xf32>,
      %swap3A_1118 = vector.shape_cast %swap3A_1117 : vector<1x16xf32> to vector<16xf32>
      %swap3A_1119 = vector.shape_cast %scan3A_1046#11 : vector<16xf32> to vector<1x16xf32>
      tpu.vector_store %arg7[%swap3A_1115, %swap3A_1116], %swap3A_1119 {strides = array<i32>} : memref<4x256xf32, #tpu.memory_space<vmem>>, vector<1x16xf32>,
      %swap3A_1120 = arith.constant 3 : i32
      %swap3A_1121 = arith.index_cast %swap3A_1120 : i32 to index
      %swap3A_1122 = arith.constant 192 : index
      %swap3A_1123 = tpu.vector_load %arg7[%swap3A_1121, %swap3A_1122] {strides = array<i32>} : memref<4x256xf32, #tpu.memory_space<vmem>>, vector<1x16xf32>,
      %swap3A_1124 = vector.shape_cast %swap3A_1123 : vector<1x16xf32> to vector<16xf32>
      %swap3A_1125 = vector.shape_cast %scan3A_1046#12 : vector<16xf32> to vector<1x16xf32>
      tpu.vector_store %arg7[%swap3A_1121, %swap3A_1122], %swap3A_1125 {strides = array<i32>} : memref<4x256xf32, #tpu.memory_space<vmem>>, vector<1x16xf32>,
      %swap3A_1126 = arith.constant 3 : i32
      %swap3A_1127 = arith.index_cast %swap3A_1126 : i32 to index
      %swap3A_1128 = arith.constant 208 : index
      %swap3A_1129 = tpu.vector_load %arg7[%swap3A_1127, %swap3A_1128] {strides = array<i32>} : memref<4x256xf32, #tpu.memory_space<vmem>>, vector<1x16xf32>,
      %swap3A_1130 = vector.shape_cast %swap3A_1129 : vector<1x16xf32> to vector<16xf32>
      %swap3A_1131 = vector.shape_cast %scan3A_1046#13 : vector<16xf32> to vector<1x16xf32>
      tpu.vector_store %arg7[%swap3A_1127, %swap3A_1128], %swap3A_1131 {strides = array<i32>} : memref<4x256xf32, #tpu.memory_space<vmem>>, vector<1x16xf32>,
      %swap3A_1132 = arith.constant 3 : i32
      %swap3A_1133 = arith.index_cast %swap3A_1132 : i32 to index
      %swap3A_1134 = arith.constant 224 : index
      %swap3A_1135 = tpu.vector_load %arg7[%swap3A_1133, %swap3A_1134] {strides = array<i32>} : memref<4x256xf32, #tpu.memory_space<vmem>>, vector<1x16xf32>,
      %swap3A_1136 = vector.shape_cast %swap3A_1135 : vector<1x16xf32> to vector<16xf32>
      %swap3A_1137 = vector.shape_cast %scan3A_1046#14 : vector<16xf32> to vector<1x16xf32>
      tpu.vector_store %arg7[%swap3A_1133, %swap3A_1134], %swap3A_1137 {strides = array<i32>} : memref<4x256xf32, #tpu.memory_space<vmem>>, vector<1x16xf32>,
      %swap3A_1138 = arith.constant 3 : i32
      %swap3A_1139 = arith.index_cast %swap3A_1138 : i32 to index
      %swap3A_1140 = arith.constant 240 : index
      %swap3A_1141 = tpu.vector_load %arg7[%swap3A_1139, %swap3A_1140] {strides = array<i32>} : memref<4x256xf32, #tpu.memory_space<vmem>>, vector<1x16xf32>,
      %swap3A_1142 = vector.shape_cast %swap3A_1141 : vector<1x16xf32> to vector<16xf32>
      %swap3A_1143 = vector.shape_cast %scan3A_1046#15 : vector<16xf32> to vector<1x16xf32>
      tpu.vector_store %arg7[%swap3A_1139, %swap3A_1140], %swap3A_1143 {strides = array<i32>} : memref<4x256xf32, #tpu.memory_space<vmem>>, vector<1x16xf32>,
      %mul3A_1144 = arith.constant 4 : i32
      %mul3A_1145 = arith.muli %add3A_592, %mul3A_1144 : i32
      %add3A_1146 = arith.addi %mul3A_4, %mul3A_1145 : i32
      "tpu.region"() ({
        %run_scoped3A = tpu.sem_alloc : memref<!tpu.dma_semaphore, #tpu.memory_space<semaphore_mem>>
        %dma_start3A_1154 = arith.constant 0 : i32
        %dma_start3A_1155 = tpu.memref_slice %arg4[%add3A_1146, %dma_start3A_1154] : memref<4096x256xf32, #tpu.memory_space<hbm>> -> memref<4x256xf32, #tpu.memory_space<hbm>>
        %dma_start3A_1156 = arith.constant 0 : i32
        %dma_start3A_1157 = tpu.memref_slice %arg4[%add3A_1146, %dma_start3A_1156] : memref<4096x256xf32, #tpu.memory_space<hbm>> -> memref<4x256xf32, #tpu.memory_space<hbm>>
        tpu.enqueue_dma source(%arg7 : memref<4x256xf32, #tpu.memory_space<vmem>>) target(%dma_start3A_1157 : memref<4x256xf32, #tpu.memory_space<hbm>>) target_semaphore(%run_scoped3A : memref<!tpu.dma_semaphore, #tpu.memory_space<semaphore_mem>>)
        %dma_wait3A_1158 = arith.constant 0 : i32
        %dma_wait3A_1159 = tpu.memref_slice %arg4[%add3A_1146, %dma_wait3A_1158] : memref<4096x256xf32, #tpu.memory_space<hbm>> -> memref<4x256xf32, #tpu.memory_space<hbm>>
        %dma_wait3A_1160 = arith.constant 0 : i32
        %dma_wait3A_1161 = tpu.memref_slice %arg4[%add3A_1146, %dma_wait3A_1160] : memref<4096x256xf32, #tpu.memory_space<hbm>> -> memref<4x256xf32, #tpu.memory_space<hbm>>
        tpu.wait_dma2 semaphore(%run_scoped3A : memref<!tpu.dma_semaphore, #tpu.memory_space<semaphore_mem>>) src(%arg7 : memref<4x256xf32, #tpu.memory_space<vmem>>) dst(%dma_wait3A_1161 : memref<4x256xf32, #tpu.memory_space<hbm>>)
        tpu.yield
      }) : () -> ()
      %add3A_1147 = arith.constant 2 : i32
      %add3A_1148 = arith.addi %add3A_592, %add3A_1147 : i32
      %lt3A_1149 = arith.constant 32 : i32
      %lt3A_1150 = arith.cmpi slt, %add3A_1148, %lt3A_1149 : i32
      %convert_element_type3A_1151 = arith.extui %lt3A_1150 : i1 to i32
      %cond3A_1152 = arith.constant 0 : i32
      %cond3A_1153 = arith.cmpi ne, %convert_element_type3A_1151, %cond3A_1152 : i32
      scf.if %cond3A_1153 {
        %add3A_1154 = arith.constant 2 : i32
        %add3A_1155 = arith.addi %add3A_592, %add3A_1154 : i32
        %mul3A_1156 = arith.constant 200 : i32
        %mul3A_1157 = arith.muli %add3A_1155, %mul3A_1156 : i32
        %dma_start3A_1158 = arith.constant 1 : i32
        %dma_start3A_1159 = arith.constant 0 : i32
        %dma_start3A_1160 = arith.constant 0 : i32
        %dma_start3A_1161 = tpu.memref_slice %arg6[%dma_start3A_1158, %dma_start3A_1159, %dma_start3A_1160] : memref<2x200x256xf32, #tpu.memory_space<vmem>> -> memref<1x200x256xf32, #tpu.memory_space<vmem>>
        %dma_start3A_1162 = tpu.memref_squeeze %dma_start3A_1161 : memref<1x200x256xf32, #tpu.memory_space<vmem>> -> memref<200x256xf32, #tpu.memory_space<vmem>>
        %dma_start3A_1163 = tpu.memref_slice %arg5[%mul3A_1157] : memref<6400xi32, #tpu.memory_space<vmem>> -> memref<200xi32, #tpu.memory_space<vmem>>
        %dma_start3A_1164 = arith.constant 0 : i32
        %dma_start3A_1165 = arith.constant 0 : i32
        %dma_start3A_1166 = tpu.memref_slice %arg3[%dma_start3A_1164, %dma_start3A_1165] : memref<100000x256xf32, #tpu.memory_space<hbm>> -> memref<100000x256xf32, #tpu.memory_space<hbm>>
        tpu.enqueue_indirect_dma source(%dma_start3A_1166 : memref<100000x256xf32, #tpu.memory_space<hbm>>) target(%dma_start3A_1162 : memref<200x256xf32, #tpu.memory_space<vmem>>) offsets(%dma_start3A_1163 : memref<200xi32, #tpu.memory_space<vmem>>) semaphore(%arg9 : memref<!tpu.dma_semaphore, #tpu.memory_space<semaphore_mem>>)
      } else {
      }
    }
    %scan3A_28 = arith.constant 16 : i32
    return
  }
}

</mosaic_0001>

<sc_bundles>
// kernel: _embbag_sums.3.cloned.1.call-start
scs
__scs_entry_jumppad:
0x0: {  	(pc) =	sbr.rel $0x88, $3  }
0x1: {  	(tag) =	ssettag $0x0;
	lr =	simm.s32 $0x1  }
0x2: {  	[smem:$0x3F9F] =	sst lr;
	_ =	strace $0xD0000000  }
0x3: {  	_ = 	snop  }
0x4: {  	_ = 	snop  }
0x5: {  	_ = 	snop  }
0x6: {  	_ = 	snop  }
0x7: {  	_ = 	snop  }
__scs_overlays_trampoline_lowered:
0x8: {  	[smem:$0x3FAE] =	sst s0  }
0x9: {  	[smem:$0x3FAF] =	sst s1  }
0xa: {  	[smem:$0x3FB0] =	sst s2  }
0xb: {  	[smem:$0x3FB1] =	sst s3  }
0xc: {  	[smem:$0x3FB2] =	sst s4  }
0xd: {  	[smem:$0x3FB3] =	sst s5  }
0xe: {  	[smem:$0x3FB4] =	sst s6  }
0xf: {  	[smem:$0x3FB5] =	sst s7  }
0x10: {  	[smem:$0x3FB6] =	sst s8  }
0x11: {  	[smem:$0x3FB7] =	sst s9;
	s0 =	simm.s32 @!p0 $0x0  }
0x12: {  	s1 =	sld [smem:$0x3F9D];
	s0 =	simm.s32 @p0 $0x1  }
0x13: {  	[smem:$0x3FB8] =	sst s0;
	s0 =	simm.s32 @!p1 $0x0  }
0x14: {  	s2 =	sld [smem:$0x3F9C];
	s0 =	simm.s32 @p1 $0x1  }
0x15: {  	[smem:$0x3FB9] =	sst s0;
	s0 =	simm.s32 @!p2 $0x0  }
0x16: {  	s3 =	sld [smem:$0x3FDB];
	s0 =	simm.s32 @p2 $0x1  }
0x17: {  	s4 =	simm.s32 $0x1BF5;
	[smem:$0x3FBB] =	sst s0  }
0x18: {  	s0 =	sld [smem:$0x3F9E];
	_ =	swait.ge [sflag:s4], $0x0  }
0x19: {  	s7 =	sld [smem:$0x3F9F]  }
0x1a: {  	s8 =	sadd.s32 $0xFFFFE003, lr  }
0x1b: {  	s9 =	sadd.s32 $0xFFFFFEF7, lr;
	s5 =	simm.s32 $0xFFFFFFFF;
	p2 =	slt.u32 s8, $0xFFFFF086  }
0x1c: {  	p1 =	slt.u32 s9, $0xF7A;
	s5 =	simm.s32 @!p2 $0x0  }
0x1d: {  	s5 =	simm.s32 @p1 $0x1;
	p0 =	seq.s32 s7, s2  }
0x1e: {  	s7 =	smul.u32 @!p0 $0xF7A, s2;
	p2 =	seq.s32 @!p0 s5, $0x0  }
0x1f: {  	s9 =	smul.u32 $0xF7A, s1;
	s8 =	simm.s32 @!p0 $0x1BF5;
	p2 =	por !p2, p0  }
0x20: {  	[sflag:s8] =	ssyncset.s32 @!p0 $0xFFFFF086;
	s6 =	sadd.s32 @!p0 s3, s7;
	s7 =	simm.s32 @!p0 $0x108  }
0x21: {  	s3 =	sadd.s32 s3, s9;
	s6 =	sadd.s32 @!p0 $0x88, s6;
	s7 =	simm.s32 @p2 $0x1082  }
0x22: {  	[simem:s7], [sflag:s8] =	dma.local @!p0 [hbm:s6], $0xF7A  }
0x23: {  	s9 =	sor.u32 $0xD0000000, s2;
	s6 =	simm.s32 $0x108;
	_ =	swait.ge @!p0 [sflag:s8], $0x0  }
0x24: {  	s3 =	sadd.s32 $0x88, s3;
	s6 =	simm.s32 @!p1 $0x1082;
	[sflag:s4] =	ssyncset.s32 $0xFFFFF086  }
0x25: {  	[simem:s6], [sflag:s4] =	dma.local [hbm:s3], $0xF7A  }
0x26: {  	[smem:$0x3F9F] =	sst s1;
	(tag) =	ssettag s2;
	_ =	strace s9  }
0x27: {  	s1 =	sld [smem:$0x3FAF]  }
0x28: {  	s2 =	sld [smem:$0x3FB0]  }
0x29: {  	s4 =	sld [smem:$0x3FB2]  }
0x2a: {  	p0 =	seq.s32 s5, $0x0;
	s5 =	sld [smem:$0x3FB3]  }
0x2b: {  	s6 =	sld [smem:$0x3FB4]  }
0x2c: {  	s7 =	sld [smem:$0x3FB5]  }
0x2d: {  	s3 =	simm.s32 $0x108;
	s8 =	sld [smem:$0x3FB6]  }
0x2e: {  	s3 =	simm.s32 @!p0 $0x1082;
	s9 =	sld [smem:$0x3FB7]  }
0x2f: {  	lr =	sadd.s32 s0, s3;
	s0 =	sld [smem:$0x3FAE]  }
0x30: {  	s3 =	sld [smem:$0x3FB1]  }
0x31: {  	[smem:$0x3FBA] =	sst s10  }
0x32: {  	s10 =	sld [smem:$0x3FB8];
	_ =	sdelay $0x3  }
0x33: {  	p0 =	seq.s32 s10, $0x1;
	s10 =	sld [smem:$0x3FBA];
	_ =	sdelay $0x3  }
0x34: {  	[smem:$0x3FBA] =	sst s10  }
0x35: {  	s10 =	sld [smem:$0x3FB9];
	_ =	sdelay $0x3  }
0x36: {  	p1 =	seq.s32 s10, $0x1;
	s10 =	sld [smem:$0x3FBA];
	_ =	sdelay $0x3  }
0x37: {  	[smem:$0x3FBA] =	sst s10  }
0x38: {  	s10 =	sld [smem:$0x3FBB]  }
0x39: {  	_ = 	snop;
	(pc) =	sbr.ind lr, $3  }
0x3a: {  	_ = 	snop  }
0x3b: {  	_ = 	snop  }
0x3c: {  	p2 =	seq.s32 s10, $0x1;
	s10 =	sld [smem:$0x3FBA]  }
0x3d: {  	_ =	shalt  }
0x3e: {  	_ =	shalt  }
0x3f: {  	_ =	shalt  }
0x40: {  	_ =	shalt  }
0x41: {  	_ =	shalt  }
0x42: {  	_ =	shalt  }
0x43: {  	_ =	shalt  }
0x44: {  	_ =	shalt  }
0x45: {  	_ =	shalt  }
0x46: {  	_ =	shalt  }
0x47: {  	_ =	shalt  }
0x48: {  	_ =	shalt  }
0x49: {  	_ =	shalt  }
0x4a: {  	_ =	shalt  }
0x4b: {  	_ =	shalt  }
0x4c: {  	_ =	shalt  }
0x4d: {  	_ =	shalt  }
0x4e: {  	_ =	shalt  }
0x4f: {  	_ =	shalt  }
0x50: {  	_ =	shalt  }
0x51: {  	_ =	shalt  }
0x52: {  	_ =	shalt  }
0x53: {  	_ =	shalt  }
0x54: {  	_ =	shalt  }
0x55: {  	_ =	shalt  }
0x56: {  	_ =	shalt  }
0x57: {  	_ =	shalt  }
0x58: {  	_ =	shalt  }
0x59: {  	_ =	shalt  }
0x5a: {  	_ =	shalt  }
0x5b: {  	_ =	shalt  }
0x5c: {  	_ =	shalt  }
0x5d: {  	_ =	shalt  }
0x5e: {  	_ =	shalt  }
0x5f: {  	_ =	shalt  }
0x60: {  	_ =	shalt  }
0x61: {  	_ =	shalt  }
0x62: {  	_ =	shalt  }
0x63: {  	_ =	shalt  }
0x64: {  	_ =	shalt  }
0x65: {  	_ =	shalt  }
0x66: {  	_ =	shalt  }
0x67: {  	_ =	shalt  }
0x68: {  	_ =	shalt  }
0x69: {  	_ =	shalt  }
0x6a: {  	_ =	shalt  }
0x6b: {  	_ =	shalt  }
0x6c: {  	_ =	shalt  }
0x6d: {  	_ =	shalt  }
0x6e: {  	_ =	shalt  }
0x6f: {  	_ =	shalt  }
0x70: {  	_ =	shalt  }
0x71: {  	_ =	shalt  }
0x72: {  	_ =	shalt  }
0x73: {  	_ =	shalt  }
0x74: {  	_ =	shalt  }
0x75: {  	_ =	shalt  }
0x76: {  	_ =	shalt  }
0x77: {  	_ =	shalt  }
0x78: {  	_ =	shalt  }
0x79: {  	_ =	shalt  }
0x7a: {  	_ =	shalt  }
0x7b: {  	_ =	shalt  }
0x7c: {  	_ =	shalt  }
0x7d: {  	_ =	shalt  }
0x7e: {  	_ =	shalt  }
0x7f: {  	_ =	shalt  }
0x80: {  	_ =	shalt  }
0x81: {  	_ =	shalt  }
0x82: {  	_ =	shalt  }
0x83: {  	_ =	shalt  }
0x84: {  	_ =	shalt  }
0x85: {  	_ =	shalt  }
0x86: {  	_ =	shalt  }
0x87: {  	_ =	shalt  }
.Lfunc_end0:
.L_simem_size_0:
called_computation_lowered:
.L_overlay_start_0:
0x88: {  	s2 =	sld [smem:$0x3FD9]  }
0x89: {  	s3 =	sld [smem:$0x3FFE];
	_ =	sdelay $0x1  }
0x8a: {  	s1 =	srdreg.scid  }
0x8b: {  	s0 =	sand.u32 $0x1, s1  }
0x8c: {  	s18 =	sshll.u32 s0, $0xA;
	s2 =	sadd.s32 s3, s2  }
0x8d: {  	s2 =	sadd.s32 s2, s18  }
0x8e: {  	[smem:$0x3FC6] =	sst s2  }
0x8f: {  	_ = 	snop  }
0x90: {  	s2 =	sld [smem:$0x3FC9]  }
0x91: {  	s19 =	sld [smem:$0x3FC8]  }
0x92: {  	s4 =	sld [smem:$0x3FD0];
	(tm) =	ssettm $0x1  }
0x93: {  	s5 =	sld [smem:$0x3FFB];
	_ =	sdelay $0x3  }
0x94: {  	_ =	strace s5  }
0x95: {  	s5 =	sld [smem:$0x3FFC];
	_ =	sdelay $0x3  }
0x96: {  	_ =	strace s5  }
0x97: {  	s5 =	sld [smem:$0x3FFD];
	_ =	sdelay $0x3  }
0x98: {  	_ =	strace s5  }
0x99: {  	_ =	strace $0x8FFFFFFF  }
0x9a: {  	s20 =	sld [smem:$0x3FDB];
	_ =	sdelay $0x1  }
0x9b: {  	s6 =	simm.s32 $_scs_section_size  }
0x9c: {  	s7 =	simm.s32 $_size__tile_overlayer_lowered;
	s8 =	simm.s32 $_tile_overlayer_lowered  }
0x9d: {  	s23 =	simm.s32 $0x1BFF;
	s22 =	sshll.u32 s8, $0x1;
	s5 =	sadd.s32 s6, s20  }
0x9e: {  	s9 =	simm.s32 $0x0;
	s21 =	sshll.u32 s7, $0x1;
	s7 =	sadd.s32 s22, s5  }
0x9f: {  	[timem:s9], [sflag:s23] =	dma.local [hbm:s7], s21  }
0xa0: {  	_ =	swait.ge [sflag:s23], s21  }
0xa1: {  	s6 =	ssub.s32 $0x0, s21;
	[sflag:s23] =	ssyncset.done $0x0  }
0xa2: {  	[sflag:s23] =	ssyncadd.s32 s6;
	_ =	sdelay $0x1  }
0xa3: {  	s24 =	simm.s32 $0x1B8B  }
0xa4: {  	_ =	swait.ge [sflag:s24], $0x1  }
0xa5: {  	[sflag:s24] =	ssyncset.done $0x0  }
0xa6: {  	s25 =	simm.s32 $0x1B8E;
	[sflag:s24] =	ssyncadd.s32 $0xFFFFFFFF  }
0xa7: {  	s26 =	simm.s32 $execute0_lowered;
	[smem:$0x3FD2] =	sst s25  }
0xa8: {  	s6 =	sshll.u32 s26, $0x1;
	_ =	strace $0x80000046;
	[dreg:$0x1] =	wrdreg $0xFFFFFFFF  }
0xa9: {  	s28 =	simm.s32 $_size_execute0_lowered;
	s5 =	sadd.s32 s5, s6;
	[dreg:$0x0] =	wrdreg $0x0  }
0xaa: {  	s6 =	sshll.u32 s28, $0x1;
	[dreg:$0x2] =	wrdreg s5  }
0xab: {  	[dreg:$0x3] =	wrdreg s6  }
0xac: {  	[dreg:$0x4] =	wrdreg $0xC0  }
0xad: {  	_ =	task [dreg:s9], $0x5FFFF  }
0xae: {  	[dreg:$0x1] =	wrdreg $0xFFFFFFFF  }
0xaf: {  	[dreg:$0x0] =	wrdreg $0x60  }
0xb0: {  	[dreg:$0x2] =	wrdreg s2  }
0xb1: {  	[dreg:$0x3] =	wrdreg s19  }
0xb2: {  	[dreg:$0x4] =	wrdreg s4  }
0xb3: {  	[dreg:$0x5] =	wrdreg $0x9  }
0xb4: {  	_ =	task.clear_ibuf [dreg:s9], $0x6FFFF;
	_ =	strace $0x90000046  }
0xb5: {  	s29 =	simm.s32 $0x9;
	_ =	strace $0x80000048  }
0xb6: {  	_ =	swait.ge [sflag:s29], $0x1  }
0xb7: {  	[sflag:s29] =	ssyncadd.s32 $0xFFFFFFFF  }
0xb8: {  	_ =	strace $0x90000048  }
0xb9: {  	_ =	sfence  }
0xba: {  	s30 =	sld [smem:$0x0];
	_ =	sdelay $0x2  }
0xbb: {  	s31 =	sshll.u32 s1, $0xD;
	s1 =	sshrl.u32 s1, $0x2  }
0xbc: {  	s3 =	sand.u32 $0x4000, s31;
	s1 =	sadd.s32 s1, s30  }
0xbd: {  	s0 =	sor.u32 s3, s0;
	s1 =	sshll.u32 s1, $0x11  }
0xbe: {  	s0 =	sor.u32 s1, s0  }
0xbf: {  	s0 =	sadd.s32 $0x8F2B, s0  }
0xc0: {  	[sflag:s0] =	ssyncadd.remote.s32 $0x1  }
0xc1: {  	_ =	sfence.sel $0xFFFF  }
0xc2: {  	[dreg:$0x0] =	wrdreg $0xFFFFFFFF;
	(pc) =	sbr.abs _section_cstart, $3  }
0xc3: {  	[dreg:$0x1] =	wrdreg $0xFFFFFFFF  }
0xc4: {  	_ =	task.clear_ibuf [dreg:s9], $0x2FFFF;
	_ =	strace $0x9FFFFFFF  }
0xc5: {  	(tm) =	ssettm $0x7FFFFFFF  }
tec
execute0_lowered:
.L_overlay_start_1:
0x0: {  	(tag) =	ssettag $0x1  }
0x1: {  	s0 =	rddreg [dreg:$0x0]  }
0x2: {  	s2 =	rddreg [dreg:$0x1]  }
0x3: {  	s7 =	rddreg [dreg:$0x2];
	s1 =	srdreg.scid  }
0x4: {  	s3 =	stileid.u32;
	s4 =	simm.s32 $0x0;
	s9 =	simm.s32 $0x3  }
0x5: {  	s21 =	simm.s32 $0x13900;
	s22 =	simm.s32 $0x14100;
	s23 =	simm.s32 $0x14900  }
0x6: {  	s24 =	simm.s32 $0x15100;
	s28 =	simm.s32 $0x16900;
	s29 =	simm.s32 $0x17100  }
0x7: {  	s30 =	simm.s32 $0x17900;
	s31 =	simm.s32 $0x18100;
	s8 =	simm.s32 $0x1A100  }
0x8: {  	s10 =	simm.s32 $0x200;
	s11 =	simm.s32 $0x400;
	s12 =	simm.s32 $0x1A900  }
0x9: {  	s13 =	simm.s32 $0x2;
	s1 =	sand.u32 $0x1, s1;
	s3 =	sshll.u32 s3, $0x1  }
0xa: {  	s15 =	simm.s32 $0x0;
	s5 =	ssub.s32 $0x2, s1;
	s1 =	sor.u32 s1, s3  }
0xb: {  	[smem:$0x7FF] =	sst s4;
	s7 =	sadd.s32 $0x40, s7;
	s6 =	smul.u32 $0x320, s1  }
.Ltmp0:
0xc: {  	_ =	strace $0x80000047;
	s25 =	sshrl.u32 s5, $0x1;
	(pc) =	sbr.rel .LBB2_1-.Ltmp0, $4  }
0xd: {  	s3 =	ssub.s32 s5, s25;
	s5 =	sshll.u32 s1, $0xC;
	s25 =	simm.s32 $0x15900  }
0xe: {  	v2 =	vlaneseq.u32;
	s1 =	simm.s32 $0x19100;
	s0 =	sadd.s32 s0, s6;
	s26 =	smax.u32 s3, $0x1  }
0xf: {  	vm0 =	vmmov $0xffff;
	v1 =	vshrl.u32 v2, $0x3;
	s6 =	simm.s32 $0x19900;
	s3 =	simm.s32 $0x1;
	[dreg:$0x4] =	wrdreg s0  }
0x10: {  	v0 =	vand.u32 $0x7, v2;
	v2 =	vor.u32 $0x8, v2;
	v1 =	vmul.u32 $0x8, v1;
	[dreg:$0x5] =	wrdreg s26;
	s26 =	simm.s32 $0x16100;
	s0 =	simm.s32 $0x18900  }
.LBB2_22:
0x11: {  	s15 =	rddreg [dreg:$0x6]  }
0x12: {  	s14 =	rddreg [dreg:$0x5];
	s15 =	sadd.s32 $0x1, s15  }
0x13: {  	p0 =	sne.s32 s15, s14  }
.Ltmp1:
0x14: {  	_ = 	snop;
	(pc) =	sbr.rel @!p0 .LBB2_23-.Ltmp1, $1  }
0x15: {  	_ =	sdelay $0x3  }
.LBB2_1:
0x16: {  	[dreg:$0x6] =	wrdreg s15  }
0x17: {  	s14 =	rddreg [dreg:$0x4]  }
0x18: {  	[tilespmem:s4], [sflag:$0x3] =	stream.linear.gather [hbm4b:s14+s4], $0x1900, $0x38;
	[tilespmem:$0x1AD00] =	vst v63  }
0x19: {  	_ =	swait.ge [sflag:s9], $0x1900  }
0x1a: {  	[sflag:s9] =	ssyncset.done $0x0  }
0x1b: {  	[sflag:s9] =	ssyncadd.s32 $0xFFFFE700  }
0x1c: {  	v3 =	vld [tilespmem:$0x0];
	_ =	sdelay $0x4  }
0x1d: {  	v4 =	vshll.u32 v3, $0x1  }
0x1e: {  	v3 =	vand.u32 $0x7, v3;
	v4 =	vand.u32 $0xFFFFFFF0, v4  }
0x1f: {  	v3 =	vor.u32 v3, v4  }
0x20: {  	v4 =	vperm.xlane v3, v0;
	_ =	sdelay $0x1  }
0x21: {  	v3 =	vperm.xlane v3, v2;
	v4 =	vadd.s32 v1, v4;
	_ =	sdelay $0x1  }
0x22: {  	v3 =	vadd.s32 v1, v3;
	_ =	sdelay $0x1  }
0x23: {  	s15 =	simm.s32 $0x1900  }
0x24: {  	[tilespmem:s15], [sflag:$0x1] =	stream.indirect_vreg.gather [hbm4b:s2+s4], $0x80, v4, vm0, $0xb8;
	[tilespmem:$0x1AD00] =	vst v63  }
0x25: {  	s16 =	simm.s32 $0x2100  }
0x26: {  	[tilespmem:s16], [sflag:$0x1] =	stream.indirect_vreg.gather [hbm4b:s2+s4], $0x80, v3, vm0, $0xb8;
	[tilespmem:$0x1AD00] =	vst v63  }
0x27: {  	v3 =	vld [tilespmem:$0x10];
	_ =	sdelay $0x4  }
0x28: {  	v39 =	vshll.u32 v3, $0x1  }
0x29: {  	v3 =	vand.u32 $0x7, v3;
	v4 =	vand.u32 $0xFFFFFFF0, v39  }
0x2a: {  	v3 =	vor.u32 v3, v4  }
0x2b: {  	v4 =	vperm.xlane v3, v0;
	_ =	sdelay $0x1  }
0x2c: {  	v3 =	vperm.xlane v3, v2;
	v4 =	vadd.s32 v1, v4;
	_ =	sdelay $0x1  }
0x2d: {  	v3 =	vadd.s32 v1, v3;
	_ =	sdelay $0x1  }
0x2e: {  	s17 =	simm.s32 $0x2900  }
0x2f: {  	[tilespmem:s17], [sflag:$0x1] =	stream.indirect_vreg.gather [hbm4b:s2+s4], $0x80, v4, vm0, $0xb8;
	[tilespmem:$0x1AD00] =	vst v63  }
0x30: {  	s18 =	simm.s32 $0x3100  }
0x31: {  	[tilespmem:s18], [sflag:$0x1] =	stream.indirect_vreg.gather [hbm4b:s2+s4], $0x80, v3, vm0, $0xb8;
	[tilespmem:$0x1AD00] =	vst v63  }
0x32: {  	v3 =	vld [tilespmem:$0x20];
	_ =	sdelay $0x4  }
0x33: {  	v40 =	vshll.u32 v3, $0x1  }
0x34: {  	v3 =	vand.u32 $0x7, v3;
	v4 =	vand.u32 $0xFFFFFFF0, v40  }
0x35: {  	v3 =	vor.u32 v3, v4  }
0x36: {  	v4 =	vperm.xlane v3, v0;
	_ =	sdelay $0x1  }
0x37: {  	v3 =	vperm.xlane v3, v2;
	v4 =	vadd.s32 v1, v4;
	_ =	sdelay $0x1  }
0x38: {  	v3 =	vadd.s32 v1, v3;
	_ =	sdelay $0x1  }
0x39: {  	s19 =	simm.s32 $0x3900  }
0x3a: {  	[tilespmem:s19], [sflag:$0x1] =	stream.indirect_vreg.gather [hbm4b:s2+s4], $0x80, v4, vm0, $0xb8;
	[tilespmem:$0x1AD00] =	vst v63  }
0x3b: {  	s20 =	simm.s32 $0x4100  }
0x3c: {  	[tilespmem:s20], [sflag:$0x1] =	stream.indirect_vreg.gather [hbm4b:s2+s4], $0x80, v3, vm0, $0xb8;
	[tilespmem:$0x1AD00] =	vst v63  }
0x3d: {  	v3 =	vld [tilespmem:$0x30];
	_ =	sdelay $0x4  }
0x3e: {  	v41 =	vshll.u32 v3, $0x1  }
0x3f: {  	v3 =	vand.u32 $0x7, v3;
	v4 =	vand.u32 $0xFFFFFFF0, v41  }
0x40: {  	v3 =	vor.u32 v3, v4  }
0x41: {  	v4 =	vperm.xlane v3, v0;
	_ =	sdelay $0x1  }
0x42: {  	v3 =	vperm.xlane v3, v2;
	v4 =	vadd.s32 v1, v4;
	_ =	sdelay $0x1  }
0x43: {  	v3 =	vadd.s32 v1, v3;
	_ =	sdelay $0x1  }
0x44: {  	s15 =	simm.s32 $0x4900  }
0x45: {  	[tilespmem:s15], [sflag:$0x1] =	stream.indirect_vreg.gather [hbm4b:s2+s4], $0x80, v4, vm0, $0xb8;
	[tilespmem:$0x1AD00] =	vst v63  }
0x46: {  	s16 =	simm.s32 $0x5100  }
0x47: {  	[tilespmem:s16], [sflag:$0x1] =	stream.indirect_vreg.gather [hbm4b:s2+s4], $0x80, v3, vm0, $0xb8;
	[tilespmem:$0x1AD00] =	vst v63  }
0x48: {  	v3 =	vld [tilespmem:$0x40];
	_ =	sdelay $0x4  }
0x49: {  	v42 =	vshll.u32 v3, $0x1  }
0x4a: {  	v3 =	vand.u32 $0x7, v3;
	v4 =	vand.u32 $0xFFFFFFF0, v42  }
0x4b: {  	v3 =	vor.u32 v3, v4  }
0x4c: {  	v4 =	vperm.xlane v3, v0;
	_ =	sdelay $0x1  }
0x4d: {  	v3 =	vperm.xlane v3, v2;
	v4 =	vadd.s32 v1, v4;
	_ =	sdelay $0x1  }
0x4e: {  	v3 =	vadd.s32 v1, v3;
	_ =	sdelay $0x1  }
0x4f: {  	s17 =	simm.s32 $0x5900  }
0x50: {  	[tilespmem:s17], [sflag:$0x1] =	stream.indirect_vreg.gather [hbm4b:s2+s4], $0x80, v4, vm0, $0xb8;
	[tilespmem:$0x1AD00] =	vst v63  }
0x51: {  	s18 =	simm.s32 $0x6100  }
0x52: {  	[tilespmem:s18], [sflag:$0x1] =	stream.indirect_vreg.gather [hbm4b:s2+s4], $0x80, v3, vm0, $0xb8;
	[tilespmem:$0x1AD00] =	vst v63  }
0x53: {  	v3 =	vld [tilespmem:$0x50];
	_ =	sdelay $0x4  }
0x54: {  	v43 =	vshll.u32 v3, $0x1  }
0x55: {  	v3 =	vand.u32 $0x7, v3;
	v4 =	vand.u32 $0xFFFFFFF0, v43  }
0x56: {  	v3 =	vor.u32 v3, v4  }
0x57: {  	v4 =	vperm.xlane v3, v0;
	_ =	sdelay $0x1  }
0x58: {  	v3 =	vperm.xlane v3, v2;
	v4 =	vadd.s32 v1, v4;
	_ =	sdelay $0x1  }
0x59: {  	v3 =	vadd.s32 v1, v3;
	_ =	sdelay $0x1  }
0x5a: {  	s19 =	simm.s32 $0x6900  }
0x5b: {  	[tilespmem:s19], [sflag:$0x1] =	stream.indirect_vreg.gather [hbm4b:s2+s4], $0x80, v4, vm0, $0xb8;
	[tilespmem:$0x1AD00] =	vst v63  }
0x5c: {  	s20 =	simm.s32 $0x7100  }
0x5d: {  	[tilespmem:s20], [sflag:$0x1] =	stream.indirect_vreg.gather [hbm4b:s2+s4], $0x80, v3, vm0, $0xb8;
	[tilespmem:$0x1AD00] =	vst v63  }
0x5e: {  	v3 =	vld [tilespmem:$0x60];
	_ =	sdelay $0x4  }
0x5f: {  	v44 =	vshll.u32 v3, $0x1  }
0x60: {  	v3 =	vand.u32 $0x7, v3;
	v4 =	vand.u32 $0xFFFFFFF0, v44  }
0x61: {  	v3 =	vor.u32 v3, v4  }
0x62: {  	v4 =	vperm.xlane v3, v0;
	_ =	sdelay $0x1  }
0x63: {  	v3 =	vperm.xlane v3, v2;
	v4 =	vadd.s32 v1, v4;
	_ =	sdelay $0x1  }
0x64: {  	v3 =	vadd.s32 v1, v3;
	_ =	sdelay $0x1  }
0x65: {  	s15 =	simm.s32 $0x7900  }
0x66: {  	[tilespmem:s15], [sflag:$0x1] =	stream.indirect_vreg.gather [hbm4b:s2+s4], $0x80, v4, vm0, $0xb8;
	[tilespmem:$0x1AD00] =	vst v63  }
0x67: {  	s16 =	simm.s32 $0x8100  }
0x68: {  	[tilespmem:s16], [sflag:$0x1] =	stream.indirect_vreg.gather [hbm4b:s2+s4], $0x80, v3, vm0, $0xb8;
	[tilespmem:$0x1AD00] =	vst v63  }
0x69: {  	v3 =	vld [tilespmem:$0x70];
	_ =	sdelay $0x4  }
0x6a: {  	v45 =	vshll.u32 v3, $0x1  }
0x6b: {  	v3 =	vand.u32 $0x7, v3;
	v4 =	vand.u32 $0xFFFFFFF0, v45  }
0x6c: {  	v3 =	vor.u32 v3, v4  }
0x6d: {  	v4 =	vperm.xlane v3, v0;
	_ =	sdelay $0x1  }
0x6e: {  	v3 =	vperm.xlane v3, v2;
	v4 =	vadd.s32 v1, v4;
	_ =	sdelay $0x1  }
0x6f: {  	v3 =	vadd.s32 v1, v3;
	_ =	sdelay $0x1  }
0x70: {  	s17 =	simm.s32 $0x8900  }
0x71: {  	[tilespmem:s17], [sflag:$0x1] =	stream.indirect_vreg.gather [hbm4b:s2+s4], $0x80, v4, vm0, $0xb8;
	[tilespmem:$0x1AD00] =	vst v63  }
0x72: {  	s18 =	simm.s32 $0x9100  }
0x73: {  	[tilespmem:s18], [sflag:$0x1] =	stream.indirect_vreg.gather [hbm4b:s2+s4], $0x80, v3, vm0, $0xb8;
	[tilespmem:$0x1AD00] =	vst v63  }
0x74: {  	v3 =	vld [tilespmem:$0x80];
	_ =	sdelay $0x4  }
0x75: {  	v46 =	vshll.u32 v3, $0x1  }
0x76: {  	v3 =	vand.u32 $0x7, v3;
	v4 =	vand.u32 $0xFFFFFFF0, v46  }
0x77: {  	v3 =	vor.u32 v3, v4  }
0x78: {  	v4 =	vperm.xlane v3, v0;
	_ =	sdelay $0x1  }
0x79: {  	v3 =	vperm.xlane v3, v2;
	v4 =	vadd.s32 v1, v4;
	_ =	sdelay $0x1  }
0x7a: {  	v3 =	vadd.s32 v1, v3;
	_ =	sdelay $0x1  }
0x7b: {  	s19 =	simm.s32 $0x9900  }
0x7c: {  	[tilespmem:s19], [sflag:$0x1] =	stream.indirect_vreg.gather [hbm4b:s2+s4], $0x80, v4, vm0, $0xb8;
	[tilespmem:$0x1AD00] =	vst v63  }
0x7d: {  	s20 =	simm.s32 $0xA100  }
0x7e: {  	[tilespmem:s20], [sflag:$0x1] =	stream.indirect_vreg.gather [hbm4b:s2+s4], $0x80, v3, vm0, $0xb8;
	[tilespmem:$0x1AD00] =	vst v63  }
0x7f: {  	v3 =	vld [tilespmem:$0x90];
	_ =	sdelay $0x4  }
0x80: {  	v47 =	vshll.u32 v3, $0x1  }
0x81: {  	v3 =	vand.u32 $0x7, v3;
	v4 =	vand.u32 $0xFFFFFFF0, v47  }
0x82: {  	v3 =	vor.u32 v3, v4  }
0x83: {  	v4 =	vperm.xlane v3, v0;
	_ =	sdelay $0x1  }
0x84: {  	v3 =	vperm.xlane v3, v2;
	v4 =	vadd.s32 v1, v4;
	_ =	sdelay $0x1  }
0x85: {  	v3 =	vadd.s32 v1, v3;
	_ =	sdelay $0x1  }
0x86: {  	s15 =	simm.s32 $0xA900  }
0x87: {  	[tilespmem:s15], [sflag:$0x1] =	stream.indirect_vreg.gather [hbm4b:s2+s4], $0x80, v4, vm0, $0xb8;
	[tilespmem:$0x1AD00] =	vst v63  }
0x88: {  	s16 =	simm.s32 $0xB100  }
0x89: {  	[tilespmem:s16], [sflag:$0x1] =	stream.indirect_vreg.gather [hbm4b:s2+s4], $0x80, v3, vm0, $0xb8;
	[tilespmem:$0x1AD00] =	vst v63  }
0x8a: {  	v3 =	vld [tilespmem:$0xA0];
	_ =	sdelay $0x4  }
0x8b: {  	v48 =	vshll.u32 v3, $0x1  }
0x8c: {  	v3 =	vand.u32 $0x7, v3;
	v4 =	vand.u32 $0xFFFFFFF0, v48  }
0x8d: {  	v3 =	vor.u32 v3, v4  }
0x8e: {  	v4 =	vperm.xlane v3, v0;
	_ =	sdelay $0x1  }
0x8f: {  	v3 =	vperm.xlane v3, v2;
	v4 =	vadd.s32 v1, v4;
	_ =	sdelay $0x1  }
0x90: {  	v3 =	vadd.s32 v1, v3;
	_ =	sdelay $0x1  }
0x91: {  	s17 =	simm.s32 $0xB900  }
0x92: {  	[tilespmem:s17], [sflag:$0x1] =	stream.indirect_vreg.gather [hbm4b:s2+s4], $0x80, v4, vm0, $0xb8;
	[tilespmem:$0x1AD00] =	vst v63  }
0x93: {  	s18 =	simm.s32 $0xC100  }
0x94: {  	[tilespmem:s18], [sflag:$0x1] =	stream.indirect_vreg.gather [hbm4b:s2+s4], $0x80, v3, vm0, $0xb8;
	[tilespmem:$0x1AD00] =	vst v63  }
0x95: {  	v3 =	vld [tilespmem:$0xB0];
	_ =	sdelay $0x4  }
0x96: {  	v49 =	vshll.u32 v3, $0x1  }
0x97: {  	v3 =	vand.u32 $0x7, v3;
	v4 =	vand.u32 $0xFFFFFFF0, v49  }
0x98: {  	v3 =	vor.u32 v3, v4  }
0x99: {  	v4 =	vperm.xlane v3, v0;
	_ =	sdelay $0x1  }
0x9a: {  	v3 =	vperm.xlane v3, v2;
	v4 =	vadd.s32 v1, v4;
	_ =	sdelay $0x1  }
0x9b: {  	v3 =	vadd.s32 v1, v3;
	_ =	sdelay $0x1  }
0x9c: {  	s19 =	simm.s32 $0xC900  }
0x9d: {  	[tilespmem:s19], [sflag:$0x1] =	stream.indirect_vreg.gather [hbm4b:s2+s4], $0x80, v4, vm0, $0xb8;
	[tilespmem:$0x1AD00] =	vst v63  }
0x9e: {  	s20 =	simm.s32 $0xD100  }
0x9f: {  	[tilespmem:s20], [sflag:$0x1] =	stream.indirect_vreg.gather [hbm4b:s2+s4], $0x80, v3, vm0, $0xb8;
	[tilespmem:$0x1AD00] =	vst v63  }
0xa0: {  	v3 =	vld.msk [tilespmem:$0xC0], $0xff;
	_ =	sdelay $0x4  }
0xa1: {  	v50 =	vshll.u32 v3, $0x1  }
0xa2: {  	v3 =	vand.u32 $0x7, v3;
	v4 =	vand.u32 $0xFFFFFFF0, v50  }
0xa3: {  	v3 =	vor.u32 v3, v4  }
0xa4: {  	v3 =	vperm.xlane v3, v0;
	_ =	sdelay $0x1  }
0xa5: {  	v3 =	vadd.s32 v1, v3;
	_ =	sdelay $0x3  }
0xa6: {  	s15 =	simm.s32 $0xD900  }
0xa7: {  	[tilespmem:s15], [sflag:$0x1] =	stream.indirect_vreg.gather [hbm4b:s2+s4], $0x80, v3, vm0, $0xb8;
	[tilespmem:$0x1AD00] =	vst v63  }
0xa8: {  	v3 =	vld [tilespmem:$0xC8];
	_ =	sdelay $0x4  }
0xa9: {  	v51 =	vshll.u32 v3, $0x1  }
0xaa: {  	v3 =	vand.u32 $0x7, v3;
	v4 =	vand.u32 $0xFFFFFFF0, v51  }
0xab: {  	v3 =	vor.u32 v3, v4  }
0xac: {  	v4 =	vperm.xlane v3, v0;
	_ =	sdelay $0x1  }
0xad: {  	v3 =	vperm.xlane v3, v2;
	v4 =	vadd.s32 v1, v4;
	_ =	sdelay $0x1  }
0xae: {  	v3 =	vadd.s32 v1, v3;
	_ =	sdelay $0x1  }
0xaf: {  	s16 =	simm.s32 $0xE100  }
0xb0: {  	[tilespmem:s16], [sflag:$0x2] =	stream.indirect_vreg.gather [hbm4b:s2+s4], $0x80, v4, vm0, $0xb8;
	[tilespmem:$0x1AD00] =	vst v63  }
0xb1: {  	s17 =	simm.s32 $0xE900  }
0xb2: {  	[tilespmem:s17], [sflag:$0x2] =	stream.indirect_vreg.gather [hbm4b:s2+s4], $0x80, v3, vm0, $0xb8;
	[tilespmem:$0x1AD00] =	vst v63  }
0xb3: {  	v3 =	vld [tilespmem:$0xD8];
	_ =	sdelay $0x4  }
0xb4: {  	v52 =	vshll.u32 v3, $0x1  }
0xb5: {  	v3 =	vand.u32 $0x7, v3;
	v4 =	vand.u32 $0xFFFFFFF0, v52  }
0xb6: {  	v3 =	vor.u32 v3, v4  }
0xb7: {  	v4 =	vperm.xlane v3, v0;
	_ =	sdelay $0x1  }
0xb8: {  	v3 =	vperm.xlane v3, v2;
	v4 =	vadd.s32 v1, v4;
	_ =	sdelay $0x1  }
0xb9: {  	v3 =	vadd.s32 v1, v3;
	_ =	sdelay $0x1  }
0xba: {  	s18 =	simm.s32 $0xF100  }
0xbb: {  	[tilespmem:s18], [sflag:$0x2] =	stream.indirect_vreg.gather [hbm4b:s2+s4], $0x80, v4, vm0, $0xb8;
	[tilespmem:$0x1AD00] =	vst v63  }
0xbc: {  	s19 =	simm.s32 $0xF900  }
0xbd: {  	[tilespmem:s19], [sflag:$0x2] =	stream.indirect_vreg.gather [hbm4b:s2+s4], $0x80, v3, vm0, $0xb8;
	[tilespmem:$0x1AD00] =	vst v63  }
0xbe: {  	v3 =	vld [tilespmem:$0xE8];
	_ =	sdelay $0x4  }
0xbf: {  	v53 =	vshll.u32 v3, $0x1  }
0xc0: {  	v3 =	vand.u32 $0x7, v3;
	v4 =	vand.u32 $0xFFFFFFF0, v53  }
0xc1: {  	v3 =	vor.u32 v3, v4  }
0xc2: {  	v4 =	vperm.xlane v3, v0;
	_ =	sdelay $0x1  }
0xc3: {  	v3 =	vperm.xlane v3, v2;
	v4 =	vadd.s32 v1, v4;
	_ =	sdelay $0x1  }
0xc4: {  	v3 =	vadd.s32 v1, v3;
	_ =	sdelay $0x1  }
0xc5: {  	s20 =	simm.s32 $0x10100  }
0xc6: {  	[tilespmem:s20], [sflag:$0x2] =	stream.indirect_vreg.gather [hbm4b:s2+s4], $0x80, v4, vm0, $0xb8;
	[tilespmem:$0x1AD00] =	vst v63  }
0xc7: {  	s15 =	simm.s32 $0x10900  }
0xc8: {  	[tilespmem:s15], [sflag:$0x2] =	stream.indirect_vreg.gather [hbm4b:s2+s4], $0x80, v3, vm0, $0xb8;
	[tilespmem:$0x1AD00] =	vst v63  }
0xc9: {  	v3 =	vld [tilespmem:$0xF8];
	_ =	sdelay $0x4  }
0xca: {  	v54 =	vshll.u32 v3, $0x1  }
0xcb: {  	v3 =	vand.u32 $0x7, v3;
	v4 =	vand.u32 $0xFFFFFFF0, v54  }
0xcc: {  	v3 =	vor.u32 v3, v4  }
0xcd: {  	v4 =	vperm.xlane v3, v0;
	_ =	sdelay $0x1  }
0xce: {  	v3 =	vperm.xlane v3, v2;
	v4 =	vadd.s32 v1, v4;
	_ =	sdelay $0x1  }
0xcf: {  	v3 =	vadd.s32 v1, v3;
	_ =	sdelay $0x1  }
0xd0: {  	s16 =	simm.s32 $0x11100  }
0xd1: {  	[tilespmem:s16], [sflag:$0x2] =	stream.indirect_vreg.gather [hbm4b:s2+s4], $0x80, v4, vm0, $0xb8;
	[tilespmem:$0x1AD00] =	vst v63  }
0xd2: {  	s17 =	simm.s32 $0x11900  }
0xd3: {  	[tilespmem:s17], [sflag:$0x2] =	stream.indirect_vreg.gather [hbm4b:s2+s4], $0x80, v3, vm0, $0xb8;
	[tilespmem:$0x1AD00] =	vst v63  }
0xd4: {  	v3 =	vld [tilespmem:$0x108];
	_ =	sdelay $0x4  }
0xd5: {  	v55 =	vshll.u32 v3, $0x1  }
0xd6: {  	v3 =	vand.u32 $0x7, v3;
	v4 =	vand.u32 $0xFFFFFFF0, v55  }
0xd7: {  	v3 =	vor.u32 v3, v4  }
0xd8: {  	v4 =	vperm.xlane v3, v0;
	_ =	sdelay $0x1  }
0xd9: {  	v3 =	vperm.xlane v3, v2;
	v4 =	vadd.s32 v1, v4;
	_ =	sdelay $0x1  }
0xda: {  	v3 =	vadd.s32 v1, v3;
	_ =	sdelay $0x1  }
0xdb: {  	s18 =	simm.s32 $0x12100  }
0xdc: {  	[tilespmem:s18], [sflag:$0x2] =	stream.indirect_vreg.gather [hbm4b:s2+s4], $0x80, v4, vm0, $0xb8;
	[tilespmem:$0x1AD00] =	vst v63  }
0xdd: {  	s19 =	simm.s32 $0x12900  }
0xde: {  	[tilespmem:s19], [sflag:$0x2] =	stream.indirect_vreg.gather [hbm4b:s2+s4], $0x80, v3, vm0, $0xb8;
	[tilespmem:$0x1AD00] =	vst v63  }
0xdf: {  	v3 =	vld [tilespmem:$0x118];
	_ =	sdelay $0x4  }
0xe0: {  	v56 =	vshll.u32 v3, $0x1  }
0xe1: {  	v3 =	vand.u32 $0x7, v3;
	v4 =	vand.u32 $0xFFFFFFF0, v56  }
0xe2: {  	v3 =	vor.u32 v3, v4  }
0xe3: {  	v4 =	vperm.xlane v3, v0;
	_ =	sdelay $0x1  }
0xe4: {  	v3 =	vperm.xlane v3, v2;
	v4 =	vadd.s32 v1, v4;
	_ =	sdelay $0x1  }
0xe5: {  	v3 =	vadd.s32 v1, v3;
	_ =	sdelay $0x1  }
0xe6: {  	s20 =	simm.s32 $0x13100  }
0xe7: {  	[tilespmem:s20], [sflag:$0x2] =	stream.indirect_vreg.gather [hbm4b:s2+s4], $0x80, v4, vm0, $0xb8;
	[tilespmem:$0x1AD00] =	vst v63  }
0xe8: {  	_ = 	snop  }
0xe9: {  	[tilespmem:s21], [sflag:$0x2] =	stream.indirect_vreg.gather [hbm4b:s2+s4], $0x80, v3, vm0, $0xb8;
	[tilespmem:$0x1AD00] =	vst v63  }
0xea: {  	v3 =	vld [tilespmem:$0x128];
	_ =	sdelay $0x4  }
0xeb: {  	v57 =	vshll.u32 v3, $0x1  }
0xec: {  	v3 =	vand.u32 $0x7, v3;
	v4 =	vand.u32 $0xFFFFFFF0, v57  }
0xed: {  	v3 =	vor.u32 v3, v4  }
0xee: {  	v4 =	vperm.xlane v3, v0;
	_ =	sdelay $0x1  }
0xef: {  	v3 =	vperm.xlane v3, v2;
	v4 =	vadd.s32 v1, v4;
	_ =	sdelay $0x1  }
0xf0: {  	v3 =	vadd.s32 v1, v3;
	_ =	sdelay $0x2  }
0xf1: {  	[tilespmem:s22], [sflag:$0x2] =	stream.indirect_vreg.gather [hbm4b:s2+s4], $0x80, v4, vm0, $0xb8;
	[tilespmem:$0x1AD00] =	vst v63  }
0xf2: {  	_ = 	snop  }
0xf3: {  	[tilespmem:s23], [sflag:$0x2] =	stream.indirect_vreg.gather [hbm4b:s2+s4], $0x80, v3, vm0, $0xb8;
	[tilespmem:$0x1AD00] =	vst v63  }
0xf4: {  	v3 =	vld [tilespmem:$0x138];
	_ =	sdelay $0x4  }
0xf5: {  	v58 =	vshll.u32 v3, $0x1  }
0xf6: {  	v3 =	vand.u32 $0x7, v3;
	v4 =	vand.u32 $0xFFFFFFF0, v58  }
0xf7: {  	v3 =	vor.u32 v3, v4  }
0xf8: {  	v4 =	vperm.xlane v3, v0;
	_ =	sdelay $0x1  }
0xf9: {  	v3 =	vperm.xlane v3, v2;
	v4 =	vadd.s32 v1, v4;
	_ =	sdelay $0x1  }
0xfa: {  	v3 =	vadd.s32 v1, v3;
	_ =	sdelay $0x2  }
0xfb: {  	[tilespmem:s24], [sflag:$0x2] =	stream.indirect_vreg.gather [hbm4b:s2+s4], $0x80, v4, vm0, $0xb8;
	[tilespmem:$0x1AD00] =	vst v63  }
0xfc: {  	_ = 	snop  }
0xfd: {  	[tilespmem:s25], [sflag:$0x2] =	stream.indirect_vreg.gather [hbm4b:s2+s4], $0x80, v3, vm0, $0xb8;
	[tilespmem:$0x1AD00] =	vst v63  }
0xfe: {  	v3 =	vld [tilespmem:$0x148];
	_ =	sdelay $0x4  }
0xff: {  	v59 =	vshll.u32 v3, $0x1  }
0x100: {  	v3 =	vand.u32 $0x7, v3;
	v4 =	vand.u32 $0xFFFFFFF0, v59  }
0x101: {  	v3 =	vor.u32 v3, v4  }
0x102: {  	v4 =	vperm.xlane v3, v0;
	_ =	sdelay $0x1  }
0x103: {  	v3 =	vperm.xlane v3, v2;
	v4 =	vadd.s32 v1, v4;
	_ =	sdelay $0x1  }
0x104: {  	v3 =	vadd.s32 v1, v3;
	_ =	sdelay $0x2  }
0x105: {  	[tilespmem:s26], [sflag:$0x2] =	stream.indirect_vreg.gather [hbm4b:s2+s4], $0x80, v4, vm0, $0xb8;
	[tilespmem:$0x1AD00] =	vst v63  }
0x106: {  	_ = 	snop  }
0x107: {  	[tilespmem:s28], [sflag:$0x2] =	stream.indirect_vreg.gather [hbm4b:s2+s4], $0x80, v3, vm0, $0xb8;
	[tilespmem:$0x1AD00] =	vst v63  }
0x108: {  	v3 =	vld [tilespmem:$0x158];
	_ =	sdelay $0x4  }
0x109: {  	v60 =	vshll.u32 v3, $0x1  }
0x10a: {  	v3 =	vand.u32 $0x7, v3;
	v4 =	vand.u32 $0xFFFFFFF0, v60  }
0x10b: {  	v3 =	vor.u32 v3, v4  }
0x10c: {  	v4 =	vperm.xlane v3, v0;
	_ =	sdelay $0x1  }
0x10d: {  	v3 =	vperm.xlane v3, v2;
	v4 =	vadd.s32 v1, v4;
	_ =	sdelay $0x1  }
0x10e: {  	v3 =	vadd.s32 v1, v3;
	_ =	sdelay $0x2  }
0x10f: {  	[tilespmem:s29], [sflag:$0x2] =	stream.indirect_vreg.gather [hbm4b:s2+s4], $0x80, v4, vm0, $0xb8;
	[tilespmem:$0x1AD00] =	vst v63  }
0x110: {  	_ = 	snop  }
0x111: {  	[tilespmem:s30], [sflag:$0x2] =	stream.indirect_vreg.gather [hbm4b:s2+s4], $0x80, v3, vm0, $0xb8;
	[tilespmem:$0x1AD00] =	vst v63  }
0x112: {  	v3 =	vld [tilespmem:$0x168];
	_ =	sdelay $0x4  }
0x113: {  	v61 =	vshll.u32 v3, $0x1  }
0x114: {  	v3 =	vand.u32 $0x7, v3;
	v4 =	vand.u32 $0xFFFFFFF0, v61  }
0x115: {  	v3 =	vor.u32 v3, v4  }
0x116: {  	v4 =	vperm.xlane v3, v0;
	_ =	sdelay $0x1  }
0x117: {  	v3 =	vperm.xlane v3, v2;
	v4 =	vadd.s32 v1, v4;
	_ =	sdelay $0x1  }
0x118: {  	v3 =	vadd.s32 v1, v3;
	_ =	sdelay $0x2  }
0x119: {  	[tilespmem:s31], [sflag:$0x2] =	stream.indirect_vreg.gather [hbm4b:s2+s4], $0x80, v4, vm0, $0xb8;
	[tilespmem:$0x1AD00] =	vst v63  }
0x11a: {  	_ = 	snop  }
0x11b: {  	[tilespmem:s0], [sflag:$0x2] =	stream.indirect_vreg.gather [hbm4b:s2+s4], $0x80, v3, vm0, $0xb8;
	[tilespmem:$0x1AD00] =	vst v63  }
0x11c: {  	v3 =	vld [tilespmem:$0x178];
	_ =	sdelay $0x4  }
0x11d: {  	v62 =	vshll.u32 v3, $0x1  }
0x11e: {  	v3 =	vand.u32 $0x7, v3;
	v4 =	vand.u32 $0xFFFFFFF0, v62  }
0x11f: {  	v3 =	vor.u32 v3, v4  }
0x120: {  	v4 =	vperm.xlane v3, v0;
	_ =	sdelay $0x1  }
0x121: {  	v3 =	vperm.xlane v3, v2;
	v4 =	vadd.s32 v1, v4;
	_ =	sdelay $0x1  }
0x122: {  	v3 =	vadd.s32 v1, v3;
	_ =	sdelay $0x2  }
0x123: {  	[tilespmem:s1], [sflag:$0x2] =	stream.indirect_vreg.gather [hbm4b:s2+s4], $0x80, v4, vm0, $0xb8;
	[tilespmem:$0x1AD00] =	vst v63  }
0x124: {  	_ = 	snop  }
0x125: {  	[tilespmem:s6], [sflag:$0x2] =	stream.indirect_vreg.gather [hbm4b:s2+s4], $0x80, v3, vm0, $0xb8;
	[tilespmem:$0x1AD00] =	vst v63  }
0x126: {  	v3 =	vld.msk [tilespmem:$0x188], $0xff;
	_ =	sdelay $0x4  }
0x127: {  	v63 =	vshll.u32 v3, $0x1  }
0x128: {  	v3 =	vand.u32 $0x7, v3;
	v4 =	vand.u32 $0xFFFFFFF0, v63  }
0x129: {  	v3 =	vor.u32 v3, v4  }
0x12a: {  	v3 =	vperm.xlane v3, v0;
	_ =	sdelay $0x1  }
0x12b: {  	v3 =	vadd.s32 v1, v3;
	_ =	sdelay $0x3  }
0x12c: {  	s14 =	simm.s32 $0x0  }
0x12d: {  	[tilespmem:s8], [sflag:$0x2] =	stream.indirect_vreg.gather [hbm4b:s2+s4], $0x80, v3, vm0, $0xb8;
	[tilespmem:$0x1AD00] =	vst v63  }
.LBB2_2:
0x12e: {  	_ =	swait.ge [sflag:s3], $0xC800;
	s15 =	simm.s32 $0x0  }
0x12f: {  	[sflag:s3] =	ssyncset.done $0x0;
	s16 =	sand.u32 $0x3800, s15;
	s15 =	sand.u32 $0x380, s15  }
0x130: {  	[sflag:s3] =	ssyncadd.s32 $0xFFFF3800;
	s15 =	sor.u32 s15, s16  }
0x131: {  	v3 =	vld [tilespmem:s15+$0x1D70]  }
0x132: {  	v5 =	vld [tilespmem:s15+$0x1900]  }
0x133: {  	v6 =	vld [tilespmem:s15+$0x1910]  }
0x134: {  	v7 =	vld [tilespmem:s15+$0x1920]  }
0x135: {  	v8 =	vld [tilespmem:s15+$0x1930]  }
0x136: {  	v9 =	vld [tilespmem:s15+$0x1940]  }
0x137: {  	v10 =	vld [tilespmem:s15+$0x1950]  }
0x138: {  	v11 =	vld [tilespmem:s15+$0x1960]  }
0x139: {  	v4 =	vimm.f32 $0.0e+00;
	v14 =	vld [tilespmem:s15+$0x1970]  }
0x13a: {  	v15 =	vld [tilespmem:s15+$0x1D00];
	v3 =	vadd.f32 v3, v4  }
0x13b: {  	v18 =	vadd.f32 v5, v4;
	v17 =	vadd.f32 v6, v4  }
0x13c: {  	v22 =	vld [tilespmem:s15+$0x1D10];
	v16 =	vadd.f32 v7, v4;
	v12 =	vadd.f32 v8, v4  }
0x13d: {  	v21 =	vld [tilespmem:s15+$0x1D20];
	v13 =	vadd.f32 v9, v4;
	v9 =	vadd.f32 v10, v4  }
0x13e: {  	v19 =	vld [tilespmem:s15+$0x1D30];
	v10 =	vadd.f32 v11, v4;
	v6 =	vadd.f32 v14, v4  }
0x13f: {  	s17 =	simm.s32 $0x100;
	s16 =	simm.s32 $0x80;
	v20 =	vld [tilespmem:s15+$0x1D40];
	v11 =	vadd.f32 v15, v4;
	v14 =	vimm.f32 $0.0e+00;
	v7 =	vimm.f32 $0.0e+00  }
0x140: {  	s18 =	sand.u32 $0x3800, s17;
	s17 =	simm.s32 $0x200;
	s19 =	sand.u32 $0x380, s16;
	v23 =	vld [tilespmem:s15+$0x1D50];
	v15 =	vimm.f32 $0.0e+00;
	v8 =	vimm.f32 $0.0e+00;
	v5 =	vimm.f32 $0.0e+00  }
.LBB2_3:
0x141: {  	p0 =	sne.s32 s17, $0x3100;
	v4 =	vadd.f32 v22, v4;
	v22 =	vld [tilespmem:s15+$0x1D60];
	s15 =	sor.u32 s19, s18  }
0x142: {  	v24 =	vld [tilespmem:s15+$0x1D70];
	v14 =	vadd.f32 v21, v14  }
0x143: {  	v21 =	vld [tilespmem:s15+$0x1900];
	v7 =	vadd.f32 v19, v7  }
0x144: {  	v19 =	vld [tilespmem:s15+$0x1910];
	v15 =	vadd.f32 v20, v15  }
0x145: {  	v20 =	vld [tilespmem:s15+$0x1920];
	v8 =	vadd.f32 v23, v8  }
0x146: {  	v23 =	vld [tilespmem:s15+$0x1930];
	v5 =	vadd.f32 v22, v5  }
0x147: {  	v22 =	vld [tilespmem:s15+$0x1940];
	v3 =	vadd.f32 v24, v3  }
0x148: {  	v18 =	vadd.f32 v21, v18;
	v21 =	vld [tilespmem:s15+$0x1950]  }
0x149: {  	v17 =	vadd.f32 v19, v17;
	v19 =	vld [tilespmem:s15+$0x1960]  }
0x14a: {  	v16 =	vadd.f32 v20, v16;
	v20 =	vld [tilespmem:s15+$0x1970]  }
0x14b: {  	v12 =	vadd.f32 v23, v12;
	v23 =	vld [tilespmem:s15+$0x1D00]  }
.Ltmp2:
0x14c: {  	v13 =	vadd.f32 v22, v13;
	v22 =	vld [tilespmem:s15+$0x1D10];
	(pc) =	sbr.rel @p0 .LBB2_3-.Ltmp2, $4  }
0x14d: {  	v9 =	vadd.f32 v21, v9;
	v21 =	vld [tilespmem:s15+$0x1D20]  }
0x14e: {  	v10 =	vadd.f32 v19, v10;
	v19 =	vld [tilespmem:s15+$0x1D30]  }
0x14f: {  	s16 =	sadd.s32 $0x80, s16;
	v6 =	vadd.f32 v20, v6;
	v20 =	vld [tilespmem:s15+$0x1D40]  }
0x150: {  	s18 =	sand.u32 $0x3800, s17;
	s17 =	sadd.s32 $0x100, s17;
	s19 =	sand.u32 $0x380, s16;
	v11 =	vadd.f32 v23, v11;
	v23 =	vld [tilespmem:s15+$0x1D50]  }
0x151: {  	s16 =	sor.u32 s19, s18;
	v24 =	vld [tilespmem:s15+$0x1D60]  }
0x152: {  	v25 =	vld [tilespmem:s16+$0x1D70]  }
0x153: {  	v26 =	vld [tilespmem:s16+$0x1900]  }
0x154: {  	v27 =	vld [tilespmem:s16+$0x1910]  }
0x155: {  	v28 =	vld [tilespmem:s16+$0x1920]  }
0x156: {  	v29 =	vld [tilespmem:s16+$0x1930]  }
0x157: {  	v30 =	vld [tilespmem:s16+$0x1940]  }
0x158: {  	v31 =	vld [tilespmem:s16+$0x1950]  }
0x159: {  	v32 =	vld [tilespmem:s16+$0x1960]  }
0x15a: {  	v33 =	vld [tilespmem:s16+$0x1970]  }
0x15b: {  	v34 =	vld [tilespmem:s16+$0x1D00]  }
0x15c: {  	v35 =	vld [tilespmem:s16+$0x1D10]  }
0x15d: {  	v36 =	vld [tilespmem:s16+$0x1D20]  }
0x15e: {  	v37 =	vld [tilespmem:s16+$0x1D30]  }
0x15f: {  	v38 =	vld [tilespmem:s16+$0x1D40];
	v18 =	vadd.f32 v26, v18  }
0x160: {  	v62 =	vld [tilespmem:s16+$0x1D50];
	v17 =	vadd.f32 v27, v17  }
0x161: {  	v63 =	vld [tilespmem:s16+$0x1D60];
	v16 =	vadd.f32 v28, v16;
	[tilespmem:$0x1A900] =	vst v18  }
0x162: {  	v12 =	vadd.f32 v29, v12;
	[tilespmem:$0x1A910] =	vst v17  }
0x163: {  	v13 =	vadd.f32 v30, v13;
	[tilespmem:$0x1A920] =	vst v16  }
0x164: {  	v9 =	vadd.f32 v31, v9;
	[tilespmem:$0x1A930] =	vst v12  }
0x165: {  	v10 =	vadd.f32 v32, v10;
	[tilespmem:$0x1A940] =	vst v13  }
0x166: {  	v4 =	vadd.f32 v22, v4;
	v6 =	vadd.f32 v33, v6;
	[tilespmem:$0x1A950] =	vst v9  }
0x167: {  	v7 =	vadd.f32 v19, v7;
	v11 =	vadd.f32 v34, v11;
	[tilespmem:$0x1A960] =	vst v10  }
0x168: {  	v4 =	vadd.f32 v35, v4;
	[tilespmem:$0x1A970] =	vst v6  }
0x169: {  	v7 =	vadd.f32 v37, v7;
	v9 =	vadd.f32 v21, v14;
	[tilespmem:$0x1AB00] =	vst v11  }
0x16a: {  	v3 =	vadd.f32 v25, v3;
	v6 =	vadd.f32 v20, v15;
	[tilespmem:$0x1AB10] =	vst v4  }
0x16b: {  	v8 =	vadd.f32 v23, v8;
	[tilespmem:$0x1AB30] =	vst v7;
	v9 =	vadd.f32 v36, v9  }
0x16c: {  	v4 =	vadd.f32 v24, v5;
	[tilespmem:$0x1AB70] =	vst v3;
	v5 =	vadd.f32 v38, v6  }
0x16d: {  	v6 =	vadd.f32 v62, v8;
	[tilespmem:$0x1AB20] =	vst v9  }
0x16e: {  	s19 =	simm.s32 $0x3200;
	s20 =	simm.s32 $0x1900;
	v4 =	vadd.f32 v63, v4;
	[tilespmem:$0x1AB40] =	vst v5  }
0x16f: {  	s15 =	sand.u32 $0x7800, s19;
	s16 =	sand.u32 $0x380, s20;
	[tilespmem:$0x1AB50] =	vst v6  }
0x170: {  	s15 =	sor.u32 s16, s15;
	[tilespmem:$0x1AB60] =	vst v4  }
0x171: {  	v3 =	vld [tilespmem:s15+$0x1D70]  }
0x172: {  	v5 =	vld [tilespmem:s15+$0x1900]  }
0x173: {  	v6 =	vld [tilespmem:s15+$0x1910]  }
0x174: {  	v7 =	vld [tilespmem:s15+$0x1920]  }
0x175: {  	v8 =	vld [tilespmem:s15+$0x1930]  }
0x176: {  	v9 =	vld [tilespmem:s15+$0x1940]  }
0x177: {  	v10 =	vld [tilespmem:s15+$0x1950]  }
0x178: {  	v11 =	vld [tilespmem:s15+$0x1960]  }
0x179: {  	v4 =	vimm.f32 $0.0e+00;
	v14 =	vld [tilespmem:s15+$0x1970]  }
0x17a: {  	v15 =	vld [tilespmem:s15+$0x1D00];
	v3 =	vadd.f32 v3, v4  }
0x17b: {  	v18 =	vadd.f32 v5, v4;
	v17 =	vadd.f32 v6, v4  }
0x17c: {  	v22 =	vld [tilespmem:s15+$0x1D10];
	v16 =	vadd.f32 v7, v4;
	v12 =	vadd.f32 v8, v4  }
0x17d: {  	v21 =	vld [tilespmem:s15+$0x1D20];
	v13 =	vadd.f32 v9, v4;
	v9 =	vadd.f32 v10, v4  }
0x17e: {  	v19 =	vld [tilespmem:s15+$0x1D30];
	v10 =	vadd.f32 v11, v4;
	v6 =	vadd.f32 v14, v4  }
0x17f: {  	s17 =	simm.s32 $0x3300;
	s16 =	simm.s32 $0x1980;
	v20 =	vld [tilespmem:s15+$0x1D40];
	v11 =	vadd.f32 v15, v4;
	v14 =	vimm.f32 $0.0e+00;
	v7 =	vimm.f32 $0.0e+00  }
0x180: {  	s18 =	sand.u32 $0x7800, s17;
	s17 =	simm.s32 $0x3400;
	s19 =	sand.u32 $0x380, s16;
	v23 =	vld [tilespmem:s15+$0x1D50];
	v15 =	vimm.f32 $0.0e+00;
	v8 =	vimm.f32 $0.0e+00;
	v5 =	vimm.f32 $0.0e+00  }
.LBB2_5:
0x181: {  	p0 =	sne.s32 s17, $0x6300;
	v4 =	vadd.f32 v22, v4;
	v22 =	vld [tilespmem:s15+$0x1D60];
	s15 =	sor.u32 s19, s18  }
0x182: {  	v24 =	vld [tilespmem:s15+$0x1D70];
	v14 =	vadd.f32 v21, v14  }
0x183: {  	v21 =	vld [tilespmem:s15+$0x1900];
	v7 =	vadd.f32 v19, v7  }
0x184: {  	v19 =	vld [tilespmem:s15+$0x1910];
	v15 =	vadd.f32 v20, v15  }
0x185: {  	v20 =	vld [tilespmem:s15+$0x1920];
	v8 =	vadd.f32 v23, v8  }
0x186: {  	v23 =	vld [tilespmem:s15+$0x1930];
	v5 =	vadd.f32 v22, v5  }
0x187: {  	v22 =	vld [tilespmem:s15+$0x1940];
	v3 =	vadd.f32 v24, v3  }
0x188: {  	v18 =	vadd.f32 v21, v18;
	v21 =	vld [tilespmem:s15+$0x1950]  }
0x189: {  	v17 =	vadd.f32 v19, v17;
	v19 =	vld [tilespmem:s15+$0x1960]  }
0x18a: {  	v16 =	vadd.f32 v20, v16;
	v20 =	vld [tilespmem:s15+$0x1970]  }
0x18b: {  	v12 =	vadd.f32 v23, v12;
	v23 =	vld [tilespmem:s15+$0x1D00]  }
.Ltmp3:
0x18c: {  	v13 =	vadd.f32 v22, v13;
	v22 =	vld [tilespmem:s15+$0x1D10];
	(pc) =	sbr.rel @p0 .LBB2_5-.Ltmp3, $4  }
0x18d: {  	v9 =	vadd.f32 v21, v9;
	v21 =	vld [tilespmem:s15+$0x1D20]  }
0x18e: {  	v10 =	vadd.f32 v19, v10;
	v19 =	vld [tilespmem:s15+$0x1D30]  }
0x18f: {  	s16 =	sadd.s32 $0x80, s16;
	v6 =	vadd.f32 v20, v6;
	v20 =	vld [tilespmem:s15+$0x1D40]  }
0x190: {  	s18 =	sand.u32 $0x7800, s17;
	s17 =	sadd.s32 $0x100, s17;
	s19 =	sand.u32 $0x380, s16;
	v11 =	vadd.f32 v23, v11;
	v23 =	vld [tilespmem:s15+$0x1D50]  }
0x191: {  	s16 =	sor.u32 s19, s18;
	v24 =	vld [tilespmem:s15+$0x1D60]  }
0x192: {  	v25 =	vld [tilespmem:s16+$0x1D70]  }
0x193: {  	v26 =	vld [tilespmem:s16+$0x1900]  }
0x194: {  	v27 =	vld [tilespmem:s16+$0x1910]  }
0x195: {  	v28 =	vld [tilespmem:s16+$0x1920]  }
0x196: {  	v29 =	vld [tilespmem:s16+$0x1930]  }
0x197: {  	v30 =	vld [tilespmem:s16+$0x1940]  }
0x198: {  	v31 =	vld [tilespmem:s16+$0x1950]  }
0x199: {  	v32 =	vld [tilespmem:s16+$0x1960]  }
0x19a: {  	v33 =	vld [tilespmem:s16+$0x1970]  }
0x19b: {  	v34 =	vld [tilespmem:s16+$0x1D00]  }
0x19c: {  	v35 =	vld [tilespmem:s16+$0x1D10]  }
0x19d: {  	v36 =	vld [tilespmem:s16+$0x1D20]  }
0x19e: {  	v37 =	vld [tilespmem:s16+$0x1D30]  }
0x19f: {  	v38 =	vld [tilespmem:s16+$0x1D40];
	v18 =	vadd.f32 v26, v18  }
0x1a0: {  	v62 =	vld [tilespmem:s16+$0x1D50];
	v17 =	vadd.f32 v27, v17  }
0x1a1: {  	v63 =	vld [tilespmem:s16+$0x1D60];
	v16 =	vadd.f32 v28, v16;
	[tilespmem:$0x1A980] =	vst v18  }
0x1a2: {  	v12 =	vadd.f32 v29, v12;
	[tilespmem:$0x1A990] =	vst v17  }
0x1a3: {  	v13 =	vadd.f32 v30, v13;
	[tilespmem:$0x1A9A0] =	vst v16  }
0x1a4: {  	v9 =	vadd.f32 v31, v9;
	[tilespmem:$0x1A9B0] =	vst v12  }
0x1a5: {  	v10 =	vadd.f32 v32, v10;
	[tilespmem:$0x1A9C0] =	vst v13  }
0x1a6: {  	v4 =	vadd.f32 v22, v4;
	v6 =	vadd.f32 v33, v6;
	[tilespmem:$0x1A9D0] =	vst v9  }
0x1a7: {  	v7 =	vadd.f32 v19, v7;
	v11 =	vadd.f32 v34, v11;
	[tilespmem:$0x1A9E0] =	vst v10  }
0x1a8: {  	v4 =	vadd.f32 v35, v4;
	[tilespmem:$0x1A9F0] =	vst v6  }
0x1a9: {  	v7 =	vadd.f32 v37, v7;
	v9 =	vadd.f32 v21, v14;
	[tilespmem:$0x1AB80] =	vst v11  }
0x1aa: {  	v3 =	vadd.f32 v25, v3;
	v6 =	vadd.f32 v20, v15;
	[tilespmem:$0x1AB90] =	vst v4  }
0x1ab: {  	v8 =	vadd.f32 v23, v8;
	[tilespmem:$0x1ABB0] =	vst v7;
	v9 =	vadd.f32 v36, v9  }
0x1ac: {  	v4 =	vadd.f32 v24, v5;
	[tilespmem:$0x1ABF0] =	vst v3;
	v5 =	vadd.f32 v38, v6  }
0x1ad: {  	v6 =	vadd.f32 v62, v8;
	[tilespmem:$0x1ABA0] =	vst v9  }
0x1ae: {  	s19 =	simm.s32 $0x6400;
	s20 =	simm.s32 $0x3200;
	v4 =	vadd.f32 v63, v4;
	[tilespmem:$0x1ABC0] =	vst v5  }
0x1af: {  	s15 =	sand.u32 $0xF800, s19;
	s16 =	sand.u32 $0x380, s20;
	[tilespmem:$0x1ABD0] =	vst v6  }
0x1b0: {  	s15 =	sor.u32 s16, s15;
	[tilespmem:$0x1ABE0] =	vst v4  }
0x1b1: {  	v3 =	vld [tilespmem:s15+$0x1D70]  }
0x1b2: {  	v5 =	vld [tilespmem:s15+$0x1900]  }
0x1b3: {  	v6 =	vld [tilespmem:s15+$0x1910]  }
0x1b4: {  	v7 =	vld [tilespmem:s15+$0x1920]  }
0x1b5: {  	v8 =	vld [tilespmem:s15+$0x1930]  }
0x1b6: {  	v9 =	vld [tilespmem:s15+$0x1940]  }
0x1b7: {  	v10 =	vld [tilespmem:s15+$0x1950]  }
0x1b8: {  	v11 =	vld [tilespmem:s15+$0x1960]  }
0x1b9: {  	v4 =	vimm.f32 $0.0e+00;
	v14 =	vld [tilespmem:s15+$0x1970]  }
0x1ba: {  	v15 =	vld [tilespmem:s15+$0x1D00];
	v3 =	vadd.f32 v3, v4  }
0x1bb: {  	v18 =	vadd.f32 v5, v4;
	v17 =	vadd.f32 v6, v4  }
0x1bc: {  	v22 =	vld [tilespmem:s15+$0x1D10];
	v16 =	vadd.f32 v7, v4;
	v12 =	vadd.f32 v8, v4  }
0x1bd: {  	v21 =	vld [tilespmem:s15+$0x1D20];
	v13 =	vadd.f32 v9, v4;
	v9 =	vadd.f32 v10, v4  }
0x1be: {  	v19 =	vld [tilespmem:s15+$0x1D30];
	v10 =	vadd.f32 v11, v4;
	v6 =	vadd.f32 v14, v4  }
0x1bf: {  	s17 =	simm.s32 $0x6500;
	s16 =	simm.s32 $0x3280;
	v20 =	vld [tilespmem:s15+$0x1D40];
	v11 =	vadd.f32 v15, v4;
	v14 =	vimm.f32 $0.0e+00;
	v7 =	vimm.f32 $0.0e+00  }
0x1c0: {  	s18 =	sand.u32 $0xF800, s17;
	s17 =	simm.s32 $0x6600;
	s19 =	sand.u32 $0x380, s16;
	v23 =	vld [tilespmem:s15+$0x1D50];
	v15 =	vimm.f32 $0.0e+00;
	v8 =	vimm.f32 $0.0e+00;
	v5 =	vimm.f32 $0.0e+00  }
.LBB2_7:
0x1c1: {  	p0 =	sne.s32 s17, $0x9500;
	v4 =	vadd.f32 v22, v4;
	v22 =	vld [tilespmem:s15+$0x1D60];
	s15 =	sor.u32 s19, s18  }
0x1c2: {  	v24 =	vld [tilespmem:s15+$0x1D70];
	v14 =	vadd.f32 v21, v14  }
0x1c3: {  	v21 =	vld [tilespmem:s15+$0x1900];
	v7 =	vadd.f32 v19, v7  }
0x1c4: {  	v19 =	vld [tilespmem:s15+$0x1910];
	v15 =	vadd.f32 v20, v15  }
0x1c5: {  	v20 =	vld [tilespmem:s15+$0x1920];
	v8 =	vadd.f32 v23, v8  }
0x1c6: {  	v23 =	vld [tilespmem:s15+$0x1930];
	v5 =	vadd.f32 v22, v5  }
0x1c7: {  	v22 =	vld [tilespmem:s15+$0x1940];
	v3 =	vadd.f32 v24, v3  }
0x1c8: {  	v18 =	vadd.f32 v21, v18;
	v21 =	vld [tilespmem:s15+$0x1950]  }
0x1c9: {  	v17 =	vadd.f32 v19, v17;
	v19 =	vld [tilespmem:s15+$0x1960]  }
0x1ca: {  	v16 =	vadd.f32 v20, v16;
	v20 =	vld [tilespmem:s15+$0x1970]  }
0x1cb: {  	v12 =	vadd.f32 v23, v12;
	v23 =	vld [tilespmem:s15+$0x1D00]  }
.Ltmp4:
0x1cc: {  	v13 =	vadd.f32 v22, v13;
	v22 =	vld [tilespmem:s15+$0x1D10];
	(pc) =	sbr.rel @p0 .LBB2_7-.Ltmp4, $4  }
0x1cd: {  	v9 =	vadd.f32 v21, v9;
	v21 =	vld [tilespmem:s15+$0x1D20]  }
0x1ce: {  	v10 =	vadd.f32 v19, v10;
	v19 =	vld [tilespmem:s15+$0x1D30]  }
0x1cf: {  	s16 =	sadd.s32 $0x80, s16;
	v6 =	vadd.f32 v20, v6;
	v20 =	vld [tilespmem:s15+$0x1D40]  }
0x1d0: {  	s18 =	sand.u32 $0xF800, s17;
	s17 =	sadd.s32 $0x100, s17;
	s19 =	sand.u32 $0x380, s16;
	v11 =	vadd.f32 v23, v11;
	v23 =	vld [tilespmem:s15+$0x1D50]  }
0x1d1: {  	s16 =	sor.u32 s19, s18;
	v24 =	vld [tilespmem:s15+$0x1D60]  }
0x1d2: {  	v25 =	vld [tilespmem:s16+$0x1D70]  }
0x1d3: {  	v26 =	vld [tilespmem:s16+$0x1900]  }
0x1d4: {  	v27 =	vld [tilespmem:s16+$0x1910]  }
0x1d5: {  	v28 =	vld [tilespmem:s16+$0x1920]  }
0x1d6: {  	v29 =	vld [tilespmem:s16+$0x1930]  }
0x1d7: {  	v30 =	vld [tilespmem:s16+$0x1940]  }
0x1d8: {  	v31 =	vld [tilespmem:s16+$0x1950]  }
0x1d9: {  	v32 =	vld [tilespmem:s16+$0x1960]  }
0x1da: {  	v33 =	vld [tilespmem:s16+$0x1970]  }
0x1db: {  	v34 =	vld [tilespmem:s16+$0x1D00]  }
0x1dc: {  	v35 =	vld [tilespmem:s16+$0x1D10]  }
0x1dd: {  	v36 =	vld [tilespmem:s16+$0x1D20]  }
0x1de: {  	v37 =	vld [tilespmem:s16+$0x1D30]  }
0x1df: {  	v38 =	vld [tilespmem:s16+$0x1D40];
	v18 =	vadd.f32 v26, v18  }
0x1e0: {  	v62 =	vld [tilespmem:s16+$0x1D50];
	v17 =	vadd.f32 v27, v17  }
0x1e1: {  	v63 =	vld [tilespmem:s16+$0x1D60];
	v16 =	vadd.f32 v28, v16;
	[tilespmem:$0x1AA00] =	vst v18  }
0x1e2: {  	v12 =	vadd.f32 v29, v12;
	[tilespmem:$0x1AA10] =	vst v17  }
0x1e3: {  	v13 =	vadd.f32 v30, v13;
	[tilespmem:$0x1AA20] =	vst v16  }
0x1e4: {  	v9 =	vadd.f32 v31, v9;
	[tilespmem:$0x1AA30] =	vst v12  }
0x1e5: {  	v10 =	vadd.f32 v32, v10;
	[tilespmem:$0x1AA40] =	vst v13  }
0x1e6: {  	v4 =	vadd.f32 v22, v4;
	v6 =	vadd.f32 v33, v6;
	[tilespmem:$0x1AA50] =	vst v9  }
0x1e7: {  	v7 =	vadd.f32 v19, v7;
	v11 =	vadd.f32 v34, v11;
	[tilespmem:$0x1AA60] =	vst v10  }
0x1e8: {  	v4 =	vadd.f32 v35, v4;
	[tilespmem:$0x1AA70] =	vst v6  }
0x1e9: {  	v7 =	vadd.f32 v37, v7;
	v9 =	vadd.f32 v21, v14;
	[tilespmem:$0x1AC00] =	vst v11  }
0x1ea: {  	v3 =	vadd.f32 v25, v3;
	v6 =	vadd.f32 v20, v15;
	[tilespmem:$0x1AC10] =	vst v4  }
0x1eb: {  	v8 =	vadd.f32 v23, v8;
	[tilespmem:$0x1AC30] =	vst v7;
	v9 =	vadd.f32 v36, v9  }
0x1ec: {  	v4 =	vadd.f32 v24, v5;
	[tilespmem:$0x1AC70] =	vst v3;
	v5 =	vadd.f32 v38, v6  }
0x1ed: {  	v6 =	vadd.f32 v62, v8;
	[tilespmem:$0x1AC20] =	vst v9  }
0x1ee: {  	s19 =	simm.s32 $0x9600;
	s20 =	simm.s32 $0x4B00;
	v4 =	vadd.f32 v63, v4;
	[tilespmem:$0x1AC40] =	vst v5  }
0x1ef: {  	s15 =	sand.u32 $0xF800, s19;
	s16 =	sand.u32 $0x380, s20;
	[tilespmem:$0x1AC50] =	vst v6  }
0x1f0: {  	s15 =	sor.u32 s16, s15;
	[tilespmem:$0x1AC60] =	vst v4  }
0x1f1: {  	v3 =	vld [tilespmem:s15+$0x1D70]  }
0x1f2: {  	v5 =	vld [tilespmem:s15+$0x1900]  }
0x1f3: {  	v6 =	vld [tilespmem:s15+$0x1910]  }
0x1f4: {  	v7 =	vld [tilespmem:s15+$0x1920]  }
0x1f5: {  	v8 =	vld [tilespmem:s15+$0x1930]  }
0x1f6: {  	v9 =	vld [tilespmem:s15+$0x1940]  }
0x1f7: {  	v10 =	vld [tilespmem:s15+$0x1950]  }
0x1f8: {  	v11 =	vld [tilespmem:s15+$0x1960]  }
0x1f9: {  	v4 =	vimm.f32 $0.0e+00;
	v14 =	vld [tilespmem:s15+$0x1970]  }
0x1fa: {  	v15 =	vld [tilespmem:s15+$0x1D00];
	v3 =	vadd.f32 v3, v4  }
0x1fb: {  	v18 =	vadd.f32 v5, v4;
	v17 =	vadd.f32 v6, v4  }
0x1fc: {  	v22 =	vld [tilespmem:s15+$0x1D10];
	v16 =	vadd.f32 v7, v4;
	v12 =	vadd.f32 v8, v4  }
0x1fd: {  	v21 =	vld [tilespmem:s15+$0x1D20];
	v13 =	vadd.f32 v9, v4;
	v9 =	vadd.f32 v10, v4  }
0x1fe: {  	v19 =	vld [tilespmem:s15+$0x1D30];
	v10 =	vadd.f32 v11, v4;
	v6 =	vadd.f32 v14, v4  }
0x1ff: {  	s17 =	simm.s32 $0x9700;
	s16 =	simm.s32 $0x4B80;
	v20 =	vld [tilespmem:s15+$0x1D40];
	v11 =	vadd.f32 v15, v4;
	v14 =	vimm.f32 $0.0e+00;
	v7 =	vimm.f32 $0.0e+00  }
0x200: {  	s18 =	sand.u32 $0xF800, s17;
	s17 =	simm.s32 $0x9800;
	s19 =	sand.u32 $0x380, s16;
	v23 =	vld [tilespmem:s15+$0x1D50];
	v15 =	vimm.f32 $0.0e+00;
	v8 =	vimm.f32 $0.0e+00;
	v5 =	vimm.f32 $0.0e+00  }
.LBB2_9:
0x201: {  	p0 =	sne.s32 s17, $0xC700;
	v4 =	vadd.f32 v22, v4;
	v22 =	vld [tilespmem:s15+$0x1D60];
	s15 =	sor.u32 s19, s18  }
0x202: {  	v24 =	vld [tilespmem:s15+$0x1D70];
	v14 =	vadd.f32 v21, v14  }
0x203: {  	v21 =	vld [tilespmem:s15+$0x1900];
	v7 =	vadd.f32 v19, v7  }
0x204: {  	v19 =	vld [tilespmem:s15+$0x1910];
	v15 =	vadd.f32 v20, v15  }
0x205: {  	v20 =	vld [tilespmem:s15+$0x1920];
	v8 =	vadd.f32 v23, v8  }
0x206: {  	v23 =	vld [tilespmem:s15+$0x1930];
	v5 =	vadd.f32 v22, v5  }
0x207: {  	v22 =	vld [tilespmem:s15+$0x1940];
	v3 =	vadd.f32 v24, v3  }
0x208: {  	v18 =	vadd.f32 v21, v18;
	v21 =	vld [tilespmem:s15+$0x1950]  }
0x209: {  	v17 =	vadd.f32 v19, v17;
	v19 =	vld [tilespmem:s15+$0x1960]  }
0x20a: {  	v16 =	vadd.f32 v20, v16;
	v20 =	vld [tilespmem:s15+$0x1970]  }
0x20b: {  	v12 =	vadd.f32 v23, v12;
	v23 =	vld [tilespmem:s15+$0x1D00]  }
.Ltmp5:
0x20c: {  	v13 =	vadd.f32 v22, v13;
	v22 =	vld [tilespmem:s15+$0x1D10];
	(pc) =	sbr.rel @p0 .LBB2_9-.Ltmp5, $4  }
0x20d: {  	v9 =	vadd.f32 v21, v9;
	v21 =	vld [tilespmem:s15+$0x1D20]  }
0x20e: {  	v10 =	vadd.f32 v19, v10;
	v19 =	vld [tilespmem:s15+$0x1D30]  }
0x20f: {  	s16 =	sadd.s32 $0x80, s16;
	v6 =	vadd.f32 v20, v6;
	v20 =	vld [tilespmem:s15+$0x1D40]  }
0x210: {  	s18 =	sand.u32 $0xF800, s17;
	s17 =	sadd.s32 $0x100, s17;
	s19 =	sand.u32 $0x380, s16;
	v11 =	vadd.f32 v23, v11;
	v23 =	vld [tilespmem:s15+$0x1D50]  }
0x211: {  	s16 =	sor.u32 s19, s18;
	v24 =	vld [tilespmem:s15+$0x1D60]  }
0x212: {  	v25 =	vld [tilespmem:s16+$0x1D70]  }
0x213: {  	v26 =	vld [tilespmem:s16+$0x1900]  }
0x214: {  	v27 =	vld [tilespmem:s16+$0x1910]  }
0x215: {  	v28 =	vld [tilespmem:s16+$0x1920]  }
0x216: {  	v29 =	vld [tilespmem:s16+$0x1930]  }
0x217: {  	v30 =	vld [tilespmem:s16+$0x1940]  }
0x218: {  	v31 =	vld [tilespmem:s16+$0x1950]  }
0x219: {  	v32 =	vld [tilespmem:s16+$0x1960]  }
0x21a: {  	v33 =	vld [tilespmem:s16+$0x1970]  }
0x21b: {  	v34 =	vld [tilespmem:s16+$0x1D00]  }
0x21c: {  	v35 =	vld [tilespmem:s16+$0x1D10]  }
0x21d: {  	v36 =	vld [tilespmem:s16+$0x1D20]  }
0x21e: {  	v37 =	vld [tilespmem:s16+$0x1D30]  }
0x21f: {  	v38 =	vld [tilespmem:s16+$0x1D40];
	v18 =	vadd.f32 v26, v18  }
0x220: {  	v57 =	vld [tilespmem:s16+$0x1D50];
	v17 =	vadd.f32 v27, v17  }
0x221: {  	v58 =	vld [tilespmem:s16+$0x1D60];
	v16 =	vadd.f32 v28, v16;
	[tilespmem:$0x1AA80] =	vst v18  }
0x222: {  	v12 =	vadd.f32 v29, v12;
	[tilespmem:$0x1AA90] =	vst v17  }
0x223: {  	v13 =	vadd.f32 v30, v13;
	[tilespmem:$0x1AAA0] =	vst v16  }
0x224: {  	v9 =	vadd.f32 v31, v9;
	[tilespmem:$0x1AAB0] =	vst v12  }
0x225: {  	v10 =	vadd.f32 v32, v10;
	[tilespmem:$0x1AAC0] =	vst v13  }
0x226: {  	v4 =	vadd.f32 v22, v4;
	v6 =	vadd.f32 v33, v6;
	[tilespmem:$0x1AAD0] =	vst v9  }
0x227: {  	v7 =	vadd.f32 v19, v7;
	v11 =	vadd.f32 v34, v11;
	[tilespmem:$0x1AAE0] =	vst v10  }
0x228: {  	v60 =	vadd.f32 v20, v15;
	v4 =	vadd.f32 v35, v4;
	[tilespmem:$0x1AAF0] =	vst v6  }
0x229: {  	v8 =	vadd.f32 v23, v8;
	v7 =	vadd.f32 v37, v7;
	[tilespmem:$0x1AC80] =	vst v11  }
0x22a: {  	v62 =	vadd.f32 v38, v60;
	[tilespmem:$0x1AC90] =	vst v4  }
0x22b: {  	v59 =	vadd.f32 v21, v14;
	v63 =	vadd.f32 v57, v8;
	[tilespmem:$0x1ACB0] =	vst v7  }
0x22c: {  	v61 =	vadd.f32 v24, v5;
	v3 =	vadd.f32 v25, v3;
	[tilespmem:$0x1ACC0] =	vst v62  }
0x22d: {  	v9 =	vadd.f32 v36, v59;
	[tilespmem:$0x1ACD0] =	vst v63  }
0x22e: {  	s19 =	sshll.u32 s14, $0x8;
	v4 =	vadd.f32 v58, v61;
	[tilespmem:$0x1ACF0] =	vst v3  }
0x22f: {  	s20 =	rddreg [dreg:$0x2];
	p0 =	seq.s32 s14, $0xF;
	s15 =	sadd.s32 s5, s19;
	[tilespmem:$0x1ACA0] =	vst v9  }
.Ltmp6:
0x230: {  	s16 =	sadd.s32 s20, s15;
	[tilespmem:$0x1ACE0] =	vst v4;
	(pc) =	sbr.rel @p0 .LBB2_12-.Ltmp6, $4  }
0x231: {  	[hbm4b:s16+s10] =	stream.strided.scatter [tilespmem:s12], [sflag:$0x3], $0x400, s11, s10, $0x38;
	[tilespmem:$0x1AD00] =	vst v63  }
0x232: {  	_ =	swait.ge [sflag:s9], $0x400  }
0x233: {  	[sflag:s9] =	ssyncset.done $0x0  }
0x234: {  	[sflag:s9] =	ssyncadd.s32 $0xFFFFFC00  }
0x235: {  	s16 =	smul.u32 $0x640, s14;
	_ =	sdelay $0x1  }
0x236: {  	s16 =	sshra.s32 s16, $0x2  }
0x237: {  	v3 =	vld [tilespmem:s16+$0x190];
	_ =	sdelay $0x4  }
0x238: {  	v4 =	vshll.u32 v3, $0x1  }
0x239: {  	v3 =	vand.u32 $0x7, v3;
	v4 =	vand.u32 $0xFFFFFFF0, v4  }
0x23a: {  	v3 =	vor.u32 v3, v4  }
0x23b: {  	v4 =	vperm.xlane v3, v0;
	_ =	sdelay $0x1  }
0x23c: {  	v3 =	vperm.xlane v3, v2;
	v4 =	vadd.s32 v1, v4;
	_ =	sdelay $0x1  }
0x23d: {  	v3 =	vadd.s32 v1, v3;
	_ =	sdelay $0x1  }
0x23e: {  	s17 =	simm.s32 $0x1900  }
0x23f: {  	[tilespmem:s17], [sflag:$0x1] =	stream.indirect_vreg.gather [hbm4b:s2+s4], $0x80, v4, vm0, $0xb8;
	[tilespmem:$0x1AD00] =	vst v63  }
0x240: {  	s18 =	simm.s32 $0x2100  }
0x241: {  	[tilespmem:s18], [sflag:$0x1] =	stream.indirect_vreg.gather [hbm4b:s2+s4], $0x80, v3, vm0, $0xb8;
	[tilespmem:$0x1AD00] =	vst v63  }
0x242: {  	v3 =	vld [tilespmem:s16+$0x1A0];
	_ =	sdelay $0x4  }
0x243: {  	v52 =	vshll.u32 v3, $0x1  }
0x244: {  	v3 =	vand.u32 $0x7, v3;
	v4 =	vand.u32 $0xFFFFFFF0, v52  }
0x245: {  	v3 =	vor.u32 v3, v4  }
0x246: {  	v4 =	vperm.xlane v3, v0;
	_ =	sdelay $0x1  }
0x247: {  	v3 =	vperm.xlane v3, v2;
	v4 =	vadd.s32 v1, v4;
	_ =	sdelay $0x1  }
0x248: {  	v3 =	vadd.s32 v1, v3;
	_ =	sdelay $0x1  }
0x249: {  	s19 =	simm.s32 $0x2900  }
0x24a: {  	[tilespmem:s19], [sflag:$0x1] =	stream.indirect_vreg.gather [hbm4b:s2+s4], $0x80, v4, vm0, $0xb8;
	[tilespmem:$0x1AD00] =	vst v63  }
0x24b: {  	s20 =	simm.s32 $0x3100  }
0x24c: {  	[tilespmem:s20], [sflag:$0x1] =	stream.indirect_vreg.gather [hbm4b:s2+s4], $0x80, v3, vm0, $0xb8;
	[tilespmem:$0x1AD00] =	vst v63  }
0x24d: {  	v3 =	vld [tilespmem:s16+$0x1B0];
	_ =	sdelay $0x4  }
0x24e: {  	v53 =	vshll.u32 v3, $0x1  }
0x24f: {  	v3 =	vand.u32 $0x7, v3;
	v4 =	vand.u32 $0xFFFFFFF0, v53  }
0x250: {  	v3 =	vor.u32 v3, v4  }
0x251: {  	v4 =	vperm.xlane v3, v0;
	_ =	sdelay $0x1  }
0x252: {  	v3 =	vperm.xlane v3, v2;
	v4 =	vadd.s32 v1, v4;
	_ =	sdelay $0x1  }
0x253: {  	v3 =	vadd.s32 v1, v3;
	_ =	sdelay $0x1  }
0x254: {  	s18 =	simm.s32 $0x3900  }
0x255: {  	[tilespmem:s18], [sflag:$0x1] =	stream.indirect_vreg.gather [hbm4b:s2+s4], $0x80, v4, vm0, $0xb8;
	[tilespmem:$0x1AD00] =	vst v63  }
0x256: {  	s19 =	simm.s32 $0x4100  }
0x257: {  	[tilespmem:s19], [sflag:$0x1] =	stream.indirect_vreg.gather [hbm4b:s2+s4], $0x80, v3, vm0, $0xb8;
	[tilespmem:$0x1AD00] =	vst v63  }
0x258: {  	v3 =	vld [tilespmem:s16+$0x1C0];
	_ =	sdelay $0x4  }
0x259: {  	v54 =	vshll.u32 v3, $0x1  }
0x25a: {  	v3 =	vand.u32 $0x7, v3;
	v4 =	vand.u32 $0xFFFFFFF0, v54  }
0x25b: {  	v3 =	vor.u32 v3, v4  }
0x25c: {  	v4 =	vperm.xlane v3, v0;
	_ =	sdelay $0x1  }
0x25d: {  	v3 =	vperm.xlane v3, v2;
	v4 =	vadd.s32 v1, v4;
	_ =	sdelay $0x1  }
0x25e: {  	v3 =	vadd.s32 v1, v3;
	_ =	sdelay $0x1  }
0x25f: {  	s20 =	simm.s32 $0x4900  }
0x260: {  	[tilespmem:s20], [sflag:$0x1] =	stream.indirect_vreg.gather [hbm4b:s2+s4], $0x80, v4, vm0, $0xb8;
	[tilespmem:$0x1AD00] =	vst v63  }
0x261: {  	s18 =	simm.s32 $0x5100  }
0x262: {  	[tilespmem:s18], [sflag:$0x1] =	stream.indirect_vreg.gather [hbm4b:s2+s4], $0x80, v3, vm0, $0xb8;
	[tilespmem:$0x1AD00] =	vst v63  }
0x263: {  	v3 =	vld [tilespmem:s16+$0x1D0];
	_ =	sdelay $0x4  }
0x264: {  	v55 =	vshll.u32 v3, $0x1  }
0x265: {  	v3 =	vand.u32 $0x7, v3;
	v4 =	vand.u32 $0xFFFFFFF0, v55  }
0x266: {  	v3 =	vor.u32 v3, v4  }
0x267: {  	v4 =	vperm.xlane v3, v0;
	_ =	sdelay $0x1  }
0x268: {  	v3 =	vperm.xlane v3, v2;
	v4 =	vadd.s32 v1, v4;
	_ =	sdelay $0x1  }
0x269: {  	v3 =	vadd.s32 v1, v3;
	_ =	sdelay $0x1  }
0x26a: {  	s19 =	simm.s32 $0x5900  }
0x26b: {  	[tilespmem:s19], [sflag:$0x1] =	stream.indirect_vreg.gather [hbm4b:s2+s4], $0x80, v4, vm0, $0xb8;
	[tilespmem:$0x1AD00] =	vst v63  }
0x26c: {  	s20 =	simm.s32 $0x6100  }
0x26d: {  	[tilespmem:s20], [sflag:$0x1] =	stream.indirect_vreg.gather [hbm4b:s2+s4], $0x80, v3, vm0, $0xb8;
	[tilespmem:$0x1AD00] =	vst v63  }
0x26e: {  	v3 =	vld [tilespmem:s16+$0x1E0];
	_ =	sdelay $0x4  }
0x26f: {  	v56 =	vshll.u32 v3, $0x1  }
0x270: {  	v3 =	vand.u32 $0x7, v3;
	v4 =	vand.u32 $0xFFFFFFF0, v56  }
0x271: {  	v3 =	vor.u32 v3, v4  }
0x272: {  	v4 =	vperm.xlane v3, v0;
	_ =	sdelay $0x1  }
0x273: {  	v3 =	vperm.xlane v3, v2;
	v4 =	vadd.s32 v1, v4;
	_ =	sdelay $0x1  }
0x274: {  	v3 =	vadd.s32 v1, v3;
	_ =	sdelay $0x1  }
0x275: {  	s18 =	simm.s32 $0x6900  }
0x276: {  	[tilespmem:s18], [sflag:$0x1] =	stream.indirect_vreg.gather [hbm4b:s2+s4], $0x80, v4, vm0, $0xb8;
	[tilespmem:$0x1AD00] =	vst v63  }
0x277: {  	s19 =	simm.s32 $0x7100  }
0x278: {  	[tilespmem:s19], [sflag:$0x1] =	stream.indirect_vreg.gather [hbm4b:s2+s4], $0x80, v3, vm0, $0xb8;
	[tilespmem:$0x1AD00] =	vst v63  }
0x279: {  	v3 =	vld [tilespmem:s16+$0x1F0];
	_ =	sdelay $0x4  }
0x27a: {  	v57 =	vshll.u32 v3, $0x1  }
0x27b: {  	v3 =	vand.u32 $0x7, v3;
	v4 =	vand.u32 $0xFFFFFFF0, v57  }
0x27c: {  	v3 =	vor.u32 v3, v4  }
0x27d: {  	v4 =	vperm.xlane v3, v0;
	_ =	sdelay $0x1  }
0x27e: {  	v3 =	vperm.xlane v3, v2;
	v4 =	vadd.s32 v1, v4;
	_ =	sdelay $0x1  }
0x27f: {  	v3 =	vadd.s32 v1, v3;
	_ =	sdelay $0x1  }
0x280: {  	s20 =	simm.s32 $0x7900  }
0x281: {  	[tilespmem:s20], [sflag:$0x1] =	stream.indirect_vreg.gather [hbm4b:s2+s4], $0x80, v4, vm0, $0xb8;
	[tilespmem:$0x1AD00] =	vst v63  }
0x282: {  	s18 =	simm.s32 $0x8100  }
0x283: {  	[tilespmem:s18], [sflag:$0x1] =	stream.indirect_vreg.gather [hbm4b:s2+s4], $0x80, v3, vm0, $0xb8;
	[tilespmem:$0x1AD00] =	vst v63  }
0x284: {  	v3 =	vld [tilespmem:s16+$0x200];
	_ =	sdelay $0x4  }
0x285: {  	v58 =	vshll.u32 v3, $0x1  }
0x286: {  	v3 =	vand.u32 $0x7, v3;
	v4 =	vand.u32 $0xFFFFFFF0, v58  }
0x287: {  	v3 =	vor.u32 v3, v4  }
0x288: {  	v4 =	vperm.xlane v3, v0;
	_ =	sdelay $0x1  }
0x289: {  	v3 =	vperm.xlane v3, v2;
	v4 =	vadd.s32 v1, v4;
	_ =	sdelay $0x1  }
0x28a: {  	v3 =	vadd.s32 v1, v3;
	_ =	sdelay $0x1  }
0x28b: {  	s19 =	simm.s32 $0x8900  }
0x28c: {  	[tilespmem:s19], [sflag:$0x1] =	stream.indirect_vreg.gather [hbm4b:s2+s4], $0x80, v4, vm0, $0xb8;
	[tilespmem:$0x1AD00] =	vst v63  }
0x28d: {  	s20 =	simm.s32 $0x9100  }
0x28e: {  	[tilespmem:s20], [sflag:$0x1] =	stream.indirect_vreg.gather [hbm4b:s2+s4], $0x80, v3, vm0, $0xb8;
	[tilespmem:$0x1AD00] =	vst v63  }
0x28f: {  	v3 =	vld [tilespmem:s16+$0x210];
	_ =	sdelay $0x4  }
0x290: {  	v59 =	vshll.u32 v3, $0x1  }
0x291: {  	v3 =	vand.u32 $0x7, v3;
	v4 =	vand.u32 $0xFFFFFFF0, v59  }
0x292: {  	v3 =	vor.u32 v3, v4  }
0x293: {  	v4 =	vperm.xlane v3, v0;
	_ =	sdelay $0x1  }
0x294: {  	v3 =	vperm.xlane v3, v2;
	v4 =	vadd.s32 v1, v4;
	_ =	sdelay $0x1  }
0x295: {  	v3 =	vadd.s32 v1, v3;
	_ =	sdelay $0x1  }
0x296: {  	s18 =	simm.s32 $0x9900  }
0x297: {  	[tilespmem:s18], [sflag:$0x1] =	stream.indirect_vreg.gather [hbm4b:s2+s4], $0x80, v4, vm0, $0xb8;
	[tilespmem:$0x1AD00] =	vst v63  }
0x298: {  	s19 =	simm.s32 $0xA100  }
0x299: {  	[tilespmem:s19], [sflag:$0x1] =	stream.indirect_vreg.gather [hbm4b:s2+s4], $0x80, v3, vm0, $0xb8;
	[tilespmem:$0x1AD00] =	vst v63  }
0x29a: {  	v3 =	vld [tilespmem:s16+$0x220];
	_ =	sdelay $0x4  }
0x29b: {  	v60 =	vshll.u32 v3, $0x1  }
0x29c: {  	v3 =	vand.u32 $0x7, v3;
	v4 =	vand.u32 $0xFFFFFFF0, v60  }
0x29d: {  	v3 =	vor.u32 v3, v4  }
0x29e: {  	v4 =	vperm.xlane v3, v0;
	_ =	sdelay $0x1  }
0x29f: {  	v3 =	vperm.xlane v3, v2;
	v4 =	vadd.s32 v1, v4;
	_ =	sdelay $0x1  }
0x2a0: {  	v3 =	vadd.s32 v1, v3;
	_ =	sdelay $0x1  }
0x2a1: {  	s20 =	simm.s32 $0xA900  }
0x2a2: {  	[tilespmem:s20], [sflag:$0x1] =	stream.indirect_vreg.gather [hbm4b:s2+s4], $0x80, v4, vm0, $0xb8;
	[tilespmem:$0x1AD00] =	vst v63  }
0x2a3: {  	s18 =	simm.s32 $0xB100  }
0x2a4: {  	[tilespmem:s18], [sflag:$0x1] =	stream.indirect_vreg.gather [hbm4b:s2+s4], $0x80, v3, vm0, $0xb8;
	[tilespmem:$0x1AD00] =	vst v63  }
0x2a5: {  	v3 =	vld [tilespmem:s16+$0x230];
	_ =	sdelay $0x4  }
0x2a6: {  	v61 =	vshll.u32 v3, $0x1  }
0x2a7: {  	v3 =	vand.u32 $0x7, v3;
	v4 =	vand.u32 $0xFFFFFFF0, v61  }
0x2a8: {  	v3 =	vor.u32 v3, v4  }
0x2a9: {  	v4 =	vperm.xlane v3, v0;
	_ =	sdelay $0x1  }
0x2aa: {  	v3 =	vperm.xlane v3, v2;
	v4 =	vadd.s32 v1, v4;
	_ =	sdelay $0x1  }
0x2ab: {  	v3 =	vadd.s32 v1, v3;
	_ =	sdelay $0x1  }
0x2ac: {  	s19 =	simm.s32 $0xB900  }
0x2ad: {  	[tilespmem:s19], [sflag:$0x1] =	stream.indirect_vreg.gather [hbm4b:s2+s4], $0x80, v4, vm0, $0xb8;
	[tilespmem:$0x1AD00] =	vst v63  }
0x2ae: {  	s20 =	simm.s32 $0xC100  }
0x2af: {  	[tilespmem:s20], [sflag:$0x1] =	stream.indirect_vreg.gather [hbm4b:s2+s4], $0x80, v3, vm0, $0xb8;
	[tilespmem:$0x1AD00] =	vst v63  }
0x2b0: {  	v3 =	vld [tilespmem:s16+$0x240];
	_ =	sdelay $0x4  }
0x2b1: {  	v62 =	vshll.u32 v3, $0x1  }
0x2b2: {  	v3 =	vand.u32 $0x7, v3;
	v4 =	vand.u32 $0xFFFFFFF0, v62  }
0x2b3: {  	v3 =	vor.u32 v3, v4  }
0x2b4: {  	v4 =	vperm.xlane v3, v0;
	_ =	sdelay $0x1  }
0x2b5: {  	v3 =	vperm.xlane v3, v2;
	v4 =	vadd.s32 v1, v4;
	_ =	sdelay $0x1  }
0x2b6: {  	v3 =	vadd.s32 v1, v3;
	_ =	sdelay $0x1  }
0x2b7: {  	s18 =	simm.s32 $0xC900  }
0x2b8: {  	[tilespmem:s18], [sflag:$0x1] =	stream.indirect_vreg.gather [hbm4b:s2+s4], $0x80, v4, vm0, $0xb8;
	[tilespmem:$0x1AD00] =	vst v63  }
0x2b9: {  	s19 =	simm.s32 $0xD100  }
0x2ba: {  	[tilespmem:s19], [sflag:$0x1] =	stream.indirect_vreg.gather [hbm4b:s2+s4], $0x80, v3, vm0, $0xb8;
	[tilespmem:$0x1AD00] =	vst v63  }
0x2bb: {  	v3 =	vld.msk [tilespmem:s16+$0x250], $0xff;
	_ =	sdelay $0x4  }
0x2bc: {  	v63 =	vshll.u32 v3, $0x1  }
0x2bd: {  	v3 =	vand.u32 $0x7, v3;
	v4 =	vand.u32 $0xFFFFFFF0, v63  }
0x2be: {  	v3 =	vor.u32 v3, v4  }
0x2bf: {  	v3 =	vperm.xlane v3, v0;
	_ =	sdelay $0x1  }
0x2c0: {  	v3 =	vadd.s32 v1, v3;
	_ =	sdelay $0x3  }
0x2c1: {  	s20 =	simm.s32 $0xD900  }
0x2c2: {  	[tilespmem:s20], [sflag:$0x1] =	stream.indirect_vreg.gather [hbm4b:s2+s4], $0x80, v3, vm0, $0xb8;
	[tilespmem:$0x1AD00] =	vst v63  }
.LBB2_12:
0x2c3: {  	_ =	swait.ge [sflag:s13], $0xC800;
	s16 =	simm.s32 $0x0  }
0x2c4: {  	[sflag:s13] =	ssyncset.done $0x0;
	s17 =	sand.u32 $0x3800, s16;
	s16 =	sand.u32 $0x380, s16  }
0x2c5: {  	[sflag:s13] =	ssyncadd.s32 $0xFFFF3800;
	s16 =	sor.u32 s16, s17  }
0x2c6: {  	v3 =	vld [tilespmem:s16+$0xE570]  }
0x2c7: {  	v5 =	vld [tilespmem:s16+$0xE100]  }
0x2c8: {  	v6 =	vld [tilespmem:s16+$0xE110]  }
0x2c9: {  	v7 =	vld [tilespmem:s16+$0xE120]  }
0x2ca: {  	v8 =	vld [tilespmem:s16+$0xE130]  }
0x2cb: {  	v9 =	vld [tilespmem:s16+$0xE140]  }
0x2cc: {  	v10 =	vld [tilespmem:s16+$0xE150]  }
0x2cd: {  	v11 =	vld [tilespmem:s16+$0xE160]  }
0x2ce: {  	v4 =	vimm.f32 $0.0e+00;
	v14 =	vld [tilespmem:s16+$0xE170]  }
0x2cf: {  	v15 =	vld [tilespmem:s16+$0xE500];
	v3 =	vadd.f32 v3, v4  }
0x2d0: {  	v18 =	vadd.f32 v5, v4;
	v17 =	vadd.f32 v6, v4  }
0x2d1: {  	v22 =	vld [tilespmem:s16+$0xE510];
	v16 =	vadd.f32 v7, v4;
	v12 =	vadd.f32 v8, v4  }
0x2d2: {  	v21 =	vld [tilespmem:s16+$0xE520];
	v13 =	vadd.f32 v9, v4;
	v9 =	vadd.f32 v10, v4  }
0x2d3: {  	v19 =	vld [tilespmem:s16+$0xE530];
	v10 =	vadd.f32 v11, v4;
	v6 =	vadd.f32 v14, v4  }
0x2d4: {  	s18 =	simm.s32 $0x100;
	s17 =	simm.s32 $0x80;
	v20 =	vld [tilespmem:s16+$0xE540];
	v11 =	vadd.f32 v15, v4;
	v14 =	vimm.f32 $0.0e+00;
	v7 =	vimm.f32 $0.0e+00  }
0x2d5: {  	s19 =	sand.u32 $0x3800, s18;
	s18 =	simm.s32 $0x200;
	s20 =	sand.u32 $0x380, s17;
	v23 =	vld [tilespmem:s16+$0xE550];
	v15 =	vimm.f32 $0.0e+00;
	v8 =	vimm.f32 $0.0e+00;
	v5 =	vimm.f32 $0.0e+00  }
.LBB2_13:
0x2d6: {  	p1 =	sne.s32 s18, $0x3100;
	v4 =	vadd.f32 v22, v4;
	v22 =	vld [tilespmem:s16+$0xE560];
	s16 =	sor.u32 s20, s19  }
0x2d7: {  	v24 =	vld [tilespmem:s16+$0xE570];
	v14 =	vadd.f32 v21, v14  }
0x2d8: {  	v21 =	vld [tilespmem:s16+$0xE100];
	v7 =	vadd.f32 v19, v7  }
0x2d9: {  	v19 =	vld [tilespmem:s16+$0xE110];
	v15 =	vadd.f32 v20, v15  }
0x2da: {  	v20 =	vld [tilespmem:s16+$0xE120];
	v8 =	vadd.f32 v23, v8  }
0x2db: {  	v23 =	vld [tilespmem:s16+$0xE130];
	v5 =	vadd.f32 v22, v5  }
0x2dc: {  	v22 =	vld [tilespmem:s16+$0xE140];
	v3 =	vadd.f32 v24, v3  }
0x2dd: {  	v18 =	vadd.f32 v21, v18;
	v21 =	vld [tilespmem:s16+$0xE150]  }
0x2de: {  	v17 =	vadd.f32 v19, v17;
	v19 =	vld [tilespmem:s16+$0xE160]  }
0x2df: {  	v16 =	vadd.f32 v20, v16;
	v20 =	vld [tilespmem:s16+$0xE170]  }
0x2e0: {  	v12 =	vadd.f32 v23, v12;
	v23 =	vld [tilespmem:s16+$0xE500]  }
.Ltmp7:
0x2e1: {  	v13 =	vadd.f32 v22, v13;
	v22 =	vld [tilespmem:s16+$0xE510];
	(pc) =	sbr.rel @p1 .LBB2_13-.Ltmp7, $4  }
0x2e2: {  	v9 =	vadd.f32 v21, v9;
	v21 =	vld [tilespmem:s16+$0xE520]  }
0x2e3: {  	v10 =	vadd.f32 v19, v10;
	v19 =	vld [tilespmem:s16+$0xE530]  }
0x2e4: {  	s17 =	sadd.s32 $0x80, s17;
	v6 =	vadd.f32 v20, v6;
	v20 =	vld [tilespmem:s16+$0xE540]  }
0x2e5: {  	s19 =	sand.u32 $0x3800, s18;
	s18 =	sadd.s32 $0x100, s18;
	s20 =	sand.u32 $0x380, s17;
	v11 =	vadd.f32 v23, v11;
	v23 =	vld [tilespmem:s16+$0xE550]  }
0x2e6: {  	s17 =	sor.u32 s20, s19;
	v24 =	vld [tilespmem:s16+$0xE560]  }
0x2e7: {  	v25 =	vld [tilespmem:s17+$0xE570]  }
0x2e8: {  	v26 =	vld [tilespmem:s17+$0xE100]  }
0x2e9: {  	v27 =	vld [tilespmem:s17+$0xE110]  }
0x2ea: {  	v28 =	vld [tilespmem:s17+$0xE120]  }
0x2eb: {  	v29 =	vld [tilespmem:s17+$0xE130]  }
0x2ec: {  	v30 =	vld [tilespmem:s17+$0xE140]  }
0x2ed: {  	v31 =	vld [tilespmem:s17+$0xE150]  }
0x2ee: {  	v32 =	vld [tilespmem:s17+$0xE160]  }
0x2ef: {  	v33 =	vld [tilespmem:s17+$0xE170]  }
0x2f0: {  	v34 =	vld [tilespmem:s17+$0xE500]  }
0x2f1: {  	v35 =	vld [tilespmem:s17+$0xE510]  }
0x2f2: {  	v36 =	vld [tilespmem:s17+$0xE520]  }
0x2f3: {  	v37 =	vld [tilespmem:s17+$0xE530]  }
0x2f4: {  	v38 =	vld [tilespmem:s17+$0xE540];
	v18 =	vadd.f32 v26, v18  }
0x2f5: {  	v62 =	vld [tilespmem:s17+$0xE550];
	v17 =	vadd.f32 v27, v17  }
0x2f6: {  	v63 =	vld [tilespmem:s17+$0xE560];
	v16 =	vadd.f32 v28, v16;
	[tilespmem:$0x1A900] =	vst v18  }
0x2f7: {  	v12 =	vadd.f32 v29, v12;
	[tilespmem:$0x1A910] =	vst v17  }
0x2f8: {  	v13 =	vadd.f32 v30, v13;
	[tilespmem:$0x1A920] =	vst v16  }
0x2f9: {  	v9 =	vadd.f32 v31, v9;
	[tilespmem:$0x1A930] =	vst v12  }
0x2fa: {  	v10 =	vadd.f32 v32, v10;
	[tilespmem:$0x1A940] =	vst v13  }
0x2fb: {  	v4 =	vadd.f32 v22, v4;
	v6 =	vadd.f32 v33, v6;
	[tilespmem:$0x1A950] =	vst v9  }
0x2fc: {  	v7 =	vadd.f32 v19, v7;
	v11 =	vadd.f32 v34, v11;
	[tilespmem:$0x1A960] =	vst v10  }
0x2fd: {  	v4 =	vadd.f32 v35, v4;
	[tilespmem:$0x1A970] =	vst v6  }
0x2fe: {  	v7 =	vadd.f32 v37, v7;
	v9 =	vadd.f32 v21, v14;
	[tilespmem:$0x1AB00] =	vst v11  }
0x2ff: {  	v3 =	vadd.f32 v25, v3;
	v6 =	vadd.f32 v20, v15;
	[tilespmem:$0x1AB10] =	vst v4  }
0x300: {  	v8 =	vadd.f32 v23, v8;
	[tilespmem:$0x1AB30] =	vst v7;
	v9 =	vadd.f32 v36, v9  }
0x301: {  	v4 =	vadd.f32 v24, v5;
	[tilespmem:$0x1AB70] =	vst v3;
	v5 =	vadd.f32 v38, v6  }
0x302: {  	v6 =	vadd.f32 v62, v8;
	[tilespmem:$0x1AB20] =	vst v9  }
0x303: {  	s19 =	simm.s32 $0x3200;
	s20 =	simm.s32 $0x1900;
	v4 =	vadd.f32 v63, v4;
	[tilespmem:$0x1AB40] =	vst v5  }
0x304: {  	s16 =	sand.u32 $0x7800, s19;
	s17 =	sand.u32 $0x380, s20;
	[tilespmem:$0x1AB50] =	vst v6  }
0x305: {  	s16 =	sor.u32 s17, s16;
	[tilespmem:$0x1AB60] =	vst v4  }
0x306: {  	v3 =	vld [tilespmem:s16+$0xE570]  }
0x307: {  	v5 =	vld [tilespmem:s16+$0xE100]  }
0x308: {  	v6 =	vld [tilespmem:s16+$0xE110]  }
0x309: {  	v7 =	vld [tilespmem:s16+$0xE120]  }
0x30a: {  	v8 =	vld [tilespmem:s16+$0xE130]  }
0x30b: {  	v9 =	vld [tilespmem:s16+$0xE140]  }
0x30c: {  	v10 =	vld [tilespmem:s16+$0xE150]  }
0x30d: {  	v11 =	vld [tilespmem:s16+$0xE160]  }
0x30e: {  	v4 =	vimm.f32 $0.0e+00;
	v14 =	vld [tilespmem:s16+$0xE170]  }
0x30f: {  	v15 =	vld [tilespmem:s16+$0xE500];
	v3 =	vadd.f32 v3, v4  }
0x310: {  	v18 =	vadd.f32 v5, v4;
	v17 =	vadd.f32 v6, v4  }
0x311: {  	v22 =	vld [tilespmem:s16+$0xE510];
	v16 =	vadd.f32 v7, v4;
	v12 =	vadd.f32 v8, v4  }
0x312: {  	v21 =	vld [tilespmem:s16+$0xE520];
	v13 =	vadd.f32 v9, v4;
	v9 =	vadd.f32 v10, v4  }
0x313: {  	v19 =	vld [tilespmem:s16+$0xE530];
	v10 =	vadd.f32 v11, v4;
	v6 =	vadd.f32 v14, v4  }
0x314: {  	s18 =	simm.s32 $0x3300;
	s17 =	simm.s32 $0x1980;
	v20 =	vld [tilespmem:s16+$0xE540];
	v11 =	vadd.f32 v15, v4;
	v14 =	vimm.f32 $0.0e+00;
	v7 =	vimm.f32 $0.0e+00  }
0x315: {  	s19 =	sand.u32 $0x7800, s18;
	s18 =	simm.s32 $0x3400;
	s20 =	sand.u32 $0x380, s17;
	v23 =	vld [tilespmem:s16+$0xE550];
	v15 =	vimm.f32 $0.0e+00;
	v8 =	vimm.f32 $0.0e+00;
	v5 =	vimm.f32 $0.0e+00  }
.LBB2_15:
0x316: {  	p1 =	sne.s32 s18, $0x6300;
	v4 =	vadd.f32 v22, v4;
	v22 =	vld [tilespmem:s16+$0xE560];
	s16 =	sor.u32 s20, s19  }
0x317: {  	v24 =	vld [tilespmem:s16+$0xE570];
	v14 =	vadd.f32 v21, v14  }
0x318: {  	v21 =	vld [tilespmem:s16+$0xE100];
	v7 =	vadd.f32 v19, v7  }
0x319: {  	v19 =	vld [tilespmem:s16+$0xE110];
	v15 =	vadd.f32 v20, v15  }
0x31a: {  	v20 =	vld [tilespmem:s16+$0xE120];
	v8 =	vadd.f32 v23, v8  }
0x31b: {  	v23 =	vld [tilespmem:s16+$0xE130];
	v5 =	vadd.f32 v22, v5  }
0x31c: {  	v22 =	vld [tilespmem:s16+$0xE140];
	v3 =	vadd.f32 v24, v3  }
0x31d: {  	v18 =	vadd.f32 v21, v18;
	v21 =	vld [tilespmem:s16+$0xE150]  }
0x31e: {  	v17 =	vadd.f32 v19, v17;
	v19 =	vld [tilespmem:s16+$0xE160]  }
0x31f: {  	v16 =	vadd.f32 v20, v16;
	v20 =	vld [tilespmem:s16+$0xE170]  }
0x320: {  	v12 =	vadd.f32 v23, v12;
	v23 =	vld [tilespmem:s16+$0xE500]  }
.Ltmp8:
0x321: {  	v13 =	vadd.f32 v22, v13;
	v22 =	vld [tilespmem:s16+$0xE510];
	(pc) =	sbr.rel @p1 .LBB2_15-.Ltmp8, $4  }
0x322: {  	v9 =	vadd.f32 v21, v9;
	v21 =	vld [tilespmem:s16+$0xE520]  }
0x323: {  	v10 =	vadd.f32 v19, v10;
	v19 =	vld [tilespmem:s16+$0xE530]  }
0x324: {  	s17 =	sadd.s32 $0x80, s17;
	v6 =	vadd.f32 v20, v6;
	v20 =	vld [tilespmem:s16+$0xE540]  }
0x325: {  	s19 =	sand.u32 $0x7800, s18;
	s18 =	sadd.s32 $0x100, s18;
	s20 =	sand.u32 $0x380, s17;
	v11 =	vadd.f32 v23, v11;
	v23 =	vld [tilespmem:s16+$0xE550]  }
0x326: {  	s17 =	sor.u32 s20, s19;
	v24 =	vld [tilespmem:s16+$0xE560]  }
0x327: {  	v25 =	vld [tilespmem:s17+$0xE570]  }
0x328: {  	v26 =	vld [tilespmem:s17+$0xE100]  }
0x329: {  	v27 =	vld [tilespmem:s17+$0xE110]  }
0x32a: {  	v28 =	vld [tilespmem:s17+$0xE120]  }
0x32b: {  	v29 =	vld [tilespmem:s17+$0xE130]  }
0x32c: {  	v30 =	vld [tilespmem:s17+$0xE140]  }
0x32d: {  	v31 =	vld [tilespmem:s17+$0xE150]  }
0x32e: {  	v32 =	vld [tilespmem:s17+$0xE160]  }
0x32f: {  	v33 =	vld [tilespmem:s17+$0xE170]  }
0x330: {  	v34 =	vld [tilespmem:s17+$0xE500]  }
0x331: {  	v35 =	vld [tilespmem:s17+$0xE510]  }
0x332: {  	v36 =	vld [tilespmem:s17+$0xE520]  }
0x333: {  	v37 =	vld [tilespmem:s17+$0xE530]  }
0x334: {  	v38 =	vld [tilespmem:s17+$0xE540];
	v18 =	vadd.f32 v26, v18  }
0x335: {  	v62 =	vld [tilespmem:s17+$0xE550];
	v17 =	vadd.f32 v27, v17  }
0x336: {  	v63 =	vld [tilespmem:s17+$0xE560];
	v16 =	vadd.f32 v28, v16;
	[tilespmem:$0x1A980] =	vst v18  }
0x337: {  	v12 =	vadd.f32 v29, v12;
	[tilespmem:$0x1A990] =	vst v17  }
0x338: {  	v13 =	vadd.f32 v30, v13;
	[tilespmem:$0x1A9A0] =	vst v16  }
0x339: {  	v9 =	vadd.f32 v31, v9;
	[tilespmem:$0x1A9B0] =	vst v12  }
0x33a: {  	v10 =	vadd.f32 v32, v10;
	[tilespmem:$0x1A9C0] =	vst v13  }
0x33b: {  	v4 =	vadd.f32 v22, v4;
	v6 =	vadd.f32 v33, v6;
	[tilespmem:$0x1A9D0] =	vst v9  }
0x33c: {  	v7 =	vadd.f32 v19, v7;
	v11 =	vadd.f32 v34, v11;
	[tilespmem:$0x1A9E0] =	vst v10  }
0x33d: {  	v4 =	vadd.f32 v35, v4;
	[tilespmem:$0x1A9F0] =	vst v6  }
0x33e: {  	v7 =	vadd.f32 v37, v7;
	v9 =	vadd.f32 v21, v14;
	[tilespmem:$0x1AB80] =	vst v11  }
0x33f: {  	v3 =	vadd.f32 v25, v3;
	v6 =	vadd.f32 v20, v15;
	[tilespmem:$0x1AB90] =	vst v4  }
0x340: {  	v8 =	vadd.f32 v23, v8;
	[tilespmem:$0x1ABB0] =	vst v7;
	v9 =	vadd.f32 v36, v9  }
0x341: {  	v4 =	vadd.f32 v24, v5;
	[tilespmem:$0x1ABF0] =	vst v3;
	v5 =	vadd.f32 v38, v6  }
0x342: {  	v6 =	vadd.f32 v62, v8;
	[tilespmem:$0x1ABA0] =	vst v9  }
0x343: {  	s19 =	simm.s32 $0x6400;
	s20 =	simm.s32 $0x3200;
	v4 =	vadd.f32 v63, v4;
	[tilespmem:$0x1ABC0] =	vst v5  }
0x344: {  	s16 =	sand.u32 $0xF800, s19;
	s17 =	sand.u32 $0x380, s20;
	[tilespmem:$0x1ABD0] =	vst v6  }
0x345: {  	s16 =	sor.u32 s17, s16;
	[tilespmem:$0x1ABE0] =	vst v4  }
0x346: {  	v3 =	vld [tilespmem:s16+$0xE570]  }
0x347: {  	v5 =	vld [tilespmem:s16+$0xE100]  }
0x348: {  	v6 =	vld [tilespmem:s16+$0xE110]  }
0x349: {  	v7 =	vld [tilespmem:s16+$0xE120]  }
0x34a: {  	v8 =	vld [tilespmem:s16+$0xE130]  }
0x34b: {  	v9 =	vld [tilespmem:s16+$0xE140]  }
0x34c: {  	v10 =	vld [tilespmem:s16+$0xE150]  }
0x34d: {  	v11 =	vld [tilespmem:s16+$0xE160]  }
0x34e: {  	v4 =	vimm.f32 $0.0e+00;
	v14 =	vld [tilespmem:s16+$0xE170]  }
0x34f: {  	v15 =	vld [tilespmem:s16+$0xE500];
	v3 =	vadd.f32 v3, v4  }
0x350: {  	v18 =	vadd.f32 v5, v4;
	v17 =	vadd.f32 v6, v4  }
0x351: {  	v22 =	vld [tilespmem:s16+$0xE510];
	v16 =	vadd.f32 v7, v4;
	v12 =	vadd.f32 v8, v4  }
0x352: {  	v21 =	vld [tilespmem:s16+$0xE520];
	v13 =	vadd.f32 v9, v4;
	v9 =	vadd.f32 v10, v4  }
0x353: {  	v19 =	vld [tilespmem:s16+$0xE530];
	v10 =	vadd.f32 v11, v4;
	v6 =	vadd.f32 v14, v4  }
0x354: {  	s18 =	simm.s32 $0x6500;
	s17 =	simm.s32 $0x3280;
	v20 =	vld [tilespmem:s16+$0xE540];
	v11 =	vadd.f32 v15, v4;
	v14 =	vimm.f32 $0.0e+00;
	v7 =	vimm.f32 $0.0e+00  }
0x355: {  	s19 =	sand.u32 $0xF800, s18;
	s18 =	simm.s32 $0x6600;
	s20 =	sand.u32 $0x380, s17;
	v23 =	vld [tilespmem:s16+$0xE550];
	v15 =	vimm.f32 $0.0e+00;
	v8 =	vimm.f32 $0.0e+00;
	v5 =	vimm.f32 $0.0e+00  }
.LBB2_17:
0x356: {  	p1 =	sne.s32 s18, $0x9500;
	v4 =	vadd.f32 v22, v4;
	v22 =	vld [tilespmem:s16+$0xE560];
	s16 =	sor.u32 s20, s19  }
0x357: {  	v24 =	vld [tilespmem:s16+$0xE570];
	v14 =	vadd.f32 v21, v14  }
0x358: {  	v21 =	vld [tilespmem:s16+$0xE100];
	v7 =	vadd.f32 v19, v7  }
0x359: {  	v19 =	vld [tilespmem:s16+$0xE110];
	v15 =	vadd.f32 v20, v15  }
0x35a: {  	v20 =	vld [tilespmem:s16+$0xE120];
	v8 =	vadd.f32 v23, v8  }
0x35b: {  	v23 =	vld [tilespmem:s16+$0xE130];
	v5 =	vadd.f32 v22, v5  }
0x35c: {  	v22 =	vld [tilespmem:s16+$0xE140];
	v3 =	vadd.f32 v24, v3  }
0x35d: {  	v18 =	vadd.f32 v21, v18;
	v21 =	vld [tilespmem:s16+$0xE150]  }
0x35e: {  	v17 =	vadd.f32 v19, v17;
	v19 =	vld [tilespmem:s16+$0xE160]  }
0x35f: {  	v16 =	vadd.f32 v20, v16;
	v20 =	vld [tilespmem:s16+$0xE170]  }
0x360: {  	v12 =	vadd.f32 v23, v12;
	v23 =	vld [tilespmem:s16+$0xE500]  }
.Ltmp9:
0x361: {  	v13 =	vadd.f32 v22, v13;
	v22 =	vld [tilespmem:s16+$0xE510];
	(pc) =	sbr.rel @p1 .LBB2_17-.Ltmp9, $4  }
0x362: {  	v9 =	vadd.f32 v21, v9;
	v21 =	vld [tilespmem:s16+$0xE520]  }
0x363: {  	v10 =	vadd.f32 v19, v10;
	v19 =	vld [tilespmem:s16+$0xE530]  }
0x364: {  	s17 =	sadd.s32 $0x80, s17;
	v6 =	vadd.f32 v20, v6;
	v20 =	vld [tilespmem:s16+$0xE540]  }
0x365: {  	s19 =	sand.u32 $0xF800, s18;
	s18 =	sadd.s32 $0x100, s18;
	s20 =	sand.u32 $0x380, s17;
	v11 =	vadd.f32 v23, v11;
	v23 =	vld [tilespmem:s16+$0xE550]  }
0x366: {  	s17 =	sor.u32 s20, s19;
	v24 =	vld [tilespmem:s16+$0xE560]  }
0x367: {  	v25 =	vld [tilespmem:s17+$0xE570]  }
0x368: {  	v26 =	vld [tilespmem:s17+$0xE100]  }
0x369: {  	v27 =	vld [tilespmem:s17+$0xE110]  }
0x36a: {  	v28 =	vld [tilespmem:s17+$0xE120]  }
0x36b: {  	v29 =	vld [tilespmem:s17+$0xE130]  }
0x36c: {  	v30 =	vld [tilespmem:s17+$0xE140]  }
0x36d: {  	v31 =	vld [tilespmem:s17+$0xE150]  }
0x36e: {  	v32 =	vld [tilespmem:s17+$0xE160]  }
0x36f: {  	v33 =	vld [tilespmem:s17+$0xE170]  }
0x370: {  	v34 =	vld [tilespmem:s17+$0xE500]  }
0x371: {  	v35 =	vld [tilespmem:s17+$0xE510]  }
0x372: {  	v36 =	vld [tilespmem:s17+$0xE520]  }
0x373: {  	v37 =	vld [tilespmem:s17+$0xE530]  }
0x374: {  	v38 =	vld [tilespmem:s17+$0xE540];
	v18 =	vadd.f32 v26, v18  }
0x375: {  	v62 =	vld [tilespmem:s17+$0xE550];
	v17 =	vadd.f32 v27, v17  }
0x376: {  	v63 =	vld [tilespmem:s17+$0xE560];
	v16 =	vadd.f32 v28, v16;
	[tilespmem:$0x1AA00] =	vst v18  }
0x377: {  	v12 =	vadd.f32 v29, v12;
	[tilespmem:$0x1AA10] =	vst v17  }
0x378: {  	v13 =	vadd.f32 v30, v13;
	[tilespmem:$0x1AA20] =	vst v16  }
0x379: {  	v9 =	vadd.f32 v31, v9;
	[tilespmem:$0x1AA30] =	vst v12  }
0x37a: {  	v10 =	vadd.f32 v32, v10;
	[tilespmem:$0x1AA40] =	vst v13  }
0x37b: {  	v4 =	vadd.f32 v22, v4;
	v6 =	vadd.f32 v33, v6;
	[tilespmem:$0x1AA50] =	vst v9  }
0x37c: {  	v7 =	vadd.f32 v19, v7;
	v11 =	vadd.f32 v34, v11;
	[tilespmem:$0x1AA60] =	vst v10  }
0x37d: {  	v4 =	vadd.f32 v35, v4;
	[tilespmem:$0x1AA70] =	vst v6  }
0x37e: {  	v7 =	vadd.f32 v37, v7;
	v9 =	vadd.f32 v21, v14;
	[tilespmem:$0x1AC00] =	vst v11  }
0x37f: {  	v3 =	vadd.f32 v25, v3;
	v6 =	vadd.f32 v20, v15;
	[tilespmem:$0x1AC10] =	vst v4  }
0x380: {  	v8 =	vadd.f32 v23, v8;
	[tilespmem:$0x1AC30] =	vst v7;
	v9 =	vadd.f32 v36, v9  }
0x381: {  	v4 =	vadd.f32 v24, v5;
	[tilespmem:$0x1AC70] =	vst v3;
	v5 =	vadd.f32 v38, v6  }
0x382: {  	v6 =	vadd.f32 v62, v8;
	[tilespmem:$0x1AC20] =	vst v9  }
0x383: {  	s19 =	simm.s32 $0x9600;
	s20 =	simm.s32 $0x4B00;
	v4 =	vadd.f32 v63, v4;
	[tilespmem:$0x1AC40] =	vst v5  }
0x384: {  	s16 =	sand.u32 $0xF800, s19;
	s17 =	sand.u32 $0x380, s20;
	[tilespmem:$0x1AC50] =	vst v6  }
0x385: {  	s16 =	sor.u32 s17, s16;
	[tilespmem:$0x1AC60] =	vst v4  }
0x386: {  	v3 =	vld [tilespmem:s16+$0xE570]  }
0x387: {  	v5 =	vld [tilespmem:s16+$0xE100]  }
0x388: {  	v6 =	vld [tilespmem:s16+$0xE110]  }
0x389: {  	v7 =	vld [tilespmem:s16+$0xE120]  }
0x38a: {  	v8 =	vld [tilespmem:s16+$0xE130]  }
0x38b: {  	v9 =	vld [tilespmem:s16+$0xE140]  }
0x38c: {  	v10 =	vld [tilespmem:s16+$0xE150]  }
0x38d: {  	v11 =	vld [tilespmem:s16+$0xE160]  }
0x38e: {  	v4 =	vimm.f32 $0.0e+00;
	v14 =	vld [tilespmem:s16+$0xE170]  }
0x38f: {  	v15 =	vld [tilespmem:s16+$0xE500];
	v3 =	vadd.f32 v3, v4  }
0x390: {  	v18 =	vadd.f32 v5, v4;
	v17 =	vadd.f32 v6, v4  }
0x391: {  	v22 =	vld [tilespmem:s16+$0xE510];
	v16 =	vadd.f32 v7, v4;
	v12 =	vadd.f32 v8, v4  }
0x392: {  	v21 =	vld [tilespmem:s16+$0xE520];
	v13 =	vadd.f32 v9, v4;
	v9 =	vadd.f32 v10, v4  }
0x393: {  	v19 =	vld [tilespmem:s16+$0xE530];
	v10 =	vadd.f32 v11, v4;
	v6 =	vadd.f32 v14, v4  }
0x394: {  	s18 =	simm.s32 $0x9700;
	s17 =	simm.s32 $0x4B80;
	v20 =	vld [tilespmem:s16+$0xE540];
	v11 =	vadd.f32 v15, v4;
	v14 =	vimm.f32 $0.0e+00;
	v7 =	vimm.f32 $0.0e+00  }
0x395: {  	s19 =	sand.u32 $0xF800, s18;
	s18 =	simm.s32 $0x9800;
	s20 =	sand.u32 $0x380, s17;
	v23 =	vld [tilespmem:s16+$0xE550];
	v15 =	vimm.f32 $0.0e+00;
	v8 =	vimm.f32 $0.0e+00;
	v5 =	vimm.f32 $0.0e+00  }
.LBB2_19:
0x396: {  	p1 =	sne.s32 s18, $0xC700;
	v4 =	vadd.f32 v22, v4;
	v22 =	vld [tilespmem:s16+$0xE560];
	s16 =	sor.u32 s20, s19  }
0x397: {  	v24 =	vld [tilespmem:s16+$0xE570];
	v14 =	vadd.f32 v21, v14  }
0x398: {  	v21 =	vld [tilespmem:s16+$0xE100];
	v7 =	vadd.f32 v19, v7  }
0x399: {  	v19 =	vld [tilespmem:s16+$0xE110];
	v15 =	vadd.f32 v20, v15  }
0x39a: {  	v20 =	vld [tilespmem:s16+$0xE120];
	v8 =	vadd.f32 v23, v8  }
0x39b: {  	v23 =	vld [tilespmem:s16+$0xE130];
	v5 =	vadd.f32 v22, v5  }
0x39c: {  	v22 =	vld [tilespmem:s16+$0xE140];
	v3 =	vadd.f32 v24, v3  }
0x39d: {  	v18 =	vadd.f32 v21, v18;
	v21 =	vld [tilespmem:s16+$0xE150]  }
0x39e: {  	v17 =	vadd.f32 v19, v17;
	v19 =	vld [tilespmem:s16+$0xE160]  }
0x39f: {  	v16 =	vadd.f32 v20, v16;
	v20 =	vld [tilespmem:s16+$0xE170]  }
0x3a0: {  	v12 =	vadd.f32 v23, v12;
	v23 =	vld [tilespmem:s16+$0xE500]  }
.Ltmp10:
0x3a1: {  	v13 =	vadd.f32 v22, v13;
	v22 =	vld [tilespmem:s16+$0xE510];
	(pc) =	sbr.rel @p1 .LBB2_19-.Ltmp10, $4  }
0x3a2: {  	v9 =	vadd.f32 v21, v9;
	v21 =	vld [tilespmem:s16+$0xE520]  }
0x3a3: {  	v10 =	vadd.f32 v19, v10;
	v19 =	vld [tilespmem:s16+$0xE530]  }
0x3a4: {  	s17 =	sadd.s32 $0x80, s17;
	v6 =	vadd.f32 v20, v6;
	v20 =	vld [tilespmem:s16+$0xE540]  }
0x3a5: {  	s19 =	sand.u32 $0xF800, s18;
	s18 =	sadd.s32 $0x100, s18;
	s20 =	sand.u32 $0x380, s17;
	v11 =	vadd.f32 v23, v11;
	v23 =	vld [tilespmem:s16+$0xE550]  }
0x3a6: {  	s17 =	sor.u32 s20, s19;
	v24 =	vld [tilespmem:s16+$0xE560]  }
0x3a7: {  	v25 =	vld [tilespmem:s17+$0xE570]  }
0x3a8: {  	v26 =	vld [tilespmem:s17+$0xE100]  }
0x3a9: {  	v27 =	vld [tilespmem:s17+$0xE110]  }
0x3aa: {  	v28 =	vld [tilespmem:s17+$0xE120]  }
0x3ab: {  	v29 =	vld [tilespmem:s17+$0xE130]  }
0x3ac: {  	v30 =	vld [tilespmem:s17+$0xE140]  }
0x3ad: {  	v31 =	vld [tilespmem:s17+$0xE150]  }
0x3ae: {  	v32 =	vld [tilespmem:s17+$0xE160]  }
0x3af: {  	v33 =	vld [tilespmem:s17+$0xE170]  }
0x3b0: {  	v34 =	vld [tilespmem:s17+$0xE500]  }
0x3b1: {  	v35 =	vld [tilespmem:s17+$0xE510]  }
0x3b2: {  	v36 =	vld [tilespmem:s17+$0xE520]  }
0x3b3: {  	v37 =	vld [tilespmem:s17+$0xE530]  }
0x3b4: {  	v38 =	vld [tilespmem:s17+$0xE540];
	v18 =	vadd.f32 v26, v18  }
0x3b5: {  	v57 =	vld [tilespmem:s17+$0xE550];
	v17 =	vadd.f32 v27, v17  }
0x3b6: {  	v58 =	vld [tilespmem:s17+$0xE560];
	v16 =	vadd.f32 v28, v16;
	[tilespmem:$0x1AA80] =	vst v18  }
0x3b7: {  	v12 =	vadd.f32 v29, v12;
	[tilespmem:$0x1AA90] =	vst v17  }
0x3b8: {  	v13 =	vadd.f32 v30, v13;
	[tilespmem:$0x1AAA0] =	vst v16  }
0x3b9: {  	v9 =	vadd.f32 v31, v9;
	[tilespmem:$0x1AAB0] =	vst v12  }
0x3ba: {  	v10 =	vadd.f32 v32, v10;
	[tilespmem:$0x1AAC0] =	vst v13  }
0x3bb: {  	v4 =	vadd.f32 v22, v4;
	v6 =	vadd.f32 v33, v6;
	[tilespmem:$0x1AAD0] =	vst v9  }
0x3bc: {  	v7 =	vadd.f32 v19, v7;
	v11 =	vadd.f32 v34, v11;
	[tilespmem:$0x1AAE0] =	vst v10  }
0x3bd: {  	v60 =	vadd.f32 v20, v15;
	v4 =	vadd.f32 v35, v4;
	[tilespmem:$0x1AAF0] =	vst v6  }
0x3be: {  	v8 =	vadd.f32 v23, v8;
	v7 =	vadd.f32 v37, v7;
	[tilespmem:$0x1AC80] =	vst v11  }
0x3bf: {  	v62 =	vadd.f32 v38, v60;
	[tilespmem:$0x1AC90] =	vst v4  }
0x3c0: {  	v59 =	vadd.f32 v21, v14;
	v63 =	vadd.f32 v57, v8;
	[tilespmem:$0x1ACB0] =	vst v7  }
0x3c1: {  	v61 =	vadd.f32 v24, v5;
	v3 =	vadd.f32 v25, v3;
	[tilespmem:$0x1ACC0] =	vst v62  }
0x3c2: {  	v9 =	vadd.f32 v36, v59;
	[tilespmem:$0x1ACD0] =	vst v63  }
0x3c3: {  	v4 =	vadd.f32 v58, v61;
	[tilespmem:$0x1ACF0] =	vst v3  }
0x3c4: {  	[tilespmem:$0x1ACA0] =	vst v9  }
.Ltmp11:
0x3c5: {  	s15 =	sadd.s32 s15, s7;
	[tilespmem:$0x1ACE0] =	vst v4;
	(pc) =	sbr.rel @p0 .LBB2_22-.Ltmp11, $4  }
0x3c6: {  	[hbm4b:s15+s10] =	stream.strided.scatter [tilespmem:s12], [sflag:$0x3], $0x400, s11, s10, $0x38;
	[tilespmem:$0x1AD00] =	vst v63  }
0x3c7: {  	_ =	swait.ge [sflag:s9], $0x400  }
0x3c8: {  	[sflag:s9] =	ssyncset.done $0x0  }
0x3c9: {  	[sflag:s9] =	ssyncadd.s32 $0xFFFFFC00  }
0x3ca: {  	s15 =	smul.u32 $0x640, s14;
	_ =	sdelay $0x1  }
0x3cb: {  	s15 =	sshra.s32 s15, $0x2  }
0x3cc: {  	v3 =	vld [tilespmem:s15+$0x258];
	_ =	sdelay $0x4  }
0x3cd: {  	v4 =	vshll.u32 v3, $0x1  }
0x3ce: {  	v3 =	vand.u32 $0x7, v3;
	v4 =	vand.u32 $0xFFFFFFF0, v4  }
0x3cf: {  	v3 =	vor.u32 v3, v4  }
0x3d0: {  	v4 =	vperm.xlane v3, v0;
	_ =	sdelay $0x1  }
0x3d1: {  	v3 =	vperm.xlane v3, v2;
	v4 =	vadd.s32 v1, v4;
	_ =	sdelay $0x1  }
0x3d2: {  	v3 =	vadd.s32 v1, v3;
	_ =	sdelay $0x1  }
0x3d3: {  	s16 =	simm.s32 $0xE100  }
0x3d4: {  	[tilespmem:s16], [sflag:$0x2] =	stream.indirect_vreg.gather [hbm4b:s2+s4], $0x80, v4, vm0, $0xb8;
	[tilespmem:$0x1AD00] =	vst v63  }
0x3d5: {  	s19 =	simm.s32 $0xE900  }
0x3d6: {  	[tilespmem:s19], [sflag:$0x2] =	stream.indirect_vreg.gather [hbm4b:s2+s4], $0x80, v3, vm0, $0xb8;
	[tilespmem:$0x1AD00] =	vst v63  }
0x3d7: {  	v3 =	vld [tilespmem:s15+$0x268];
	_ =	sdelay $0x4  }
0x3d8: {  	v52 =	vshll.u32 v3, $0x1  }
0x3d9: {  	v3 =	vand.u32 $0x7, v3;
	v4 =	vand.u32 $0xFFFFFFF0, v52  }
0x3da: {  	v3 =	vor.u32 v3, v4  }
0x3db: {  	v4 =	vperm.xlane v3, v0;
	_ =	sdelay $0x1  }
0x3dc: {  	v3 =	vperm.xlane v3, v2;
	v4 =	vadd.s32 v1, v4;
	_ =	sdelay $0x1  }
0x3dd: {  	v3 =	vadd.s32 v1, v3;
	_ =	sdelay $0x1  }
0x3de: {  	s20 =	simm.s32 $0xF100  }
0x3df: {  	[tilespmem:s20], [sflag:$0x2] =	stream.indirect_vreg.gather [hbm4b:s2+s4], $0x80, v4, vm0, $0xb8;
	[tilespmem:$0x1AD00] =	vst v63  }
0x3e0: {  	s17 =	simm.s32 $0xF900  }
0x3e1: {  	[tilespmem:s17], [sflag:$0x2] =	stream.indirect_vreg.gather [hbm4b:s2+s4], $0x80, v3, vm0, $0xb8;
	[tilespmem:$0x1AD00] =	vst v63  }
0x3e2: {  	v3 =	vld [tilespmem:s15+$0x278];
	_ =	sdelay $0x4  }
0x3e3: {  	v53 =	vshll.u32 v3, $0x1  }
0x3e4: {  	v3 =	vand.u32 $0x7, v3;
	v4 =	vand.u32 $0xFFFFFFF0, v53  }
0x3e5: {  	v3 =	vor.u32 v3, v4  }
0x3e6: {  	v4 =	vperm.xlane v3, v0;
	_ =	sdelay $0x1  }
0x3e7: {  	v3 =	vperm.xlane v3, v2;
	v4 =	vadd.s32 v1, v4;
	_ =	sdelay $0x1  }
0x3e8: {  	v3 =	vadd.s32 v1, v3;
	_ =	sdelay $0x1  }
0x3e9: {  	s18 =	simm.s32 $0x10100  }
0x3ea: {  	[tilespmem:s18], [sflag:$0x2] =	stream.indirect_vreg.gather [hbm4b:s2+s4], $0x80, v4, vm0, $0xb8;
	[tilespmem:$0x1AD00] =	vst v63  }
0x3eb: {  	s19 =	simm.s32 $0x10900  }
0x3ec: {  	[tilespmem:s19], [sflag:$0x2] =	stream.indirect_vreg.gather [hbm4b:s2+s4], $0x80, v3, vm0, $0xb8;
	[tilespmem:$0x1AD00] =	vst v63  }
0x3ed: {  	v3 =	vld [tilespmem:s15+$0x288];
	_ =	sdelay $0x4  }
0x3ee: {  	v54 =	vshll.u32 v3, $0x1  }
0x3ef: {  	v3 =	vand.u32 $0x7, v3;
	v4 =	vand.u32 $0xFFFFFFF0, v54  }
0x3f0: {  	v3 =	vor.u32 v3, v4  }
0x3f1: {  	v4 =	vperm.xlane v3, v0;
	_ =	sdelay $0x1  }
0x3f2: {  	v3 =	vperm.xlane v3, v2;
	v4 =	vadd.s32 v1, v4;
	_ =	sdelay $0x1  }
0x3f3: {  	v3 =	vadd.s32 v1, v3;
	_ =	sdelay $0x1  }
0x3f4: {  	s20 =	simm.s32 $0x11100  }
0x3f5: {  	[tilespmem:s20], [sflag:$0x2] =	stream.indirect_vreg.gather [hbm4b:s2+s4], $0x80, v4, vm0, $0xb8;
	[tilespmem:$0x1AD00] =	vst v63  }
0x3f6: {  	s17 =	simm.s32 $0x11900  }
0x3f7: {  	[tilespmem:s17], [sflag:$0x2] =	stream.indirect_vreg.gather [hbm4b:s2+s4], $0x80, v3, vm0, $0xb8;
	[tilespmem:$0x1AD00] =	vst v63  }
0x3f8: {  	v3 =	vld [tilespmem:s15+$0x298];
	_ =	sdelay $0x4  }
0x3f9: {  	v55 =	vshll.u32 v3, $0x1  }
0x3fa: {  	v3 =	vand.u32 $0x7, v3;
	v4 =	vand.u32 $0xFFFFFFF0, v55  }
0x3fb: {  	v3 =	vor.u32 v3, v4  }
0x3fc: {  	v4 =	vperm.xlane v3, v0;
	_ =	sdelay $0x1  }
0x3fd: {  	v3 =	vperm.xlane v3, v2;
	v4 =	vadd.s32 v1, v4;
	_ =	sdelay $0x1  }
0x3fe: {  	v3 =	vadd.s32 v1, v3;
	_ =	sdelay $0x1  }
0x3ff: {  	s18 =	simm.s32 $0x12100  }
0x400: {  	[tilespmem:s18], [sflag:$0x2] =	stream.indirect_vreg.gather [hbm4b:s2+s4], $0x80, v4, vm0, $0xb8;
	[tilespmem:$0x1AD00] =	vst v63  }
0x401: {  	s19 =	simm.s32 $0x12900  }
0x402: {  	[tilespmem:s19], [sflag:$0x2] =	stream.indirect_vreg.gather [hbm4b:s2+s4], $0x80, v3, vm0, $0xb8;
	[tilespmem:$0x1AD00] =	vst v63  }
0x403: {  	v3 =	vld [tilespmem:s15+$0x2A8];
	_ =	sdelay $0x4  }
0x404: {  	v56 =	vshll.u32 v3, $0x1  }
0x405: {  	v3 =	vand.u32 $0x7, v3;
	v4 =	vand.u32 $0xFFFFFFF0, v56  }
0x406: {  	v3 =	vor.u32 v3, v4  }
0x407: {  	v4 =	vperm.xlane v3, v0;
	_ =	sdelay $0x1  }
0x408: {  	v3 =	vperm.xlane v3, v2;
	v4 =	vadd.s32 v1, v4;
	_ =	sdelay $0x1  }
0x409: {  	v3 =	vadd.s32 v1, v3;
	_ =	sdelay $0x1  }
0x40a: {  	s20 =	simm.s32 $0x13100  }
0x40b: {  	[tilespmem:s20], [sflag:$0x2] =	stream.indirect_vreg.gather [hbm4b:s2+s4], $0x80, v4, vm0, $0xb8;
	[tilespmem:$0x1AD00] =	vst v63  }
0x40c: {  	_ = 	snop  }
0x40d: {  	[tilespmem:s21], [sflag:$0x2] =	stream.indirect_vreg.gather [hbm4b:s2+s4], $0x80, v3, vm0, $0xb8;
	[tilespmem:$0x1AD00] =	vst v63  }
0x40e: {  	v3 =	vld [tilespmem:s15+$0x2B8];
	_ =	sdelay $0x4  }
0x40f: {  	v57 =	vshll.u32 v3, $0x1  }
0x410: {  	v3 =	vand.u32 $0x7, v3;
	v4 =	vand.u32 $0xFFFFFFF0, v57  }
0x411: {  	v3 =	vor.u32 v3, v4  }
0x412: {  	v4 =	vperm.xlane v3, v0;
	_ =	sdelay $0x1  }
0x413: {  	v3 =	vperm.xlane v3, v2;
	v4 =	vadd.s32 v1, v4;
	_ =	sdelay $0x1  }
0x414: {  	v3 =	vadd.s32 v1, v3;
	_ =	sdelay $0x2  }
0x415: {  	[tilespmem:s22], [sflag:$0x2] =	stream.indirect_vreg.gather [hbm4b:s2+s4], $0x80, v4, vm0, $0xb8;
	[tilespmem:$0x1AD00] =	vst v63  }
0x416: {  	_ = 	snop  }
0x417: {  	[tilespmem:s23], [sflag:$0x2] =	stream.indirect_vreg.gather [hbm4b:s2+s4], $0x80, v3, vm0, $0xb8;
	[tilespmem:$0x1AD00] =	vst v63  }
0x418: {  	v3 =	vld [tilespmem:s15+$0x2C8];
	_ =	sdelay $0x4  }
0x419: {  	v58 =	vshll.u32 v3, $0x1  }
0x41a: {  	v3 =	vand.u32 $0x7, v3;
	v4 =	vand.u32 $0xFFFFFFF0, v58  }
0x41b: {  	v3 =	vor.u32 v3, v4  }
0x41c: {  	v4 =	vperm.xlane v3, v0;
	_ =	sdelay $0x1  }
0x41d: {  	v3 =	vperm.xlane v3, v2;
	v4 =	vadd.s32 v1, v4;
	_ =	sdelay $0x1  }
0x41e: {  	v3 =	vadd.s32 v1, v3;
	_ =	sdelay $0x2  }
0x41f: {  	[tilespmem:s24], [sflag:$0x2] =	stream.indirect_vreg.gather [hbm4b:s2+s4], $0x80, v4, vm0, $0xb8;
	[tilespmem:$0x1AD00] =	vst v63  }
0x420: {  	_ = 	snop  }
0x421: {  	[tilespmem:s25], [sflag:$0x2] =	stream.indirect_vreg.gather [hbm4b:s2+s4], $0x80, v3, vm0, $0xb8;
	[tilespmem:$0x1AD00] =	vst v63  }
0x422: {  	v3 =	vld [tilespmem:s15+$0x2D8];
	_ =	sdelay $0x4  }
0x423: {  	v59 =	vshll.u32 v3, $0x1  }
0x424: {  	v3 =	vand.u32 $0x7, v3;
	v4 =	vand.u32 $0xFFFFFFF0, v59  }
0x425: {  	v3 =	vor.u32 v3, v4  }
0x426: {  	v4 =	vperm.xlane v3, v0;
	_ =	sdelay $0x1  }
0x427: {  	v3 =	vperm.xlane v3, v2;
	v4 =	vadd.s32 v1, v4;
	_ =	sdelay $0x1  }
0x428: {  	v3 =	vadd.s32 v1, v3;
	_ =	sdelay $0x2  }
0x429: {  	[tilespmem:s26], [sflag:$0x2] =	stream.indirect_vreg.gather [hbm4b:s2+s4], $0x80, v4, vm0, $0xb8;
	[tilespmem:$0x1AD00] =	vst v63  }
0x42a: {  	_ = 	snop  }
0x42b: {  	[tilespmem:s28], [sflag:$0x2] =	stream.indirect_vreg.gather [hbm4b:s2+s4], $0x80, v3, vm0, $0xb8;
	[tilespmem:$0x1AD00] =	vst v63  }
0x42c: {  	v3 =	vld [tilespmem:s15+$0x2E8];
	_ =	sdelay $0x4  }
0x42d: {  	v60 =	vshll.u32 v3, $0x1  }
0x42e: {  	v3 =	vand.u32 $0x7, v3;
	v4 =	vand.u32 $0xFFFFFFF0, v60  }
0x42f: {  	v3 =	vor.u32 v3, v4  }
0x430: {  	v4 =	vperm.xlane v3, v0;
	_ =	sdelay $0x1  }
0x431: {  	v3 =	vperm.xlane v3, v2;
	v4 =	vadd.s32 v1, v4;
	_ =	sdelay $0x1  }
0x432: {  	v3 =	vadd.s32 v1, v3;
	_ =	sdelay $0x2  }
0x433: {  	[tilespmem:s29], [sflag:$0x2] =	stream.indirect_vreg.gather [hbm4b:s2+s4], $0x80, v4, vm0, $0xb8;
	[tilespmem:$0x1AD00] =	vst v63  }
0x434: {  	_ = 	snop  }
0x435: {  	[tilespmem:s30], [sflag:$0x2] =	stream.indirect_vreg.gather [hbm4b:s2+s4], $0x80, v3, vm0, $0xb8;
	[tilespmem:$0x1AD00] =	vst v63  }
0x436: {  	v3 =	vld [tilespmem:s15+$0x2F8];
	_ =	sdelay $0x4  }
0x437: {  	v61 =	vshll.u32 v3, $0x1  }
0x438: {  	v3 =	vand.u32 $0x7, v3;
	v4 =	vand.u32 $0xFFFFFFF0, v61  }
0x439: {  	v3 =	vor.u32 v3, v4  }
0x43a: {  	v4 =	vperm.xlane v3, v0;
	_ =	sdelay $0x1  }
0x43b: {  	v3 =	vperm.xlane v3, v2;
	v4 =	vadd.s32 v1, v4;
	_ =	sdelay $0x1  }
0x43c: {  	v3 =	vadd.s32 v1, v3;
	_ =	sdelay $0x2  }
0x43d: {  	[tilespmem:s31], [sflag:$0x2] =	stream.indirect_vreg.gather [hbm4b:s2+s4], $0x80, v4, vm0, $0xb8;
	[tilespmem:$0x1AD00] =	vst v63  }
0x43e: {  	_ = 	snop  }
0x43f: {  	[tilespmem:s0], [sflag:$0x2] =	stream.indirect_vreg.gather [hbm4b:s2+s4], $0x80, v3, vm0, $0xb8;
	[tilespmem:$0x1AD00] =	vst v63  }
0x440: {  	v3 =	vld [tilespmem:s15+$0x308];
	_ =	sdelay $0x4  }
0x441: {  	v62 =	vshll.u32 v3, $0x1  }
0x442: {  	v3 =	vand.u32 $0x7, v3;
	v4 =	vand.u32 $0xFFFFFFF0, v62  }
0x443: {  	v3 =	vor.u32 v3, v4  }
0x444: {  	v4 =	vperm.xlane v3, v0;
	_ =	sdelay $0x1  }
0x445: {  	v3 =	vperm.xlane v3, v2;
	v4 =	vadd.s32 v1, v4;
	_ =	sdelay $0x1  }
0x446: {  	v3 =	vadd.s32 v1, v3;
	_ =	sdelay $0x2  }
0x447: {  	[tilespmem:s1], [sflag:$0x2] =	stream.indirect_vreg.gather [hbm4b:s2+s4], $0x80, v4, vm0, $0xb8;
	[tilespmem:$0x1AD00] =	vst v63  }
0x448: {  	_ = 	snop  }
0x449: {  	[tilespmem:s6], [sflag:$0x2] =	stream.indirect_vreg.gather [hbm4b:s2+s4], $0x80, v3, vm0, $0xb8;
	[tilespmem:$0x1AD00] =	vst v63  }
0x44a: {  	v3 =	vld.msk [tilespmem:s15+$0x318], $0xff;
	_ =	sdelay $0x4  }
0x44b: {  	v63 =	vshll.u32 v3, $0x1  }
0x44c: {  	v3 =	vand.u32 $0x7, v3;
	v4 =	vand.u32 $0xFFFFFFF0, v63  }
0x44d: {  	v3 =	vor.u32 v3, v4  }
0x44e: {  	v3 =	vperm.xlane v3, v0;
	_ =	sdelay $0x1  }
0x44f: {  	v3 =	vadd.s32 v1, v3  }
.Ltmp12:
0x450: {  	_ = 	snop;
	(pc) =	sbr.rel .LBB2_2-.Ltmp12, $3  }
0x451: {  	_ =	sdelay $0x1  }
0x452: {  	s14 =	sadd.s32 $0x1, s14  }
0x453: {  	[tilespmem:s8], [sflag:$0x2] =	stream.indirect_vreg.gather [hbm4b:s2+s4], $0x80, v3, vm0, $0xb8;
	[tilespmem:$0x1AD00] =	vst v63  }
.LBB2_23:
0x454: {  	_ =	sfence.sel $0x180000  }
0x455: {  	[bflag:$0x0] =	sbarrier.arrive $0xFFFF  }
0x456: {  	_ =	strace $0x90000047  }
0x457: {  	s0 =	stileid.u32;
	[bflag:$0x2] =	sbarrier.arrive $0xFFFF  }
0x458: {  	p0 =	sne.s32 s0, $0x0;
	s0 =	rddreg [dreg:$0x3]  }
0x459: {  	s0 =	sadd.s32 @!p0 $0x100000, s0  }
0x45a: {  	[sflag:s0] =	ssyncadd.tile.s32 @!p0 $0x1;
	_ =	shalt  }
.Lfunc_end2:
_tile_overlayer_lowered:
.L_overlay_start_2:
0x45b: {  	(tag) =	ssettag $0x2  }
0x45c: {  	s0 =	rddreg [dreg:$0x0];
	s2 =	stileid.u32  }
0x45d: {  	s1 =	rddreg [dreg:$0x1];
	p0 =	sne.s32 s2, $0x0  }
0x45e: {  	s3 =	rddreg [dreg:$0x2];
	[bflag:$0x3] =	sbarrier.arrive $0xFFFF;
	s2 =	simm.s32 @!p0 $0x1C03  }
0x45f: {  	[timem:s3], [sflag:s2] =	dma.local @!p0 [hbm:s0], s1  }
0x460: {  	s0 =	simm.s32 @!p0 $0x3  }
0x461: {  	_ =	swait.ge @!p0 [sflag:s0], s1  }
0x462: {  	s1 =	ssub.s32 @!p0 $0x0, s1;
	[sflag:s0] =	ssyncset.done @!p0 $0x0  }
0x463: {  	[sflag:s0] =	ssyncadd.s32 @!p0 s1  }
0x464: {  	[bflag:$0x3] =	sbarrier.arrive $0xFFFF  }
0x465: {  	_ =	shalt  }

</sc_bundles>
